<compile_context>
chip_gen: v7x
topology: tpu7x:2x2x1
jax: 0.10.2.dev20260603
libtpu: 0.0.44.dev20260713+nightly
codegen_flags: <defaults>
</compile_context>

<pallas_src>
import functools

import jax
import jax.numpy as jnp
from jax import lax
from jax.experimental import pallas as pl
from jax.experimental.pallas import tpu as pltpu
from jax.experimental.pallas import tpu_sc as plsc

H = 256
NC, NS = 2, 16
NW = NC * NS
C = 128
NBUF = 2


@functools.partial(jax.jit, static_argnums=(2, 3))
def _sc_lookup(ids, table_flat, BT, S):
    n_per_w = BT // NW
    nchunks = n_per_w // C
    rows_per_chunk = C // S
    mesh = plsc.VectorSubcoreMesh(
        core_axis_name="c", subcore_axis_name="s",
        num_cores=NC, num_subcores=NS,
    )

    @functools.partial(
        pl.kernel,
        out_type=jax.ShapeDtypeStruct((BT // S, S, 1, H), jnp.float32),
        mesh=mesh,
        compiler_params=pltpu.CompilerParams(needs_layout_passes=False),
        scratch_types=[
            pltpu.VMEM((H * 3,), jnp.float32),
            pltpu.VMEM((n_per_w,), jnp.int32),
        ] + [pltpu.VMEM((rows_per_chunk, S, 1, H), jnp.float32)] * NBUF
          + [pltpu.SemaphoreType.DMA] * NBUF,
    )
    def k(idx_hbm, table_hbm, out_hbm, tbl_v, ids_v, *bufs_sems):
        bufs, sems = bufs_sems[:NBUF], bufs_sems[NBUF:]
        wid = lax.axis_index("s") * NC + lax.axis_index("c")
        base = wid * n_per_w
        lane = lax.iota(jnp.int32, 16)

        pltpu.sync_copy(table_hbm, tbl_v)
        pltpu.sync_copy(idx_hbm.at[pl.ds(base, n_per_w)], ids_v)

        def construct(g, buf):
            goff = g * C

            @plsc.parallel_loop(0, C, unroll=2)
            def _(t):
                row = plsc.load_gather(
                    ids_v, [jnp.full((16,), goff + t, jnp.int32)]) << 8
                for j in range(16):
                    buf[t // S, t % S, 0, pl.ds(j * 16, 16)] = plsc.load_gather(
                        tbl_v, [row + (j * 16) + lane])

        def start_out(g, b):
            r0 = (base + g * C) // S
            pltpu.async_copy(
                bufs[b], out_hbm.at[pl.ds(r0, rows_per_chunk)], sems[b])

        def wait_out(b):
            pltpu.make_async_copy(
                bufs[b], out_hbm.at[pl.ds(base // S, rows_per_chunk)],
                sems[b]).wait()

        for b in range(NBUF):
            construct(b, bufs[b])
            start_out(b, b)

        nbody = (nchunks - NBUF) // NBUF

        def body(p, carry):
            g0 = NBUF * p + NBUF
            for b in range(NBUF):
                wait_out(b)
                construct(g0 + b, bufs[b])
                start_out(g0 + b, b)
            return carry

        lax.fori_loop(0, nbody, body, 0)
        for g in range(NBUF + nbody * NBUF, nchunks):
            b = g % NBUF
            wait_out(b)
            construct(g, bufs[b])
            start_out(g, b)
        for b in range(NBUF):
            wait_out(b)

    return k(ids, table_flat)


def kernel(input_ids, table):
    BT = input_ids.size
    S = input_ids.shape[1]
    ids = input_ids.reshape(BT).astype(jnp.int32)
    out = _sc_lookup(ids, table.reshape(-1), BT, S)
    return out.reshape(*input_ids.shape, table.shape[1])

# --- scband reference (transcript-rebuilt; emitter-appended) ---
"""Pipeline reference for scband-target-input-24034636988430 (READ-ONLY COPY).

The authoritative reference and input builder live on the scoring server;
editing this copy changes nothing except your own understanding.
"""

import jax, jax.numpy as jnp
import numpy as np

HIDDEN_SIZE = 256
NUM_EMB = 3
B, S, T = 4096, 64, 1

def setup_inputs(seed: int = 0) -> dict:
    key = jax.random.key(seed)
    k1, k2 = jax.random.split(key)
    input_ids = jax.random.randint(k1, (B, S, T), 0, NUM_EMB, dtype=jnp.int64 if jax.config.jax_enable_x64 else jnp.int32)
    table = jax.random.normal(k2, (NUM_EMB, HIDDEN_SIZE), dtype=jnp.float32)
    return {"input_ids": input_ids, "table": table}

def reference(input_ids, table):
    # nn.Embedding lookup: (B, S, T) int -> (B, S, T, H)
    return jnp.take(table, input_ids, axis=0)

if __name__ == "__main__":
    import jax
    _d = setup_inputs()
    print(jax.jit(kernel)(*tuple(_d.values())))

</pallas_src>

<mosaic_0001>
#map = affine_map<(d0, d1) -> (0)>
#map1 = affine_map<(d0, d1) -> (0, 0, 0, 0)>
module attributes {stable_mosaic.version = 14 : i64} {
  func.func @k(%arg0: i32, %arg1: i32, %arg2: memref<262144xi32, #tpu.memory_space<hbm>>, %arg3: memref<768xf32, #tpu.memory_space<hbm>>, %arg4: memref<4096x64x1x256xf32, #tpu.memory_space<hbm>>, %arg5: memref<768xf32, #tpu.memory_space<vmem>>, %arg6: memref<8192xi32, #tpu.memory_space<vmem>>, %arg7: memref<2x64x1x256xf32, #tpu.memory_space<vmem>>, %arg8: memref<2x64x1x256xf32, #tpu.memory_space<vmem>>, %arg9: memref<!tpu.dma_semaphore, #tpu.memory_space<semaphore_mem>>, %arg10: memref<!tpu.dma_semaphore, #tpu.memory_space<semaphore_mem>>) attributes {dimension_semantics = [#tpu.dimension_semantics<core_parallel>, #tpu.dimension_semantics<subcore_parallel>], iteration_bounds = array<i64: 2, 16>, scalar_prefetch = 0 : i64, scratch_operands = 6 : i64, tpu.core_type = #tpu.core_type<sc_vector_subcore>, window_params = [{transform_indices = #map}, {transform_indices = #map}, {transform_indices = #map1}]} {
    %mul3A = arith.constant 2 : i32
    %mul3A_0 = arith.muli %arg1, %mul3A : i32
    %add3A = arith.addi %mul3A_0, %arg0 : i32
    %mul3A_1 = arith.constant 8192 : i32
    %mul3A_2 = arith.muli %add3A, %mul3A_1 : i32
    %iota3A = tpu.iota {dimensions = array<i32: 0>} : vector<16xi32>
    "tpu.region"() ({
      %run_scoped3A = tpu.sem_alloc : memref<!tpu.dma_semaphore, #tpu.memory_space<semaphore_mem>>
      tpu.enqueue_dma source(%arg3 : memref<768xf32, #tpu.memory_space<hbm>>) target(%arg5 : memref<768xf32, #tpu.memory_space<vmem>>) target_semaphore(%run_scoped3A : memref<!tpu.dma_semaphore, #tpu.memory_space<semaphore_mem>>)
      tpu.wait_dma2 semaphore(%run_scoped3A : memref<!tpu.dma_semaphore, #tpu.memory_space<semaphore_mem>>) src(%arg3 : memref<768xf32, #tpu.memory_space<hbm>>) dst(%arg5 : memref<768xf32, #tpu.memory_space<vmem>>)
      tpu.yield
    }) : () -> ()
    "tpu.region"() ({
      %run_scoped3A = tpu.sem_alloc : memref<!tpu.dma_semaphore, #tpu.memory_space<semaphore_mem>>
      %dma_start3A_135 = tpu.memref_slice %arg2[%mul3A_2] : memref<262144xi32, #tpu.memory_space<hbm>> -> memref<8192xi32, #tpu.memory_space<hbm>>
      %dma_start3A_136 = tpu.memref_slice %arg2[%mul3A_2] : memref<262144xi32, #tpu.memory_space<hbm>> -> memref<8192xi32, #tpu.memory_space<hbm>>
      tpu.enqueue_dma source(%dma_start3A_136 : memref<8192xi32, #tpu.memory_space<hbm>>) target(%arg6 : memref<8192xi32, #tpu.memory_space<vmem>>) target_semaphore(%run_scoped3A : memref<!tpu.dma_semaphore, #tpu.memory_space<semaphore_mem>>)
      %dma_wait3A_137 = tpu.memref_slice %arg2[%mul3A_2] : memref<262144xi32, #tpu.memory_space<hbm>> -> memref<8192xi32, #tpu.memory_space<hbm>>
      %dma_wait3A_138 = tpu.memref_slice %arg2[%mul3A_2] : memref<262144xi32, #tpu.memory_space<hbm>> -> memref<8192xi32, #tpu.memory_space<hbm>>
      tpu.wait_dma2 semaphore(%run_scoped3A : memref<!tpu.dma_semaphore, #tpu.memory_space<semaphore_mem>>) src(%dma_wait3A_138 : memref<8192xi32, #tpu.memory_space<hbm>>) dst(%arg6 : memref<8192xi32, #tpu.memory_space<vmem>>)
      tpu.yield
    }) : () -> ()
    %parallel_loop3A = arith.constant 0 : i32
    %parallel_loop3A_3 = arith.constant 128 : i32
    %parallel_loop3A_4 = arith.constant 1 : i32
    scf.for %parallel_loop3A_135 = %parallel_loop3A to %parallel_loop3A_3 step %parallel_loop3A_4  : i32 {
      %parallel_loop3A_136 = arith.constant 0 : i32
      %parallel_loop3A_137 = arith.addi %parallel_loop3A_136, %parallel_loop3A_135 : i32
      %parallel_loop3A_138 = vector.broadcast %parallel_loop3A_137 : i32 to vector<16xi32>
      %parallel_loop3A_139 = tpu.vector_load_idx %arg6[%parallel_loop3A_138] : memref<8192xi32, #tpu.memory_space<vmem>>[vector<16xi32>], vector<16xi32>,
      %parallel_loop3A_140 = arith.constant 8 : i32
      %parallel_loop3A_141 = vector.broadcast %parallel_loop3A_140 : i32 to vector<16xi32>
      %parallel_loop3A_142 = arith.shli %parallel_loop3A_139, %parallel_loop3A_141 : vector<16xi32>
      %parallel_loop3A_143 = arith.constant 0 : i32
      %parallel_loop3A_144 = vector.broadcast %parallel_loop3A_143 : i32 to vector<16xi32>
      %parallel_loop3A_145 = arith.addi %parallel_loop3A_142, %parallel_loop3A_144 : vector<16xi32>
      %parallel_loop3A_146 = arith.addi %parallel_loop3A_145, %iota3A : vector<16xi32>
      %parallel_loop3A_147 = tpu.vector_load_idx %arg5[%parallel_loop3A_146] : memref<768xf32, #tpu.memory_space<vmem>>[vector<16xi32>], vector<16xf32>,
      %parallel_loop3A_148 = arith.constant 64 : i32
      %parallel_loop3A_149 = arith.divsi %parallel_loop3A_135, %parallel_loop3A_148 : i32
      %parallel_loop3A_150 = arith.constant 0 : i32
      %parallel_loop3A_151 = arith.cmpi sgt, %parallel_loop3A_135, %parallel_loop3A_150 : i32
      %parallel_loop3A_152 = arith.extui %parallel_loop3A_151 : i1 to i32
      %parallel_loop3A_153 = arith.constant 0 : i32
      %parallel_loop3A_154 = arith.cmpi slt, %parallel_loop3A_135, %parallel_loop3A_153 : i32
      %parallel_loop3A_155 = arith.extui %parallel_loop3A_154 : i1 to i32
      %parallel_loop3A_156 = arith.subi %parallel_loop3A_152, %parallel_loop3A_155 : i32
      %parallel_loop3A_157 = arith.constant 0 : i32
      %parallel_loop3A_158 = arith.cmpi sgt, %parallel_loop3A_148, %parallel_loop3A_157 : i32
      %parallel_loop3A_159 = arith.extui %parallel_loop3A_158 : i1 to i32
      %parallel_loop3A_160 = arith.constant 0 : i32
      %parallel_loop3A_161 = arith.cmpi slt, %parallel_loop3A_148, %parallel_loop3A_160 : i32
      %parallel_loop3A_162 = arith.extui %parallel_loop3A_161 : i1 to i32
      %parallel_loop3A_163 = arith.subi %parallel_loop3A_159, %parallel_loop3A_162 : i32
      %parallel_loop3A_164 = arith.cmpi ne, %parallel_loop3A_156, %parallel_loop3A_163 : i32
      %parallel_loop3A_165 = arith.remsi %parallel_loop3A_135, %parallel_loop3A_148 : i32
      %parallel_loop3A_166 = arith.constant 0 : i32
      %parallel_loop3A_167 = arith.cmpi ne, %parallel_loop3A_165, %parallel_loop3A_166 : i32
      %parallel_loop3A_168 = arith.andi %parallel_loop3A_164, %parallel_loop3A_167 : i1
      %parallel_loop3A_169 = arith.constant 1 : i32
      %parallel_loop3A_170 = arith.subi %parallel_loop3A_149, %parallel_loop3A_169 : i32
      %parallel_loop3A_171 = arith.select %parallel_loop3A_168, %parallel_loop3A_170, %parallel_loop3A_149 : i32
      %parallel_loop3A_172 = arith.constant 64 : i32
      %parallel_loop3A_173 = arith.constant 0 : i32
      %parallel_loop3A_174 = arith.cmpi eq, %parallel_loop3A_172, %parallel_loop3A_173 : i32
      %parallel_loop3A_175 = arith.constant 1 : i32
      %parallel_loop3A_176 = arith.select %parallel_loop3A_174, %parallel_loop3A_175, %parallel_loop3A_172 : i32
      %parallel_loop3A_177 = arith.remsi %parallel_loop3A_135, %parallel_loop3A_176 : i32
      %parallel_loop3A_178 = arith.constant 0 : i32
      %parallel_loop3A_179 = arith.cmpi ne, %parallel_loop3A_177, %parallel_loop3A_178 : i32
      %parallel_loop3A_180 = arith.constant 0 : i32
      %parallel_loop3A_181 = arith.cmpi slt, %parallel_loop3A_177, %parallel_loop3A_180 : i32
      %parallel_loop3A_182 = arith.constant 0 : i32
      %parallel_loop3A_183 = arith.cmpi slt, %parallel_loop3A_176, %parallel_loop3A_182 : i32
      %parallel_loop3A_184 = arith.xori %parallel_loop3A_181, %parallel_loop3A_183 : i1
      %parallel_loop3A_185 = arith.andi %parallel_loop3A_184, %parallel_loop3A_179 : i1
      %parallel_loop3A_186 = arith.addi %parallel_loop3A_177, %parallel_loop3A_176 : i32
      %parallel_loop3A_187 = arith.select %parallel_loop3A_185, %parallel_loop3A_186, %parallel_loop3A_177 : i32
      %parallel_loop3A_188 = arith.constant 0 : i32
      %parallel_loop3A_189 = arith.index_cast %parallel_loop3A_171 : i32 to index
      %parallel_loop3A_190 = arith.index_cast %parallel_loop3A_187 : i32 to index
      %parallel_loop3A_191 = arith.index_cast %parallel_loop3A_188 : i32 to index
      %parallel_loop3A_192 = arith.constant 0 : index
      %parallel_loop3A_193 = tpu.vector_load %arg7[%parallel_loop3A_189, %parallel_loop3A_190, %parallel_loop3A_191, %parallel_loop3A_192] {strides = array<i32>} : memref<2x64x1x256xf32, #tpu.memory_space<vmem>>, vector<16xf32>,
      tpu.vector_store %arg7[%parallel_loop3A_189, %parallel_loop3A_190, %parallel_loop3A_191, %parallel_loop3A_192], %parallel_loop3A_147 {strides = array<i32>} : memref<2x64x1x256xf32, #tpu.memory_space<vmem>>, vector<16xf32>,
      %parallel_loop3A_194 = arith.constant 16 : i32
      %parallel_loop3A_195 = vector.broadcast %parallel_loop3A_194 : i32 to vector<16xi32>
      %parallel_loop3A_196 = arith.addi %parallel_loop3A_142, %parallel_loop3A_195 : vector<16xi32>
      %parallel_loop3A_197 = arith.addi %parallel_loop3A_196, %iota3A : vector<16xi32>
      %parallel_loop3A_198 = tpu.vector_load_idx %arg5[%parallel_loop3A_197] : memref<768xf32, #tpu.memory_space<vmem>>[vector<16xi32>], vector<16xf32>,
      %parallel_loop3A_199 = arith.constant 64 : i32
      %parallel_loop3A_200 = arith.divsi %parallel_loop3A_135, %parallel_loop3A_199 : i32
      %parallel_loop3A_201 = arith.constant 0 : i32
      %parallel_loop3A_202 = arith.cmpi sgt, %parallel_loop3A_135, %parallel_loop3A_201 : i32
      %parallel_loop3A_203 = arith.extui %parallel_loop3A_202 : i1 to i32
      %parallel_loop3A_204 = arith.constant 0 : i32
      %parallel_loop3A_205 = arith.cmpi slt, %parallel_loop3A_135, %parallel_loop3A_204 : i32
      %parallel_loop3A_206 = arith.extui %parallel_loop3A_205 : i1 to i32
      %parallel_loop3A_207 = arith.subi %parallel_loop3A_203, %parallel_loop3A_206 : i32
      %parallel_loop3A_208 = arith.constant 0 : i32
      %parallel_loop3A_209 = arith.cmpi sgt, %parallel_loop3A_199, %parallel_loop3A_208 : i32
      %parallel_loop3A_210 = arith.extui %parallel_loop3A_209 : i1 to i32
      %parallel_loop3A_211 = arith.constant 0 : i32
      %parallel_loop3A_212 = arith.cmpi slt, %parallel_loop3A_199, %parallel_loop3A_211 : i32
      %parallel_loop3A_213 = arith.extui %parallel_loop3A_212 : i1 to i32
      %parallel_loop3A_214 = arith.subi %parallel_loop3A_210, %parallel_loop3A_213 : i32
      %parallel_loop3A_215 = arith.cmpi ne, %parallel_loop3A_207, %parallel_loop3A_214 : i32
      %parallel_loop3A_216 = arith.remsi %parallel_loop3A_135, %parallel_loop3A_199 : i32
      %parallel_loop3A_217 = arith.constant 0 : i32
      %parallel_loop3A_218 = arith.cmpi ne, %parallel_loop3A_216, %parallel_loop3A_217 : i32
      %parallel_loop3A_219 = arith.andi %parallel_loop3A_215, %parallel_loop3A_218 : i1
      %parallel_loop3A_220 = arith.constant 1 : i32
      %parallel_loop3A_221 = arith.subi %parallel_loop3A_200, %parallel_loop3A_220 : i32
      %parallel_loop3A_222 = arith.select %parallel_loop3A_219, %parallel_loop3A_221, %parallel_loop3A_200 : i32
      %parallel_loop3A_223 = arith.constant 64 : i32
      %parallel_loop3A_224 = arith.constant 0 : i32
      %parallel_loop3A_225 = arith.cmpi eq, %parallel_loop3A_223, %parallel_loop3A_224 : i32
      %parallel_loop3A_226 = arith.constant 1 : i32
      %parallel_loop3A_227 = arith.select %parallel_loop3A_225, %parallel_loop3A_226, %parallel_loop3A_223 : i32
      %parallel_loop3A_228 = arith.remsi %parallel_loop3A_135, %parallel_loop3A_227 : i32
      %parallel_loop3A_229 = arith.constant 0 : i32
      %parallel_loop3A_230 = arith.cmpi ne, %parallel_loop3A_228, %parallel_loop3A_229 : i32
      %parallel_loop3A_231 = arith.constant 0 : i32
      %parallel_loop3A_232 = arith.cmpi slt, %parallel_loop3A_228, %parallel_loop3A_231 : i32
      %parallel_loop3A_233 = arith.constant 0 : i32
      %parallel_loop3A_234 = arith.cmpi slt, %parallel_loop3A_227, %parallel_loop3A_233 : i32
      %parallel_loop3A_235 = arith.xori %parallel_loop3A_232, %parallel_loop3A_234 : i1
      %parallel_loop3A_236 = arith.andi %parallel_loop3A_235, %parallel_loop3A_230 : i1
      %parallel_loop3A_237 = arith.addi %parallel_loop3A_228, %parallel_loop3A_227 : i32
      %parallel_loop3A_238 = arith.select %parallel_loop3A_236, %parallel_loop3A_237, %parallel_loop3A_228 : i32
      %parallel_loop3A_239 = arith.constant 0 : i32
      %parallel_loop3A_240 = arith.index_cast %parallel_loop3A_222 : i32 to index
      %parallel_loop3A_241 = arith.index_cast %parallel_loop3A_238 : i32 to index
      %parallel_loop3A_242 = arith.index_cast %parallel_loop3A_239 : i32 to index
      %parallel_loop3A_243 = arith.constant 16 : index
      %parallel_loop3A_244 = tpu.vector_load %arg7[%parallel_loop3A_240, %parallel_loop3A_241, %parallel_loop3A_242, %parallel_loop3A_243] {strides = array<i32>} : memref<2x64x1x256xf32, #tpu.memory_space<vmem>>, vector<16xf32>,
      tpu.vector_store %arg7[%parallel_loop3A_240, %parallel_loop3A_241, %parallel_loop3A_242, %parallel_loop3A_243], %parallel_loop3A_198 {strides = array<i32>} : memref<2x64x1x256xf32, #tpu.memory_space<vmem>>, vector<16xf32>,
      %parallel_loop3A_245 = arith.constant 32 : i32
      %parallel_loop3A_246 = vector.broadcast %parallel_loop3A_245 : i32 to vector<16xi32>
      %parallel_loop3A_247 = arith.addi %parallel_loop3A_142, %parallel_loop3A_246 : vector<16xi32>
      %parallel_loop3A_248 = arith.addi %parallel_loop3A_247, %iota3A : vector<16xi32>
      %parallel_loop3A_249 = tpu.vector_load_idx %arg5[%parallel_loop3A_248] : memref<768xf32, #tpu.memory_space<vmem>>[vector<16xi32>], vector<16xf32>,
      %parallel_loop3A_250 = arith.constant 64 : i32
      %parallel_loop3A_251 = arith.divsi %parallel_loop3A_135, %parallel_loop3A_250 : i32
      %parallel_loop3A_252 = arith.constant 0 : i32
      %parallel_loop3A_253 = arith.cmpi sgt, %parallel_loop3A_135, %parallel_loop3A_252 : i32
      %parallel_loop3A_254 = arith.extui %parallel_loop3A_253 : i1 to i32
      %parallel_loop3A_255 = arith.constant 0 : i32
      %parallel_loop3A_256 = arith.cmpi slt, %parallel_loop3A_135, %parallel_loop3A_255 : i32
      %parallel_loop3A_257 = arith.extui %parallel_loop3A_256 : i1 to i32
      %parallel_loop3A_258 = arith.subi %parallel_loop3A_254, %parallel_loop3A_257 : i32
      %parallel_loop3A_259 = arith.constant 0 : i32
      %parallel_loop3A_260 = arith.cmpi sgt, %parallel_loop3A_250, %parallel_loop3A_259 : i32
      %parallel_loop3A_261 = arith.extui %parallel_loop3A_260 : i1 to i32
      %parallel_loop3A_262 = arith.constant 0 : i32
      %parallel_loop3A_263 = arith.cmpi slt, %parallel_loop3A_250, %parallel_loop3A_262 : i32
      %parallel_loop3A_264 = arith.extui %parallel_loop3A_263 : i1 to i32
      %parallel_loop3A_265 = arith.subi %parallel_loop3A_261, %parallel_loop3A_264 : i32
      %parallel_loop3A_266 = arith.cmpi ne, %parallel_loop3A_258, %parallel_loop3A_265 : i32
      %parallel_loop3A_267 = arith.remsi %parallel_loop3A_135, %parallel_loop3A_250 : i32
      %parallel_loop3A_268 = arith.constant 0 : i32
      %parallel_loop3A_269 = arith.cmpi ne, %parallel_loop3A_267, %parallel_loop3A_268 : i32
      %parallel_loop3A_270 = arith.andi %parallel_loop3A_266, %parallel_loop3A_269 : i1
      %parallel_loop3A_271 = arith.constant 1 : i32
      %parallel_loop3A_272 = arith.subi %parallel_loop3A_251, %parallel_loop3A_271 : i32
      %parallel_loop3A_273 = arith.select %parallel_loop3A_270, %parallel_loop3A_272, %parallel_loop3A_251 : i32
      %parallel_loop3A_274 = arith.constant 64 : i32
      %parallel_loop3A_275 = arith.constant 0 : i32
      %parallel_loop3A_276 = arith.cmpi eq, %parallel_loop3A_274, %parallel_loop3A_275 : i32
      %parallel_loop3A_277 = arith.constant 1 : i32
      %parallel_loop3A_278 = arith.select %parallel_loop3A_276, %parallel_loop3A_277, %parallel_loop3A_274 : i32
      %parallel_loop3A_279 = arith.remsi %parallel_loop3A_135, %parallel_loop3A_278 : i32
      %parallel_loop3A_280 = arith.constant 0 : i32
      %parallel_loop3A_281 = arith.cmpi ne, %parallel_loop3A_279, %parallel_loop3A_280 : i32
      %parallel_loop3A_282 = arith.constant 0 : i32
      %parallel_loop3A_283 = arith.cmpi slt, %parallel_loop3A_279, %parallel_loop3A_282 : i32
      %parallel_loop3A_284 = arith.constant 0 : i32
      %parallel_loop3A_285 = arith.cmpi slt, %parallel_loop3A_278, %parallel_loop3A_284 : i32
      %parallel_loop3A_286 = arith.xori %parallel_loop3A_283, %parallel_loop3A_285 : i1
      %parallel_loop3A_287 = arith.andi %parallel_loop3A_286, %parallel_loop3A_281 : i1
      %parallel_loop3A_288 = arith.addi %parallel_loop3A_279, %parallel_loop3A_278 : i32
      %parallel_loop3A_289 = arith.select %parallel_loop3A_287, %parallel_loop3A_288, %parallel_loop3A_279 : i32
      %parallel_loop3A_290 = arith.constant 0 : i32
      %parallel_loop3A_291 = arith.index_cast %parallel_loop3A_273 : i32 to index
      %parallel_loop3A_292 = arith.index_cast %parallel_loop3A_289 : i32 to index
      %parallel_loop3A_293 = arith.index_cast %parallel_loop3A_290 : i32 to index
      %parallel_loop3A_294 = arith.constant 32 : index
      %parallel_loop3A_295 = tpu.vector_load %arg7[%parallel_loop3A_291, %parallel_loop3A_292, %parallel_loop3A_293, %parallel_loop3A_294] {strides = array<i32>} : memref<2x64x1x256xf32, #tpu.memory_space<vmem>>, vector<16xf32>,
      tpu.vector_store %arg7[%parallel_loop3A_291, %parallel_loop3A_292, %parallel_loop3A_293, %parallel_loop3A_294], %parallel_loop3A_249 {strides = array<i32>} : memref<2x64x1x256xf32, #tpu.memory_space<vmem>>, vector<16xf32>,
      %parallel_loop3A_296 = arith.constant 48 : i32
      %parallel_loop3A_297 = vector.broadcast %parallel_loop3A_296 : i32 to vector<16xi32>
      %parallel_loop3A_298 = arith.addi %parallel_loop3A_142, %parallel_loop3A_297 : vector<16xi32>
      %parallel_loop3A_299 = arith.addi %parallel_loop3A_298, %iota3A : vector<16xi32>
      %parallel_loop3A_300 = tpu.vector_load_idx %arg5[%parallel_loop3A_299] : memref<768xf32, #tpu.memory_space<vmem>>[vector<16xi32>], vector<16xf32>,
      %parallel_loop3A_301 = arith.constant 64 : i32
      %parallel_loop3A_302 = arith.divsi %parallel_loop3A_135, %parallel_loop3A_301 : i32
      %parallel_loop3A_303 = arith.constant 0 : i32
      %parallel_loop3A_304 = arith.cmpi sgt, %parallel_loop3A_135, %parallel_loop3A_303 : i32
      %parallel_loop3A_305 = arith.extui %parallel_loop3A_304 : i1 to i32
      %parallel_loop3A_306 = arith.constant 0 : i32
      %parallel_loop3A_307 = arith.cmpi slt, %parallel_loop3A_135, %parallel_loop3A_306 : i32
      %parallel_loop3A_308 = arith.extui %parallel_loop3A_307 : i1 to i32
      %parallel_loop3A_309 = arith.subi %parallel_loop3A_305, %parallel_loop3A_308 : i32
      %parallel_loop3A_310 = arith.constant 0 : i32
      %parallel_loop3A_311 = arith.cmpi sgt, %parallel_loop3A_301, %parallel_loop3A_310 : i32
      %parallel_loop3A_312 = arith.extui %parallel_loop3A_311 : i1 to i32
      %parallel_loop3A_313 = arith.constant 0 : i32
      %parallel_loop3A_314 = arith.cmpi slt, %parallel_loop3A_301, %parallel_loop3A_313 : i32
      %parallel_loop3A_315 = arith.extui %parallel_loop3A_314 : i1 to i32
      %parallel_loop3A_316 = arith.subi %parallel_loop3A_312, %parallel_loop3A_315 : i32
      %parallel_loop3A_317 = arith.cmpi ne, %parallel_loop3A_309, %parallel_loop3A_316 : i32
      %parallel_loop3A_318 = arith.remsi %parallel_loop3A_135, %parallel_loop3A_301 : i32
      %parallel_loop3A_319 = arith.constant 0 : i32
      %parallel_loop3A_320 = arith.cmpi ne, %parallel_loop3A_318, %parallel_loop3A_319 : i32
      %parallel_loop3A_321 = arith.andi %parallel_loop3A_317, %parallel_loop3A_320 : i1
      %parallel_loop3A_322 = arith.constant 1 : i32
      %parallel_loop3A_323 = arith.subi %parallel_loop3A_302, %parallel_loop3A_322 : i32
      %parallel_loop3A_324 = arith.select %parallel_loop3A_321, %parallel_loop3A_323, %parallel_loop3A_302 : i32
      %parallel_loop3A_325 = arith.constant 64 : i32
      %parallel_loop3A_326 = arith.constant 0 : i32
      %parallel_loop3A_327 = arith.cmpi eq, %parallel_loop3A_325, %parallel_loop3A_326 : i32
      %parallel_loop3A_328 = arith.constant 1 : i32
      %parallel_loop3A_329 = arith.select %parallel_loop3A_327, %parallel_loop3A_328, %parallel_loop3A_325 : i32
      %parallel_loop3A_330 = arith.remsi %parallel_loop3A_135, %parallel_loop3A_329 : i32
      %parallel_loop3A_331 = arith.constant 0 : i32
      %parallel_loop3A_332 = arith.cmpi ne, %parallel_loop3A_330, %parallel_loop3A_331 : i32
      %parallel_loop3A_333 = arith.constant 0 : i32
      %parallel_loop3A_334 = arith.cmpi slt, %parallel_loop3A_330, %parallel_loop3A_333 : i32
      %parallel_loop3A_335 = arith.constant 0 : i32
      %parallel_loop3A_336 = arith.cmpi slt, %parallel_loop3A_329, %parallel_loop3A_335 : i32
      %parallel_loop3A_337 = arith.xori %parallel_loop3A_334, %parallel_loop3A_336 : i1
      %parallel_loop3A_338 = arith.andi %parallel_loop3A_337, %parallel_loop3A_332 : i1
      %parallel_loop3A_339 = arith.addi %parallel_loop3A_330, %parallel_loop3A_329 : i32
      %parallel_loop3A_340 = arith.select %parallel_loop3A_338, %parallel_loop3A_339, %parallel_loop3A_330 : i32
      %parallel_loop3A_341 = arith.constant 0 : i32
      %parallel_loop3A_342 = arith.index_cast %parallel_loop3A_324 : i32 to index
      %parallel_loop3A_343 = arith.index_cast %parallel_loop3A_340 : i32 to index
      %parallel_loop3A_344 = arith.index_cast %parallel_loop3A_341 : i32 to index
      %parallel_loop3A_345 = arith.constant 48 : index
      %parallel_loop3A_346 = tpu.vector_load %arg7[%parallel_loop3A_342, %parallel_loop3A_343, %parallel_loop3A_344, %parallel_loop3A_345] {strides = array<i32>} : memref<2x64x1x256xf32, #tpu.memory_space<vmem>>, vector<16xf32>,
      tpu.vector_store %arg7[%parallel_loop3A_342, %parallel_loop3A_343, %parallel_loop3A_344, %parallel_loop3A_345], %parallel_loop3A_300 {strides = array<i32>} : memref<2x64x1x256xf32, #tpu.memory_space<vmem>>, vector<16xf32>,
      %parallel_loop3A_347 = arith.constant 64 : i32
      %parallel_loop3A_348 = vector.broadcast %parallel_loop3A_347 : i32 to vector<16xi32>
      %parallel_loop3A_349 = arith.addi %parallel_loop3A_142, %parallel_loop3A_348 : vector<16xi32>
      %parallel_loop3A_350 = arith.addi %parallel_loop3A_349, %iota3A : vector<16xi32>
      %parallel_loop3A_351 = tpu.vector_load_idx %arg5[%parallel_loop3A_350] : memref<768xf32, #tpu.memory_space<vmem>>[vector<16xi32>], vector<16xf32>,
      %parallel_loop3A_352 = arith.constant 64 : i32
      %parallel_loop3A_353 = arith.divsi %parallel_loop3A_135, %parallel_loop3A_352 : i32
      %parallel_loop3A_354 = arith.constant 0 : i32
      %parallel_loop3A_355 = arith.cmpi sgt, %parallel_loop3A_135, %parallel_loop3A_354 : i32
      %parallel_loop3A_356 = arith.extui %parallel_loop3A_355 : i1 to i32
      %parallel_loop3A_357 = arith.constant 0 : i32
      %parallel_loop3A_358 = arith.cmpi slt, %parallel_loop3A_135, %parallel_loop3A_357 : i32
      %parallel_loop3A_359 = arith.extui %parallel_loop3A_358 : i1 to i32
      %parallel_loop3A_360 = arith.subi %parallel_loop3A_356, %parallel_loop3A_359 : i32
      %parallel_loop3A_361 = arith.constant 0 : i32
      %parallel_loop3A_362 = arith.cmpi sgt, %parallel_loop3A_352, %parallel_loop3A_361 : i32
      %parallel_loop3A_363 = arith.extui %parallel_loop3A_362 : i1 to i32
      %parallel_loop3A_364 = arith.constant 0 : i32
      %parallel_loop3A_365 = arith.cmpi slt, %parallel_loop3A_352, %parallel_loop3A_364 : i32
      %parallel_loop3A_366 = arith.extui %parallel_loop3A_365 : i1 to i32
      %parallel_loop3A_367 = arith.subi %parallel_loop3A_363, %parallel_loop3A_366 : i32
      %parallel_loop3A_368 = arith.cmpi ne, %parallel_loop3A_360, %parallel_loop3A_367 : i32
      %parallel_loop3A_369 = arith.remsi %parallel_loop3A_135, %parallel_loop3A_352 : i32
      %parallel_loop3A_370 = arith.constant 0 : i32
      %parallel_loop3A_371 = arith.cmpi ne, %parallel_loop3A_369, %parallel_loop3A_370 : i32
      %parallel_loop3A_372 = arith.andi %parallel_loop3A_368, %parallel_loop3A_371 : i1
      %parallel_loop3A_373 = arith.constant 1 : i32
      %parallel_loop3A_374 = arith.subi %parallel_loop3A_353, %parallel_loop3A_373 : i32
      %parallel_loop3A_375 = arith.select %parallel_loop3A_372, %parallel_loop3A_374, %parallel_loop3A_353 : i32
      %parallel_loop3A_376 = arith.constant 64 : i32
      %parallel_loop3A_377 = arith.constant 0 : i32
      %parallel_loop3A_378 = arith.cmpi eq, %parallel_loop3A_376, %parallel_loop3A_377 : i32
      %parallel_loop3A_379 = arith.constant 1 : i32
      %parallel_loop3A_380 = arith.select %parallel_loop3A_378, %parallel_loop3A_379, %parallel_loop3A_376 : i32
      %parallel_loop3A_381 = arith.remsi %parallel_loop3A_135, %parallel_loop3A_380 : i32
      %parallel_loop3A_382 = arith.constant 0 : i32
      %parallel_loop3A_383 = arith.cmpi ne, %parallel_loop3A_381, %parallel_loop3A_382 : i32
      %parallel_loop3A_384 = arith.constant 0 : i32
      %parallel_loop3A_385 = arith.cmpi slt, %parallel_loop3A_381, %parallel_loop3A_384 : i32
      %parallel_loop3A_386 = arith.constant 0 : i32
      %parallel_loop3A_387 = arith.cmpi slt, %parallel_loop3A_380, %parallel_loop3A_386 : i32
      %parallel_loop3A_388 = arith.xori %parallel_loop3A_385, %parallel_loop3A_387 : i1
      %parallel_loop3A_389 = arith.andi %parallel_loop3A_388, %parallel_loop3A_383 : i1
      %parallel_loop3A_390 = arith.addi %parallel_loop3A_381, %parallel_loop3A_380 : i32
      %parallel_loop3A_391 = arith.select %parallel_loop3A_389, %parallel_loop3A_390, %parallel_loop3A_381 : i32
      %parallel_loop3A_392 = arith.constant 0 : i32
      %parallel_loop3A_393 = arith.index_cast %parallel_loop3A_375 : i32 to index
      %parallel_loop3A_394 = arith.index_cast %parallel_loop3A_391 : i32 to index
      %parallel_loop3A_395 = arith.index_cast %parallel_loop3A_392 : i32 to index
      %parallel_loop3A_396 = arith.constant 64 : index
      %parallel_loop3A_397 = tpu.vector_load %arg7[%parallel_loop3A_393, %parallel_loop3A_394, %parallel_loop3A_395, %parallel_loop3A_396] {strides = array<i32>} : memref<2x64x1x256xf32, #tpu.memory_space<vmem>>, vector<16xf32>,
      tpu.vector_store %arg7[%parallel_loop3A_393, %parallel_loop3A_394, %parallel_loop3A_395, %parallel_loop3A_396], %parallel_loop3A_351 {strides = array<i32>} : memref<2x64x1x256xf32, #tpu.memory_space<vmem>>, vector<16xf32>,
      %parallel_loop3A_398 = arith.constant 80 : i32
      %parallel_loop3A_399 = vector.broadcast %parallel_loop3A_398 : i32 to vector<16xi32>
      %parallel_loop3A_400 = arith.addi %parallel_loop3A_142, %parallel_loop3A_399 : vector<16xi32>
      %parallel_loop3A_401 = arith.addi %parallel_loop3A_400, %iota3A : vector<16xi32>
      %parallel_loop3A_402 = tpu.vector_load_idx %arg5[%parallel_loop3A_401] : memref<768xf32, #tpu.memory_space<vmem>>[vector<16xi32>], vector<16xf32>,
      %parallel_loop3A_403 = arith.constant 64 : i32
      %parallel_loop3A_404 = arith.divsi %parallel_loop3A_135, %parallel_loop3A_403 : i32
      %parallel_loop3A_405 = arith.constant 0 : i32
      %parallel_loop3A_406 = arith.cmpi sgt, %parallel_loop3A_135, %parallel_loop3A_405 : i32
      %parallel_loop3A_407 = arith.extui %parallel_loop3A_406 : i1 to i32
      %parallel_loop3A_408 = arith.constant 0 : i32
      %parallel_loop3A_409 = arith.cmpi slt, %parallel_loop3A_135, %parallel_loop3A_408 : i32
      %parallel_loop3A_410 = arith.extui %parallel_loop3A_409 : i1 to i32
      %parallel_loop3A_411 = arith.subi %parallel_loop3A_407, %parallel_loop3A_410 : i32
      %parallel_loop3A_412 = arith.constant 0 : i32
      %parallel_loop3A_413 = arith.cmpi sgt, %parallel_loop3A_403, %parallel_loop3A_412 : i32
      %parallel_loop3A_414 = arith.extui %parallel_loop3A_413 : i1 to i32
      %parallel_loop3A_415 = arith.constant 0 : i32
      %parallel_loop3A_416 = arith.cmpi slt, %parallel_loop3A_403, %parallel_loop3A_415 : i32
      %parallel_loop3A_417 = arith.extui %parallel_loop3A_416 : i1 to i32
      %parallel_loop3A_418 = arith.subi %parallel_loop3A_414, %parallel_loop3A_417 : i32
      %parallel_loop3A_419 = arith.cmpi ne, %parallel_loop3A_411, %parallel_loop3A_418 : i32
      %parallel_loop3A_420 = arith.remsi %parallel_loop3A_135, %parallel_loop3A_403 : i32
      %parallel_loop3A_421 = arith.constant 0 : i32
      %parallel_loop3A_422 = arith.cmpi ne, %parallel_loop3A_420, %parallel_loop3A_421 : i32
      %parallel_loop3A_423 = arith.andi %parallel_loop3A_419, %parallel_loop3A_422 : i1
      %parallel_loop3A_424 = arith.constant 1 : i32
      %parallel_loop3A_425 = arith.subi %parallel_loop3A_404, %parallel_loop3A_424 : i32
      %parallel_loop3A_426 = arith.select %parallel_loop3A_423, %parallel_loop3A_425, %parallel_loop3A_404 : i32
      %parallel_loop3A_427 = arith.constant 64 : i32
      %parallel_loop3A_428 = arith.constant 0 : i32
      %parallel_loop3A_429 = arith.cmpi eq, %parallel_loop3A_427, %parallel_loop3A_428 : i32
      %parallel_loop3A_430 = arith.constant 1 : i32
      %parallel_loop3A_431 = arith.select %parallel_loop3A_429, %parallel_loop3A_430, %parallel_loop3A_427 : i32
      %parallel_loop3A_432 = arith.remsi %parallel_loop3A_135, %parallel_loop3A_431 : i32
      %parallel_loop3A_433 = arith.constant 0 : i32
      %parallel_loop3A_434 = arith.cmpi ne, %parallel_loop3A_432, %parallel_loop3A_433 : i32
      %parallel_loop3A_435 = arith.constant 0 : i32
      %parallel_loop3A_436 = arith.cmpi slt, %parallel_loop3A_432, %parallel_loop3A_435 : i32
      %parallel_loop3A_437 = arith.constant 0 : i32
      %parallel_loop3A_438 = arith.cmpi slt, %parallel_loop3A_431, %parallel_loop3A_437 : i32
      %parallel_loop3A_439 = arith.xori %parallel_loop3A_436, %parallel_loop3A_438 : i1
      %parallel_loop3A_440 = arith.andi %parallel_loop3A_439, %parallel_loop3A_434 : i1
      %parallel_loop3A_441 = arith.addi %parallel_loop3A_432, %parallel_loop3A_431 : i32
      %parallel_loop3A_442 = arith.select %parallel_loop3A_440, %parallel_loop3A_441, %parallel_loop3A_432 : i32
      %parallel_loop3A_443 = arith.constant 0 : i32
      %parallel_loop3A_444 = arith.index_cast %parallel_loop3A_426 : i32 to index
      %parallel_loop3A_445 = arith.index_cast %parallel_loop3A_442 : i32 to index
      %parallel_loop3A_446 = arith.index_cast %parallel_loop3A_443 : i32 to index
      %parallel_loop3A_447 = arith.constant 80 : index
      %parallel_loop3A_448 = tpu.vector_load %arg7[%parallel_loop3A_444, %parallel_loop3A_445, %parallel_loop3A_446, %parallel_loop3A_447] {strides = array<i32>} : memref<2x64x1x256xf32, #tpu.memory_space<vmem>>, vector<16xf32>,
      tpu.vector_store %arg7[%parallel_loop3A_444, %parallel_loop3A_445, %parallel_loop3A_446, %parallel_loop3A_447], %parallel_loop3A_402 {strides = array<i32>} : memref<2x64x1x256xf32, #tpu.memory_space<vmem>>, vector<16xf32>,
      %parallel_loop3A_449 = arith.constant 96 : i32
      %parallel_loop3A_450 = vector.broadcast %parallel_loop3A_449 : i32 to vector<16xi32>
      %parallel_loop3A_451 = arith.addi %parallel_loop3A_142, %parallel_loop3A_450 : vector<16xi32>
      %parallel_loop3A_452 = arith.addi %parallel_loop3A_451, %iota3A : vector<16xi32>
      %parallel_loop3A_453 = tpu.vector_load_idx %arg5[%parallel_loop3A_452] : memref<768xf32, #tpu.memory_space<vmem>>[vector<16xi32>], vector<16xf32>,
      %parallel_loop3A_454 = arith.constant 64 : i32
      %parallel_loop3A_455 = arith.divsi %parallel_loop3A_135, %parallel_loop3A_454 : i32
      %parallel_loop3A_456 = arith.constant 0 : i32
      %parallel_loop3A_457 = arith.cmpi sgt, %parallel_loop3A_135, %parallel_loop3A_456 : i32
      %parallel_loop3A_458 = arith.extui %parallel_loop3A_457 : i1 to i32
      %parallel_loop3A_459 = arith.constant 0 : i32
      %parallel_loop3A_460 = arith.cmpi slt, %parallel_loop3A_135, %parallel_loop3A_459 : i32
      %parallel_loop3A_461 = arith.extui %parallel_loop3A_460 : i1 to i32
      %parallel_loop3A_462 = arith.subi %parallel_loop3A_458, %parallel_loop3A_461 : i32
      %parallel_loop3A_463 = arith.constant 0 : i32
      %parallel_loop3A_464 = arith.cmpi sgt, %parallel_loop3A_454, %parallel_loop3A_463 : i32
      %parallel_loop3A_465 = arith.extui %parallel_loop3A_464 : i1 to i32
      %parallel_loop3A_466 = arith.constant 0 : i32
      %parallel_loop3A_467 = arith.cmpi slt, %parallel_loop3A_454, %parallel_loop3A_466 : i32
      %parallel_loop3A_468 = arith.extui %parallel_loop3A_467 : i1 to i32
      %parallel_loop3A_469 = arith.subi %parallel_loop3A_465, %parallel_loop3A_468 : i32
      %parallel_loop3A_470 = arith.cmpi ne, %parallel_loop3A_462, %parallel_loop3A_469 : i32
      %parallel_loop3A_471 = arith.remsi %parallel_loop3A_135, %parallel_loop3A_454 : i32
      %parallel_loop3A_472 = arith.constant 0 : i32
      %parallel_loop3A_473 = arith.cmpi ne, %parallel_loop3A_471, %parallel_loop3A_472 : i32
      %parallel_loop3A_474 = arith.andi %parallel_loop3A_470, %parallel_loop3A_473 : i1
      %parallel_loop3A_475 = arith.constant 1 : i32
      %parallel_loop3A_476 = arith.subi %parallel_loop3A_455, %parallel_loop3A_475 : i32
      %parallel_loop3A_477 = arith.select %parallel_loop3A_474, %parallel_loop3A_476, %parallel_loop3A_455 : i32
      %parallel_loop3A_478 = arith.constant 64 : i32
      %parallel_loop3A_479 = arith.constant 0 : i32
      %parallel_loop3A_480 = arith.cmpi eq, %parallel_loop3A_478, %parallel_loop3A_479 : i32
      %parallel_loop3A_481 = arith.constant 1 : i32
      %parallel_loop3A_482 = arith.select %parallel_loop3A_480, %parallel_loop3A_481, %parallel_loop3A_478 : i32
      %parallel_loop3A_483 = arith.remsi %parallel_loop3A_135, %parallel_loop3A_482 : i32
      %parallel_loop3A_484 = arith.constant 0 : i32
      %parallel_loop3A_485 = arith.cmpi ne, %parallel_loop3A_483, %parallel_loop3A_484 : i32
      %parallel_loop3A_486 = arith.constant 0 : i32
      %parallel_loop3A_487 = arith.cmpi slt, %parallel_loop3A_483, %parallel_loop3A_486 : i32
      %parallel_loop3A_488 = arith.constant 0 : i32
      %parallel_loop3A_489 = arith.cmpi slt, %parallel_loop3A_482, %parallel_loop3A_488 : i32
      %parallel_loop3A_490 = arith.xori %parallel_loop3A_487, %parallel_loop3A_489 : i1
      %parallel_loop3A_491 = arith.andi %parallel_loop3A_490, %parallel_loop3A_485 : i1
      %parallel_loop3A_492 = arith.addi %parallel_loop3A_483, %parallel_loop3A_482 : i32
      %parallel_loop3A_493 = arith.select %parallel_loop3A_491, %parallel_loop3A_492, %parallel_loop3A_483 : i32
      %parallel_loop3A_494 = arith.constant 0 : i32
      %parallel_loop3A_495 = arith.index_cast %parallel_loop3A_477 : i32 to index
      %parallel_loop3A_496 = arith.index_cast %parallel_loop3A_493 : i32 to index
      %parallel_loop3A_497 = arith.index_cast %parallel_loop3A_494 : i32 to index
      %parallel_loop3A_498 = arith.constant 96 : index
      %parallel_loop3A_499 = tpu.vector_load %arg7[%parallel_loop3A_495, %parallel_loop3A_496, %parallel_loop3A_497, %parallel_loop3A_498] {strides = array<i32>} : memref<2x64x1x256xf32, #tpu.memory_space<vmem>>, vector<16xf32>,
      tpu.vector_store %arg7[%parallel_loop3A_495, %parallel_loop3A_496, %parallel_loop3A_497, %parallel_loop3A_498], %parallel_loop3A_453 {strides = array<i32>} : memref<2x64x1x256xf32, #tpu.memory_space<vmem>>, vector<16xf32>,
      %parallel_loop3A_500 = arith.constant 112 : i32
      %parallel_loop3A_501 = vector.broadcast %parallel_loop3A_500 : i32 to vector<16xi32>
      %parallel_loop3A_502 = arith.addi %parallel_loop3A_142, %parallel_loop3A_501 : vector<16xi32>
      %parallel_loop3A_503 = arith.addi %parallel_loop3A_502, %iota3A : vector<16xi32>
      %parallel_loop3A_504 = tpu.vector_load_idx %arg5[%parallel_loop3A_503] : memref<768xf32, #tpu.memory_space<vmem>>[vector<16xi32>], vector<16xf32>,
      %parallel_loop3A_505 = arith.constant 64 : i32
      %parallel_loop3A_506 = arith.divsi %parallel_loop3A_135, %parallel_loop3A_505 : i32
      %parallel_loop3A_507 = arith.constant 0 : i32
      %parallel_loop3A_508 = arith.cmpi sgt, %parallel_loop3A_135, %parallel_loop3A_507 : i32
      %parallel_loop3A_509 = arith.extui %parallel_loop3A_508 : i1 to i32
      %parallel_loop3A_510 = arith.constant 0 : i32
      %parallel_loop3A_511 = arith.cmpi slt, %parallel_loop3A_135, %parallel_loop3A_510 : i32
      %parallel_loop3A_512 = arith.extui %parallel_loop3A_511 : i1 to i32
      %parallel_loop3A_513 = arith.subi %parallel_loop3A_509, %parallel_loop3A_512 : i32
      %parallel_loop3A_514 = arith.constant 0 : i32
      %parallel_loop3A_515 = arith.cmpi sgt, %parallel_loop3A_505, %parallel_loop3A_514 : i32
      %parallel_loop3A_516 = arith.extui %parallel_loop3A_515 : i1 to i32
      %parallel_loop3A_517 = arith.constant 0 : i32
      %parallel_loop3A_518 = arith.cmpi slt, %parallel_loop3A_505, %parallel_loop3A_517 : i32
      %parallel_loop3A_519 = arith.extui %parallel_loop3A_518 : i1 to i32
      %parallel_loop3A_520 = arith.subi %parallel_loop3A_516, %parallel_loop3A_519 : i32
      %parallel_loop3A_521 = arith.cmpi ne, %parallel_loop3A_513, %parallel_loop3A_520 : i32
      %parallel_loop3A_522 = arith.remsi %parallel_loop3A_135, %parallel_loop3A_505 : i32
      %parallel_loop3A_523 = arith.constant 0 : i32
      %parallel_loop3A_524 = arith.cmpi ne, %parallel_loop3A_522, %parallel_loop3A_523 : i32
      %parallel_loop3A_525 = arith.andi %parallel_loop3A_521, %parallel_loop3A_524 : i1
      %parallel_loop3A_526 = arith.constant 1 : i32
      %parallel_loop3A_527 = arith.subi %parallel_loop3A_506, %parallel_loop3A_526 : i32
      %parallel_loop3A_528 = arith.select %parallel_loop3A_525, %parallel_loop3A_527, %parallel_loop3A_506 : i32
      %parallel_loop3A_529 = arith.constant 64 : i32
      %parallel_loop3A_530 = arith.constant 0 : i32
      %parallel_loop3A_531 = arith.cmpi eq, %parallel_loop3A_529, %parallel_loop3A_530 : i32
      %parallel_loop3A_532 = arith.constant 1 : i32
      %parallel_loop3A_533 = arith.select %parallel_loop3A_531, %parallel_loop3A_532, %parallel_loop3A_529 : i32
      %parallel_loop3A_534 = arith.remsi %parallel_loop3A_135, %parallel_loop3A_533 : i32
      %parallel_loop3A_535 = arith.constant 0 : i32
      %parallel_loop3A_536 = arith.cmpi ne, %parallel_loop3A_534, %parallel_loop3A_535 : i32
      %parallel_loop3A_537 = arith.constant 0 : i32
      %parallel_loop3A_538 = arith.cmpi slt, %parallel_loop3A_534, %parallel_loop3A_537 : i32
      %parallel_loop3A_539 = arith.constant 0 : i32
      %parallel_loop3A_540 = arith.cmpi slt, %parallel_loop3A_533, %parallel_loop3A_539 : i32
      %parallel_loop3A_541 = arith.xori %parallel_loop3A_538, %parallel_loop3A_540 : i1
      %parallel_loop3A_542 = arith.andi %parallel_loop3A_541, %parallel_loop3A_536 : i1
      %parallel_loop3A_543 = arith.addi %parallel_loop3A_534, %parallel_loop3A_533 : i32
      %parallel_loop3A_544 = arith.select %parallel_loop3A_542, %parallel_loop3A_543, %parallel_loop3A_534 : i32
      %parallel_loop3A_545 = arith.constant 0 : i32
      %parallel_loop3A_546 = arith.index_cast %parallel_loop3A_528 : i32 to index
      %parallel_loop3A_547 = arith.index_cast %parallel_loop3A_544 : i32 to index
      %parallel_loop3A_548 = arith.index_cast %parallel_loop3A_545 : i32 to index
      %parallel_loop3A_549 = arith.constant 112 : index
      %parallel_loop3A_550 = tpu.vector_load %arg7[%parallel_loop3A_546, %parallel_loop3A_547, %parallel_loop3A_548, %parallel_loop3A_549] {strides = array<i32>} : memref<2x64x1x256xf32, #tpu.memory_space<vmem>>, vector<16xf32>,
      tpu.vector_store %arg7[%parallel_loop3A_546, %parallel_loop3A_547, %parallel_loop3A_548, %parallel_loop3A_549], %parallel_loop3A_504 {strides = array<i32>} : memref<2x64x1x256xf32, #tpu.memory_space<vmem>>, vector<16xf32>,
      %parallel_loop3A_551 = arith.constant 128 : i32
      %parallel_loop3A_552 = vector.broadcast %parallel_loop3A_551 : i32 to vector<16xi32>
      %parallel_loop3A_553 = arith.addi %parallel_loop3A_142, %parallel_loop3A_552 : vector<16xi32>
      %parallel_loop3A_554 = arith.addi %parallel_loop3A_553, %iota3A : vector<16xi32>
      %parallel_loop3A_555 = tpu.vector_load_idx %arg5[%parallel_loop3A_554] : memref<768xf32, #tpu.memory_space<vmem>>[vector<16xi32>], vector<16xf32>,
      %parallel_loop3A_556 = arith.constant 64 : i32
      %parallel_loop3A_557 = arith.divsi %parallel_loop3A_135, %parallel_loop3A_556 : i32
      %parallel_loop3A_558 = arith.constant 0 : i32
      %parallel_loop3A_559 = arith.cmpi sgt, %parallel_loop3A_135, %parallel_loop3A_558 : i32
      %parallel_loop3A_560 = arith.extui %parallel_loop3A_559 : i1 to i32
      %parallel_loop3A_561 = arith.constant 0 : i32
      %parallel_loop3A_562 = arith.cmpi slt, %parallel_loop3A_135, %parallel_loop3A_561 : i32
      %parallel_loop3A_563 = arith.extui %parallel_loop3A_562 : i1 to i32
      %parallel_loop3A_564 = arith.subi %parallel_loop3A_560, %parallel_loop3A_563 : i32
      %parallel_loop3A_565 = arith.constant 0 : i32
      %parallel_loop3A_566 = arith.cmpi sgt, %parallel_loop3A_556, %parallel_loop3A_565 : i32
      %parallel_loop3A_567 = arith.extui %parallel_loop3A_566 : i1 to i32
      %parallel_loop3A_568 = arith.constant 0 : i32
      %parallel_loop3A_569 = arith.cmpi slt, %parallel_loop3A_556, %parallel_loop3A_568 : i32
      %parallel_loop3A_570 = arith.extui %parallel_loop3A_569 : i1 to i32
      %parallel_loop3A_571 = arith.subi %parallel_loop3A_567, %parallel_loop3A_570 : i32
      %parallel_loop3A_572 = arith.cmpi ne, %parallel_loop3A_564, %parallel_loop3A_571 : i32
      %parallel_loop3A_573 = arith.remsi %parallel_loop3A_135, %parallel_loop3A_556 : i32
      %parallel_loop3A_574 = arith.constant 0 : i32
      %parallel_loop3A_575 = arith.cmpi ne, %parallel_loop3A_573, %parallel_loop3A_574 : i32
      %parallel_loop3A_576 = arith.andi %parallel_loop3A_572, %parallel_loop3A_575 : i1
      %parallel_loop3A_577 = arith.constant 1 : i32
      %parallel_loop3A_578 = arith.subi %parallel_loop3A_557, %parallel_loop3A_577 : i32
      %parallel_loop3A_579 = arith.select %parallel_loop3A_576, %parallel_loop3A_578, %parallel_loop3A_557 : i32
      %parallel_loop3A_580 = arith.constant 64 : i32
      %parallel_loop3A_581 = arith.constant 0 : i32
      %parallel_loop3A_582 = arith.cmpi eq, %parallel_loop3A_580, %parallel_loop3A_581 : i32
      %parallel_loop3A_583 = arith.constant 1 : i32
      %parallel_loop3A_584 = arith.select %parallel_loop3A_582, %parallel_loop3A_583, %parallel_loop3A_580 : i32
      %parallel_loop3A_585 = arith.remsi %parallel_loop3A_135, %parallel_loop3A_584 : i32
      %parallel_loop3A_586 = arith.constant 0 : i32
      %parallel_loop3A_587 = arith.cmpi ne, %parallel_loop3A_585, %parallel_loop3A_586 : i32
      %parallel_loop3A_588 = arith.constant 0 : i32
      %parallel_loop3A_589 = arith.cmpi slt, %parallel_loop3A_585, %parallel_loop3A_588 : i32
      %parallel_loop3A_590 = arith.constant 0 : i32
      %parallel_loop3A_591 = arith.cmpi slt, %parallel_loop3A_584, %parallel_loop3A_590 : i32
      %parallel_loop3A_592 = arith.xori %parallel_loop3A_589, %parallel_loop3A_591 : i1
      %parallel_loop3A_593 = arith.andi %parallel_loop3A_592, %parallel_loop3A_587 : i1
      %parallel_loop3A_594 = arith.addi %parallel_loop3A_585, %parallel_loop3A_584 : i32
      %parallel_loop3A_595 = arith.select %parallel_loop3A_593, %parallel_loop3A_594, %parallel_loop3A_585 : i32
      %parallel_loop3A_596 = arith.constant 0 : i32
      %parallel_loop3A_597 = arith.index_cast %parallel_loop3A_579 : i32 to index
      %parallel_loop3A_598 = arith.index_cast %parallel_loop3A_595 : i32 to index
      %parallel_loop3A_599 = arith.index_cast %parallel_loop3A_596 : i32 to index
      %parallel_loop3A_600 = arith.constant 128 : index
      %parallel_loop3A_601 = tpu.vector_load %arg7[%parallel_loop3A_597, %parallel_loop3A_598, %parallel_loop3A_599, %parallel_loop3A_600] {strides = array<i32>} : memref<2x64x1x256xf32, #tpu.memory_space<vmem>>, vector<16xf32>,
      tpu.vector_store %arg7[%parallel_loop3A_597, %parallel_loop3A_598, %parallel_loop3A_599, %parallel_loop3A_600], %parallel_loop3A_555 {strides = array<i32>} : memref<2x64x1x256xf32, #tpu.memory_space<vmem>>, vector<16xf32>,
      %parallel_loop3A_602 = arith.constant 144 : i32
      %parallel_loop3A_603 = vector.broadcast %parallel_loop3A_602 : i32 to vector<16xi32>
      %parallel_loop3A_604 = arith.addi %parallel_loop3A_142, %parallel_loop3A_603 : vector<16xi32>
      %parallel_loop3A_605 = arith.addi %parallel_loop3A_604, %iota3A : vector<16xi32>
      %parallel_loop3A_606 = tpu.vector_load_idx %arg5[%parallel_loop3A_605] : memref<768xf32, #tpu.memory_space<vmem>>[vector<16xi32>], vector<16xf32>,
      %parallel_loop3A_607 = arith.constant 64 : i32
      %parallel_loop3A_608 = arith.divsi %parallel_loop3A_135, %parallel_loop3A_607 : i32
      %parallel_loop3A_609 = arith.constant 0 : i32
      %parallel_loop3A_610 = arith.cmpi sgt, %parallel_loop3A_135, %parallel_loop3A_609 : i32
      %parallel_loop3A_611 = arith.extui %parallel_loop3A_610 : i1 to i32
      %parallel_loop3A_612 = arith.constant 0 : i32
      %parallel_loop3A_613 = arith.cmpi slt, %parallel_loop3A_135, %parallel_loop3A_612 : i32
      %parallel_loop3A_614 = arith.extui %parallel_loop3A_613 : i1 to i32
      %parallel_loop3A_615 = arith.subi %parallel_loop3A_611, %parallel_loop3A_614 : i32
      %parallel_loop3A_616 = arith.constant 0 : i32
      %parallel_loop3A_617 = arith.cmpi sgt, %parallel_loop3A_607, %parallel_loop3A_616 : i32
      %parallel_loop3A_618 = arith.extui %parallel_loop3A_617 : i1 to i32
      %parallel_loop3A_619 = arith.constant 0 : i32
      %parallel_loop3A_620 = arith.cmpi slt, %parallel_loop3A_607, %parallel_loop3A_619 : i32
      %parallel_loop3A_621 = arith.extui %parallel_loop3A_620 : i1 to i32
      %parallel_loop3A_622 = arith.subi %parallel_loop3A_618, %parallel_loop3A_621 : i32
      %parallel_loop3A_623 = arith.cmpi ne, %parallel_loop3A_615, %parallel_loop3A_622 : i32
      %parallel_loop3A_624 = arith.remsi %parallel_loop3A_135, %parallel_loop3A_607 : i32
      %parallel_loop3A_625 = arith.constant 0 : i32
      %parallel_loop3A_626 = arith.cmpi ne, %parallel_loop3A_624, %parallel_loop3A_625 : i32
      %parallel_loop3A_627 = arith.andi %parallel_loop3A_623, %parallel_loop3A_626 : i1
      %parallel_loop3A_628 = arith.constant 1 : i32
      %parallel_loop3A_629 = arith.subi %parallel_loop3A_608, %parallel_loop3A_628 : i32
      %parallel_loop3A_630 = arith.select %parallel_loop3A_627, %parallel_loop3A_629, %parallel_loop3A_608 : i32
      %parallel_loop3A_631 = arith.constant 64 : i32
      %parallel_loop3A_632 = arith.constant 0 : i32
      %parallel_loop3A_633 = arith.cmpi eq, %parallel_loop3A_631, %parallel_loop3A_632 : i32
      %parallel_loop3A_634 = arith.constant 1 : i32
      %parallel_loop3A_635 = arith.select %parallel_loop3A_633, %parallel_loop3A_634, %parallel_loop3A_631 : i32
      %parallel_loop3A_636 = arith.remsi %parallel_loop3A_135, %parallel_loop3A_635 : i32
      %parallel_loop3A_637 = arith.constant 0 : i32
      %parallel_loop3A_638 = arith.cmpi ne, %parallel_loop3A_636, %parallel_loop3A_637 : i32
      %parallel_loop3A_639 = arith.constant 0 : i32
      %parallel_loop3A_640 = arith.cmpi slt, %parallel_loop3A_636, %parallel_loop3A_639 : i32
      %parallel_loop3A_641 = arith.constant 0 : i32
      %parallel_loop3A_642 = arith.cmpi slt, %parallel_loop3A_635, %parallel_loop3A_641 : i32
      %parallel_loop3A_643 = arith.xori %parallel_loop3A_640, %parallel_loop3A_642 : i1
      %parallel_loop3A_644 = arith.andi %parallel_loop3A_643, %parallel_loop3A_638 : i1
      %parallel_loop3A_645 = arith.addi %parallel_loop3A_636, %parallel_loop3A_635 : i32
      %parallel_loop3A_646 = arith.select %parallel_loop3A_644, %parallel_loop3A_645, %parallel_loop3A_636 : i32
      %parallel_loop3A_647 = arith.constant 0 : i32
      %parallel_loop3A_648 = arith.index_cast %parallel_loop3A_630 : i32 to index
      %parallel_loop3A_649 = arith.index_cast %parallel_loop3A_646 : i32 to index
      %parallel_loop3A_650 = arith.index_cast %parallel_loop3A_647 : i32 to index
      %parallel_loop3A_651 = arith.constant 144 : index
      %parallel_loop3A_652 = tpu.vector_load %arg7[%parallel_loop3A_648, %parallel_loop3A_649, %parallel_loop3A_650, %parallel_loop3A_651] {strides = array<i32>} : memref<2x64x1x256xf32, #tpu.memory_space<vmem>>, vector<16xf32>,
      tpu.vector_store %arg7[%parallel_loop3A_648, %parallel_loop3A_649, %parallel_loop3A_650, %parallel_loop3A_651], %parallel_loop3A_606 {strides = array<i32>} : memref<2x64x1x256xf32, #tpu.memory_space<vmem>>, vector<16xf32>,
      %parallel_loop3A_653 = arith.constant 160 : i32
      %parallel_loop3A_654 = vector.broadcast %parallel_loop3A_653 : i32 to vector<16xi32>
      %parallel_loop3A_655 = arith.addi %parallel_loop3A_142, %parallel_loop3A_654 : vector<16xi32>
      %parallel_loop3A_656 = arith.addi %parallel_loop3A_655, %iota3A : vector<16xi32>
      %parallel_loop3A_657 = tpu.vector_load_idx %arg5[%parallel_loop3A_656] : memref<768xf32, #tpu.memory_space<vmem>>[vector<16xi32>], vector<16xf32>,
      %parallel_loop3A_658 = arith.constant 64 : i32
      %parallel_loop3A_659 = arith.divsi %parallel_loop3A_135, %parallel_loop3A_658 : i32
      %parallel_loop3A_660 = arith.constant 0 : i32
      %parallel_loop3A_661 = arith.cmpi sgt, %parallel_loop3A_135, %parallel_loop3A_660 : i32
      %parallel_loop3A_662 = arith.extui %parallel_loop3A_661 : i1 to i32
      %parallel_loop3A_663 = arith.constant 0 : i32
      %parallel_loop3A_664 = arith.cmpi slt, %parallel_loop3A_135, %parallel_loop3A_663 : i32
      %parallel_loop3A_665 = arith.extui %parallel_loop3A_664 : i1 to i32
      %parallel_loop3A_666 = arith.subi %parallel_loop3A_662, %parallel_loop3A_665 : i32
      %parallel_loop3A_667 = arith.constant 0 : i32
      %parallel_loop3A_668 = arith.cmpi sgt, %parallel_loop3A_658, %parallel_loop3A_667 : i32
      %parallel_loop3A_669 = arith.extui %parallel_loop3A_668 : i1 to i32
      %parallel_loop3A_670 = arith.constant 0 : i32
      %parallel_loop3A_671 = arith.cmpi slt, %parallel_loop3A_658, %parallel_loop3A_670 : i32
      %parallel_loop3A_672 = arith.extui %parallel_loop3A_671 : i1 to i32
      %parallel_loop3A_673 = arith.subi %parallel_loop3A_669, %parallel_loop3A_672 : i32
      %parallel_loop3A_674 = arith.cmpi ne, %parallel_loop3A_666, %parallel_loop3A_673 : i32
      %parallel_loop3A_675 = arith.remsi %parallel_loop3A_135, %parallel_loop3A_658 : i32
      %parallel_loop3A_676 = arith.constant 0 : i32
      %parallel_loop3A_677 = arith.cmpi ne, %parallel_loop3A_675, %parallel_loop3A_676 : i32
      %parallel_loop3A_678 = arith.andi %parallel_loop3A_674, %parallel_loop3A_677 : i1
      %parallel_loop3A_679 = arith.constant 1 : i32
      %parallel_loop3A_680 = arith.subi %parallel_loop3A_659, %parallel_loop3A_679 : i32
      %parallel_loop3A_681 = arith.select %parallel_loop3A_678, %parallel_loop3A_680, %parallel_loop3A_659 : i32
      %parallel_loop3A_682 = arith.constant 64 : i32
      %parallel_loop3A_683 = arith.constant 0 : i32
      %parallel_loop3A_684 = arith.cmpi eq, %parallel_loop3A_682, %parallel_loop3A_683 : i32
      %parallel_loop3A_685 = arith.constant 1 : i32
      %parallel_loop3A_686 = arith.select %parallel_loop3A_684, %parallel_loop3A_685, %parallel_loop3A_682 : i32
      %parallel_loop3A_687 = arith.remsi %parallel_loop3A_135, %parallel_loop3A_686 : i32
      %parallel_loop3A_688 = arith.constant 0 : i32
      %parallel_loop3A_689 = arith.cmpi ne, %parallel_loop3A_687, %parallel_loop3A_688 : i32
      %parallel_loop3A_690 = arith.constant 0 : i32
      %parallel_loop3A_691 = arith.cmpi slt, %parallel_loop3A_687, %parallel_loop3A_690 : i32
      %parallel_loop3A_692 = arith.constant 0 : i32
      %parallel_loop3A_693 = arith.cmpi slt, %parallel_loop3A_686, %parallel_loop3A_692 : i32
      %parallel_loop3A_694 = arith.xori %parallel_loop3A_691, %parallel_loop3A_693 : i1
      %parallel_loop3A_695 = arith.andi %parallel_loop3A_694, %parallel_loop3A_689 : i1
      %parallel_loop3A_696 = arith.addi %parallel_loop3A_687, %parallel_loop3A_686 : i32
      %parallel_loop3A_697 = arith.select %parallel_loop3A_695, %parallel_loop3A_696, %parallel_loop3A_687 : i32
      %parallel_loop3A_698 = arith.constant 0 : i32
      %parallel_loop3A_699 = arith.index_cast %parallel_loop3A_681 : i32 to index
      %parallel_loop3A_700 = arith.index_cast %parallel_loop3A_697 : i32 to index
      %parallel_loop3A_701 = arith.index_cast %parallel_loop3A_698 : i32 to index
      %parallel_loop3A_702 = arith.constant 160 : index
      %parallel_loop3A_703 = tpu.vector_load %arg7[%parallel_loop3A_699, %parallel_loop3A_700, %parallel_loop3A_701, %parallel_loop3A_702] {strides = array<i32>} : memref<2x64x1x256xf32, #tpu.memory_space<vmem>>, vector<16xf32>,
      tpu.vector_store %arg7[%parallel_loop3A_699, %parallel_loop3A_700, %parallel_loop3A_701, %parallel_loop3A_702], %parallel_loop3A_657 {strides = array<i32>} : memref<2x64x1x256xf32, #tpu.memory_space<vmem>>, vector<16xf32>,
      %parallel_loop3A_704 = arith.constant 176 : i32
      %parallel_loop3A_705 = vector.broadcast %parallel_loop3A_704 : i32 to vector<16xi32>
      %parallel_loop3A_706 = arith.addi %parallel_loop3A_142, %parallel_loop3A_705 : vector<16xi32>
      %parallel_loop3A_707 = arith.addi %parallel_loop3A_706, %iota3A : vector<16xi32>
      %parallel_loop3A_708 = tpu.vector_load_idx %arg5[%parallel_loop3A_707] : memref<768xf32, #tpu.memory_space<vmem>>[vector<16xi32>], vector<16xf32>,
      %parallel_loop3A_709 = arith.constant 64 : i32
      %parallel_loop3A_710 = arith.divsi %parallel_loop3A_135, %parallel_loop3A_709 : i32
      %parallel_loop3A_711 = arith.constant 0 : i32
      %parallel_loop3A_712 = arith.cmpi sgt, %parallel_loop3A_135, %parallel_loop3A_711 : i32
      %parallel_loop3A_713 = arith.extui %parallel_loop3A_712 : i1 to i32
      %parallel_loop3A_714 = arith.constant 0 : i32
      %parallel_loop3A_715 = arith.cmpi slt, %parallel_loop3A_135, %parallel_loop3A_714 : i32
      %parallel_loop3A_716 = arith.extui %parallel_loop3A_715 : i1 to i32
      %parallel_loop3A_717 = arith.subi %parallel_loop3A_713, %parallel_loop3A_716 : i32
      %parallel_loop3A_718 = arith.constant 0 : i32
      %parallel_loop3A_719 = arith.cmpi sgt, %parallel_loop3A_709, %parallel_loop3A_718 : i32
      %parallel_loop3A_720 = arith.extui %parallel_loop3A_719 : i1 to i32
      %parallel_loop3A_721 = arith.constant 0 : i32
      %parallel_loop3A_722 = arith.cmpi slt, %parallel_loop3A_709, %parallel_loop3A_721 : i32
      %parallel_loop3A_723 = arith.extui %parallel_loop3A_722 : i1 to i32
      %parallel_loop3A_724 = arith.subi %parallel_loop3A_720, %parallel_loop3A_723 : i32
      %parallel_loop3A_725 = arith.cmpi ne, %parallel_loop3A_717, %parallel_loop3A_724 : i32
      %parallel_loop3A_726 = arith.remsi %parallel_loop3A_135, %parallel_loop3A_709 : i32
      %parallel_loop3A_727 = arith.constant 0 : i32
      %parallel_loop3A_728 = arith.cmpi ne, %parallel_loop3A_726, %parallel_loop3A_727 : i32
      %parallel_loop3A_729 = arith.andi %parallel_loop3A_725, %parallel_loop3A_728 : i1
      %parallel_loop3A_730 = arith.constant 1 : i32
      %parallel_loop3A_731 = arith.subi %parallel_loop3A_710, %parallel_loop3A_730 : i32
      %parallel_loop3A_732 = arith.select %parallel_loop3A_729, %parallel_loop3A_731, %parallel_loop3A_710 : i32
      %parallel_loop3A_733 = arith.constant 64 : i32
      %parallel_loop3A_734 = arith.constant 0 : i32
      %parallel_loop3A_735 = arith.cmpi eq, %parallel_loop3A_733, %parallel_loop3A_734 : i32
      %parallel_loop3A_736 = arith.constant 1 : i32
      %parallel_loop3A_737 = arith.select %parallel_loop3A_735, %parallel_loop3A_736, %parallel_loop3A_733 : i32
      %parallel_loop3A_738 = arith.remsi %parallel_loop3A_135, %parallel_loop3A_737 : i32
      %parallel_loop3A_739 = arith.constant 0 : i32
      %parallel_loop3A_740 = arith.cmpi ne, %parallel_loop3A_738, %parallel_loop3A_739 : i32
      %parallel_loop3A_741 = arith.constant 0 : i32
      %parallel_loop3A_742 = arith.cmpi slt, %parallel_loop3A_738, %parallel_loop3A_741 : i32
      %parallel_loop3A_743 = arith.constant 0 : i32
      %parallel_loop3A_744 = arith.cmpi slt, %parallel_loop3A_737, %parallel_loop3A_743 : i32
      %parallel_loop3A_745 = arith.xori %parallel_loop3A_742, %parallel_loop3A_744 : i1
      %parallel_loop3A_746 = arith.andi %parallel_loop3A_745, %parallel_loop3A_740 : i1
      %parallel_loop3A_747 = arith.addi %parallel_loop3A_738, %parallel_loop3A_737 : i32
      %parallel_loop3A_748 = arith.select %parallel_loop3A_746, %parallel_loop3A_747, %parallel_loop3A_738 : i32
      %parallel_loop3A_749 = arith.constant 0 : i32
      %parallel_loop3A_750 = arith.index_cast %parallel_loop3A_732 : i32 to index
      %parallel_loop3A_751 = arith.index_cast %parallel_loop3A_748 : i32 to index
      %parallel_loop3A_752 = arith.index_cast %parallel_loop3A_749 : i32 to index
      %parallel_loop3A_753 = arith.constant 176 : index
      %parallel_loop3A_754 = tpu.vector_load %arg7[%parallel_loop3A_750, %parallel_loop3A_751, %parallel_loop3A_752, %parallel_loop3A_753] {strides = array<i32>} : memref<2x64x1x256xf32, #tpu.memory_space<vmem>>, vector<16xf32>,
      tpu.vector_store %arg7[%parallel_loop3A_750, %parallel_loop3A_751, %parallel_loop3A_752, %parallel_loop3A_753], %parallel_loop3A_708 {strides = array<i32>} : memref<2x64x1x256xf32, #tpu.memory_space<vmem>>, vector<16xf32>,
      %parallel_loop3A_755 = arith.constant 192 : i32
      %parallel_loop3A_756 = vector.broadcast %parallel_loop3A_755 : i32 to vector<16xi32>
      %parallel_loop3A_757 = arith.addi %parallel_loop3A_142, %parallel_loop3A_756 : vector<16xi32>
      %parallel_loop3A_758 = arith.addi %parallel_loop3A_757, %iota3A : vector<16xi32>
      %parallel_loop3A_759 = tpu.vector_load_idx %arg5[%parallel_loop3A_758] : memref<768xf32, #tpu.memory_space<vmem>>[vector<16xi32>], vector<16xf32>,
      %parallel_loop3A_760 = arith.constant 64 : i32
      %parallel_loop3A_761 = arith.divsi %parallel_loop3A_135, %parallel_loop3A_760 : i32
      %parallel_loop3A_762 = arith.constant 0 : i32
      %parallel_loop3A_763 = arith.cmpi sgt, %parallel_loop3A_135, %parallel_loop3A_762 : i32
      %parallel_loop3A_764 = arith.extui %parallel_loop3A_763 : i1 to i32
      %parallel_loop3A_765 = arith.constant 0 : i32
      %parallel_loop3A_766 = arith.cmpi slt, %parallel_loop3A_135, %parallel_loop3A_765 : i32
      %parallel_loop3A_767 = arith.extui %parallel_loop3A_766 : i1 to i32
      %parallel_loop3A_768 = arith.subi %parallel_loop3A_764, %parallel_loop3A_767 : i32
      %parallel_loop3A_769 = arith.constant 0 : i32
      %parallel_loop3A_770 = arith.cmpi sgt, %parallel_loop3A_760, %parallel_loop3A_769 : i32
      %parallel_loop3A_771 = arith.extui %parallel_loop3A_770 : i1 to i32
      %parallel_loop3A_772 = arith.constant 0 : i32
      %parallel_loop3A_773 = arith.cmpi slt, %parallel_loop3A_760, %parallel_loop3A_772 : i32
      %parallel_loop3A_774 = arith.extui %parallel_loop3A_773 : i1 to i32
      %parallel_loop3A_775 = arith.subi %parallel_loop3A_771, %parallel_loop3A_774 : i32
      %parallel_loop3A_776 = arith.cmpi ne, %parallel_loop3A_768, %parallel_loop3A_775 : i32
      %parallel_loop3A_777 = arith.remsi %parallel_loop3A_135, %parallel_loop3A_760 : i32
      %parallel_loop3A_778 = arith.constant 0 : i32
      %parallel_loop3A_779 = arith.cmpi ne, %parallel_loop3A_777, %parallel_loop3A_778 : i32
      %parallel_loop3A_780 = arith.andi %parallel_loop3A_776, %parallel_loop3A_779 : i1
      %parallel_loop3A_781 = arith.constant 1 : i32
      %parallel_loop3A_782 = arith.subi %parallel_loop3A_761, %parallel_loop3A_781 : i32
      %parallel_loop3A_783 = arith.select %parallel_loop3A_780, %parallel_loop3A_782, %parallel_loop3A_761 : i32
      %parallel_loop3A_784 = arith.constant 64 : i32
      %parallel_loop3A_785 = arith.constant 0 : i32
      %parallel_loop3A_786 = arith.cmpi eq, %parallel_loop3A_784, %parallel_loop3A_785 : i32
      %parallel_loop3A_787 = arith.constant 1 : i32
      %parallel_loop3A_788 = arith.select %parallel_loop3A_786, %parallel_loop3A_787, %parallel_loop3A_784 : i32
      %parallel_loop3A_789 = arith.remsi %parallel_loop3A_135, %parallel_loop3A_788 : i32
      %parallel_loop3A_790 = arith.constant 0 : i32
      %parallel_loop3A_791 = arith.cmpi ne, %parallel_loop3A_789, %parallel_loop3A_790 : i32
      %parallel_loop3A_792 = arith.constant 0 : i32
      %parallel_loop3A_793 = arith.cmpi slt, %parallel_loop3A_789, %parallel_loop3A_792 : i32
      %parallel_loop3A_794 = arith.constant 0 : i32
      %parallel_loop3A_795 = arith.cmpi slt, %parallel_loop3A_788, %parallel_loop3A_794 : i32
      %parallel_loop3A_796 = arith.xori %parallel_loop3A_793, %parallel_loop3A_795 : i1
      %parallel_loop3A_797 = arith.andi %parallel_loop3A_796, %parallel_loop3A_791 : i1
      %parallel_loop3A_798 = arith.addi %parallel_loop3A_789, %parallel_loop3A_788 : i32
      %parallel_loop3A_799 = arith.select %parallel_loop3A_797, %parallel_loop3A_798, %parallel_loop3A_789 : i32
      %parallel_loop3A_800 = arith.constant 0 : i32
      %parallel_loop3A_801 = arith.index_cast %parallel_loop3A_783 : i32 to index
      %parallel_loop3A_802 = arith.index_cast %parallel_loop3A_799 : i32 to index
      %parallel_loop3A_803 = arith.index_cast %parallel_loop3A_800 : i32 to index
      %parallel_loop3A_804 = arith.constant 192 : index
      %parallel_loop3A_805 = tpu.vector_load %arg7[%parallel_loop3A_801, %parallel_loop3A_802, %parallel_loop3A_803, %parallel_loop3A_804] {strides = array<i32>} : memref<2x64x1x256xf32, #tpu.memory_space<vmem>>, vector<16xf32>,
      tpu.vector_store %arg7[%parallel_loop3A_801, %parallel_loop3A_802, %parallel_loop3A_803, %parallel_loop3A_804], %parallel_loop3A_759 {strides = array<i32>} : memref<2x64x1x256xf32, #tpu.memory_space<vmem>>, vector<16xf32>,
      %parallel_loop3A_806 = arith.constant 208 : i32
      %parallel_loop3A_807 = vector.broadcast %parallel_loop3A_806 : i32 to vector<16xi32>
      %parallel_loop3A_808 = arith.addi %parallel_loop3A_142, %parallel_loop3A_807 : vector<16xi32>
      %parallel_loop3A_809 = arith.addi %parallel_loop3A_808, %iota3A : vector<16xi32>
      %parallel_loop3A_810 = tpu.vector_load_idx %arg5[%parallel_loop3A_809] : memref<768xf32, #tpu.memory_space<vmem>>[vector<16xi32>], vector<16xf32>,
      %parallel_loop3A_811 = arith.constant 64 : i32
      %parallel_loop3A_812 = arith.divsi %parallel_loop3A_135, %parallel_loop3A_811 : i32
      %parallel_loop3A_813 = arith.constant 0 : i32
      %parallel_loop3A_814 = arith.cmpi sgt, %parallel_loop3A_135, %parallel_loop3A_813 : i32
      %parallel_loop3A_815 = arith.extui %parallel_loop3A_814 : i1 to i32
      %parallel_loop3A_816 = arith.constant 0 : i32
      %parallel_loop3A_817 = arith.cmpi slt, %parallel_loop3A_135, %parallel_loop3A_816 : i32
      %parallel_loop3A_818 = arith.extui %parallel_loop3A_817 : i1 to i32
      %parallel_loop3A_819 = arith.subi %parallel_loop3A_815, %parallel_loop3A_818 : i32
      %parallel_loop3A_820 = arith.constant 0 : i32
      %parallel_loop3A_821 = arith.cmpi sgt, %parallel_loop3A_811, %parallel_loop3A_820 : i32
      %parallel_loop3A_822 = arith.extui %parallel_loop3A_821 : i1 to i32
      %parallel_loop3A_823 = arith.constant 0 : i32
      %parallel_loop3A_824 = arith.cmpi slt, %parallel_loop3A_811, %parallel_loop3A_823 : i32
      %parallel_loop3A_825 = arith.extui %parallel_loop3A_824 : i1 to i32
      %parallel_loop3A_826 = arith.subi %parallel_loop3A_822, %parallel_loop3A_825 : i32
      %parallel_loop3A_827 = arith.cmpi ne, %parallel_loop3A_819, %parallel_loop3A_826 : i32
      %parallel_loop3A_828 = arith.remsi %parallel_loop3A_135, %parallel_loop3A_811 : i32
      %parallel_loop3A_829 = arith.constant 0 : i32
      %parallel_loop3A_830 = arith.cmpi ne, %parallel_loop3A_828, %parallel_loop3A_829 : i32
      %parallel_loop3A_831 = arith.andi %parallel_loop3A_827, %parallel_loop3A_830 : i1
      %parallel_loop3A_832 = arith.constant 1 : i32
      %parallel_loop3A_833 = arith.subi %parallel_loop3A_812, %parallel_loop3A_832 : i32
      %parallel_loop3A_834 = arith.select %parallel_loop3A_831, %parallel_loop3A_833, %parallel_loop3A_812 : i32
      %parallel_loop3A_835 = arith.constant 64 : i32
      %parallel_loop3A_836 = arith.constant 0 : i32
      %parallel_loop3A_837 = arith.cmpi eq, %parallel_loop3A_835, %parallel_loop3A_836 : i32
      %parallel_loop3A_838 = arith.constant 1 : i32
      %parallel_loop3A_839 = arith.select %parallel_loop3A_837, %parallel_loop3A_838, %parallel_loop3A_835 : i32
      %parallel_loop3A_840 = arith.remsi %parallel_loop3A_135, %parallel_loop3A_839 : i32
      %parallel_loop3A_841 = arith.constant 0 : i32
      %parallel_loop3A_842 = arith.cmpi ne, %parallel_loop3A_840, %parallel_loop3A_841 : i32
      %parallel_loop3A_843 = arith.constant 0 : i32
      %parallel_loop3A_844 = arith.cmpi slt, %parallel_loop3A_840, %parallel_loop3A_843 : i32
      %parallel_loop3A_845 = arith.constant 0 : i32
      %parallel_loop3A_846 = arith.cmpi slt, %parallel_loop3A_839, %parallel_loop3A_845 : i32
      %parallel_loop3A_847 = arith.xori %parallel_loop3A_844, %parallel_loop3A_846 : i1
      %parallel_loop3A_848 = arith.andi %parallel_loop3A_847, %parallel_loop3A_842 : i1
      %parallel_loop3A_849 = arith.addi %parallel_loop3A_840, %parallel_loop3A_839 : i32
      %parallel_loop3A_850 = arith.select %parallel_loop3A_848, %parallel_loop3A_849, %parallel_loop3A_840 : i32
      %parallel_loop3A_851 = arith.constant 0 : i32
      %parallel_loop3A_852 = arith.index_cast %parallel_loop3A_834 : i32 to index
      %parallel_loop3A_853 = arith.index_cast %parallel_loop3A_850 : i32 to index
      %parallel_loop3A_854 = arith.index_cast %parallel_loop3A_851 : i32 to index
      %parallel_loop3A_855 = arith.constant 208 : index
      %parallel_loop3A_856 = tpu.vector_load %arg7[%parallel_loop3A_852, %parallel_loop3A_853, %parallel_loop3A_854, %parallel_loop3A_855] {strides = array<i32>} : memref<2x64x1x256xf32, #tpu.memory_space<vmem>>, vector<16xf32>,
      tpu.vector_store %arg7[%parallel_loop3A_852, %parallel_loop3A_853, %parallel_loop3A_854, %parallel_loop3A_855], %parallel_loop3A_810 {strides = array<i32>} : memref<2x64x1x256xf32, #tpu.memory_space<vmem>>, vector<16xf32>,
      %parallel_loop3A_857 = arith.constant 224 : i32
      %parallel_loop3A_858 = vector.broadcast %parallel_loop3A_857 : i32 to vector<16xi32>
      %parallel_loop3A_859 = arith.addi %parallel_loop3A_142, %parallel_loop3A_858 : vector<16xi32>
      %parallel_loop3A_860 = arith.addi %parallel_loop3A_859, %iota3A : vector<16xi32>
      %parallel_loop3A_861 = tpu.vector_load_idx %arg5[%parallel_loop3A_860] : memref<768xf32, #tpu.memory_space<vmem>>[vector<16xi32>], vector<16xf32>,
      %parallel_loop3A_862 = arith.constant 64 : i32
      %parallel_loop3A_863 = arith.divsi %parallel_loop3A_135, %parallel_loop3A_862 : i32
      %parallel_loop3A_864 = arith.constant 0 : i32
      %parallel_loop3A_865 = arith.cmpi sgt, %parallel_loop3A_135, %parallel_loop3A_864 : i32
      %parallel_loop3A_866 = arith.extui %parallel_loop3A_865 : i1 to i32
      %parallel_loop3A_867 = arith.constant 0 : i32
      %parallel_loop3A_868 = arith.cmpi slt, %parallel_loop3A_135, %parallel_loop3A_867 : i32
      %parallel_loop3A_869 = arith.extui %parallel_loop3A_868 : i1 to i32
      %parallel_loop3A_870 = arith.subi %parallel_loop3A_866, %parallel_loop3A_869 : i32
      %parallel_loop3A_871 = arith.constant 0 : i32
      %parallel_loop3A_872 = arith.cmpi sgt, %parallel_loop3A_862, %parallel_loop3A_871 : i32
      %parallel_loop3A_873 = arith.extui %parallel_loop3A_872 : i1 to i32
      %parallel_loop3A_874 = arith.constant 0 : i32
      %parallel_loop3A_875 = arith.cmpi slt, %parallel_loop3A_862, %parallel_loop3A_874 : i32
      %parallel_loop3A_876 = arith.extui %parallel_loop3A_875 : i1 to i32
      %parallel_loop3A_877 = arith.subi %parallel_loop3A_873, %parallel_loop3A_876 : i32
      %parallel_loop3A_878 = arith.cmpi ne, %parallel_loop3A_870, %parallel_loop3A_877 : i32
      %parallel_loop3A_879 = arith.remsi %parallel_loop3A_135, %parallel_loop3A_862 : i32
      %parallel_loop3A_880 = arith.constant 0 : i32
      %parallel_loop3A_881 = arith.cmpi ne, %parallel_loop3A_879, %parallel_loop3A_880 : i32
      %parallel_loop3A_882 = arith.andi %parallel_loop3A_878, %parallel_loop3A_881 : i1
      %parallel_loop3A_883 = arith.constant 1 : i32
      %parallel_loop3A_884 = arith.subi %parallel_loop3A_863, %parallel_loop3A_883 : i32
      %parallel_loop3A_885 = arith.select %parallel_loop3A_882, %parallel_loop3A_884, %parallel_loop3A_863 : i32
      %parallel_loop3A_886 = arith.constant 64 : i32
      %parallel_loop3A_887 = arith.constant 0 : i32
      %parallel_loop3A_888 = arith.cmpi eq, %parallel_loop3A_886, %parallel_loop3A_887 : i32
      %parallel_loop3A_889 = arith.constant 1 : i32
      %parallel_loop3A_890 = arith.select %parallel_loop3A_888, %parallel_loop3A_889, %parallel_loop3A_886 : i32
      %parallel_loop3A_891 = arith.remsi %parallel_loop3A_135, %parallel_loop3A_890 : i32
      %parallel_loop3A_892 = arith.constant 0 : i32
      %parallel_loop3A_893 = arith.cmpi ne, %parallel_loop3A_891, %parallel_loop3A_892 : i32
      %parallel_loop3A_894 = arith.constant 0 : i32
      %parallel_loop3A_895 = arith.cmpi slt, %parallel_loop3A_891, %parallel_loop3A_894 : i32
      %parallel_loop3A_896 = arith.constant 0 : i32
      %parallel_loop3A_897 = arith.cmpi slt, %parallel_loop3A_890, %parallel_loop3A_896 : i32
      %parallel_loop3A_898 = arith.xori %parallel_loop3A_895, %parallel_loop3A_897 : i1
      %parallel_loop3A_899 = arith.andi %parallel_loop3A_898, %parallel_loop3A_893 : i1
      %parallel_loop3A_900 = arith.addi %parallel_loop3A_891, %parallel_loop3A_890 : i32
      %parallel_loop3A_901 = arith.select %parallel_loop3A_899, %parallel_loop3A_900, %parallel_loop3A_891 : i32
      %parallel_loop3A_902 = arith.constant 0 : i32
      %parallel_loop3A_903 = arith.index_cast %parallel_loop3A_885 : i32 to index
      %parallel_loop3A_904 = arith.index_cast %parallel_loop3A_901 : i32 to index
      %parallel_loop3A_905 = arith.index_cast %parallel_loop3A_902 : i32 to index
      %parallel_loop3A_906 = arith.constant 224 : index
      %parallel_loop3A_907 = tpu.vector_load %arg7[%parallel_loop3A_903, %parallel_loop3A_904, %parallel_loop3A_905, %parallel_loop3A_906] {strides = array<i32>} : memref<2x64x1x256xf32, #tpu.memory_space<vmem>>, vector<16xf32>,
      tpu.vector_store %arg7[%parallel_loop3A_903, %parallel_loop3A_904, %parallel_loop3A_905, %parallel_loop3A_906], %parallel_loop3A_861 {strides = array<i32>} : memref<2x64x1x256xf32, #tpu.memory_space<vmem>>, vector<16xf32>,
      %parallel_loop3A_908 = arith.constant 240 : i32
      %parallel_loop3A_909 = vector.broadcast %parallel_loop3A_908 : i32 to vector<16xi32>
      %parallel_loop3A_910 = arith.addi %parallel_loop3A_142, %parallel_loop3A_909 : vector<16xi32>
      %parallel_loop3A_911 = arith.addi %parallel_loop3A_910, %iota3A : vector<16xi32>
      %parallel_loop3A_912 = tpu.vector_load_idx %arg5[%parallel_loop3A_911] : memref<768xf32, #tpu.memory_space<vmem>>[vector<16xi32>], vector<16xf32>,
      %parallel_loop3A_913 = arith.constant 64 : i32
      %parallel_loop3A_914 = arith.divsi %parallel_loop3A_135, %parallel_loop3A_913 : i32
      %parallel_loop3A_915 = arith.constant 0 : i32
      %parallel_loop3A_916 = arith.cmpi sgt, %parallel_loop3A_135, %parallel_loop3A_915 : i32
      %parallel_loop3A_917 = arith.extui %parallel_loop3A_916 : i1 to i32
      %parallel_loop3A_918 = arith.constant 0 : i32
      %parallel_loop3A_919 = arith.cmpi slt, %parallel_loop3A_135, %parallel_loop3A_918 : i32
      %parallel_loop3A_920 = arith.extui %parallel_loop3A_919 : i1 to i32
      %parallel_loop3A_921 = arith.subi %parallel_loop3A_917, %parallel_loop3A_920 : i32
      %parallel_loop3A_922 = arith.constant 0 : i32
      %parallel_loop3A_923 = arith.cmpi sgt, %parallel_loop3A_913, %parallel_loop3A_922 : i32
      %parallel_loop3A_924 = arith.extui %parallel_loop3A_923 : i1 to i32
      %parallel_loop3A_925 = arith.constant 0 : i32
      %parallel_loop3A_926 = arith.cmpi slt, %parallel_loop3A_913, %parallel_loop3A_925 : i32
      %parallel_loop3A_927 = arith.extui %parallel_loop3A_926 : i1 to i32
      %parallel_loop3A_928 = arith.subi %parallel_loop3A_924, %parallel_loop3A_927 : i32
      %parallel_loop3A_929 = arith.cmpi ne, %parallel_loop3A_921, %parallel_loop3A_928 : i32
      %parallel_loop3A_930 = arith.remsi %parallel_loop3A_135, %parallel_loop3A_913 : i32
      %parallel_loop3A_931 = arith.constant 0 : i32
      %parallel_loop3A_932 = arith.cmpi ne, %parallel_loop3A_930, %parallel_loop3A_931 : i32
      %parallel_loop3A_933 = arith.andi %parallel_loop3A_929, %parallel_loop3A_932 : i1
      %parallel_loop3A_934 = arith.constant 1 : i32
      %parallel_loop3A_935 = arith.subi %parallel_loop3A_914, %parallel_loop3A_934 : i32
      %parallel_loop3A_936 = arith.select %parallel_loop3A_933, %parallel_loop3A_935, %parallel_loop3A_914 : i32
      %parallel_loop3A_937 = arith.constant 64 : i32
      %parallel_loop3A_938 = arith.constant 0 : i32
      %parallel_loop3A_939 = arith.cmpi eq, %parallel_loop3A_937, %parallel_loop3A_938 : i32
      %parallel_loop3A_940 = arith.constant 1 : i32
      %parallel_loop3A_941 = arith.select %parallel_loop3A_939, %parallel_loop3A_940, %parallel_loop3A_937 : i32
      %parallel_loop3A_942 = arith.remsi %parallel_loop3A_135, %parallel_loop3A_941 : i32
      %parallel_loop3A_943 = arith.constant 0 : i32
      %parallel_loop3A_944 = arith.cmpi ne, %parallel_loop3A_942, %parallel_loop3A_943 : i32
      %parallel_loop3A_945 = arith.constant 0 : i32
      %parallel_loop3A_946 = arith.cmpi slt, %parallel_loop3A_942, %parallel_loop3A_945 : i32
      %parallel_loop3A_947 = arith.constant 0 : i32
      %parallel_loop3A_948 = arith.cmpi slt, %parallel_loop3A_941, %parallel_loop3A_947 : i32
      %parallel_loop3A_949 = arith.xori %parallel_loop3A_946, %parallel_loop3A_948 : i1
      %parallel_loop3A_950 = arith.andi %parallel_loop3A_949, %parallel_loop3A_944 : i1
      %parallel_loop3A_951 = arith.addi %parallel_loop3A_942, %parallel_loop3A_941 : i32
      %parallel_loop3A_952 = arith.select %parallel_loop3A_950, %parallel_loop3A_951, %parallel_loop3A_942 : i32
      %parallel_loop3A_953 = arith.constant 0 : i32
      %parallel_loop3A_954 = arith.index_cast %parallel_loop3A_936 : i32 to index
      %parallel_loop3A_955 = arith.index_cast %parallel_loop3A_952 : i32 to index
      %parallel_loop3A_956 = arith.index_cast %parallel_loop3A_953 : i32 to index
      %parallel_loop3A_957 = arith.constant 240 : index
      %parallel_loop3A_958 = tpu.vector_load %arg7[%parallel_loop3A_954, %parallel_loop3A_955, %parallel_loop3A_956, %parallel_loop3A_957] {strides = array<i32>} : memref<2x64x1x256xf32, #tpu.memory_space<vmem>>, vector<16xf32>,
      tpu.vector_store %arg7[%parallel_loop3A_954, %parallel_loop3A_955, %parallel_loop3A_956, %parallel_loop3A_957], %parallel_loop3A_912 {strides = array<i32>} : memref<2x64x1x256xf32, #tpu.memory_space<vmem>>, vector<16xf32>,
    } {sc.loop_unroll_factor = 2 : i64, sc.parallel_access}
    %add3A_5 = arith.constant 0 : i32
    %add3A_6 = arith.addi %mul3A_2, %add3A_5 : i32
    %jit3A = arith.constant 64 : i32
    %div3A = arith.divsi %add3A_6, %jit3A : i32
    %sign3A = arith.constant 0 : i32
    %sign3A_7 = arith.cmpi sgt, %add3A_6, %sign3A : i32
    %sign3A_8 = arith.extui %sign3A_7 : i1 to i32
    %sign3A_9 = arith.constant 0 : i32
    %sign3A_10 = arith.cmpi slt, %add3A_6, %sign3A_9 : i32
    %sign3A_11 = arith.extui %sign3A_10 : i1 to i32
    %sign3A_12 = arith.subi %sign3A_8, %sign3A_11 : i32
    %sign3A_13 = arith.constant 0 : i32
    %sign3A_14 = arith.cmpi sgt, %jit3A, %sign3A_13 : i32
    %sign3A_15 = arith.extui %sign3A_14 : i1 to i32
    %sign3A_16 = arith.constant 0 : i32
    %sign3A_17 = arith.cmpi slt, %jit3A, %sign3A_16 : i32
    %sign3A_18 = arith.extui %sign3A_17 : i1 to i32
    %sign3A_19 = arith.subi %sign3A_15, %sign3A_18 : i32
    %ne3A = arith.cmpi ne, %sign3A_12, %sign3A_19 : i32
    %rem3A = arith.remsi %add3A_6, %jit3A : i32
    %ne3A_20 = arith.constant 0 : i32
    %ne3A_21 = arith.cmpi ne, %rem3A, %ne3A_20 : i32
    %and3A = arith.andi %ne3A, %ne3A_21 : i1
    %sub3A = arith.constant 1 : i32
    %sub3A_22 = arith.subi %div3A, %sub3A : i32
    %select_n3A = arith.select %and3A, %sub3A_22, %div3A : i32
    %dma_start3A = arith.constant 0 : i32
    %dma_start3A_23 = arith.constant 0 : i32
    %dma_start3A_24 = arith.constant 0 : i32
    %dma_start3A_25 = tpu.memref_slice %arg4[%select_n3A, %dma_start3A, %dma_start3A_23, %dma_start3A_24] : memref<4096x64x1x256xf32, #tpu.memory_space<hbm>> -> memref<2x64x1x256xf32, #tpu.memory_space<hbm>>
    %dma_start3A_26 = arith.constant 0 : i32
    %dma_start3A_27 = arith.constant 0 : i32
    %dma_start3A_28 = arith.constant 0 : i32
    %dma_start3A_29 = tpu.memref_slice %arg4[%select_n3A, %dma_start3A_26, %dma_start3A_27, %dma_start3A_28] : memref<4096x64x1x256xf32, #tpu.memory_space<hbm>> -> memref<2x64x1x256xf32, #tpu.memory_space<hbm>>
    tpu.enqueue_dma source(%arg7 : memref<2x64x1x256xf32, #tpu.memory_space<vmem>>) target(%dma_start3A_29 : memref<2x64x1x256xf32, #tpu.memory_space<hbm>>) target_semaphore(%arg9 : memref<!tpu.dma_semaphore, #tpu.memory_space<semaphore_mem>>)
    %parallel_loop3A_30 = arith.constant 0 : i32
    %parallel_loop3A_31 = arith.constant 128 : i32
    %parallel_loop3A_32 = arith.constant 1 : i32
    scf.for %parallel_loop3A_135 = %parallel_loop3A_30 to %parallel_loop3A_31 step %parallel_loop3A_32  : i32 {
      %parallel_loop3A_136 = arith.constant 128 : i32
      %parallel_loop3A_137 = arith.addi %parallel_loop3A_136, %parallel_loop3A_135 : i32
      %parallel_loop3A_138 = vector.broadcast %parallel_loop3A_137 : i32 to vector<16xi32>
      %parallel_loop3A_139 = tpu.vector_load_idx %arg6[%parallel_loop3A_138] : memref<8192xi32, #tpu.memory_space<vmem>>[vector<16xi32>], vector<16xi32>,
      %parallel_loop3A_140 = arith.constant 8 : i32
      %parallel_loop3A_141 = vector.broadcast %parallel_loop3A_140 : i32 to vector<16xi32>
      %parallel_loop3A_142 = arith.shli %parallel_loop3A_139, %parallel_loop3A_141 : vector<16xi32>
      %parallel_loop3A_143 = arith.constant 0 : i32
      %parallel_loop3A_144 = vector.broadcast %parallel_loop3A_143 : i32 to vector<16xi32>
      %parallel_loop3A_145 = arith.addi %parallel_loop3A_142, %parallel_loop3A_144 : vector<16xi32>
      %parallel_loop3A_146 = arith.addi %parallel_loop3A_145, %iota3A : vector<16xi32>
      %parallel_loop3A_147 = tpu.vector_load_idx %arg5[%parallel_loop3A_146] : memref<768xf32, #tpu.memory_space<vmem>>[vector<16xi32>], vector<16xf32>,
      %parallel_loop3A_148 = arith.constant 64 : i32
      %parallel_loop3A_149 = arith.divsi %parallel_loop3A_135, %parallel_loop3A_148 : i32
      %parallel_loop3A_150 = arith.constant 0 : i32
      %parallel_loop3A_151 = arith.cmpi sgt, %parallel_loop3A_135, %parallel_loop3A_150 : i32
      %parallel_loop3A_152 = arith.extui %parallel_loop3A_151 : i1 to i32
      %parallel_loop3A_153 = arith.constant 0 : i32
      %parallel_loop3A_154 = arith.cmpi slt, %parallel_loop3A_135, %parallel_loop3A_153 : i32
      %parallel_loop3A_155 = arith.extui %parallel_loop3A_154 : i1 to i32
      %parallel_loop3A_156 = arith.subi %parallel_loop3A_152, %parallel_loop3A_155 : i32
      %parallel_loop3A_157 = arith.constant 0 : i32
      %parallel_loop3A_158 = arith.cmpi sgt, %parallel_loop3A_148, %parallel_loop3A_157 : i32
      %parallel_loop3A_159 = arith.extui %parallel_loop3A_158 : i1 to i32
      %parallel_loop3A_160 = arith.constant 0 : i32
      %parallel_loop3A_161 = arith.cmpi slt, %parallel_loop3A_148, %parallel_loop3A_160 : i32
      %parallel_loop3A_162 = arith.extui %parallel_loop3A_161 : i1 to i32
      %parallel_loop3A_163 = arith.subi %parallel_loop3A_159, %parallel_loop3A_162 : i32
      %parallel_loop3A_164 = arith.cmpi ne, %parallel_loop3A_156, %parallel_loop3A_163 : i32
      %parallel_loop3A_165 = arith.remsi %parallel_loop3A_135, %parallel_loop3A_148 : i32
      %parallel_loop3A_166 = arith.constant 0 : i32
      %parallel_loop3A_167 = arith.cmpi ne, %parallel_loop3A_165, %parallel_loop3A_166 : i32
      %parallel_loop3A_168 = arith.andi %parallel_loop3A_164, %parallel_loop3A_167 : i1
      %parallel_loop3A_169 = arith.constant 1 : i32
      %parallel_loop3A_170 = arith.subi %parallel_loop3A_149, %parallel_loop3A_169 : i32
      %parallel_loop3A_171 = arith.select %parallel_loop3A_168, %parallel_loop3A_170, %parallel_loop3A_149 : i32
      %parallel_loop3A_172 = arith.constant 64 : i32
      %parallel_loop3A_173 = arith.constant 0 : i32
      %parallel_loop3A_174 = arith.cmpi eq, %parallel_loop3A_172, %parallel_loop3A_173 : i32
      %parallel_loop3A_175 = arith.constant 1 : i32
      %parallel_loop3A_176 = arith.select %parallel_loop3A_174, %parallel_loop3A_175, %parallel_loop3A_172 : i32
      %parallel_loop3A_177 = arith.remsi %parallel_loop3A_135, %parallel_loop3A_176 : i32
      %parallel_loop3A_178 = arith.constant 0 : i32
      %parallel_loop3A_179 = arith.cmpi ne, %parallel_loop3A_177, %parallel_loop3A_178 : i32
      %parallel_loop3A_180 = arith.constant 0 : i32
      %parallel_loop3A_181 = arith.cmpi slt, %parallel_loop3A_177, %parallel_loop3A_180 : i32
      %parallel_loop3A_182 = arith.constant 0 : i32
      %parallel_loop3A_183 = arith.cmpi slt, %parallel_loop3A_176, %parallel_loop3A_182 : i32
      %parallel_loop3A_184 = arith.xori %parallel_loop3A_181, %parallel_loop3A_183 : i1
      %parallel_loop3A_185 = arith.andi %parallel_loop3A_184, %parallel_loop3A_179 : i1
      %parallel_loop3A_186 = arith.addi %parallel_loop3A_177, %parallel_loop3A_176 : i32
      %parallel_loop3A_187 = arith.select %parallel_loop3A_185, %parallel_loop3A_186, %parallel_loop3A_177 : i32
      %parallel_loop3A_188 = arith.constant 0 : i32
      %parallel_loop3A_189 = arith.index_cast %parallel_loop3A_171 : i32 to index
      %parallel_loop3A_190 = arith.index_cast %parallel_loop3A_187 : i32 to index
      %parallel_loop3A_191 = arith.index_cast %parallel_loop3A_188 : i32 to index
      %parallel_loop3A_192 = arith.constant 0 : index
      %parallel_loop3A_193 = tpu.vector_load %arg8[%parallel_loop3A_189, %parallel_loop3A_190, %parallel_loop3A_191, %parallel_loop3A_192] {strides = array<i32>} : memref<2x64x1x256xf32, #tpu.memory_space<vmem>>, vector<16xf32>,
      tpu.vector_store %arg8[%parallel_loop3A_189, %parallel_loop3A_190, %parallel_loop3A_191, %parallel_loop3A_192], %parallel_loop3A_147 {strides = array<i32>} : memref<2x64x1x256xf32, #tpu.memory_space<vmem>>, vector<16xf32>,
      %parallel_loop3A_194 = arith.constant 16 : i32
      %parallel_loop3A_195 = vector.broadcast %parallel_loop3A_194 : i32 to vector<16xi32>
      %parallel_loop3A_196 = arith.addi %parallel_loop3A_142, %parallel_loop3A_195 : vector<16xi32>
      %parallel_loop3A_197 = arith.addi %parallel_loop3A_196, %iota3A : vector<16xi32>
      %parallel_loop3A_198 = tpu.vector_load_idx %arg5[%parallel_loop3A_197] : memref<768xf32, #tpu.memory_space<vmem>>[vector<16xi32>], vector<16xf32>,
      %parallel_loop3A_199 = arith.constant 64 : i32
      %parallel_loop3A_200 = arith.divsi %parallel_loop3A_135, %parallel_loop3A_199 : i32
      %parallel_loop3A_201 = arith.constant 0 : i32
      %parallel_loop3A_202 = arith.cmpi sgt, %parallel_loop3A_135, %parallel_loop3A_201 : i32
      %parallel_loop3A_203 = arith.extui %parallel_loop3A_202 : i1 to i32
      %parallel_loop3A_204 = arith.constant 0 : i32
      %parallel_loop3A_205 = arith.cmpi slt, %parallel_loop3A_135, %parallel_loop3A_204 : i32
      %parallel_loop3A_206 = arith.extui %parallel_loop3A_205 : i1 to i32
      %parallel_loop3A_207 = arith.subi %parallel_loop3A_203, %parallel_loop3A_206 : i32
      %parallel_loop3A_208 = arith.constant 0 : i32
      %parallel_loop3A_209 = arith.cmpi sgt, %parallel_loop3A_199, %parallel_loop3A_208 : i32
      %parallel_loop3A_210 = arith.extui %parallel_loop3A_209 : i1 to i32
      %parallel_loop3A_211 = arith.constant 0 : i32
      %parallel_loop3A_212 = arith.cmpi slt, %parallel_loop3A_199, %parallel_loop3A_211 : i32
      %parallel_loop3A_213 = arith.extui %parallel_loop3A_212 : i1 to i32
      %parallel_loop3A_214 = arith.subi %parallel_loop3A_210, %parallel_loop3A_213 : i32
      %parallel_loop3A_215 = arith.cmpi ne, %parallel_loop3A_207, %parallel_loop3A_214 : i32
      %parallel_loop3A_216 = arith.remsi %parallel_loop3A_135, %parallel_loop3A_199 : i32
      %parallel_loop3A_217 = arith.constant 0 : i32
      %parallel_loop3A_218 = arith.cmpi ne, %parallel_loop3A_216, %parallel_loop3A_217 : i32
      %parallel_loop3A_219 = arith.andi %parallel_loop3A_215, %parallel_loop3A_218 : i1
      %parallel_loop3A_220 = arith.constant 1 : i32
      %parallel_loop3A_221 = arith.subi %parallel_loop3A_200, %parallel_loop3A_220 : i32
      %parallel_loop3A_222 = arith.select %parallel_loop3A_219, %parallel_loop3A_221, %parallel_loop3A_200 : i32
      %parallel_loop3A_223 = arith.constant 64 : i32
      %parallel_loop3A_224 = arith.constant 0 : i32
      %parallel_loop3A_225 = arith.cmpi eq, %parallel_loop3A_223, %parallel_loop3A_224 : i32
      %parallel_loop3A_226 = arith.constant 1 : i32
      %parallel_loop3A_227 = arith.select %parallel_loop3A_225, %parallel_loop3A_226, %parallel_loop3A_223 : i32
      %parallel_loop3A_228 = arith.remsi %parallel_loop3A_135, %parallel_loop3A_227 : i32
      %parallel_loop3A_229 = arith.constant 0 : i32
      %parallel_loop3A_230 = arith.cmpi ne, %parallel_loop3A_228, %parallel_loop3A_229 : i32
      %parallel_loop3A_231 = arith.constant 0 : i32
      %parallel_loop3A_232 = arith.cmpi slt, %parallel_loop3A_228, %parallel_loop3A_231 : i32
      %parallel_loop3A_233 = arith.constant 0 : i32
      %parallel_loop3A_234 = arith.cmpi slt, %parallel_loop3A_227, %parallel_loop3A_233 : i32
      %parallel_loop3A_235 = arith.xori %parallel_loop3A_232, %parallel_loop3A_234 : i1
      %parallel_loop3A_236 = arith.andi %parallel_loop3A_235, %parallel_loop3A_230 : i1
      %parallel_loop3A_237 = arith.addi %parallel_loop3A_228, %parallel_loop3A_227 : i32
      %parallel_loop3A_238 = arith.select %parallel_loop3A_236, %parallel_loop3A_237, %parallel_loop3A_228 : i32
      %parallel_loop3A_239 = arith.constant 0 : i32
      %parallel_loop3A_240 = arith.index_cast %parallel_loop3A_222 : i32 to index
      %parallel_loop3A_241 = arith.index_cast %parallel_loop3A_238 : i32 to index
      %parallel_loop3A_242 = arith.index_cast %parallel_loop3A_239 : i32 to index
      %parallel_loop3A_243 = arith.constant 16 : index
      %parallel_loop3A_244 = tpu.vector_load %arg8[%parallel_loop3A_240, %parallel_loop3A_241, %parallel_loop3A_242, %parallel_loop3A_243] {strides = array<i32>} : memref<2x64x1x256xf32, #tpu.memory_space<vmem>>, vector<16xf32>,
      tpu.vector_store %arg8[%parallel_loop3A_240, %parallel_loop3A_241, %parallel_loop3A_242, %parallel_loop3A_243], %parallel_loop3A_198 {strides = array<i32>} : memref<2x64x1x256xf32, #tpu.memory_space<vmem>>, vector<16xf32>,
      %parallel_loop3A_245 = arith.constant 32 : i32
      %parallel_loop3A_246 = vector.broadcast %parallel_loop3A_245 : i32 to vector<16xi32>
      %parallel_loop3A_247 = arith.addi %parallel_loop3A_142, %parallel_loop3A_246 : vector<16xi32>
      %parallel_loop3A_248 = arith.addi %parallel_loop3A_247, %iota3A : vector<16xi32>
      %parallel_loop3A_249 = tpu.vector_load_idx %arg5[%parallel_loop3A_248] : memref<768xf32, #tpu.memory_space<vmem>>[vector<16xi32>], vector<16xf32>,
      %parallel_loop3A_250 = arith.constant 64 : i32
      %parallel_loop3A_251 = arith.divsi %parallel_loop3A_135, %parallel_loop3A_250 : i32
      %parallel_loop3A_252 = arith.constant 0 : i32
      %parallel_loop3A_253 = arith.cmpi sgt, %parallel_loop3A_135, %parallel_loop3A_252 : i32
      %parallel_loop3A_254 = arith.extui %parallel_loop3A_253 : i1 to i32
      %parallel_loop3A_255 = arith.constant 0 : i32
      %parallel_loop3A_256 = arith.cmpi slt, %parallel_loop3A_135, %parallel_loop3A_255 : i32
      %parallel_loop3A_257 = arith.extui %parallel_loop3A_256 : i1 to i32
      %parallel_loop3A_258 = arith.subi %parallel_loop3A_254, %parallel_loop3A_257 : i32
      %parallel_loop3A_259 = arith.constant 0 : i32
      %parallel_loop3A_260 = arith.cmpi sgt, %parallel_loop3A_250, %parallel_loop3A_259 : i32
      %parallel_loop3A_261 = arith.extui %parallel_loop3A_260 : i1 to i32
      %parallel_loop3A_262 = arith.constant 0 : i32
      %parallel_loop3A_263 = arith.cmpi slt, %parallel_loop3A_250, %parallel_loop3A_262 : i32
      %parallel_loop3A_264 = arith.extui %parallel_loop3A_263 : i1 to i32
      %parallel_loop3A_265 = arith.subi %parallel_loop3A_261, %parallel_loop3A_264 : i32
      %parallel_loop3A_266 = arith.cmpi ne, %parallel_loop3A_258, %parallel_loop3A_265 : i32
      %parallel_loop3A_267 = arith.remsi %parallel_loop3A_135, %parallel_loop3A_250 : i32
      %parallel_loop3A_268 = arith.constant 0 : i32
      %parallel_loop3A_269 = arith.cmpi ne, %parallel_loop3A_267, %parallel_loop3A_268 : i32
      %parallel_loop3A_270 = arith.andi %parallel_loop3A_266, %parallel_loop3A_269 : i1
      %parallel_loop3A_271 = arith.constant 1 : i32
      %parallel_loop3A_272 = arith.subi %parallel_loop3A_251, %parallel_loop3A_271 : i32
      %parallel_loop3A_273 = arith.select %parallel_loop3A_270, %parallel_loop3A_272, %parallel_loop3A_251 : i32
      %parallel_loop3A_274 = arith.constant 64 : i32
      %parallel_loop3A_275 = arith.constant 0 : i32
      %parallel_loop3A_276 = arith.cmpi eq, %parallel_loop3A_274, %parallel_loop3A_275 : i32
      %parallel_loop3A_277 = arith.constant 1 : i32
      %parallel_loop3A_278 = arith.select %parallel_loop3A_276, %parallel_loop3A_277, %parallel_loop3A_274 : i32
      %parallel_loop3A_279 = arith.remsi %parallel_loop3A_135, %parallel_loop3A_278 : i32
      %parallel_loop3A_280 = arith.constant 0 : i32
      %parallel_loop3A_281 = arith.cmpi ne, %parallel_loop3A_279, %parallel_loop3A_280 : i32
      %parallel_loop3A_282 = arith.constant 0 : i32
      %parallel_loop3A_283 = arith.cmpi slt, %parallel_loop3A_279, %parallel_loop3A_282 : i32
      %parallel_loop3A_284 = arith.constant 0 : i32
      %parallel_loop3A_285 = arith.cmpi slt, %parallel_loop3A_278, %parallel_loop3A_284 : i32
      %parallel_loop3A_286 = arith.xori %parallel_loop3A_283, %parallel_loop3A_285 : i1
      %parallel_loop3A_287 = arith.andi %parallel_loop3A_286, %parallel_loop3A_281 : i1
      %parallel_loop3A_288 = arith.addi %parallel_loop3A_279, %parallel_loop3A_278 : i32
      %parallel_loop3A_289 = arith.select %parallel_loop3A_287, %parallel_loop3A_288, %parallel_loop3A_279 : i32
      %parallel_loop3A_290 = arith.constant 0 : i32
      %parallel_loop3A_291 = arith.index_cast %parallel_loop3A_273 : i32 to index
      %parallel_loop3A_292 = arith.index_cast %parallel_loop3A_289 : i32 to index
      %parallel_loop3A_293 = arith.index_cast %parallel_loop3A_290 : i32 to index
      %parallel_loop3A_294 = arith.constant 32 : index
      %parallel_loop3A_295 = tpu.vector_load %arg8[%parallel_loop3A_291, %parallel_loop3A_292, %parallel_loop3A_293, %parallel_loop3A_294] {strides = array<i32>} : memref<2x64x1x256xf32, #tpu.memory_space<vmem>>, vector<16xf32>,
      tpu.vector_store %arg8[%parallel_loop3A_291, %parallel_loop3A_292, %parallel_loop3A_293, %parallel_loop3A_294], %parallel_loop3A_249 {strides = array<i32>} : memref<2x64x1x256xf32, #tpu.memory_space<vmem>>, vector<16xf32>,
      %parallel_loop3A_296 = arith.constant 48 : i32
      %parallel_loop3A_297 = vector.broadcast %parallel_loop3A_296 : i32 to vector<16xi32>
      %parallel_loop3A_298 = arith.addi %parallel_loop3A_142, %parallel_loop3A_297 : vector<16xi32>
      %parallel_loop3A_299 = arith.addi %parallel_loop3A_298, %iota3A : vector<16xi32>
      %parallel_loop3A_300 = tpu.vector_load_idx %arg5[%parallel_loop3A_299] : memref<768xf32, #tpu.memory_space<vmem>>[vector<16xi32>], vector<16xf32>,
      %parallel_loop3A_301 = arith.constant 64 : i32
      %parallel_loop3A_302 = arith.divsi %parallel_loop3A_135, %parallel_loop3A_301 : i32
      %parallel_loop3A_303 = arith.constant 0 : i32
      %parallel_loop3A_304 = arith.cmpi sgt, %parallel_loop3A_135, %parallel_loop3A_303 : i32
      %parallel_loop3A_305 = arith.extui %parallel_loop3A_304 : i1 to i32
      %parallel_loop3A_306 = arith.constant 0 : i32
      %parallel_loop3A_307 = arith.cmpi slt, %parallel_loop3A_135, %parallel_loop3A_306 : i32
      %parallel_loop3A_308 = arith.extui %parallel_loop3A_307 : i1 to i32
      %parallel_loop3A_309 = arith.subi %parallel_loop3A_305, %parallel_loop3A_308 : i32
      %parallel_loop3A_310 = arith.constant 0 : i32
      %parallel_loop3A_311 = arith.cmpi sgt, %parallel_loop3A_301, %parallel_loop3A_310 : i32
      %parallel_loop3A_312 = arith.extui %parallel_loop3A_311 : i1 to i32
      %parallel_loop3A_313 = arith.constant 0 : i32
      %parallel_loop3A_314 = arith.cmpi slt, %parallel_loop3A_301, %parallel_loop3A_313 : i32
      %parallel_loop3A_315 = arith.extui %parallel_loop3A_314 : i1 to i32
      %parallel_loop3A_316 = arith.subi %parallel_loop3A_312, %parallel_loop3A_315 : i32
      %parallel_loop3A_317 = arith.cmpi ne, %parallel_loop3A_309, %parallel_loop3A_316 : i32
      %parallel_loop3A_318 = arith.remsi %parallel_loop3A_135, %parallel_loop3A_301 : i32
      %parallel_loop3A_319 = arith.constant 0 : i32
      %parallel_loop3A_320 = arith.cmpi ne, %parallel_loop3A_318, %parallel_loop3A_319 : i32
      %parallel_loop3A_321 = arith.andi %parallel_loop3A_317, %parallel_loop3A_320 : i1
      %parallel_loop3A_322 = arith.constant 1 : i32
      %parallel_loop3A_323 = arith.subi %parallel_loop3A_302, %parallel_loop3A_322 : i32
      %parallel_loop3A_324 = arith.select %parallel_loop3A_321, %parallel_loop3A_323, %parallel_loop3A_302 : i32
      %parallel_loop3A_325 = arith.constant 64 : i32
      %parallel_loop3A_326 = arith.constant 0 : i32
      %parallel_loop3A_327 = arith.cmpi eq, %parallel_loop3A_325, %parallel_loop3A_326 : i32
      %parallel_loop3A_328 = arith.constant 1 : i32
      %parallel_loop3A_329 = arith.select %parallel_loop3A_327, %parallel_loop3A_328, %parallel_loop3A_325 : i32
      %parallel_loop3A_330 = arith.remsi %parallel_loop3A_135, %parallel_loop3A_329 : i32
      %parallel_loop3A_331 = arith.constant 0 : i32
      %parallel_loop3A_332 = arith.cmpi ne, %parallel_loop3A_330, %parallel_loop3A_331 : i32
      %parallel_loop3A_333 = arith.constant 0 : i32
      %parallel_loop3A_334 = arith.cmpi slt, %parallel_loop3A_330, %parallel_loop3A_333 : i32
      %parallel_loop3A_335 = arith.constant 0 : i32
      %parallel_loop3A_336 = arith.cmpi slt, %parallel_loop3A_329, %parallel_loop3A_335 : i32
      %parallel_loop3A_337 = arith.xori %parallel_loop3A_334, %parallel_loop3A_336 : i1
      %parallel_loop3A_338 = arith.andi %parallel_loop3A_337, %parallel_loop3A_332 : i1
      %parallel_loop3A_339 = arith.addi %parallel_loop3A_330, %parallel_loop3A_329 : i32
      %parallel_loop3A_340 = arith.select %parallel_loop3A_338, %parallel_loop3A_339, %parallel_loop3A_330 : i32
      %parallel_loop3A_341 = arith.constant 0 : i32
      %parallel_loop3A_342 = arith.index_cast %parallel_loop3A_324 : i32 to index
      %parallel_loop3A_343 = arith.index_cast %parallel_loop3A_340 : i32 to index
      %parallel_loop3A_344 = arith.index_cast %parallel_loop3A_341 : i32 to index
      %parallel_loop3A_345 = arith.constant 48 : index
      %parallel_loop3A_346 = tpu.vector_load %arg8[%parallel_loop3A_342, %parallel_loop3A_343, %parallel_loop3A_344, %parallel_loop3A_345] {strides = array<i32>} : memref<2x64x1x256xf32, #tpu.memory_space<vmem>>, vector<16xf32>,
      tpu.vector_store %arg8[%parallel_loop3A_342, %parallel_loop3A_343, %parallel_loop3A_344, %parallel_loop3A_345], %parallel_loop3A_300 {strides = array<i32>} : memref<2x64x1x256xf32, #tpu.memory_space<vmem>>, vector<16xf32>,
      %parallel_loop3A_347 = arith.constant 64 : i32
      %parallel_loop3A_348 = vector.broadcast %parallel_loop3A_347 : i32 to vector<16xi32>
      %parallel_loop3A_349 = arith.addi %parallel_loop3A_142, %parallel_loop3A_348 : vector<16xi32>
      %parallel_loop3A_350 = arith.addi %parallel_loop3A_349, %iota3A : vector<16xi32>
      %parallel_loop3A_351 = tpu.vector_load_idx %arg5[%parallel_loop3A_350] : memref<768xf32, #tpu.memory_space<vmem>>[vector<16xi32>], vector<16xf32>,
      %parallel_loop3A_352 = arith.constant 64 : i32
      %parallel_loop3A_353 = arith.divsi %parallel_loop3A_135, %parallel_loop3A_352 : i32
      %parallel_loop3A_354 = arith.constant 0 : i32
      %parallel_loop3A_355 = arith.cmpi sgt, %parallel_loop3A_135, %parallel_loop3A_354 : i32
      %parallel_loop3A_356 = arith.extui %parallel_loop3A_355 : i1 to i32
      %parallel_loop3A_357 = arith.constant 0 : i32
      %parallel_loop3A_358 = arith.cmpi slt, %parallel_loop3A_135, %parallel_loop3A_357 : i32
      %parallel_loop3A_359 = arith.extui %parallel_loop3A_358 : i1 to i32
      %parallel_loop3A_360 = arith.subi %parallel_loop3A_356, %parallel_loop3A_359 : i32
      %parallel_loop3A_361 = arith.constant 0 : i32
      %parallel_loop3A_362 = arith.cmpi sgt, %parallel_loop3A_352, %parallel_loop3A_361 : i32
      %parallel_loop3A_363 = arith.extui %parallel_loop3A_362 : i1 to i32
      %parallel_loop3A_364 = arith.constant 0 : i32
      %parallel_loop3A_365 = arith.cmpi slt, %parallel_loop3A_352, %parallel_loop3A_364 : i32
      %parallel_loop3A_366 = arith.extui %parallel_loop3A_365 : i1 to i32
      %parallel_loop3A_367 = arith.subi %parallel_loop3A_363, %parallel_loop3A_366 : i32
      %parallel_loop3A_368 = arith.cmpi ne, %parallel_loop3A_360, %parallel_loop3A_367 : i32
      %parallel_loop3A_369 = arith.remsi %parallel_loop3A_135, %parallel_loop3A_352 : i32
      %parallel_loop3A_370 = arith.constant 0 : i32
      %parallel_loop3A_371 = arith.cmpi ne, %parallel_loop3A_369, %parallel_loop3A_370 : i32
      %parallel_loop3A_372 = arith.andi %parallel_loop3A_368, %parallel_loop3A_371 : i1
      %parallel_loop3A_373 = arith.constant 1 : i32
      %parallel_loop3A_374 = arith.subi %parallel_loop3A_353, %parallel_loop3A_373 : i32
      %parallel_loop3A_375 = arith.select %parallel_loop3A_372, %parallel_loop3A_374, %parallel_loop3A_353 : i32
      %parallel_loop3A_376 = arith.constant 64 : i32
      %parallel_loop3A_377 = arith.constant 0 : i32
      %parallel_loop3A_378 = arith.cmpi eq, %parallel_loop3A_376, %parallel_loop3A_377 : i32
      %parallel_loop3A_379 = arith.constant 1 : i32
      %parallel_loop3A_380 = arith.select %parallel_loop3A_378, %parallel_loop3A_379, %parallel_loop3A_376 : i32
      %parallel_loop3A_381 = arith.remsi %parallel_loop3A_135, %parallel_loop3A_380 : i32
      %parallel_loop3A_382 = arith.constant 0 : i32
      %parallel_loop3A_383 = arith.cmpi ne, %parallel_loop3A_381, %parallel_loop3A_382 : i32
      %parallel_loop3A_384 = arith.constant 0 : i32
      %parallel_loop3A_385 = arith.cmpi slt, %parallel_loop3A_381, %parallel_loop3A_384 : i32
      %parallel_loop3A_386 = arith.constant 0 : i32
      %parallel_loop3A_387 = arith.cmpi slt, %parallel_loop3A_380, %parallel_loop3A_386 : i32
      %parallel_loop3A_388 = arith.xori %parallel_loop3A_385, %parallel_loop3A_387 : i1
      %parallel_loop3A_389 = arith.andi %parallel_loop3A_388, %parallel_loop3A_383 : i1
      %parallel_loop3A_390 = arith.addi %parallel_loop3A_381, %parallel_loop3A_380 : i32
      %parallel_loop3A_391 = arith.select %parallel_loop3A_389, %parallel_loop3A_390, %parallel_loop3A_381 : i32
      %parallel_loop3A_392 = arith.constant 0 : i32
      %parallel_loop3A_393 = arith.index_cast %parallel_loop3A_375 : i32 to index
      %parallel_loop3A_394 = arith.index_cast %parallel_loop3A_391 : i32 to index
      %parallel_loop3A_395 = arith.index_cast %parallel_loop3A_392 : i32 to index
      %parallel_loop3A_396 = arith.constant 64 : index
      %parallel_loop3A_397 = tpu.vector_load %arg8[%parallel_loop3A_393, %parallel_loop3A_394, %parallel_loop3A_395, %parallel_loop3A_396] {strides = array<i32>} : memref<2x64x1x256xf32, #tpu.memory_space<vmem>>, vector<16xf32>,
      tpu.vector_store %arg8[%parallel_loop3A_393, %parallel_loop3A_394, %parallel_loop3A_395, %parallel_loop3A_396], %parallel_loop3A_351 {strides = array<i32>} : memref<2x64x1x256xf32, #tpu.memory_space<vmem>>, vector<16xf32>,
      %parallel_loop3A_398 = arith.constant 80 : i32
      %parallel_loop3A_399 = vector.broadcast %parallel_loop3A_398 : i32 to vector<16xi32>
      %parallel_loop3A_400 = arith.addi %parallel_loop3A_142, %parallel_loop3A_399 : vector<16xi32>
      %parallel_loop3A_401 = arith.addi %parallel_loop3A_400, %iota3A : vector<16xi32>
      %parallel_loop3A_402 = tpu.vector_load_idx %arg5[%parallel_loop3A_401] : memref<768xf32, #tpu.memory_space<vmem>>[vector<16xi32>], vector<16xf32>,
      %parallel_loop3A_403 = arith.constant 64 : i32
      %parallel_loop3A_404 = arith.divsi %parallel_loop3A_135, %parallel_loop3A_403 : i32
      %parallel_loop3A_405 = arith.constant 0 : i32
      %parallel_loop3A_406 = arith.cmpi sgt, %parallel_loop3A_135, %parallel_loop3A_405 : i32
      %parallel_loop3A_407 = arith.extui %parallel_loop3A_406 : i1 to i32
      %parallel_loop3A_408 = arith.constant 0 : i32
      %parallel_loop3A_409 = arith.cmpi slt, %parallel_loop3A_135, %parallel_loop3A_408 : i32
      %parallel_loop3A_410 = arith.extui %parallel_loop3A_409 : i1 to i32
      %parallel_loop3A_411 = arith.subi %parallel_loop3A_407, %parallel_loop3A_410 : i32
      %parallel_loop3A_412 = arith.constant 0 : i32
      %parallel_loop3A_413 = arith.cmpi sgt, %parallel_loop3A_403, %parallel_loop3A_412 : i32
      %parallel_loop3A_414 = arith.extui %parallel_loop3A_413 : i1 to i32
      %parallel_loop3A_415 = arith.constant 0 : i32
      %parallel_loop3A_416 = arith.cmpi slt, %parallel_loop3A_403, %parallel_loop3A_415 : i32
      %parallel_loop3A_417 = arith.extui %parallel_loop3A_416 : i1 to i32
      %parallel_loop3A_418 = arith.subi %parallel_loop3A_414, %parallel_loop3A_417 : i32
      %parallel_loop3A_419 = arith.cmpi ne, %parallel_loop3A_411, %parallel_loop3A_418 : i32
      %parallel_loop3A_420 = arith.remsi %parallel_loop3A_135, %parallel_loop3A_403 : i32
      %parallel_loop3A_421 = arith.constant 0 : i32
      %parallel_loop3A_422 = arith.cmpi ne, %parallel_loop3A_420, %parallel_loop3A_421 : i32
      %parallel_loop3A_423 = arith.andi %parallel_loop3A_419, %parallel_loop3A_422 : i1
      %parallel_loop3A_424 = arith.constant 1 : i32
      %parallel_loop3A_425 = arith.subi %parallel_loop3A_404, %parallel_loop3A_424 : i32
      %parallel_loop3A_426 = arith.select %parallel_loop3A_423, %parallel_loop3A_425, %parallel_loop3A_404 : i32
      %parallel_loop3A_427 = arith.constant 64 : i32
      %parallel_loop3A_428 = arith.constant 0 : i32
      %parallel_loop3A_429 = arith.cmpi eq, %parallel_loop3A_427, %parallel_loop3A_428 : i32
      %parallel_loop3A_430 = arith.constant 1 : i32
      %parallel_loop3A_431 = arith.select %parallel_loop3A_429, %parallel_loop3A_430, %parallel_loop3A_427 : i32
      %parallel_loop3A_432 = arith.remsi %parallel_loop3A_135, %parallel_loop3A_431 : i32
      %parallel_loop3A_433 = arith.constant 0 : i32
      %parallel_loop3A_434 = arith.cmpi ne, %parallel_loop3A_432, %parallel_loop3A_433 : i32
      %parallel_loop3A_435 = arith.constant 0 : i32
      %parallel_loop3A_436 = arith.cmpi slt, %parallel_loop3A_432, %parallel_loop3A_435 : i32
      %parallel_loop3A_437 = arith.constant 0 : i32
      %parallel_loop3A_438 = arith.cmpi slt, %parallel_loop3A_431, %parallel_loop3A_437 : i32
      %parallel_loop3A_439 = arith.xori %parallel_loop3A_436, %parallel_loop3A_438 : i1
      %parallel_loop3A_440 = arith.andi %parallel_loop3A_439, %parallel_loop3A_434 : i1
      %parallel_loop3A_441 = arith.addi %parallel_loop3A_432, %parallel_loop3A_431 : i32
      %parallel_loop3A_442 = arith.select %parallel_loop3A_440, %parallel_loop3A_441, %parallel_loop3A_432 : i32
      %parallel_loop3A_443 = arith.constant 0 : i32
      %parallel_loop3A_444 = arith.index_cast %parallel_loop3A_426 : i32 to index
      %parallel_loop3A_445 = arith.index_cast %parallel_loop3A_442 : i32 to index
      %parallel_loop3A_446 = arith.index_cast %parallel_loop3A_443 : i32 to index
      %parallel_loop3A_447 = arith.constant 80 : index
      %parallel_loop3A_448 = tpu.vector_load %arg8[%parallel_loop3A_444, %parallel_loop3A_445, %parallel_loop3A_446, %parallel_loop3A_447] {strides = array<i32>} : memref<2x64x1x256xf32, #tpu.memory_space<vmem>>, vector<16xf32>,
      tpu.vector_store %arg8[%parallel_loop3A_444, %parallel_loop3A_445, %parallel_loop3A_446, %parallel_loop3A_447], %parallel_loop3A_402 {strides = array<i32>} : memref<2x64x1x256xf32, #tpu.memory_space<vmem>>, vector<16xf32>,
      %parallel_loop3A_449 = arith.constant 96 : i32
      %parallel_loop3A_450 = vector.broadcast %parallel_loop3A_449 : i32 to vector<16xi32>
      %parallel_loop3A_451 = arith.addi %parallel_loop3A_142, %parallel_loop3A_450 : vector<16xi32>
      %parallel_loop3A_452 = arith.addi %parallel_loop3A_451, %iota3A : vector<16xi32>
      %parallel_loop3A_453 = tpu.vector_load_idx %arg5[%parallel_loop3A_452] : memref<768xf32, #tpu.memory_space<vmem>>[vector<16xi32>], vector<16xf32>,
      %parallel_loop3A_454 = arith.constant 64 : i32
      %parallel_loop3A_455 = arith.divsi %parallel_loop3A_135, %parallel_loop3A_454 : i32
      %parallel_loop3A_456 = arith.constant 0 : i32
      %parallel_loop3A_457 = arith.cmpi sgt, %parallel_loop3A_135, %parallel_loop3A_456 : i32
      %parallel_loop3A_458 = arith.extui %parallel_loop3A_457 : i1 to i32
      %parallel_loop3A_459 = arith.constant 0 : i32
      %parallel_loop3A_460 = arith.cmpi slt, %parallel_loop3A_135, %parallel_loop3A_459 : i32
      %parallel_loop3A_461 = arith.extui %parallel_loop3A_460 : i1 to i32
      %parallel_loop3A_462 = arith.subi %parallel_loop3A_458, %parallel_loop3A_461 : i32
      %parallel_loop3A_463 = arith.constant 0 : i32
      %parallel_loop3A_464 = arith.cmpi sgt, %parallel_loop3A_454, %parallel_loop3A_463 : i32
      %parallel_loop3A_465 = arith.extui %parallel_loop3A_464 : i1 to i32
      %parallel_loop3A_466 = arith.constant 0 : i32
      %parallel_loop3A_467 = arith.cmpi slt, %parallel_loop3A_454, %parallel_loop3A_466 : i32
      %parallel_loop3A_468 = arith.extui %parallel_loop3A_467 : i1 to i32
      %parallel_loop3A_469 = arith.subi %parallel_loop3A_465, %parallel_loop3A_468 : i32
      %parallel_loop3A_470 = arith.cmpi ne, %parallel_loop3A_462, %parallel_loop3A_469 : i32
      %parallel_loop3A_471 = arith.remsi %parallel_loop3A_135, %parallel_loop3A_454 : i32
      %parallel_loop3A_472 = arith.constant 0 : i32
      %parallel_loop3A_473 = arith.cmpi ne, %parallel_loop3A_471, %parallel_loop3A_472 : i32
      %parallel_loop3A_474 = arith.andi %parallel_loop3A_470, %parallel_loop3A_473 : i1
      %parallel_loop3A_475 = arith.constant 1 : i32
      %parallel_loop3A_476 = arith.subi %parallel_loop3A_455, %parallel_loop3A_475 : i32
      %parallel_loop3A_477 = arith.select %parallel_loop3A_474, %parallel_loop3A_476, %parallel_loop3A_455 : i32
      %parallel_loop3A_478 = arith.constant 64 : i32
      %parallel_loop3A_479 = arith.constant 0 : i32
      %parallel_loop3A_480 = arith.cmpi eq, %parallel_loop3A_478, %parallel_loop3A_479 : i32
      %parallel_loop3A_481 = arith.constant 1 : i32
      %parallel_loop3A_482 = arith.select %parallel_loop3A_480, %parallel_loop3A_481, %parallel_loop3A_478 : i32
      %parallel_loop3A_483 = arith.remsi %parallel_loop3A_135, %parallel_loop3A_482 : i32
      %parallel_loop3A_484 = arith.constant 0 : i32
      %parallel_loop3A_485 = arith.cmpi ne, %parallel_loop3A_483, %parallel_loop3A_484 : i32
      %parallel_loop3A_486 = arith.constant 0 : i32
      %parallel_loop3A_487 = arith.cmpi slt, %parallel_loop3A_483, %parallel_loop3A_486 : i32
      %parallel_loop3A_488 = arith.constant 0 : i32
      %parallel_loop3A_489 = arith.cmpi slt, %parallel_loop3A_482, %parallel_loop3A_488 : i32
      %parallel_loop3A_490 = arith.xori %parallel_loop3A_487, %parallel_loop3A_489 : i1
      %parallel_loop3A_491 = arith.andi %parallel_loop3A_490, %parallel_loop3A_485 : i1
      %parallel_loop3A_492 = arith.addi %parallel_loop3A_483, %parallel_loop3A_482 : i32
      %parallel_loop3A_493 = arith.select %parallel_loop3A_491, %parallel_loop3A_492, %parallel_loop3A_483 : i32
      %parallel_loop3A_494 = arith.constant 0 : i32
      %parallel_loop3A_495 = arith.index_cast %parallel_loop3A_477 : i32 to index
      %parallel_loop3A_496 = arith.index_cast %parallel_loop3A_493 : i32 to index
      %parallel_loop3A_497 = arith.index_cast %parallel_loop3A_494 : i32 to index
      %parallel_loop3A_498 = arith.constant 96 : index
      %parallel_loop3A_499 = tpu.vector_load %arg8[%parallel_loop3A_495, %parallel_loop3A_496, %parallel_loop3A_497, %parallel_loop3A_498] {strides = array<i32>} : memref<2x64x1x256xf32, #tpu.memory_space<vmem>>, vector<16xf32>,
      tpu.vector_store %arg8[%parallel_loop3A_495, %parallel_loop3A_496, %parallel_loop3A_497, %parallel_loop3A_498], %parallel_loop3A_453 {strides = array<i32>} : memref<2x64x1x256xf32, #tpu.memory_space<vmem>>, vector<16xf32>,
      %parallel_loop3A_500 = arith.constant 112 : i32
      %parallel_loop3A_501 = vector.broadcast %parallel_loop3A_500 : i32 to vector<16xi32>
      %parallel_loop3A_502 = arith.addi %parallel_loop3A_142, %parallel_loop3A_501 : vector<16xi32>
      %parallel_loop3A_503 = arith.addi %parallel_loop3A_502, %iota3A : vector<16xi32>
      %parallel_loop3A_504 = tpu.vector_load_idx %arg5[%parallel_loop3A_503] : memref<768xf32, #tpu.memory_space<vmem>>[vector<16xi32>], vector<16xf32>,
      %parallel_loop3A_505 = arith.constant 64 : i32
      %parallel_loop3A_506 = arith.divsi %parallel_loop3A_135, %parallel_loop3A_505 : i32
      %parallel_loop3A_507 = arith.constant 0 : i32
      %parallel_loop3A_508 = arith.cmpi sgt, %parallel_loop3A_135, %parallel_loop3A_507 : i32
      %parallel_loop3A_509 = arith.extui %parallel_loop3A_508 : i1 to i32
      %parallel_loop3A_510 = arith.constant 0 : i32
      %parallel_loop3A_511 = arith.cmpi slt, %parallel_loop3A_135, %parallel_loop3A_510 : i32
      %parallel_loop3A_512 = arith.extui %parallel_loop3A_511 : i1 to i32
      %parallel_loop3A_513 = arith.subi %parallel_loop3A_509, %parallel_loop3A_512 : i32
      %parallel_loop3A_514 = arith.constant 0 : i32
      %parallel_loop3A_515 = arith.cmpi sgt, %parallel_loop3A_505, %parallel_loop3A_514 : i32
      %parallel_loop3A_516 = arith.extui %parallel_loop3A_515 : i1 to i32
      %parallel_loop3A_517 = arith.constant 0 : i32
      %parallel_loop3A_518 = arith.cmpi slt, %parallel_loop3A_505, %parallel_loop3A_517 : i32
      %parallel_loop3A_519 = arith.extui %parallel_loop3A_518 : i1 to i32
      %parallel_loop3A_520 = arith.subi %parallel_loop3A_516, %parallel_loop3A_519 : i32
      %parallel_loop3A_521 = arith.cmpi ne, %parallel_loop3A_513, %parallel_loop3A_520 : i32
      %parallel_loop3A_522 = arith.remsi %parallel_loop3A_135, %parallel_loop3A_505 : i32
      %parallel_loop3A_523 = arith.constant 0 : i32
      %parallel_loop3A_524 = arith.cmpi ne, %parallel_loop3A_522, %parallel_loop3A_523 : i32
      %parallel_loop3A_525 = arith.andi %parallel_loop3A_521, %parallel_loop3A_524 : i1
      %parallel_loop3A_526 = arith.constant 1 : i32
      %parallel_loop3A_527 = arith.subi %parallel_loop3A_506, %parallel_loop3A_526 : i32
      %parallel_loop3A_528 = arith.select %parallel_loop3A_525, %parallel_loop3A_527, %parallel_loop3A_506 : i32
      %parallel_loop3A_529 = arith.constant 64 : i32
      %parallel_loop3A_530 = arith.constant 0 : i32
      %parallel_loop3A_531 = arith.cmpi eq, %parallel_loop3A_529, %parallel_loop3A_530 : i32
      %parallel_loop3A_532 = arith.constant 1 : i32
      %parallel_loop3A_533 = arith.select %parallel_loop3A_531, %parallel_loop3A_532, %parallel_loop3A_529 : i32
      %parallel_loop3A_534 = arith.remsi %parallel_loop3A_135, %parallel_loop3A_533 : i32
      %parallel_loop3A_535 = arith.constant 0 : i32
      %parallel_loop3A_536 = arith.cmpi ne, %parallel_loop3A_534, %parallel_loop3A_535 : i32
      %parallel_loop3A_537 = arith.constant 0 : i32
      %parallel_loop3A_538 = arith.cmpi slt, %parallel_loop3A_534, %parallel_loop3A_537 : i32
      %parallel_loop3A_539 = arith.constant 0 : i32
      %parallel_loop3A_540 = arith.cmpi slt, %parallel_loop3A_533, %parallel_loop3A_539 : i32
      %parallel_loop3A_541 = arith.xori %parallel_loop3A_538, %parallel_loop3A_540 : i1
      %parallel_loop3A_542 = arith.andi %parallel_loop3A_541, %parallel_loop3A_536 : i1
      %parallel_loop3A_543 = arith.addi %parallel_loop3A_534, %parallel_loop3A_533 : i32
      %parallel_loop3A_544 = arith.select %parallel_loop3A_542, %parallel_loop3A_543, %parallel_loop3A_534 : i32
      %parallel_loop3A_545 = arith.constant 0 : i32
      %parallel_loop3A_546 = arith.index_cast %parallel_loop3A_528 : i32 to index
      %parallel_loop3A_547 = arith.index_cast %parallel_loop3A_544 : i32 to index
      %parallel_loop3A_548 = arith.index_cast %parallel_loop3A_545 : i32 to index
      %parallel_loop3A_549 = arith.constant 112 : index
      %parallel_loop3A_550 = tpu.vector_load %arg8[%parallel_loop3A_546, %parallel_loop3A_547, %parallel_loop3A_548, %parallel_loop3A_549] {strides = array<i32>} : memref<2x64x1x256xf32, #tpu.memory_space<vmem>>, vector<16xf32>,
      tpu.vector_store %arg8[%parallel_loop3A_546, %parallel_loop3A_547, %parallel_loop3A_548, %parallel_loop3A_549], %parallel_loop3A_504 {strides = array<i32>} : memref<2x64x1x256xf32, #tpu.memory_space<vmem>>, vector<16xf32>,
      %parallel_loop3A_551 = arith.constant 128 : i32
      %parallel_loop3A_552 = vector.broadcast %parallel_loop3A_551 : i32 to vector<16xi32>
      %parallel_loop3A_553 = arith.addi %parallel_loop3A_142, %parallel_loop3A_552 : vector<16xi32>
      %parallel_loop3A_554 = arith.addi %parallel_loop3A_553, %iota3A : vector<16xi32>
      %parallel_loop3A_555 = tpu.vector_load_idx %arg5[%parallel_loop3A_554] : memref<768xf32, #tpu.memory_space<vmem>>[vector<16xi32>], vector<16xf32>,
      %parallel_loop3A_556 = arith.constant 64 : i32
      %parallel_loop3A_557 = arith.divsi %parallel_loop3A_135, %parallel_loop3A_556 : i32
      %parallel_loop3A_558 = arith.constant 0 : i32
      %parallel_loop3A_559 = arith.cmpi sgt, %parallel_loop3A_135, %parallel_loop3A_558 : i32
      %parallel_loop3A_560 = arith.extui %parallel_loop3A_559 : i1 to i32
      %parallel_loop3A_561 = arith.constant 0 : i32
      %parallel_loop3A_562 = arith.cmpi slt, %parallel_loop3A_135, %parallel_loop3A_561 : i32
      %parallel_loop3A_563 = arith.extui %parallel_loop3A_562 : i1 to i32
      %parallel_loop3A_564 = arith.subi %parallel_loop3A_560, %parallel_loop3A_563 : i32
      %parallel_loop3A_565 = arith.constant 0 : i32
      %parallel_loop3A_566 = arith.cmpi sgt, %parallel_loop3A_556, %parallel_loop3A_565 : i32
      %parallel_loop3A_567 = arith.extui %parallel_loop3A_566 : i1 to i32
      %parallel_loop3A_568 = arith.constant 0 : i32
      %parallel_loop3A_569 = arith.cmpi slt, %parallel_loop3A_556, %parallel_loop3A_568 : i32
      %parallel_loop3A_570 = arith.extui %parallel_loop3A_569 : i1 to i32
      %parallel_loop3A_571 = arith.subi %parallel_loop3A_567, %parallel_loop3A_570 : i32
      %parallel_loop3A_572 = arith.cmpi ne, %parallel_loop3A_564, %parallel_loop3A_571 : i32
      %parallel_loop3A_573 = arith.remsi %parallel_loop3A_135, %parallel_loop3A_556 : i32
      %parallel_loop3A_574 = arith.constant 0 : i32
      %parallel_loop3A_575 = arith.cmpi ne, %parallel_loop3A_573, %parallel_loop3A_574 : i32
      %parallel_loop3A_576 = arith.andi %parallel_loop3A_572, %parallel_loop3A_575 : i1
      %parallel_loop3A_577 = arith.constant 1 : i32
      %parallel_loop3A_578 = arith.subi %parallel_loop3A_557, %parallel_loop3A_577 : i32
      %parallel_loop3A_579 = arith.select %parallel_loop3A_576, %parallel_loop3A_578, %parallel_loop3A_557 : i32
      %parallel_loop3A_580 = arith.constant 64 : i32
      %parallel_loop3A_581 = arith.constant 0 : i32
      %parallel_loop3A_582 = arith.cmpi eq, %parallel_loop3A_580, %parallel_loop3A_581 : i32
      %parallel_loop3A_583 = arith.constant 1 : i32
      %parallel_loop3A_584 = arith.select %parallel_loop3A_582, %parallel_loop3A_583, %parallel_loop3A_580 : i32
      %parallel_loop3A_585 = arith.remsi %parallel_loop3A_135, %parallel_loop3A_584 : i32
      %parallel_loop3A_586 = arith.constant 0 : i32
      %parallel_loop3A_587 = arith.cmpi ne, %parallel_loop3A_585, %parallel_loop3A_586 : i32
      %parallel_loop3A_588 = arith.constant 0 : i32
      %parallel_loop3A_589 = arith.cmpi slt, %parallel_loop3A_585, %parallel_loop3A_588 : i32
      %parallel_loop3A_590 = arith.constant 0 : i32
      %parallel_loop3A_591 = arith.cmpi slt, %parallel_loop3A_584, %parallel_loop3A_590 : i32
      %parallel_loop3A_592 = arith.xori %parallel_loop3A_589, %parallel_loop3A_591 : i1
      %parallel_loop3A_593 = arith.andi %parallel_loop3A_592, %parallel_loop3A_587 : i1
      %parallel_loop3A_594 = arith.addi %parallel_loop3A_585, %parallel_loop3A_584 : i32
      %parallel_loop3A_595 = arith.select %parallel_loop3A_593, %parallel_loop3A_594, %parallel_loop3A_585 : i32
      %parallel_loop3A_596 = arith.constant 0 : i32
      %parallel_loop3A_597 = arith.index_cast %parallel_loop3A_579 : i32 to index
      %parallel_loop3A_598 = arith.index_cast %parallel_loop3A_595 : i32 to index
      %parallel_loop3A_599 = arith.index_cast %parallel_loop3A_596 : i32 to index
      %parallel_loop3A_600 = arith.constant 128 : index
      %parallel_loop3A_601 = tpu.vector_load %arg8[%parallel_loop3A_597, %parallel_loop3A_598, %parallel_loop3A_599, %parallel_loop3A_600] {strides = array<i32>} : memref<2x64x1x256xf32, #tpu.memory_space<vmem>>, vector<16xf32>,
      tpu.vector_store %arg8[%parallel_loop3A_597, %parallel_loop3A_598, %parallel_loop3A_599, %parallel_loop3A_600], %parallel_loop3A_555 {strides = array<i32>} : memref<2x64x1x256xf32, #tpu.memory_space<vmem>>, vector<16xf32>,
      %parallel_loop3A_602 = arith.constant 144 : i32
      %parallel_loop3A_603 = vector.broadcast %parallel_loop3A_602 : i32 to vector<16xi32>
      %parallel_loop3A_604 = arith.addi %parallel_loop3A_142, %parallel_loop3A_603 : vector<16xi32>
      %parallel_loop3A_605 = arith.addi %parallel_loop3A_604, %iota3A : vector<16xi32>
      %parallel_loop3A_606 = tpu.vector_load_idx %arg5[%parallel_loop3A_605] : memref<768xf32, #tpu.memory_space<vmem>>[vector<16xi32>], vector<16xf32>,
      %parallel_loop3A_607 = arith.constant 64 : i32
      %parallel_loop3A_608 = arith.divsi %parallel_loop3A_135, %parallel_loop3A_607 : i32
      %parallel_loop3A_609 = arith.constant 0 : i32
      %parallel_loop3A_610 = arith.cmpi sgt, %parallel_loop3A_135, %parallel_loop3A_609 : i32
      %parallel_loop3A_611 = arith.extui %parallel_loop3A_610 : i1 to i32
      %parallel_loop3A_612 = arith.constant 0 : i32
      %parallel_loop3A_613 = arith.cmpi slt, %parallel_loop3A_135, %parallel_loop3A_612 : i32
      %parallel_loop3A_614 = arith.extui %parallel_loop3A_613 : i1 to i32
      %parallel_loop3A_615 = arith.subi %parallel_loop3A_611, %parallel_loop3A_614 : i32
      %parallel_loop3A_616 = arith.constant 0 : i32
      %parallel_loop3A_617 = arith.cmpi sgt, %parallel_loop3A_607, %parallel_loop3A_616 : i32
      %parallel_loop3A_618 = arith.extui %parallel_loop3A_617 : i1 to i32
      %parallel_loop3A_619 = arith.constant 0 : i32
      %parallel_loop3A_620 = arith.cmpi slt, %parallel_loop3A_607, %parallel_loop3A_619 : i32
      %parallel_loop3A_621 = arith.extui %parallel_loop3A_620 : i1 to i32
      %parallel_loop3A_622 = arith.subi %parallel_loop3A_618, %parallel_loop3A_621 : i32
      %parallel_loop3A_623 = arith.cmpi ne, %parallel_loop3A_615, %parallel_loop3A_622 : i32
      %parallel_loop3A_624 = arith.remsi %parallel_loop3A_135, %parallel_loop3A_607 : i32
      %parallel_loop3A_625 = arith.constant 0 : i32
      %parallel_loop3A_626 = arith.cmpi ne, %parallel_loop3A_624, %parallel_loop3A_625 : i32
      %parallel_loop3A_627 = arith.andi %parallel_loop3A_623, %parallel_loop3A_626 : i1
      %parallel_loop3A_628 = arith.constant 1 : i32
      %parallel_loop3A_629 = arith.subi %parallel_loop3A_608, %parallel_loop3A_628 : i32
      %parallel_loop3A_630 = arith.select %parallel_loop3A_627, %parallel_loop3A_629, %parallel_loop3A_608 : i32
      %parallel_loop3A_631 = arith.constant 64 : i32
      %parallel_loop3A_632 = arith.constant 0 : i32
      %parallel_loop3A_633 = arith.cmpi eq, %parallel_loop3A_631, %parallel_loop3A_632 : i32
      %parallel_loop3A_634 = arith.constant 1 : i32
      %parallel_loop3A_635 = arith.select %parallel_loop3A_633, %parallel_loop3A_634, %parallel_loop3A_631 : i32
      %parallel_loop3A_636 = arith.remsi %parallel_loop3A_135, %parallel_loop3A_635 : i32
      %parallel_loop3A_637 = arith.constant 0 : i32
      %parallel_loop3A_638 = arith.cmpi ne, %parallel_loop3A_636, %parallel_loop3A_637 : i32
      %parallel_loop3A_639 = arith.constant 0 : i32
      %parallel_loop3A_640 = arith.cmpi slt, %parallel_loop3A_636, %parallel_loop3A_639 : i32
      %parallel_loop3A_641 = arith.constant 0 : i32
      %parallel_loop3A_642 = arith.cmpi slt, %parallel_loop3A_635, %parallel_loop3A_641 : i32
      %parallel_loop3A_643 = arith.xori %parallel_loop3A_640, %parallel_loop3A_642 : i1
      %parallel_loop3A_644 = arith.andi %parallel_loop3A_643, %parallel_loop3A_638 : i1
      %parallel_loop3A_645 = arith.addi %parallel_loop3A_636, %parallel_loop3A_635 : i32
      %parallel_loop3A_646 = arith.select %parallel_loop3A_644, %parallel_loop3A_645, %parallel_loop3A_636 : i32
      %parallel_loop3A_647 = arith.constant 0 : i32
      %parallel_loop3A_648 = arith.index_cast %parallel_loop3A_630 : i32 to index
      %parallel_loop3A_649 = arith.index_cast %parallel_loop3A_646 : i32 to index
      %parallel_loop3A_650 = arith.index_cast %parallel_loop3A_647 : i32 to index
      %parallel_loop3A_651 = arith.constant 144 : index
      %parallel_loop3A_652 = tpu.vector_load %arg8[%parallel_loop3A_648, %parallel_loop3A_649, %parallel_loop3A_650, %parallel_loop3A_651] {strides = array<i32>} : memref<2x64x1x256xf32, #tpu.memory_space<vmem>>, vector<16xf32>,
      tpu.vector_store %arg8[%parallel_loop3A_648, %parallel_loop3A_649, %parallel_loop3A_650, %parallel_loop3A_651], %parallel_loop3A_606 {strides = array<i32>} : memref<2x64x1x256xf32, #tpu.memory_space<vmem>>, vector<16xf32>,
      %parallel_loop3A_653 = arith.constant 160 : i32
      %parallel_loop3A_654 = vector.broadcast %parallel_loop3A_653 : i32 to vector<16xi32>
      %parallel_loop3A_655 = arith.addi %parallel_loop3A_142, %parallel_loop3A_654 : vector<16xi32>
      %parallel_loop3A_656 = arith.addi %parallel_loop3A_655, %iota3A : vector<16xi32>
      %parallel_loop3A_657 = tpu.vector_load_idx %arg5[%parallel_loop3A_656] : memref<768xf32, #tpu.memory_space<vmem>>[vector<16xi32>], vector<16xf32>,
      %parallel_loop3A_658 = arith.constant 64 : i32
      %parallel_loop3A_659 = arith.divsi %parallel_loop3A_135, %parallel_loop3A_658 : i32
      %parallel_loop3A_660 = arith.constant 0 : i32
      %parallel_loop3A_661 = arith.cmpi sgt, %parallel_loop3A_135, %parallel_loop3A_660 : i32
      %parallel_loop3A_662 = arith.extui %parallel_loop3A_661 : i1 to i32
      %parallel_loop3A_663 = arith.constant 0 : i32
      %parallel_loop3A_664 = arith.cmpi slt, %parallel_loop3A_135, %parallel_loop3A_663 : i32
      %parallel_loop3A_665 = arith.extui %parallel_loop3A_664 : i1 to i32
      %parallel_loop3A_666 = arith.subi %parallel_loop3A_662, %parallel_loop3A_665 : i32
      %parallel_loop3A_667 = arith.constant 0 : i32
      %parallel_loop3A_668 = arith.cmpi sgt, %parallel_loop3A_658, %parallel_loop3A_667 : i32
      %parallel_loop3A_669 = arith.extui %parallel_loop3A_668 : i1 to i32
      %parallel_loop3A_670 = arith.constant 0 : i32
      %parallel_loop3A_671 = arith.cmpi slt, %parallel_loop3A_658, %parallel_loop3A_670 : i32
      %parallel_loop3A_672 = arith.extui %parallel_loop3A_671 : i1 to i32
      %parallel_loop3A_673 = arith.subi %parallel_loop3A_669, %parallel_loop3A_672 : i32
      %parallel_loop3A_674 = arith.cmpi ne, %parallel_loop3A_666, %parallel_loop3A_673 : i32
      %parallel_loop3A_675 = arith.remsi %parallel_loop3A_135, %parallel_loop3A_658 : i32
      %parallel_loop3A_676 = arith.constant 0 : i32
      %parallel_loop3A_677 = arith.cmpi ne, %parallel_loop3A_675, %parallel_loop3A_676 : i32
      %parallel_loop3A_678 = arith.andi %parallel_loop3A_674, %parallel_loop3A_677 : i1
      %parallel_loop3A_679 = arith.constant 1 : i32
      %parallel_loop3A_680 = arith.subi %parallel_loop3A_659, %parallel_loop3A_679 : i32
      %parallel_loop3A_681 = arith.select %parallel_loop3A_678, %parallel_loop3A_680, %parallel_loop3A_659 : i32
      %parallel_loop3A_682 = arith.constant 64 : i32
      %parallel_loop3A_683 = arith.constant 0 : i32
      %parallel_loop3A_684 = arith.cmpi eq, %parallel_loop3A_682, %parallel_loop3A_683 : i32
      %parallel_loop3A_685 = arith.constant 1 : i32
      %parallel_loop3A_686 = arith.select %parallel_loop3A_684, %parallel_loop3A_685, %parallel_loop3A_682 : i32
      %parallel_loop3A_687 = arith.remsi %parallel_loop3A_135, %parallel_loop3A_686 : i32
      %parallel_loop3A_688 = arith.constant 0 : i32
      %parallel_loop3A_689 = arith.cmpi ne, %parallel_loop3A_687, %parallel_loop3A_688 : i32
      %parallel_loop3A_690 = arith.constant 0 : i32
      %parallel_loop3A_691 = arith.cmpi slt, %parallel_loop3A_687, %parallel_loop3A_690 : i32
      %parallel_loop3A_692 = arith.constant 0 : i32
      %parallel_loop3A_693 = arith.cmpi slt, %parallel_loop3A_686, %parallel_loop3A_692 : i32
      %parallel_loop3A_694 = arith.xori %parallel_loop3A_691, %parallel_loop3A_693 : i1
      %parallel_loop3A_695 = arith.andi %parallel_loop3A_694, %parallel_loop3A_689 : i1
      %parallel_loop3A_696 = arith.addi %parallel_loop3A_687, %parallel_loop3A_686 : i32
      %parallel_loop3A_697 = arith.select %parallel_loop3A_695, %parallel_loop3A_696, %parallel_loop3A_687 : i32
      %parallel_loop3A_698 = arith.constant 0 : i32
      %parallel_loop3A_699 = arith.index_cast %parallel_loop3A_681 : i32 to index
      %parallel_loop3A_700 = arith.index_cast %parallel_loop3A_697 : i32 to index
      %parallel_loop3A_701 = arith.index_cast %parallel_loop3A_698 : i32 to index
      %parallel_loop3A_702 = arith.constant 160 : index
      %parallel_loop3A_703 = tpu.vector_load %arg8[%parallel_loop3A_699, %parallel_loop3A_700, %parallel_loop3A_701, %parallel_loop3A_702] {strides = array<i32>} : memref<2x64x1x256xf32, #tpu.memory_space<vmem>>, vector<16xf32>,
      tpu.vector_store %arg8[%parallel_loop3A_699, %parallel_loop3A_700, %parallel_loop3A_701, %parallel_loop3A_702], %parallel_loop3A_657 {strides = array<i32>} : memref<2x64x1x256xf32, #tpu.memory_space<vmem>>, vector<16xf32>,
      %parallel_loop3A_704 = arith.constant 176 : i32
      %parallel_loop3A_705 = vector.broadcast %parallel_loop3A_704 : i32 to vector<16xi32>
      %parallel_loop3A_706 = arith.addi %parallel_loop3A_142, %parallel_loop3A_705 : vector<16xi32>
      %parallel_loop3A_707 = arith.addi %parallel_loop3A_706, %iota3A : vector<16xi32>
      %parallel_loop3A_708 = tpu.vector_load_idx %arg5[%parallel_loop3A_707] : memref<768xf32, #tpu.memory_space<vmem>>[vector<16xi32>], vector<16xf32>,
      %parallel_loop3A_709 = arith.constant 64 : i32
      %parallel_loop3A_710 = arith.divsi %parallel_loop3A_135, %parallel_loop3A_709 : i32
      %parallel_loop3A_711 = arith.constant 0 : i32
      %parallel_loop3A_712 = arith.cmpi sgt, %parallel_loop3A_135, %parallel_loop3A_711 : i32
      %parallel_loop3A_713 = arith.extui %parallel_loop3A_712 : i1 to i32
      %parallel_loop3A_714 = arith.constant 0 : i32
      %parallel_loop3A_715 = arith.cmpi slt, %parallel_loop3A_135, %parallel_loop3A_714 : i32
      %parallel_loop3A_716 = arith.extui %parallel_loop3A_715 : i1 to i32
      %parallel_loop3A_717 = arith.subi %parallel_loop3A_713, %parallel_loop3A_716 : i32
      %parallel_loop3A_718 = arith.constant 0 : i32
      %parallel_loop3A_719 = arith.cmpi sgt, %parallel_loop3A_709, %parallel_loop3A_718 : i32
      %parallel_loop3A_720 = arith.extui %parallel_loop3A_719 : i1 to i32
      %parallel_loop3A_721 = arith.constant 0 : i32
      %parallel_loop3A_722 = arith.cmpi slt, %parallel_loop3A_709, %parallel_loop3A_721 : i32
      %parallel_loop3A_723 = arith.extui %parallel_loop3A_722 : i1 to i32
      %parallel_loop3A_724 = arith.subi %parallel_loop3A_720, %parallel_loop3A_723 : i32
      %parallel_loop3A_725 = arith.cmpi ne, %parallel_loop3A_717, %parallel_loop3A_724 : i32
      %parallel_loop3A_726 = arith.remsi %parallel_loop3A_135, %parallel_loop3A_709 : i32
      %parallel_loop3A_727 = arith.constant 0 : i32
      %parallel_loop3A_728 = arith.cmpi ne, %parallel_loop3A_726, %parallel_loop3A_727 : i32
      %parallel_loop3A_729 = arith.andi %parallel_loop3A_725, %parallel_loop3A_728 : i1
      %parallel_loop3A_730 = arith.constant 1 : i32
      %parallel_loop3A_731 = arith.subi %parallel_loop3A_710, %parallel_loop3A_730 : i32
      %parallel_loop3A_732 = arith.select %parallel_loop3A_729, %parallel_loop3A_731, %parallel_loop3A_710 : i32
      %parallel_loop3A_733 = arith.constant 64 : i32
      %parallel_loop3A_734 = arith.constant 0 : i32
      %parallel_loop3A_735 = arith.cmpi eq, %parallel_loop3A_733, %parallel_loop3A_734 : i32
      %parallel_loop3A_736 = arith.constant 1 : i32
      %parallel_loop3A_737 = arith.select %parallel_loop3A_735, %parallel_loop3A_736, %parallel_loop3A_733 : i32
      %parallel_loop3A_738 = arith.remsi %parallel_loop3A_135, %parallel_loop3A_737 : i32
      %parallel_loop3A_739 = arith.constant 0 : i32
      %parallel_loop3A_740 = arith.cmpi ne, %parallel_loop3A_738, %parallel_loop3A_739 : i32
      %parallel_loop3A_741 = arith.constant 0 : i32
      %parallel_loop3A_742 = arith.cmpi slt, %parallel_loop3A_738, %parallel_loop3A_741 : i32
      %parallel_loop3A_743 = arith.constant 0 : i32
      %parallel_loop3A_744 = arith.cmpi slt, %parallel_loop3A_737, %parallel_loop3A_743 : i32
      %parallel_loop3A_745 = arith.xori %parallel_loop3A_742, %parallel_loop3A_744 : i1
      %parallel_loop3A_746 = arith.andi %parallel_loop3A_745, %parallel_loop3A_740 : i1
      %parallel_loop3A_747 = arith.addi %parallel_loop3A_738, %parallel_loop3A_737 : i32
      %parallel_loop3A_748 = arith.select %parallel_loop3A_746, %parallel_loop3A_747, %parallel_loop3A_738 : i32
      %parallel_loop3A_749 = arith.constant 0 : i32
      %parallel_loop3A_750 = arith.index_cast %parallel_loop3A_732 : i32 to index
      %parallel_loop3A_751 = arith.index_cast %parallel_loop3A_748 : i32 to index
      %parallel_loop3A_752 = arith.index_cast %parallel_loop3A_749 : i32 to index
      %parallel_loop3A_753 = arith.constant 176 : index
      %parallel_loop3A_754 = tpu.vector_load %arg8[%parallel_loop3A_750, %parallel_loop3A_751, %parallel_loop3A_752, %parallel_loop3A_753] {strides = array<i32>} : memref<2x64x1x256xf32, #tpu.memory_space<vmem>>, vector<16xf32>,
      tpu.vector_store %arg8[%parallel_loop3A_750, %parallel_loop3A_751, %parallel_loop3A_752, %parallel_loop3A_753], %parallel_loop3A_708 {strides = array<i32>} : memref<2x64x1x256xf32, #tpu.memory_space<vmem>>, vector<16xf32>,
      %parallel_loop3A_755 = arith.constant 192 : i32
      %parallel_loop3A_756 = vector.broadcast %parallel_loop3A_755 : i32 to vector<16xi32>
      %parallel_loop3A_757 = arith.addi %parallel_loop3A_142, %parallel_loop3A_756 : vector<16xi32>
      %parallel_loop3A_758 = arith.addi %parallel_loop3A_757, %iota3A : vector<16xi32>
      %parallel_loop3A_759 = tpu.vector_load_idx %arg5[%parallel_loop3A_758] : memref<768xf32, #tpu.memory_space<vmem>>[vector<16xi32>], vector<16xf32>,
      %parallel_loop3A_760 = arith.constant 64 : i32
      %parallel_loop3A_761 = arith.divsi %parallel_loop3A_135, %parallel_loop3A_760 : i32
      %parallel_loop3A_762 = arith.constant 0 : i32
      %parallel_loop3A_763 = arith.cmpi sgt, %parallel_loop3A_135, %parallel_loop3A_762 : i32
      %parallel_loop3A_764 = arith.extui %parallel_loop3A_763 : i1 to i32
      %parallel_loop3A_765 = arith.constant 0 : i32
      %parallel_loop3A_766 = arith.cmpi slt, %parallel_loop3A_135, %parallel_loop3A_765 : i32
      %parallel_loop3A_767 = arith.extui %parallel_loop3A_766 : i1 to i32
      %parallel_loop3A_768 = arith.subi %parallel_loop3A_764, %parallel_loop3A_767 : i32
      %parallel_loop3A_769 = arith.constant 0 : i32
      %parallel_loop3A_770 = arith.cmpi sgt, %parallel_loop3A_760, %parallel_loop3A_769 : i32
      %parallel_loop3A_771 = arith.extui %parallel_loop3A_770 : i1 to i32
      %parallel_loop3A_772 = arith.constant 0 : i32
      %parallel_loop3A_773 = arith.cmpi slt, %parallel_loop3A_760, %parallel_loop3A_772 : i32
      %parallel_loop3A_774 = arith.extui %parallel_loop3A_773 : i1 to i32
      %parallel_loop3A_775 = arith.subi %parallel_loop3A_771, %parallel_loop3A_774 : i32
      %parallel_loop3A_776 = arith.cmpi ne, %parallel_loop3A_768, %parallel_loop3A_775 : i32
      %parallel_loop3A_777 = arith.remsi %parallel_loop3A_135, %parallel_loop3A_760 : i32
      %parallel_loop3A_778 = arith.constant 0 : i32
      %parallel_loop3A_779 = arith.cmpi ne, %parallel_loop3A_777, %parallel_loop3A_778 : i32
      %parallel_loop3A_780 = arith.andi %parallel_loop3A_776, %parallel_loop3A_779 : i1
      %parallel_loop3A_781 = arith.constant 1 : i32
      %parallel_loop3A_782 = arith.subi %parallel_loop3A_761, %parallel_loop3A_781 : i32
      %parallel_loop3A_783 = arith.select %parallel_loop3A_780, %parallel_loop3A_782, %parallel_loop3A_761 : i32
      %parallel_loop3A_784 = arith.constant 64 : i32
      %parallel_loop3A_785 = arith.constant 0 : i32
      %parallel_loop3A_786 = arith.cmpi eq, %parallel_loop3A_784, %parallel_loop3A_785 : i32
      %parallel_loop3A_787 = arith.constant 1 : i32
      %parallel_loop3A_788 = arith.select %parallel_loop3A_786, %parallel_loop3A_787, %parallel_loop3A_784 : i32
      %parallel_loop3A_789 = arith.remsi %parallel_loop3A_135, %parallel_loop3A_788 : i32
      %parallel_loop3A_790 = arith.constant 0 : i32
      %parallel_loop3A_791 = arith.cmpi ne, %parallel_loop3A_789, %parallel_loop3A_790 : i32
      %parallel_loop3A_792 = arith.constant 0 : i32
      %parallel_loop3A_793 = arith.cmpi slt, %parallel_loop3A_789, %parallel_loop3A_792 : i32
      %parallel_loop3A_794 = arith.constant 0 : i32
      %parallel_loop3A_795 = arith.cmpi slt, %parallel_loop3A_788, %parallel_loop3A_794 : i32
      %parallel_loop3A_796 = arith.xori %parallel_loop3A_793, %parallel_loop3A_795 : i1
      %parallel_loop3A_797 = arith.andi %parallel_loop3A_796, %parallel_loop3A_791 : i1
      %parallel_loop3A_798 = arith.addi %parallel_loop3A_789, %parallel_loop3A_788 : i32
      %parallel_loop3A_799 = arith.select %parallel_loop3A_797, %parallel_loop3A_798, %parallel_loop3A_789 : i32
      %parallel_loop3A_800 = arith.constant 0 : i32
      %parallel_loop3A_801 = arith.index_cast %parallel_loop3A_783 : i32 to index
      %parallel_loop3A_802 = arith.index_cast %parallel_loop3A_799 : i32 to index
      %parallel_loop3A_803 = arith.index_cast %parallel_loop3A_800 : i32 to index
      %parallel_loop3A_804 = arith.constant 192 : index
      %parallel_loop3A_805 = tpu.vector_load %arg8[%parallel_loop3A_801, %parallel_loop3A_802, %parallel_loop3A_803, %parallel_loop3A_804] {strides = array<i32>} : memref<2x64x1x256xf32, #tpu.memory_space<vmem>>, vector<16xf32>,
      tpu.vector_store %arg8[%parallel_loop3A_801, %parallel_loop3A_802, %parallel_loop3A_803, %parallel_loop3A_804], %parallel_loop3A_759 {strides = array<i32>} : memref<2x64x1x256xf32, #tpu.memory_space<vmem>>, vector<16xf32>,
      %parallel_loop3A_806 = arith.constant 208 : i32
      %parallel_loop3A_807 = vector.broadcast %parallel_loop3A_806 : i32 to vector<16xi32>
      %parallel_loop3A_808 = arith.addi %parallel_loop3A_142, %parallel_loop3A_807 : vector<16xi32>
      %parallel_loop3A_809 = arith.addi %parallel_loop3A_808, %iota3A : vector<16xi32>
      %parallel_loop3A_810 = tpu.vector_load_idx %arg5[%parallel_loop3A_809] : memref<768xf32, #tpu.memory_space<vmem>>[vector<16xi32>], vector<16xf32>,
      %parallel_loop3A_811 = arith.constant 64 : i32
      %parallel_loop3A_812 = arith.divsi %parallel_loop3A_135, %parallel_loop3A_811 : i32
      %parallel_loop3A_813 = arith.constant 0 : i32
      %parallel_loop3A_814 = arith.cmpi sgt, %parallel_loop3A_135, %parallel_loop3A_813 : i32
      %parallel_loop3A_815 = arith.extui %parallel_loop3A_814 : i1 to i32
      %parallel_loop3A_816 = arith.constant 0 : i32
      %parallel_loop3A_817 = arith.cmpi slt, %parallel_loop3A_135, %parallel_loop3A_816 : i32
      %parallel_loop3A_818 = arith.extui %parallel_loop3A_817 : i1 to i32
      %parallel_loop3A_819 = arith.subi %parallel_loop3A_815, %parallel_loop3A_818 : i32
      %parallel_loop3A_820 = arith.constant 0 : i32
      %parallel_loop3A_821 = arith.cmpi sgt, %parallel_loop3A_811, %parallel_loop3A_820 : i32
      %parallel_loop3A_822 = arith.extui %parallel_loop3A_821 : i1 to i32
      %parallel_loop3A_823 = arith.constant 0 : i32
      %parallel_loop3A_824 = arith.cmpi slt, %parallel_loop3A_811, %parallel_loop3A_823 : i32
      %parallel_loop3A_825 = arith.extui %parallel_loop3A_824 : i1 to i32
      %parallel_loop3A_826 = arith.subi %parallel_loop3A_822, %parallel_loop3A_825 : i32
      %parallel_loop3A_827 = arith.cmpi ne, %parallel_loop3A_819, %parallel_loop3A_826 : i32
      %parallel_loop3A_828 = arith.remsi %parallel_loop3A_135, %parallel_loop3A_811 : i32
      %parallel_loop3A_829 = arith.constant 0 : i32
      %parallel_loop3A_830 = arith.cmpi ne, %parallel_loop3A_828, %parallel_loop3A_829 : i32
      %parallel_loop3A_831 = arith.andi %parallel_loop3A_827, %parallel_loop3A_830 : i1
      %parallel_loop3A_832 = arith.constant 1 : i32
      %parallel_loop3A_833 = arith.subi %parallel_loop3A_812, %parallel_loop3A_832 : i32
      %parallel_loop3A_834 = arith.select %parallel_loop3A_831, %parallel_loop3A_833, %parallel_loop3A_812 : i32
      %parallel_loop3A_835 = arith.constant 64 : i32
      %parallel_loop3A_836 = arith.constant 0 : i32
      %parallel_loop3A_837 = arith.cmpi eq, %parallel_loop3A_835, %parallel_loop3A_836 : i32
      %parallel_loop3A_838 = arith.constant 1 : i32
      %parallel_loop3A_839 = arith.select %parallel_loop3A_837, %parallel_loop3A_838, %parallel_loop3A_835 : i32
      %parallel_loop3A_840 = arith.remsi %parallel_loop3A_135, %parallel_loop3A_839 : i32
      %parallel_loop3A_841 = arith.constant 0 : i32
      %parallel_loop3A_842 = arith.cmpi ne, %parallel_loop3A_840, %parallel_loop3A_841 : i32
      %parallel_loop3A_843 = arith.constant 0 : i32
      %parallel_loop3A_844 = arith.cmpi slt, %parallel_loop3A_840, %parallel_loop3A_843 : i32
      %parallel_loop3A_845 = arith.constant 0 : i32
      %parallel_loop3A_846 = arith.cmpi slt, %parallel_loop3A_839, %parallel_loop3A_845 : i32
      %parallel_loop3A_847 = arith.xori %parallel_loop3A_844, %parallel_loop3A_846 : i1
      %parallel_loop3A_848 = arith.andi %parallel_loop3A_847, %parallel_loop3A_842 : i1
      %parallel_loop3A_849 = arith.addi %parallel_loop3A_840, %parallel_loop3A_839 : i32
      %parallel_loop3A_850 = arith.select %parallel_loop3A_848, %parallel_loop3A_849, %parallel_loop3A_840 : i32
      %parallel_loop3A_851 = arith.constant 0 : i32
      %parallel_loop3A_852 = arith.index_cast %parallel_loop3A_834 : i32 to index
      %parallel_loop3A_853 = arith.index_cast %parallel_loop3A_850 : i32 to index
      %parallel_loop3A_854 = arith.index_cast %parallel_loop3A_851 : i32 to index
      %parallel_loop3A_855 = arith.constant 208 : index
      %parallel_loop3A_856 = tpu.vector_load %arg8[%parallel_loop3A_852, %parallel_loop3A_853, %parallel_loop3A_854, %parallel_loop3A_855] {strides = array<i32>} : memref<2x64x1x256xf32, #tpu.memory_space<vmem>>, vector<16xf32>,
      tpu.vector_store %arg8[%parallel_loop3A_852, %parallel_loop3A_853, %parallel_loop3A_854, %parallel_loop3A_855], %parallel_loop3A_810 {strides = array<i32>} : memref<2x64x1x256xf32, #tpu.memory_space<vmem>>, vector<16xf32>,
      %parallel_loop3A_857 = arith.constant 224 : i32
      %parallel_loop3A_858 = vector.broadcast %parallel_loop3A_857 : i32 to vector<16xi32>
      %parallel_loop3A_859 = arith.addi %parallel_loop3A_142, %parallel_loop3A_858 : vector<16xi32>
      %parallel_loop3A_860 = arith.addi %parallel_loop3A_859, %iota3A : vector<16xi32>
      %parallel_loop3A_861 = tpu.vector_load_idx %arg5[%parallel_loop3A_860] : memref<768xf32, #tpu.memory_space<vmem>>[vector<16xi32>], vector<16xf32>,
      %parallel_loop3A_862 = arith.constant 64 : i32
      %parallel_loop3A_863 = arith.divsi %parallel_loop3A_135, %parallel_loop3A_862 : i32
      %parallel_loop3A_864 = arith.constant 0 : i32
      %parallel_loop3A_865 = arith.cmpi sgt, %parallel_loop3A_135, %parallel_loop3A_864 : i32
      %parallel_loop3A_866 = arith.extui %parallel_loop3A_865 : i1 to i32
      %parallel_loop3A_867 = arith.constant 0 : i32
      %parallel_loop3A_868 = arith.cmpi slt, %parallel_loop3A_135, %parallel_loop3A_867 : i32
      %parallel_loop3A_869 = arith.extui %parallel_loop3A_868 : i1 to i32
      %parallel_loop3A_870 = arith.subi %parallel_loop3A_866, %parallel_loop3A_869 : i32
      %parallel_loop3A_871 = arith.constant 0 : i32
      %parallel_loop3A_872 = arith.cmpi sgt, %parallel_loop3A_862, %parallel_loop3A_871 : i32
      %parallel_loop3A_873 = arith.extui %parallel_loop3A_872 : i1 to i32
      %parallel_loop3A_874 = arith.constant 0 : i32
      %parallel_loop3A_875 = arith.cmpi slt, %parallel_loop3A_862, %parallel_loop3A_874 : i32
      %parallel_loop3A_876 = arith.extui %parallel_loop3A_875 : i1 to i32
      %parallel_loop3A_877 = arith.subi %parallel_loop3A_873, %parallel_loop3A_876 : i32
      %parallel_loop3A_878 = arith.cmpi ne, %parallel_loop3A_870, %parallel_loop3A_877 : i32
      %parallel_loop3A_879 = arith.remsi %parallel_loop3A_135, %parallel_loop3A_862 : i32
      %parallel_loop3A_880 = arith.constant 0 : i32
      %parallel_loop3A_881 = arith.cmpi ne, %parallel_loop3A_879, %parallel_loop3A_880 : i32
      %parallel_loop3A_882 = arith.andi %parallel_loop3A_878, %parallel_loop3A_881 : i1
      %parallel_loop3A_883 = arith.constant 1 : i32
      %parallel_loop3A_884 = arith.subi %parallel_loop3A_863, %parallel_loop3A_883 : i32
      %parallel_loop3A_885 = arith.select %parallel_loop3A_882, %parallel_loop3A_884, %parallel_loop3A_863 : i32
      %parallel_loop3A_886 = arith.constant 64 : i32
      %parallel_loop3A_887 = arith.constant 0 : i32
      %parallel_loop3A_888 = arith.cmpi eq, %parallel_loop3A_886, %parallel_loop3A_887 : i32
      %parallel_loop3A_889 = arith.constant 1 : i32
      %parallel_loop3A_890 = arith.select %parallel_loop3A_888, %parallel_loop3A_889, %parallel_loop3A_886 : i32
      %parallel_loop3A_891 = arith.remsi %parallel_loop3A_135, %parallel_loop3A_890 : i32
      %parallel_loop3A_892 = arith.constant 0 : i32
      %parallel_loop3A_893 = arith.cmpi ne, %parallel_loop3A_891, %parallel_loop3A_892 : i32
      %parallel_loop3A_894 = arith.constant 0 : i32
      %parallel_loop3A_895 = arith.cmpi slt, %parallel_loop3A_891, %parallel_loop3A_894 : i32
      %parallel_loop3A_896 = arith.constant 0 : i32
      %parallel_loop3A_897 = arith.cmpi slt, %parallel_loop3A_890, %parallel_loop3A_896 : i32
      %parallel_loop3A_898 = arith.xori %parallel_loop3A_895, %parallel_loop3A_897 : i1
      %parallel_loop3A_899 = arith.andi %parallel_loop3A_898, %parallel_loop3A_893 : i1
      %parallel_loop3A_900 = arith.addi %parallel_loop3A_891, %parallel_loop3A_890 : i32
      %parallel_loop3A_901 = arith.select %parallel_loop3A_899, %parallel_loop3A_900, %parallel_loop3A_891 : i32
      %parallel_loop3A_902 = arith.constant 0 : i32
      %parallel_loop3A_903 = arith.index_cast %parallel_loop3A_885 : i32 to index
      %parallel_loop3A_904 = arith.index_cast %parallel_loop3A_901 : i32 to index
      %parallel_loop3A_905 = arith.index_cast %parallel_loop3A_902 : i32 to index
      %parallel_loop3A_906 = arith.constant 224 : index
      %parallel_loop3A_907 = tpu.vector_load %arg8[%parallel_loop3A_903, %parallel_loop3A_904, %parallel_loop3A_905, %parallel_loop3A_906] {strides = array<i32>} : memref<2x64x1x256xf32, #tpu.memory_space<vmem>>, vector<16xf32>,
      tpu.vector_store %arg8[%parallel_loop3A_903, %parallel_loop3A_904, %parallel_loop3A_905, %parallel_loop3A_906], %parallel_loop3A_861 {strides = array<i32>} : memref<2x64x1x256xf32, #tpu.memory_space<vmem>>, vector<16xf32>,
      %parallel_loop3A_908 = arith.constant 240 : i32
      %parallel_loop3A_909 = vector.broadcast %parallel_loop3A_908 : i32 to vector<16xi32>
      %parallel_loop3A_910 = arith.addi %parallel_loop3A_142, %parallel_loop3A_909 : vector<16xi32>
      %parallel_loop3A_911 = arith.addi %parallel_loop3A_910, %iota3A : vector<16xi32>
      %parallel_loop3A_912 = tpu.vector_load_idx %arg5[%parallel_loop3A_911] : memref<768xf32, #tpu.memory_space<vmem>>[vector<16xi32>], vector<16xf32>,
      %parallel_loop3A_913 = arith.constant 64 : i32
      %parallel_loop3A_914 = arith.divsi %parallel_loop3A_135, %parallel_loop3A_913 : i32
      %parallel_loop3A_915 = arith.constant 0 : i32
      %parallel_loop3A_916 = arith.cmpi sgt, %parallel_loop3A_135, %parallel_loop3A_915 : i32
      %parallel_loop3A_917 = arith.extui %parallel_loop3A_916 : i1 to i32
      %parallel_loop3A_918 = arith.constant 0 : i32
      %parallel_loop3A_919 = arith.cmpi slt, %parallel_loop3A_135, %parallel_loop3A_918 : i32
      %parallel_loop3A_920 = arith.extui %parallel_loop3A_919 : i1 to i32
      %parallel_loop3A_921 = arith.subi %parallel_loop3A_917, %parallel_loop3A_920 : i32
      %parallel_loop3A_922 = arith.constant 0 : i32
      %parallel_loop3A_923 = arith.cmpi sgt, %parallel_loop3A_913, %parallel_loop3A_922 : i32
      %parallel_loop3A_924 = arith.extui %parallel_loop3A_923 : i1 to i32
      %parallel_loop3A_925 = arith.constant 0 : i32
      %parallel_loop3A_926 = arith.cmpi slt, %parallel_loop3A_913, %parallel_loop3A_925 : i32
      %parallel_loop3A_927 = arith.extui %parallel_loop3A_926 : i1 to i32
      %parallel_loop3A_928 = arith.subi %parallel_loop3A_924, %parallel_loop3A_927 : i32
      %parallel_loop3A_929 = arith.cmpi ne, %parallel_loop3A_921, %parallel_loop3A_928 : i32
      %parallel_loop3A_930 = arith.remsi %parallel_loop3A_135, %parallel_loop3A_913 : i32
      %parallel_loop3A_931 = arith.constant 0 : i32
      %parallel_loop3A_932 = arith.cmpi ne, %parallel_loop3A_930, %parallel_loop3A_931 : i32
      %parallel_loop3A_933 = arith.andi %parallel_loop3A_929, %parallel_loop3A_932 : i1
      %parallel_loop3A_934 = arith.constant 1 : i32
      %parallel_loop3A_935 = arith.subi %parallel_loop3A_914, %parallel_loop3A_934 : i32
      %parallel_loop3A_936 = arith.select %parallel_loop3A_933, %parallel_loop3A_935, %parallel_loop3A_914 : i32
      %parallel_loop3A_937 = arith.constant 64 : i32
      %parallel_loop3A_938 = arith.constant 0 : i32
      %parallel_loop3A_939 = arith.cmpi eq, %parallel_loop3A_937, %parallel_loop3A_938 : i32
      %parallel_loop3A_940 = arith.constant 1 : i32
      %parallel_loop3A_941 = arith.select %parallel_loop3A_939, %parallel_loop3A_940, %parallel_loop3A_937 : i32
      %parallel_loop3A_942 = arith.remsi %parallel_loop3A_135, %parallel_loop3A_941 : i32
      %parallel_loop3A_943 = arith.constant 0 : i32
      %parallel_loop3A_944 = arith.cmpi ne, %parallel_loop3A_942, %parallel_loop3A_943 : i32
      %parallel_loop3A_945 = arith.constant 0 : i32
      %parallel_loop3A_946 = arith.cmpi slt, %parallel_loop3A_942, %parallel_loop3A_945 : i32
      %parallel_loop3A_947 = arith.constant 0 : i32
      %parallel_loop3A_948 = arith.cmpi slt, %parallel_loop3A_941, %parallel_loop3A_947 : i32
      %parallel_loop3A_949 = arith.xori %parallel_loop3A_946, %parallel_loop3A_948 : i1
      %parallel_loop3A_950 = arith.andi %parallel_loop3A_949, %parallel_loop3A_944 : i1
      %parallel_loop3A_951 = arith.addi %parallel_loop3A_942, %parallel_loop3A_941 : i32
      %parallel_loop3A_952 = arith.select %parallel_loop3A_950, %parallel_loop3A_951, %parallel_loop3A_942 : i32
      %parallel_loop3A_953 = arith.constant 0 : i32
      %parallel_loop3A_954 = arith.index_cast %parallel_loop3A_936 : i32 to index
      %parallel_loop3A_955 = arith.index_cast %parallel_loop3A_952 : i32 to index
      %parallel_loop3A_956 = arith.index_cast %parallel_loop3A_953 : i32 to index
      %parallel_loop3A_957 = arith.constant 240 : index
      %parallel_loop3A_958 = tpu.vector_load %arg8[%parallel_loop3A_954, %parallel_loop3A_955, %parallel_loop3A_956, %parallel_loop3A_957] {strides = array<i32>} : memref<2x64x1x256xf32, #tpu.memory_space<vmem>>, vector<16xf32>,
      tpu.vector_store %arg8[%parallel_loop3A_954, %parallel_loop3A_955, %parallel_loop3A_956, %parallel_loop3A_957], %parallel_loop3A_912 {strides = array<i32>} : memref<2x64x1x256xf32, #tpu.memory_space<vmem>>, vector<16xf32>,
    } {sc.loop_unroll_factor = 2 : i64, sc.parallel_access}
    %add3A_33 = arith.constant 128 : i32
    %add3A_34 = arith.addi %mul3A_2, %add3A_33 : i32
    %jit3A_35 = arith.constant 64 : i32
    %div3A_36 = arith.divsi %add3A_34, %jit3A_35 : i32
    %sign3A_37 = arith.constant 0 : i32
    %sign3A_38 = arith.cmpi sgt, %add3A_34, %sign3A_37 : i32
    %sign3A_39 = arith.extui %sign3A_38 : i1 to i32
    %sign3A_40 = arith.constant 0 : i32
    %sign3A_41 = arith.cmpi slt, %add3A_34, %sign3A_40 : i32
    %sign3A_42 = arith.extui %sign3A_41 : i1 to i32
    %sign3A_43 = arith.subi %sign3A_39, %sign3A_42 : i32
    %sign3A_44 = arith.constant 0 : i32
    %sign3A_45 = arith.cmpi sgt, %jit3A_35, %sign3A_44 : i32
    %sign3A_46 = arith.extui %sign3A_45 : i1 to i32
    %sign3A_47 = arith.constant 0 : i32
    %sign3A_48 = arith.cmpi slt, %jit3A_35, %sign3A_47 : i32
    %sign3A_49 = arith.extui %sign3A_48 : i1 to i32
    %sign3A_50 = arith.subi %sign3A_46, %sign3A_49 : i32
    %ne3A_51 = arith.cmpi ne, %sign3A_43, %sign3A_50 : i32
    %rem3A_52 = arith.remsi %add3A_34, %jit3A_35 : i32
    %ne3A_53 = arith.constant 0 : i32
    %ne3A_54 = arith.cmpi ne, %rem3A_52, %ne3A_53 : i32
    %and3A_55 = arith.andi %ne3A_51, %ne3A_54 : i1
    %sub3A_56 = arith.constant 1 : i32
    %sub3A_57 = arith.subi %div3A_36, %sub3A_56 : i32
    %select_n3A_58 = arith.select %and3A_55, %sub3A_57, %div3A_36 : i32
    %dma_start3A_59 = arith.constant 0 : i32
    %dma_start3A_60 = arith.constant 0 : i32
    %dma_start3A_61 = arith.constant 0 : i32
    %dma_start3A_62 = tpu.memref_slice %arg4[%select_n3A_58, %dma_start3A_59, %dma_start3A_60, %dma_start3A_61] : memref<4096x64x1x256xf32, #tpu.memory_space<hbm>> -> memref<2x64x1x256xf32, #tpu.memory_space<hbm>>
    %dma_start3A_63 = arith.constant 0 : i32
    %dma_start3A_64 = arith.constant 0 : i32
    %dma_start3A_65 = arith.constant 0 : i32
    %dma_start3A_66 = tpu.memref_slice %arg4[%select_n3A_58, %dma_start3A_63, %dma_start3A_64, %dma_start3A_65] : memref<4096x64x1x256xf32, #tpu.memory_space<hbm>> -> memref<2x64x1x256xf32, #tpu.memory_space<hbm>>
    tpu.enqueue_dma source(%arg8 : memref<2x64x1x256xf32, #tpu.memory_space<vmem>>) target(%dma_start3A_66 : memref<2x64x1x256xf32, #tpu.memory_space<hbm>>) target_semaphore(%arg10 : memref<!tpu.dma_semaphore, #tpu.memory_space<semaphore_mem>>)
    %scan3A = arith.constant 0 : i32
    %scan3A_67 = arith.constant 0 : i32
    %scan3A_68 = arith.constant 31 : i32
    %scan3A_69 = arith.addi %scan3A_67, %scan3A_68 : i32
    %scan3A_70 = arith.constant 1 : i32
    scf.for %scan3A_135 = %scan3A_67 to %scan3A_69 step %scan3A_70  : i32 {
      %mul3A_136 = arith.constant 2 : i32
      %mul3A_137 = arith.muli %mul3A_136, %scan3A_135 : i32
      %add3A_138 = arith.constant 2 : i32
      %add3A_139 = arith.addi %mul3A_137, %add3A_138 : i32
      %jit3A_140 = arith.constant 64 : i32
      %div3A_141 = arith.divsi %mul3A_2, %jit3A_140 : i32
      %sign3A_142 = arith.constant 0 : i32
      %sign3A_143 = arith.cmpi sgt, %mul3A_2, %sign3A_142 : i32
      %sign3A_144 = arith.extui %sign3A_143 : i1 to i32
      %sign3A_145 = arith.constant 0 : i32
      %sign3A_146 = arith.cmpi slt, %mul3A_2, %sign3A_145 : i32
      %sign3A_147 = arith.extui %sign3A_146 : i1 to i32
      %sign3A_148 = arith.subi %sign3A_144, %sign3A_147 : i32
      %sign3A_149 = arith.constant 0 : i32
      %sign3A_150 = arith.cmpi sgt, %jit3A_140, %sign3A_149 : i32
      %sign3A_151 = arith.extui %sign3A_150 : i1 to i32
      %sign3A_152 = arith.constant 0 : i32
      %sign3A_153 = arith.cmpi slt, %jit3A_140, %sign3A_152 : i32
      %sign3A_154 = arith.extui %sign3A_153 : i1 to i32
      %sign3A_155 = arith.subi %sign3A_151, %sign3A_154 : i32
      %ne3A_156 = arith.cmpi ne, %sign3A_148, %sign3A_155 : i32
      %rem3A_157 = arith.remsi %mul3A_2, %jit3A_140 : i32
      %ne3A_158 = arith.constant 0 : i32
      %ne3A_159 = arith.cmpi ne, %rem3A_157, %ne3A_158 : i32
      %and3A_160 = arith.andi %ne3A_156, %ne3A_159 : i1
      %sub3A_161 = arith.constant 1 : i32
      %sub3A_162 = arith.subi %div3A_141, %sub3A_161 : i32
      %select_n3A_163 = arith.select %and3A_160, %sub3A_162, %div3A_141 : i32
      %dma_wait3A_164 = arith.constant 0 : i32
      %dma_wait3A_165 = arith.constant 0 : i32
      %dma_wait3A_166 = arith.constant 0 : i32
      %dma_wait3A_167 = tpu.memref_slice %arg4[%select_n3A_163, %dma_wait3A_164, %dma_wait3A_165, %dma_wait3A_166] : memref<4096x64x1x256xf32, #tpu.memory_space<hbm>> -> memref<2x64x1x256xf32, #tpu.memory_space<hbm>>
      %dma_wait3A_168 = arith.constant 0 : i32
      %dma_wait3A_169 = arith.constant 0 : i32
      %dma_wait3A_170 = arith.constant 0 : i32
      %dma_wait3A_171 = tpu.memref_slice %arg4[%select_n3A_163, %dma_wait3A_168, %dma_wait3A_169, %dma_wait3A_170] : memref<4096x64x1x256xf32, #tpu.memory_space<hbm>> -> memref<2x64x1x256xf32, #tpu.memory_space<hbm>>
      tpu.wait_dma2 semaphore(%arg9 : memref<!tpu.dma_semaphore, #tpu.memory_space<semaphore_mem>>) src(%arg7 : memref<2x64x1x256xf32, #tpu.memory_space<vmem>>) dst(%dma_wait3A_171 : memref<2x64x1x256xf32, #tpu.memory_space<hbm>>)
      %add3A_172 = arith.constant 0 : i32
      %add3A_173 = arith.addi %add3A_139, %add3A_172 : i32
      %mul3A_174 = arith.constant 128 : i32
      %mul3A_175 = arith.muli %add3A_173, %mul3A_174 : i32
      %parallel_loop3A_176 = arith.constant 0 : i32
      %parallel_loop3A_177 = arith.constant 128 : i32
      %parallel_loop3A_178 = arith.constant 1 : i32
      scf.for %parallel_loop3A_292 = %parallel_loop3A_176 to %parallel_loop3A_177 step %parallel_loop3A_178  : i32 {
        %parallel_loop3A_293 = arith.addi %mul3A_175, %parallel_loop3A_292 : i32
        %parallel_loop3A_294 = vector.broadcast %parallel_loop3A_293 : i32 to vector<16xi32>
        %parallel_loop3A_295 = tpu.vector_load_idx %arg6[%parallel_loop3A_294] : memref<8192xi32, #tpu.memory_space<vmem>>[vector<16xi32>], vector<16xi32>,
        %parallel_loop3A_296 = arith.constant 8 : i32
        %parallel_loop3A_297 = vector.broadcast %parallel_loop3A_296 : i32 to vector<16xi32>
        %parallel_loop3A_298 = arith.shli %parallel_loop3A_295, %parallel_loop3A_297 : vector<16xi32>
        %parallel_loop3A_299 = arith.constant 0 : i32
        %parallel_loop3A_300 = vector.broadcast %parallel_loop3A_299 : i32 to vector<16xi32>
        %parallel_loop3A_301 = arith.addi %parallel_loop3A_298, %parallel_loop3A_300 : vector<16xi32>
        %parallel_loop3A_302 = arith.addi %parallel_loop3A_301, %iota3A : vector<16xi32>
        %parallel_loop3A_303 = tpu.vector_load_idx %arg5[%parallel_loop3A_302] : memref<768xf32, #tpu.memory_space<vmem>>[vector<16xi32>], vector<16xf32>,
        %parallel_loop3A_304 = arith.constant 64 : i32
        %parallel_loop3A_305 = arith.divsi %parallel_loop3A_292, %parallel_loop3A_304 : i32
        %parallel_loop3A_306 = arith.constant 0 : i32
        %parallel_loop3A_307 = arith.cmpi sgt, %parallel_loop3A_292, %parallel_loop3A_306 : i32
        %parallel_loop3A_308 = arith.extui %parallel_loop3A_307 : i1 to i32
        %parallel_loop3A_309 = arith.constant 0 : i32
        %parallel_loop3A_310 = arith.cmpi slt, %parallel_loop3A_292, %parallel_loop3A_309 : i32
        %parallel_loop3A_311 = arith.extui %parallel_loop3A_310 : i1 to i32
        %parallel_loop3A_312 = arith.subi %parallel_loop3A_308, %parallel_loop3A_311 : i32
        %parallel_loop3A_313 = arith.constant 0 : i32
        %parallel_loop3A_314 = arith.cmpi sgt, %parallel_loop3A_304, %parallel_loop3A_313 : i32
        %parallel_loop3A_315 = arith.extui %parallel_loop3A_314 : i1 to i32
        %parallel_loop3A_316 = arith.constant 0 : i32
        %parallel_loop3A_317 = arith.cmpi slt, %parallel_loop3A_304, %parallel_loop3A_316 : i32
        %parallel_loop3A_318 = arith.extui %parallel_loop3A_317 : i1 to i32
        %parallel_loop3A_319 = arith.subi %parallel_loop3A_315, %parallel_loop3A_318 : i32
        %parallel_loop3A_320 = arith.cmpi ne, %parallel_loop3A_312, %parallel_loop3A_319 : i32
        %parallel_loop3A_321 = arith.remsi %parallel_loop3A_292, %parallel_loop3A_304 : i32
        %parallel_loop3A_322 = arith.constant 0 : i32
        %parallel_loop3A_323 = arith.cmpi ne, %parallel_loop3A_321, %parallel_loop3A_322 : i32
        %parallel_loop3A_324 = arith.andi %parallel_loop3A_320, %parallel_loop3A_323 : i1
        %parallel_loop3A_325 = arith.constant 1 : i32
        %parallel_loop3A_326 = arith.subi %parallel_loop3A_305, %parallel_loop3A_325 : i32
        %parallel_loop3A_327 = arith.select %parallel_loop3A_324, %parallel_loop3A_326, %parallel_loop3A_305 : i32
        %parallel_loop3A_328 = arith.constant 64 : i32
        %parallel_loop3A_329 = arith.constant 0 : i32
        %parallel_loop3A_330 = arith.cmpi eq, %parallel_loop3A_328, %parallel_loop3A_329 : i32
        %parallel_loop3A_331 = arith.constant 1 : i32
        %parallel_loop3A_332 = arith.select %parallel_loop3A_330, %parallel_loop3A_331, %parallel_loop3A_328 : i32
        %parallel_loop3A_333 = arith.remsi %parallel_loop3A_292, %parallel_loop3A_332 : i32
        %parallel_loop3A_334 = arith.constant 0 : i32
        %parallel_loop3A_335 = arith.cmpi ne, %parallel_loop3A_333, %parallel_loop3A_334 : i32
        %parallel_loop3A_336 = arith.constant 0 : i32
        %parallel_loop3A_337 = arith.cmpi slt, %parallel_loop3A_333, %parallel_loop3A_336 : i32
        %parallel_loop3A_338 = arith.constant 0 : i32
        %parallel_loop3A_339 = arith.cmpi slt, %parallel_loop3A_332, %parallel_loop3A_338 : i32
        %parallel_loop3A_340 = arith.xori %parallel_loop3A_337, %parallel_loop3A_339 : i1
        %parallel_loop3A_341 = arith.andi %parallel_loop3A_340, %parallel_loop3A_335 : i1
        %parallel_loop3A_342 = arith.addi %parallel_loop3A_333, %parallel_loop3A_332 : i32
        %parallel_loop3A_343 = arith.select %parallel_loop3A_341, %parallel_loop3A_342, %parallel_loop3A_333 : i32
        %parallel_loop3A_344 = arith.constant 0 : i32
        %parallel_loop3A_345 = arith.index_cast %parallel_loop3A_327 : i32 to index
        %parallel_loop3A_346 = arith.index_cast %parallel_loop3A_343 : i32 to index
        %parallel_loop3A_347 = arith.index_cast %parallel_loop3A_344 : i32 to index
        %parallel_loop3A_348 = arith.constant 0 : index
        %parallel_loop3A_349 = tpu.vector_load %arg7[%parallel_loop3A_345, %parallel_loop3A_346, %parallel_loop3A_347, %parallel_loop3A_348] {strides = array<i32>} : memref<2x64x1x256xf32, #tpu.memory_space<vmem>>, vector<16xf32>,
        tpu.vector_store %arg7[%parallel_loop3A_345, %parallel_loop3A_346, %parallel_loop3A_347, %parallel_loop3A_348], %parallel_loop3A_303 {strides = array<i32>} : memref<2x64x1x256xf32, #tpu.memory_space<vmem>>, vector<16xf32>,
        %parallel_loop3A_350 = arith.constant 16 : i32
        %parallel_loop3A_351 = vector.broadcast %parallel_loop3A_350 : i32 to vector<16xi32>
        %parallel_loop3A_352 = arith.addi %parallel_loop3A_298, %parallel_loop3A_351 : vector<16xi32>
        %parallel_loop3A_353 = arith.addi %parallel_loop3A_352, %iota3A : vector<16xi32>
        %parallel_loop3A_354 = tpu.vector_load_idx %arg5[%parallel_loop3A_353] : memref<768xf32, #tpu.memory_space<vmem>>[vector<16xi32>], vector<16xf32>,
        %parallel_loop3A_355 = arith.constant 64 : i32
        %parallel_loop3A_356 = arith.divsi %parallel_loop3A_292, %parallel_loop3A_355 : i32
        %parallel_loop3A_357 = arith.constant 0 : i32
        %parallel_loop3A_358 = arith.cmpi sgt, %parallel_loop3A_292, %parallel_loop3A_357 : i32
        %parallel_loop3A_359 = arith.extui %parallel_loop3A_358 : i1 to i32
        %parallel_loop3A_360 = arith.constant 0 : i32
        %parallel_loop3A_361 = arith.cmpi slt, %parallel_loop3A_292, %parallel_loop3A_360 : i32
        %parallel_loop3A_362 = arith.extui %parallel_loop3A_361 : i1 to i32
        %parallel_loop3A_363 = arith.subi %parallel_loop3A_359, %parallel_loop3A_362 : i32
        %parallel_loop3A_364 = arith.constant 0 : i32
        %parallel_loop3A_365 = arith.cmpi sgt, %parallel_loop3A_355, %parallel_loop3A_364 : i32
        %parallel_loop3A_366 = arith.extui %parallel_loop3A_365 : i1 to i32
        %parallel_loop3A_367 = arith.constant 0 : i32
        %parallel_loop3A_368 = arith.cmpi slt, %parallel_loop3A_355, %parallel_loop3A_367 : i32
        %parallel_loop3A_369 = arith.extui %parallel_loop3A_368 : i1 to i32
        %parallel_loop3A_370 = arith.subi %parallel_loop3A_366, %parallel_loop3A_369 : i32
        %parallel_loop3A_371 = arith.cmpi ne, %parallel_loop3A_363, %parallel_loop3A_370 : i32
        %parallel_loop3A_372 = arith.remsi %parallel_loop3A_292, %parallel_loop3A_355 : i32
        %parallel_loop3A_373 = arith.constant 0 : i32
        %parallel_loop3A_374 = arith.cmpi ne, %parallel_loop3A_372, %parallel_loop3A_373 : i32
        %parallel_loop3A_375 = arith.andi %parallel_loop3A_371, %parallel_loop3A_374 : i1
        %parallel_loop3A_376 = arith.constant 1 : i32
        %parallel_loop3A_377 = arith.subi %parallel_loop3A_356, %parallel_loop3A_376 : i32
        %parallel_loop3A_378 = arith.select %parallel_loop3A_375, %parallel_loop3A_377, %parallel_loop3A_356 : i32
        %parallel_loop3A_379 = arith.constant 64 : i32
        %parallel_loop3A_380 = arith.constant 0 : i32
        %parallel_loop3A_381 = arith.cmpi eq, %parallel_loop3A_379, %parallel_loop3A_380 : i32
        %parallel_loop3A_382 = arith.constant 1 : i32
        %parallel_loop3A_383 = arith.select %parallel_loop3A_381, %parallel_loop3A_382, %parallel_loop3A_379 : i32
        %parallel_loop3A_384 = arith.remsi %parallel_loop3A_292, %parallel_loop3A_383 : i32
        %parallel_loop3A_385 = arith.constant 0 : i32
        %parallel_loop3A_386 = arith.cmpi ne, %parallel_loop3A_384, %parallel_loop3A_385 : i32
        %parallel_loop3A_387 = arith.constant 0 : i32
        %parallel_loop3A_388 = arith.cmpi slt, %parallel_loop3A_384, %parallel_loop3A_387 : i32
        %parallel_loop3A_389 = arith.constant 0 : i32
        %parallel_loop3A_390 = arith.cmpi slt, %parallel_loop3A_383, %parallel_loop3A_389 : i32
        %parallel_loop3A_391 = arith.xori %parallel_loop3A_388, %parallel_loop3A_390 : i1
        %parallel_loop3A_392 = arith.andi %parallel_loop3A_391, %parallel_loop3A_386 : i1
        %parallel_loop3A_393 = arith.addi %parallel_loop3A_384, %parallel_loop3A_383 : i32
        %parallel_loop3A_394 = arith.select %parallel_loop3A_392, %parallel_loop3A_393, %parallel_loop3A_384 : i32
        %parallel_loop3A_395 = arith.constant 0 : i32
        %parallel_loop3A_396 = arith.index_cast %parallel_loop3A_378 : i32 to index
        %parallel_loop3A_397 = arith.index_cast %parallel_loop3A_394 : i32 to index
        %parallel_loop3A_398 = arith.index_cast %parallel_loop3A_395 : i32 to index
        %parallel_loop3A_399 = arith.constant 16 : index
        %parallel_loop3A_400 = tpu.vector_load %arg7[%parallel_loop3A_396, %parallel_loop3A_397, %parallel_loop3A_398, %parallel_loop3A_399] {strides = array<i32>} : memref<2x64x1x256xf32, #tpu.memory_space<vmem>>, vector<16xf32>,
        tpu.vector_store %arg7[%parallel_loop3A_396, %parallel_loop3A_397, %parallel_loop3A_398, %parallel_loop3A_399], %parallel_loop3A_354 {strides = array<i32>} : memref<2x64x1x256xf32, #tpu.memory_space<vmem>>, vector<16xf32>,
        %parallel_loop3A_401 = arith.constant 32 : i32
        %parallel_loop3A_402 = vector.broadcast %parallel_loop3A_401 : i32 to vector<16xi32>
        %parallel_loop3A_403 = arith.addi %parallel_loop3A_298, %parallel_loop3A_402 : vector<16xi32>
        %parallel_loop3A_404 = arith.addi %parallel_loop3A_403, %iota3A : vector<16xi32>
        %parallel_loop3A_405 = tpu.vector_load_idx %arg5[%parallel_loop3A_404] : memref<768xf32, #tpu.memory_space<vmem>>[vector<16xi32>], vector<16xf32>,
        %parallel_loop3A_406 = arith.constant 64 : i32
        %parallel_loop3A_407 = arith.divsi %parallel_loop3A_292, %parallel_loop3A_406 : i32
        %parallel_loop3A_408 = arith.constant 0 : i32
        %parallel_loop3A_409 = arith.cmpi sgt, %parallel_loop3A_292, %parallel_loop3A_408 : i32
        %parallel_loop3A_410 = arith.extui %parallel_loop3A_409 : i1 to i32
        %parallel_loop3A_411 = arith.constant 0 : i32
        %parallel_loop3A_412 = arith.cmpi slt, %parallel_loop3A_292, %parallel_loop3A_411 : i32
        %parallel_loop3A_413 = arith.extui %parallel_loop3A_412 : i1 to i32
        %parallel_loop3A_414 = arith.subi %parallel_loop3A_410, %parallel_loop3A_413 : i32
        %parallel_loop3A_415 = arith.constant 0 : i32
        %parallel_loop3A_416 = arith.cmpi sgt, %parallel_loop3A_406, %parallel_loop3A_415 : i32
        %parallel_loop3A_417 = arith.extui %parallel_loop3A_416 : i1 to i32
        %parallel_loop3A_418 = arith.constant 0 : i32
        %parallel_loop3A_419 = arith.cmpi slt, %parallel_loop3A_406, %parallel_loop3A_418 : i32
        %parallel_loop3A_420 = arith.extui %parallel_loop3A_419 : i1 to i32
        %parallel_loop3A_421 = arith.subi %parallel_loop3A_417, %parallel_loop3A_420 : i32
        %parallel_loop3A_422 = arith.cmpi ne, %parallel_loop3A_414, %parallel_loop3A_421 : i32
        %parallel_loop3A_423 = arith.remsi %parallel_loop3A_292, %parallel_loop3A_406 : i32
        %parallel_loop3A_424 = arith.constant 0 : i32
        %parallel_loop3A_425 = arith.cmpi ne, %parallel_loop3A_423, %parallel_loop3A_424 : i32
        %parallel_loop3A_426 = arith.andi %parallel_loop3A_422, %parallel_loop3A_425 : i1
        %parallel_loop3A_427 = arith.constant 1 : i32
        %parallel_loop3A_428 = arith.subi %parallel_loop3A_407, %parallel_loop3A_427 : i32
        %parallel_loop3A_429 = arith.select %parallel_loop3A_426, %parallel_loop3A_428, %parallel_loop3A_407 : i32
        %parallel_loop3A_430 = arith.constant 64 : i32
        %parallel_loop3A_431 = arith.constant 0 : i32
        %parallel_loop3A_432 = arith.cmpi eq, %parallel_loop3A_430, %parallel_loop3A_431 : i32
        %parallel_loop3A_433 = arith.constant 1 : i32
        %parallel_loop3A_434 = arith.select %parallel_loop3A_432, %parallel_loop3A_433, %parallel_loop3A_430 : i32
        %parallel_loop3A_435 = arith.remsi %parallel_loop3A_292, %parallel_loop3A_434 : i32
        %parallel_loop3A_436 = arith.constant 0 : i32
        %parallel_loop3A_437 = arith.cmpi ne, %parallel_loop3A_435, %parallel_loop3A_436 : i32
        %parallel_loop3A_438 = arith.constant 0 : i32
        %parallel_loop3A_439 = arith.cmpi slt, %parallel_loop3A_435, %parallel_loop3A_438 : i32
        %parallel_loop3A_440 = arith.constant 0 : i32
        %parallel_loop3A_441 = arith.cmpi slt, %parallel_loop3A_434, %parallel_loop3A_440 : i32
        %parallel_loop3A_442 = arith.xori %parallel_loop3A_439, %parallel_loop3A_441 : i1
        %parallel_loop3A_443 = arith.andi %parallel_loop3A_442, %parallel_loop3A_437 : i1
        %parallel_loop3A_444 = arith.addi %parallel_loop3A_435, %parallel_loop3A_434 : i32
        %parallel_loop3A_445 = arith.select %parallel_loop3A_443, %parallel_loop3A_444, %parallel_loop3A_435 : i32
        %parallel_loop3A_446 = arith.constant 0 : i32
        %parallel_loop3A_447 = arith.index_cast %parallel_loop3A_429 : i32 to index
        %parallel_loop3A_448 = arith.index_cast %parallel_loop3A_445 : i32 to index
        %parallel_loop3A_449 = arith.index_cast %parallel_loop3A_446 : i32 to index
        %parallel_loop3A_450 = arith.constant 32 : index
        %parallel_loop3A_451 = tpu.vector_load %arg7[%parallel_loop3A_447, %parallel_loop3A_448, %parallel_loop3A_449, %parallel_loop3A_450] {strides = array<i32>} : memref<2x64x1x256xf32, #tpu.memory_space<vmem>>, vector<16xf32>,
        tpu.vector_store %arg7[%parallel_loop3A_447, %parallel_loop3A_448, %parallel_loop3A_449, %parallel_loop3A_450], %parallel_loop3A_405 {strides = array<i32>} : memref<2x64x1x256xf32, #tpu.memory_space<vmem>>, vector<16xf32>,
        %parallel_loop3A_452 = arith.constant 48 : i32
        %parallel_loop3A_453 = vector.broadcast %parallel_loop3A_452 : i32 to vector<16xi32>
        %parallel_loop3A_454 = arith.addi %parallel_loop3A_298, %parallel_loop3A_453 : vector<16xi32>
        %parallel_loop3A_455 = arith.addi %parallel_loop3A_454, %iota3A : vector<16xi32>
        %parallel_loop3A_456 = tpu.vector_load_idx %arg5[%parallel_loop3A_455] : memref<768xf32, #tpu.memory_space<vmem>>[vector<16xi32>], vector<16xf32>,
        %parallel_loop3A_457 = arith.constant 64 : i32
        %parallel_loop3A_458 = arith.divsi %parallel_loop3A_292, %parallel_loop3A_457 : i32
        %parallel_loop3A_459 = arith.constant 0 : i32
        %parallel_loop3A_460 = arith.cmpi sgt, %parallel_loop3A_292, %parallel_loop3A_459 : i32
        %parallel_loop3A_461 = arith.extui %parallel_loop3A_460 : i1 to i32
        %parallel_loop3A_462 = arith.constant 0 : i32
        %parallel_loop3A_463 = arith.cmpi slt, %parallel_loop3A_292, %parallel_loop3A_462 : i32
        %parallel_loop3A_464 = arith.extui %parallel_loop3A_463 : i1 to i32
        %parallel_loop3A_465 = arith.subi %parallel_loop3A_461, %parallel_loop3A_464 : i32
        %parallel_loop3A_466 = arith.constant 0 : i32
        %parallel_loop3A_467 = arith.cmpi sgt, %parallel_loop3A_457, %parallel_loop3A_466 : i32
        %parallel_loop3A_468 = arith.extui %parallel_loop3A_467 : i1 to i32
        %parallel_loop3A_469 = arith.constant 0 : i32
        %parallel_loop3A_470 = arith.cmpi slt, %parallel_loop3A_457, %parallel_loop3A_469 : i32
        %parallel_loop3A_471 = arith.extui %parallel_loop3A_470 : i1 to i32
        %parallel_loop3A_472 = arith.subi %parallel_loop3A_468, %parallel_loop3A_471 : i32
        %parallel_loop3A_473 = arith.cmpi ne, %parallel_loop3A_465, %parallel_loop3A_472 : i32
        %parallel_loop3A_474 = arith.remsi %parallel_loop3A_292, %parallel_loop3A_457 : i32
        %parallel_loop3A_475 = arith.constant 0 : i32
        %parallel_loop3A_476 = arith.cmpi ne, %parallel_loop3A_474, %parallel_loop3A_475 : i32
        %parallel_loop3A_477 = arith.andi %parallel_loop3A_473, %parallel_loop3A_476 : i1
        %parallel_loop3A_478 = arith.constant 1 : i32
        %parallel_loop3A_479 = arith.subi %parallel_loop3A_458, %parallel_loop3A_478 : i32
        %parallel_loop3A_480 = arith.select %parallel_loop3A_477, %parallel_loop3A_479, %parallel_loop3A_458 : i32
        %parallel_loop3A_481 = arith.constant 64 : i32
        %parallel_loop3A_482 = arith.constant 0 : i32
        %parallel_loop3A_483 = arith.cmpi eq, %parallel_loop3A_481, %parallel_loop3A_482 : i32
        %parallel_loop3A_484 = arith.constant 1 : i32
        %parallel_loop3A_485 = arith.select %parallel_loop3A_483, %parallel_loop3A_484, %parallel_loop3A_481 : i32
        %parallel_loop3A_486 = arith.remsi %parallel_loop3A_292, %parallel_loop3A_485 : i32
        %parallel_loop3A_487 = arith.constant 0 : i32
        %parallel_loop3A_488 = arith.cmpi ne, %parallel_loop3A_486, %parallel_loop3A_487 : i32
        %parallel_loop3A_489 = arith.constant 0 : i32
        %parallel_loop3A_490 = arith.cmpi slt, %parallel_loop3A_486, %parallel_loop3A_489 : i32
        %parallel_loop3A_491 = arith.constant 0 : i32
        %parallel_loop3A_492 = arith.cmpi slt, %parallel_loop3A_485, %parallel_loop3A_491 : i32
        %parallel_loop3A_493 = arith.xori %parallel_loop3A_490, %parallel_loop3A_492 : i1
        %parallel_loop3A_494 = arith.andi %parallel_loop3A_493, %parallel_loop3A_488 : i1
        %parallel_loop3A_495 = arith.addi %parallel_loop3A_486, %parallel_loop3A_485 : i32
        %parallel_loop3A_496 = arith.select %parallel_loop3A_494, %parallel_loop3A_495, %parallel_loop3A_486 : i32
        %parallel_loop3A_497 = arith.constant 0 : i32
        %parallel_loop3A_498 = arith.index_cast %parallel_loop3A_480 : i32 to index
        %parallel_loop3A_499 = arith.index_cast %parallel_loop3A_496 : i32 to index
        %parallel_loop3A_500 = arith.index_cast %parallel_loop3A_497 : i32 to index
        %parallel_loop3A_501 = arith.constant 48 : index
        %parallel_loop3A_502 = tpu.vector_load %arg7[%parallel_loop3A_498, %parallel_loop3A_499, %parallel_loop3A_500, %parallel_loop3A_501] {strides = array<i32>} : memref<2x64x1x256xf32, #tpu.memory_space<vmem>>, vector<16xf32>,
        tpu.vector_store %arg7[%parallel_loop3A_498, %parallel_loop3A_499, %parallel_loop3A_500, %parallel_loop3A_501], %parallel_loop3A_456 {strides = array<i32>} : memref<2x64x1x256xf32, #tpu.memory_space<vmem>>, vector<16xf32>,
        %parallel_loop3A_503 = arith.constant 64 : i32
        %parallel_loop3A_504 = vector.broadcast %parallel_loop3A_503 : i32 to vector<16xi32>
        %parallel_loop3A_505 = arith.addi %parallel_loop3A_298, %parallel_loop3A_504 : vector<16xi32>
        %parallel_loop3A_506 = arith.addi %parallel_loop3A_505, %iota3A : vector<16xi32>
        %parallel_loop3A_507 = tpu.vector_load_idx %arg5[%parallel_loop3A_506] : memref<768xf32, #tpu.memory_space<vmem>>[vector<16xi32>], vector<16xf32>,
        %parallel_loop3A_508 = arith.constant 64 : i32
        %parallel_loop3A_509 = arith.divsi %parallel_loop3A_292, %parallel_loop3A_508 : i32
        %parallel_loop3A_510 = arith.constant 0 : i32
        %parallel_loop3A_511 = arith.cmpi sgt, %parallel_loop3A_292, %parallel_loop3A_510 : i32
        %parallel_loop3A_512 = arith.extui %parallel_loop3A_511 : i1 to i32
        %parallel_loop3A_513 = arith.constant 0 : i32
        %parallel_loop3A_514 = arith.cmpi slt, %parallel_loop3A_292, %parallel_loop3A_513 : i32
        %parallel_loop3A_515 = arith.extui %parallel_loop3A_514 : i1 to i32
        %parallel_loop3A_516 = arith.subi %parallel_loop3A_512, %parallel_loop3A_515 : i32
        %parallel_loop3A_517 = arith.constant 0 : i32
        %parallel_loop3A_518 = arith.cmpi sgt, %parallel_loop3A_508, %parallel_loop3A_517 : i32
        %parallel_loop3A_519 = arith.extui %parallel_loop3A_518 : i1 to i32
        %parallel_loop3A_520 = arith.constant 0 : i32
        %parallel_loop3A_521 = arith.cmpi slt, %parallel_loop3A_508, %parallel_loop3A_520 : i32
        %parallel_loop3A_522 = arith.extui %parallel_loop3A_521 : i1 to i32
        %parallel_loop3A_523 = arith.subi %parallel_loop3A_519, %parallel_loop3A_522 : i32
        %parallel_loop3A_524 = arith.cmpi ne, %parallel_loop3A_516, %parallel_loop3A_523 : i32
        %parallel_loop3A_525 = arith.remsi %parallel_loop3A_292, %parallel_loop3A_508 : i32
        %parallel_loop3A_526 = arith.constant 0 : i32
        %parallel_loop3A_527 = arith.cmpi ne, %parallel_loop3A_525, %parallel_loop3A_526 : i32
        %parallel_loop3A_528 = arith.andi %parallel_loop3A_524, %parallel_loop3A_527 : i1
        %parallel_loop3A_529 = arith.constant 1 : i32
        %parallel_loop3A_530 = arith.subi %parallel_loop3A_509, %parallel_loop3A_529 : i32
        %parallel_loop3A_531 = arith.select %parallel_loop3A_528, %parallel_loop3A_530, %parallel_loop3A_509 : i32
        %parallel_loop3A_532 = arith.constant 64 : i32
        %parallel_loop3A_533 = arith.constant 0 : i32
        %parallel_loop3A_534 = arith.cmpi eq, %parallel_loop3A_532, %parallel_loop3A_533 : i32
        %parallel_loop3A_535 = arith.constant 1 : i32
        %parallel_loop3A_536 = arith.select %parallel_loop3A_534, %parallel_loop3A_535, %parallel_loop3A_532 : i32
        %parallel_loop3A_537 = arith.remsi %parallel_loop3A_292, %parallel_loop3A_536 : i32
        %parallel_loop3A_538 = arith.constant 0 : i32
        %parallel_loop3A_539 = arith.cmpi ne, %parallel_loop3A_537, %parallel_loop3A_538 : i32
        %parallel_loop3A_540 = arith.constant 0 : i32
        %parallel_loop3A_541 = arith.cmpi slt, %parallel_loop3A_537, %parallel_loop3A_540 : i32
        %parallel_loop3A_542 = arith.constant 0 : i32
        %parallel_loop3A_543 = arith.cmpi slt, %parallel_loop3A_536, %parallel_loop3A_542 : i32
        %parallel_loop3A_544 = arith.xori %parallel_loop3A_541, %parallel_loop3A_543 : i1
        %parallel_loop3A_545 = arith.andi %parallel_loop3A_544, %parallel_loop3A_539 : i1
        %parallel_loop3A_546 = arith.addi %parallel_loop3A_537, %parallel_loop3A_536 : i32
        %parallel_loop3A_547 = arith.select %parallel_loop3A_545, %parallel_loop3A_546, %parallel_loop3A_537 : i32
        %parallel_loop3A_548 = arith.constant 0 : i32
        %parallel_loop3A_549 = arith.index_cast %parallel_loop3A_531 : i32 to index
        %parallel_loop3A_550 = arith.index_cast %parallel_loop3A_547 : i32 to index
        %parallel_loop3A_551 = arith.index_cast %parallel_loop3A_548 : i32 to index
        %parallel_loop3A_552 = arith.constant 64 : index
        %parallel_loop3A_553 = tpu.vector_load %arg7[%parallel_loop3A_549, %parallel_loop3A_550, %parallel_loop3A_551, %parallel_loop3A_552] {strides = array<i32>} : memref<2x64x1x256xf32, #tpu.memory_space<vmem>>, vector<16xf32>,
        tpu.vector_store %arg7[%parallel_loop3A_549, %parallel_loop3A_550, %parallel_loop3A_551, %parallel_loop3A_552], %parallel_loop3A_507 {strides = array<i32>} : memref<2x64x1x256xf32, #tpu.memory_space<vmem>>, vector<16xf32>,
        %parallel_loop3A_554 = arith.constant 80 : i32
        %parallel_loop3A_555 = vector.broadcast %parallel_loop3A_554 : i32 to vector<16xi32>
        %parallel_loop3A_556 = arith.addi %parallel_loop3A_298, %parallel_loop3A_555 : vector<16xi32>
        %parallel_loop3A_557 = arith.addi %parallel_loop3A_556, %iota3A : vector<16xi32>
        %parallel_loop3A_558 = tpu.vector_load_idx %arg5[%parallel_loop3A_557] : memref<768xf32, #tpu.memory_space<vmem>>[vector<16xi32>], vector<16xf32>,
        %parallel_loop3A_559 = arith.constant 64 : i32
        %parallel_loop3A_560 = arith.divsi %parallel_loop3A_292, %parallel_loop3A_559 : i32
        %parallel_loop3A_561 = arith.constant 0 : i32
        %parallel_loop3A_562 = arith.cmpi sgt, %parallel_loop3A_292, %parallel_loop3A_561 : i32
        %parallel_loop3A_563 = arith.extui %parallel_loop3A_562 : i1 to i32
        %parallel_loop3A_564 = arith.constant 0 : i32
        %parallel_loop3A_565 = arith.cmpi slt, %parallel_loop3A_292, %parallel_loop3A_564 : i32
        %parallel_loop3A_566 = arith.extui %parallel_loop3A_565 : i1 to i32
        %parallel_loop3A_567 = arith.subi %parallel_loop3A_563, %parallel_loop3A_566 : i32
        %parallel_loop3A_568 = arith.constant 0 : i32
        %parallel_loop3A_569 = arith.cmpi sgt, %parallel_loop3A_559, %parallel_loop3A_568 : i32
        %parallel_loop3A_570 = arith.extui %parallel_loop3A_569 : i1 to i32
        %parallel_loop3A_571 = arith.constant 0 : i32
        %parallel_loop3A_572 = arith.cmpi slt, %parallel_loop3A_559, %parallel_loop3A_571 : i32
        %parallel_loop3A_573 = arith.extui %parallel_loop3A_572 : i1 to i32
        %parallel_loop3A_574 = arith.subi %parallel_loop3A_570, %parallel_loop3A_573 : i32
        %parallel_loop3A_575 = arith.cmpi ne, %parallel_loop3A_567, %parallel_loop3A_574 : i32
        %parallel_loop3A_576 = arith.remsi %parallel_loop3A_292, %parallel_loop3A_559 : i32
        %parallel_loop3A_577 = arith.constant 0 : i32
        %parallel_loop3A_578 = arith.cmpi ne, %parallel_loop3A_576, %parallel_loop3A_577 : i32
        %parallel_loop3A_579 = arith.andi %parallel_loop3A_575, %parallel_loop3A_578 : i1
        %parallel_loop3A_580 = arith.constant 1 : i32
        %parallel_loop3A_581 = arith.subi %parallel_loop3A_560, %parallel_loop3A_580 : i32
        %parallel_loop3A_582 = arith.select %parallel_loop3A_579, %parallel_loop3A_581, %parallel_loop3A_560 : i32
        %parallel_loop3A_583 = arith.constant 64 : i32
        %parallel_loop3A_584 = arith.constant 0 : i32
        %parallel_loop3A_585 = arith.cmpi eq, %parallel_loop3A_583, %parallel_loop3A_584 : i32
        %parallel_loop3A_586 = arith.constant 1 : i32
        %parallel_loop3A_587 = arith.select %parallel_loop3A_585, %parallel_loop3A_586, %parallel_loop3A_583 : i32
        %parallel_loop3A_588 = arith.remsi %parallel_loop3A_292, %parallel_loop3A_587 : i32
        %parallel_loop3A_589 = arith.constant 0 : i32
        %parallel_loop3A_590 = arith.cmpi ne, %parallel_loop3A_588, %parallel_loop3A_589 : i32
        %parallel_loop3A_591 = arith.constant 0 : i32
        %parallel_loop3A_592 = arith.cmpi slt, %parallel_loop3A_588, %parallel_loop3A_591 : i32
        %parallel_loop3A_593 = arith.constant 0 : i32
        %parallel_loop3A_594 = arith.cmpi slt, %parallel_loop3A_587, %parallel_loop3A_593 : i32
        %parallel_loop3A_595 = arith.xori %parallel_loop3A_592, %parallel_loop3A_594 : i1
        %parallel_loop3A_596 = arith.andi %parallel_loop3A_595, %parallel_loop3A_590 : i1
        %parallel_loop3A_597 = arith.addi %parallel_loop3A_588, %parallel_loop3A_587 : i32
        %parallel_loop3A_598 = arith.select %parallel_loop3A_596, %parallel_loop3A_597, %parallel_loop3A_588 : i32
        %parallel_loop3A_599 = arith.constant 0 : i32
        %parallel_loop3A_600 = arith.index_cast %parallel_loop3A_582 : i32 to index
        %parallel_loop3A_601 = arith.index_cast %parallel_loop3A_598 : i32 to index
        %parallel_loop3A_602 = arith.index_cast %parallel_loop3A_599 : i32 to index
        %parallel_loop3A_603 = arith.constant 80 : index
        %parallel_loop3A_604 = tpu.vector_load %arg7[%parallel_loop3A_600, %parallel_loop3A_601, %parallel_loop3A_602, %parallel_loop3A_603] {strides = array<i32>} : memref<2x64x1x256xf32, #tpu.memory_space<vmem>>, vector<16xf32>,
        tpu.vector_store %arg7[%parallel_loop3A_600, %parallel_loop3A_601, %parallel_loop3A_602, %parallel_loop3A_603], %parallel_loop3A_558 {strides = array<i32>} : memref<2x64x1x256xf32, #tpu.memory_space<vmem>>, vector<16xf32>,
        %parallel_loop3A_605 = arith.constant 96 : i32
        %parallel_loop3A_606 = vector.broadcast %parallel_loop3A_605 : i32 to vector<16xi32>
        %parallel_loop3A_607 = arith.addi %parallel_loop3A_298, %parallel_loop3A_606 : vector<16xi32>
        %parallel_loop3A_608 = arith.addi %parallel_loop3A_607, %iota3A : vector<16xi32>
        %parallel_loop3A_609 = tpu.vector_load_idx %arg5[%parallel_loop3A_608] : memref<768xf32, #tpu.memory_space<vmem>>[vector<16xi32>], vector<16xf32>,
        %parallel_loop3A_610 = arith.constant 64 : i32
        %parallel_loop3A_611 = arith.divsi %parallel_loop3A_292, %parallel_loop3A_610 : i32
        %parallel_loop3A_612 = arith.constant 0 : i32
        %parallel_loop3A_613 = arith.cmpi sgt, %parallel_loop3A_292, %parallel_loop3A_612 : i32
        %parallel_loop3A_614 = arith.extui %parallel_loop3A_613 : i1 to i32
        %parallel_loop3A_615 = arith.constant 0 : i32
        %parallel_loop3A_616 = arith.cmpi slt, %parallel_loop3A_292, %parallel_loop3A_615 : i32
        %parallel_loop3A_617 = arith.extui %parallel_loop3A_616 : i1 to i32
        %parallel_loop3A_618 = arith.subi %parallel_loop3A_614, %parallel_loop3A_617 : i32
        %parallel_loop3A_619 = arith.constant 0 : i32
        %parallel_loop3A_620 = arith.cmpi sgt, %parallel_loop3A_610, %parallel_loop3A_619 : i32
        %parallel_loop3A_621 = arith.extui %parallel_loop3A_620 : i1 to i32
        %parallel_loop3A_622 = arith.constant 0 : i32
        %parallel_loop3A_623 = arith.cmpi slt, %parallel_loop3A_610, %parallel_loop3A_622 : i32
        %parallel_loop3A_624 = arith.extui %parallel_loop3A_623 : i1 to i32
        %parallel_loop3A_625 = arith.subi %parallel_loop3A_621, %parallel_loop3A_624 : i32
        %parallel_loop3A_626 = arith.cmpi ne, %parallel_loop3A_618, %parallel_loop3A_625 : i32
        %parallel_loop3A_627 = arith.remsi %parallel_loop3A_292, %parallel_loop3A_610 : i32
        %parallel_loop3A_628 = arith.constant 0 : i32
        %parallel_loop3A_629 = arith.cmpi ne, %parallel_loop3A_627, %parallel_loop3A_628 : i32
        %parallel_loop3A_630 = arith.andi %parallel_loop3A_626, %parallel_loop3A_629 : i1
        %parallel_loop3A_631 = arith.constant 1 : i32
        %parallel_loop3A_632 = arith.subi %parallel_loop3A_611, %parallel_loop3A_631 : i32
        %parallel_loop3A_633 = arith.select %parallel_loop3A_630, %parallel_loop3A_632, %parallel_loop3A_611 : i32
        %parallel_loop3A_634 = arith.constant 64 : i32
        %parallel_loop3A_635 = arith.constant 0 : i32
        %parallel_loop3A_636 = arith.cmpi eq, %parallel_loop3A_634, %parallel_loop3A_635 : i32
        %parallel_loop3A_637 = arith.constant 1 : i32
        %parallel_loop3A_638 = arith.select %parallel_loop3A_636, %parallel_loop3A_637, %parallel_loop3A_634 : i32
        %parallel_loop3A_639 = arith.remsi %parallel_loop3A_292, %parallel_loop3A_638 : i32
        %parallel_loop3A_640 = arith.constant 0 : i32
        %parallel_loop3A_641 = arith.cmpi ne, %parallel_loop3A_639, %parallel_loop3A_640 : i32
        %parallel_loop3A_642 = arith.constant 0 : i32
        %parallel_loop3A_643 = arith.cmpi slt, %parallel_loop3A_639, %parallel_loop3A_642 : i32
        %parallel_loop3A_644 = arith.constant 0 : i32
        %parallel_loop3A_645 = arith.cmpi slt, %parallel_loop3A_638, %parallel_loop3A_644 : i32
        %parallel_loop3A_646 = arith.xori %parallel_loop3A_643, %parallel_loop3A_645 : i1
        %parallel_loop3A_647 = arith.andi %parallel_loop3A_646, %parallel_loop3A_641 : i1
        %parallel_loop3A_648 = arith.addi %parallel_loop3A_639, %parallel_loop3A_638 : i32
        %parallel_loop3A_649 = arith.select %parallel_loop3A_647, %parallel_loop3A_648, %parallel_loop3A_639 : i32
        %parallel_loop3A_650 = arith.constant 0 : i32
        %parallel_loop3A_651 = arith.index_cast %parallel_loop3A_633 : i32 to index
        %parallel_loop3A_652 = arith.index_cast %parallel_loop3A_649 : i32 to index
        %parallel_loop3A_653 = arith.index_cast %parallel_loop3A_650 : i32 to index
        %parallel_loop3A_654 = arith.constant 96 : index
        %parallel_loop3A_655 = tpu.vector_load %arg7[%parallel_loop3A_651, %parallel_loop3A_652, %parallel_loop3A_653, %parallel_loop3A_654] {strides = array<i32>} : memref<2x64x1x256xf32, #tpu.memory_space<vmem>>, vector<16xf32>,
        tpu.vector_store %arg7[%parallel_loop3A_651, %parallel_loop3A_652, %parallel_loop3A_653, %parallel_loop3A_654], %parallel_loop3A_609 {strides = array<i32>} : memref<2x64x1x256xf32, #tpu.memory_space<vmem>>, vector<16xf32>,
        %parallel_loop3A_656 = arith.constant 112 : i32
        %parallel_loop3A_657 = vector.broadcast %parallel_loop3A_656 : i32 to vector<16xi32>
        %parallel_loop3A_658 = arith.addi %parallel_loop3A_298, %parallel_loop3A_657 : vector<16xi32>
        %parallel_loop3A_659 = arith.addi %parallel_loop3A_658, %iota3A : vector<16xi32>
        %parallel_loop3A_660 = tpu.vector_load_idx %arg5[%parallel_loop3A_659] : memref<768xf32, #tpu.memory_space<vmem>>[vector<16xi32>], vector<16xf32>,
        %parallel_loop3A_661 = arith.constant 64 : i32
        %parallel_loop3A_662 = arith.divsi %parallel_loop3A_292, %parallel_loop3A_661 : i32
        %parallel_loop3A_663 = arith.constant 0 : i32
        %parallel_loop3A_664 = arith.cmpi sgt, %parallel_loop3A_292, %parallel_loop3A_663 : i32
        %parallel_loop3A_665 = arith.extui %parallel_loop3A_664 : i1 to i32
        %parallel_loop3A_666 = arith.constant 0 : i32
        %parallel_loop3A_667 = arith.cmpi slt, %parallel_loop3A_292, %parallel_loop3A_666 : i32
        %parallel_loop3A_668 = arith.extui %parallel_loop3A_667 : i1 to i32
        %parallel_loop3A_669 = arith.subi %parallel_loop3A_665, %parallel_loop3A_668 : i32
        %parallel_loop3A_670 = arith.constant 0 : i32
        %parallel_loop3A_671 = arith.cmpi sgt, %parallel_loop3A_661, %parallel_loop3A_670 : i32
        %parallel_loop3A_672 = arith.extui %parallel_loop3A_671 : i1 to i32
        %parallel_loop3A_673 = arith.constant 0 : i32
        %parallel_loop3A_674 = arith.cmpi slt, %parallel_loop3A_661, %parallel_loop3A_673 : i32
        %parallel_loop3A_675 = arith.extui %parallel_loop3A_674 : i1 to i32
        %parallel_loop3A_676 = arith.subi %parallel_loop3A_672, %parallel_loop3A_675 : i32
        %parallel_loop3A_677 = arith.cmpi ne, %parallel_loop3A_669, %parallel_loop3A_676 : i32
        %parallel_loop3A_678 = arith.remsi %parallel_loop3A_292, %parallel_loop3A_661 : i32
        %parallel_loop3A_679 = arith.constant 0 : i32
        %parallel_loop3A_680 = arith.cmpi ne, %parallel_loop3A_678, %parallel_loop3A_679 : i32
        %parallel_loop3A_681 = arith.andi %parallel_loop3A_677, %parallel_loop3A_680 : i1
        %parallel_loop3A_682 = arith.constant 1 : i32
        %parallel_loop3A_683 = arith.subi %parallel_loop3A_662, %parallel_loop3A_682 : i32
        %parallel_loop3A_684 = arith.select %parallel_loop3A_681, %parallel_loop3A_683, %parallel_loop3A_662 : i32
        %parallel_loop3A_685 = arith.constant 64 : i32
        %parallel_loop3A_686 = arith.constant 0 : i32
        %parallel_loop3A_687 = arith.cmpi eq, %parallel_loop3A_685, %parallel_loop3A_686 : i32
        %parallel_loop3A_688 = arith.constant 1 : i32
        %parallel_loop3A_689 = arith.select %parallel_loop3A_687, %parallel_loop3A_688, %parallel_loop3A_685 : i32
        %parallel_loop3A_690 = arith.remsi %parallel_loop3A_292, %parallel_loop3A_689 : i32
        %parallel_loop3A_691 = arith.constant 0 : i32
        %parallel_loop3A_692 = arith.cmpi ne, %parallel_loop3A_690, %parallel_loop3A_691 : i32
        %parallel_loop3A_693 = arith.constant 0 : i32
        %parallel_loop3A_694 = arith.cmpi slt, %parallel_loop3A_690, %parallel_loop3A_693 : i32
        %parallel_loop3A_695 = arith.constant 0 : i32
        %parallel_loop3A_696 = arith.cmpi slt, %parallel_loop3A_689, %parallel_loop3A_695 : i32
        %parallel_loop3A_697 = arith.xori %parallel_loop3A_694, %parallel_loop3A_696 : i1
        %parallel_loop3A_698 = arith.andi %parallel_loop3A_697, %parallel_loop3A_692 : i1
        %parallel_loop3A_699 = arith.addi %parallel_loop3A_690, %parallel_loop3A_689 : i32
        %parallel_loop3A_700 = arith.select %parallel_loop3A_698, %parallel_loop3A_699, %parallel_loop3A_690 : i32
        %parallel_loop3A_701 = arith.constant 0 : i32
        %parallel_loop3A_702 = arith.index_cast %parallel_loop3A_684 : i32 to index
        %parallel_loop3A_703 = arith.index_cast %parallel_loop3A_700 : i32 to index
        %parallel_loop3A_704 = arith.index_cast %parallel_loop3A_701 : i32 to index
        %parallel_loop3A_705 = arith.constant 112 : index
        %parallel_loop3A_706 = tpu.vector_load %arg7[%parallel_loop3A_702, %parallel_loop3A_703, %parallel_loop3A_704, %parallel_loop3A_705] {strides = array<i32>} : memref<2x64x1x256xf32, #tpu.memory_space<vmem>>, vector<16xf32>,
        tpu.vector_store %arg7[%parallel_loop3A_702, %parallel_loop3A_703, %parallel_loop3A_704, %parallel_loop3A_705], %parallel_loop3A_660 {strides = array<i32>} : memref<2x64x1x256xf32, #tpu.memory_space<vmem>>, vector<16xf32>,
        %parallel_loop3A_707 = arith.constant 128 : i32
        %parallel_loop3A_708 = vector.broadcast %parallel_loop3A_707 : i32 to vector<16xi32>
        %parallel_loop3A_709 = arith.addi %parallel_loop3A_298, %parallel_loop3A_708 : vector<16xi32>
        %parallel_loop3A_710 = arith.addi %parallel_loop3A_709, %iota3A : vector<16xi32>
        %parallel_loop3A_711 = tpu.vector_load_idx %arg5[%parallel_loop3A_710] : memref<768xf32, #tpu.memory_space<vmem>>[vector<16xi32>], vector<16xf32>,
        %parallel_loop3A_712 = arith.constant 64 : i32
        %parallel_loop3A_713 = arith.divsi %parallel_loop3A_292, %parallel_loop3A_712 : i32
        %parallel_loop3A_714 = arith.constant 0 : i32
        %parallel_loop3A_715 = arith.cmpi sgt, %parallel_loop3A_292, %parallel_loop3A_714 : i32
        %parallel_loop3A_716 = arith.extui %parallel_loop3A_715 : i1 to i32
        %parallel_loop3A_717 = arith.constant 0 : i32
        %parallel_loop3A_718 = arith.cmpi slt, %parallel_loop3A_292, %parallel_loop3A_717 : i32
        %parallel_loop3A_719 = arith.extui %parallel_loop3A_718 : i1 to i32
        %parallel_loop3A_720 = arith.subi %parallel_loop3A_716, %parallel_loop3A_719 : i32
        %parallel_loop3A_721 = arith.constant 0 : i32
        %parallel_loop3A_722 = arith.cmpi sgt, %parallel_loop3A_712, %parallel_loop3A_721 : i32
        %parallel_loop3A_723 = arith.extui %parallel_loop3A_722 : i1 to i32
        %parallel_loop3A_724 = arith.constant 0 : i32
        %parallel_loop3A_725 = arith.cmpi slt, %parallel_loop3A_712, %parallel_loop3A_724 : i32
        %parallel_loop3A_726 = arith.extui %parallel_loop3A_725 : i1 to i32
        %parallel_loop3A_727 = arith.subi %parallel_loop3A_723, %parallel_loop3A_726 : i32
        %parallel_loop3A_728 = arith.cmpi ne, %parallel_loop3A_720, %parallel_loop3A_727 : i32
        %parallel_loop3A_729 = arith.remsi %parallel_loop3A_292, %parallel_loop3A_712 : i32
        %parallel_loop3A_730 = arith.constant 0 : i32
        %parallel_loop3A_731 = arith.cmpi ne, %parallel_loop3A_729, %parallel_loop3A_730 : i32
        %parallel_loop3A_732 = arith.andi %parallel_loop3A_728, %parallel_loop3A_731 : i1
        %parallel_loop3A_733 = arith.constant 1 : i32
        %parallel_loop3A_734 = arith.subi %parallel_loop3A_713, %parallel_loop3A_733 : i32
        %parallel_loop3A_735 = arith.select %parallel_loop3A_732, %parallel_loop3A_734, %parallel_loop3A_713 : i32
        %parallel_loop3A_736 = arith.constant 64 : i32
        %parallel_loop3A_737 = arith.constant 0 : i32
        %parallel_loop3A_738 = arith.cmpi eq, %parallel_loop3A_736, %parallel_loop3A_737 : i32
        %parallel_loop3A_739 = arith.constant 1 : i32
        %parallel_loop3A_740 = arith.select %parallel_loop3A_738, %parallel_loop3A_739, %parallel_loop3A_736 : i32
        %parallel_loop3A_741 = arith.remsi %parallel_loop3A_292, %parallel_loop3A_740 : i32
        %parallel_loop3A_742 = arith.constant 0 : i32
        %parallel_loop3A_743 = arith.cmpi ne, %parallel_loop3A_741, %parallel_loop3A_742 : i32
        %parallel_loop3A_744 = arith.constant 0 : i32
        %parallel_loop3A_745 = arith.cmpi slt, %parallel_loop3A_741, %parallel_loop3A_744 : i32
        %parallel_loop3A_746 = arith.constant 0 : i32
        %parallel_loop3A_747 = arith.cmpi slt, %parallel_loop3A_740, %parallel_loop3A_746 : i32
        %parallel_loop3A_748 = arith.xori %parallel_loop3A_745, %parallel_loop3A_747 : i1
        %parallel_loop3A_749 = arith.andi %parallel_loop3A_748, %parallel_loop3A_743 : i1
        %parallel_loop3A_750 = arith.addi %parallel_loop3A_741, %parallel_loop3A_740 : i32
        %parallel_loop3A_751 = arith.select %parallel_loop3A_749, %parallel_loop3A_750, %parallel_loop3A_741 : i32
        %parallel_loop3A_752 = arith.constant 0 : i32
        %parallel_loop3A_753 = arith.index_cast %parallel_loop3A_735 : i32 to index
        %parallel_loop3A_754 = arith.index_cast %parallel_loop3A_751 : i32 to index
        %parallel_loop3A_755 = arith.index_cast %parallel_loop3A_752 : i32 to index
        %parallel_loop3A_756 = arith.constant 128 : index
        %parallel_loop3A_757 = tpu.vector_load %arg7[%parallel_loop3A_753, %parallel_loop3A_754, %parallel_loop3A_755, %parallel_loop3A_756] {strides = array<i32>} : memref<2x64x1x256xf32, #tpu.memory_space<vmem>>, vector<16xf32>,
        tpu.vector_store %arg7[%parallel_loop3A_753, %parallel_loop3A_754, %parallel_loop3A_755, %parallel_loop3A_756], %parallel_loop3A_711 {strides = array<i32>} : memref<2x64x1x256xf32, #tpu.memory_space<vmem>>, vector<16xf32>,
        %parallel_loop3A_758 = arith.constant 144 : i32
        %parallel_loop3A_759 = vector.broadcast %parallel_loop3A_758 : i32 to vector<16xi32>
        %parallel_loop3A_760 = arith.addi %parallel_loop3A_298, %parallel_loop3A_759 : vector<16xi32>
        %parallel_loop3A_761 = arith.addi %parallel_loop3A_760, %iota3A : vector<16xi32>
        %parallel_loop3A_762 = tpu.vector_load_idx %arg5[%parallel_loop3A_761] : memref<768xf32, #tpu.memory_space<vmem>>[vector<16xi32>], vector<16xf32>,
        %parallel_loop3A_763 = arith.constant 64 : i32
        %parallel_loop3A_764 = arith.divsi %parallel_loop3A_292, %parallel_loop3A_763 : i32
        %parallel_loop3A_765 = arith.constant 0 : i32
        %parallel_loop3A_766 = arith.cmpi sgt, %parallel_loop3A_292, %parallel_loop3A_765 : i32
        %parallel_loop3A_767 = arith.extui %parallel_loop3A_766 : i1 to i32
        %parallel_loop3A_768 = arith.constant 0 : i32
        %parallel_loop3A_769 = arith.cmpi slt, %parallel_loop3A_292, %parallel_loop3A_768 : i32
        %parallel_loop3A_770 = arith.extui %parallel_loop3A_769 : i1 to i32
        %parallel_loop3A_771 = arith.subi %parallel_loop3A_767, %parallel_loop3A_770 : i32
        %parallel_loop3A_772 = arith.constant 0 : i32
        %parallel_loop3A_773 = arith.cmpi sgt, %parallel_loop3A_763, %parallel_loop3A_772 : i32
        %parallel_loop3A_774 = arith.extui %parallel_loop3A_773 : i1 to i32
        %parallel_loop3A_775 = arith.constant 0 : i32
        %parallel_loop3A_776 = arith.cmpi slt, %parallel_loop3A_763, %parallel_loop3A_775 : i32
        %parallel_loop3A_777 = arith.extui %parallel_loop3A_776 : i1 to i32
        %parallel_loop3A_778 = arith.subi %parallel_loop3A_774, %parallel_loop3A_777 : i32
        %parallel_loop3A_779 = arith.cmpi ne, %parallel_loop3A_771, %parallel_loop3A_778 : i32
        %parallel_loop3A_780 = arith.remsi %parallel_loop3A_292, %parallel_loop3A_763 : i32
        %parallel_loop3A_781 = arith.constant 0 : i32
        %parallel_loop3A_782 = arith.cmpi ne, %parallel_loop3A_780, %parallel_loop3A_781 : i32
        %parallel_loop3A_783 = arith.andi %parallel_loop3A_779, %parallel_loop3A_782 : i1
        %parallel_loop3A_784 = arith.constant 1 : i32
        %parallel_loop3A_785 = arith.subi %parallel_loop3A_764, %parallel_loop3A_784 : i32
        %parallel_loop3A_786 = arith.select %parallel_loop3A_783, %parallel_loop3A_785, %parallel_loop3A_764 : i32
        %parallel_loop3A_787 = arith.constant 64 : i32
        %parallel_loop3A_788 = arith.constant 0 : i32
        %parallel_loop3A_789 = arith.cmpi eq, %parallel_loop3A_787, %parallel_loop3A_788 : i32
        %parallel_loop3A_790 = arith.constant 1 : i32
        %parallel_loop3A_791 = arith.select %parallel_loop3A_789, %parallel_loop3A_790, %parallel_loop3A_787 : i32
        %parallel_loop3A_792 = arith.remsi %parallel_loop3A_292, %parallel_loop3A_791 : i32
        %parallel_loop3A_793 = arith.constant 0 : i32
        %parallel_loop3A_794 = arith.cmpi ne, %parallel_loop3A_792, %parallel_loop3A_793 : i32
        %parallel_loop3A_795 = arith.constant 0 : i32
        %parallel_loop3A_796 = arith.cmpi slt, %parallel_loop3A_792, %parallel_loop3A_795 : i32
        %parallel_loop3A_797 = arith.constant 0 : i32
        %parallel_loop3A_798 = arith.cmpi slt, %parallel_loop3A_791, %parallel_loop3A_797 : i32
        %parallel_loop3A_799 = arith.xori %parallel_loop3A_796, %parallel_loop3A_798 : i1
        %parallel_loop3A_800 = arith.andi %parallel_loop3A_799, %parallel_loop3A_794 : i1
        %parallel_loop3A_801 = arith.addi %parallel_loop3A_792, %parallel_loop3A_791 : i32
        %parallel_loop3A_802 = arith.select %parallel_loop3A_800, %parallel_loop3A_801, %parallel_loop3A_792 : i32
        %parallel_loop3A_803 = arith.constant 0 : i32
        %parallel_loop3A_804 = arith.index_cast %parallel_loop3A_786 : i32 to index
        %parallel_loop3A_805 = arith.index_cast %parallel_loop3A_802 : i32 to index
        %parallel_loop3A_806 = arith.index_cast %parallel_loop3A_803 : i32 to index
        %parallel_loop3A_807 = arith.constant 144 : index
        %parallel_loop3A_808 = tpu.vector_load %arg7[%parallel_loop3A_804, %parallel_loop3A_805, %parallel_loop3A_806, %parallel_loop3A_807] {strides = array<i32>} : memref<2x64x1x256xf32, #tpu.memory_space<vmem>>, vector<16xf32>,
        tpu.vector_store %arg7[%parallel_loop3A_804, %parallel_loop3A_805, %parallel_loop3A_806, %parallel_loop3A_807], %parallel_loop3A_762 {strides = array<i32>} : memref<2x64x1x256xf32, #tpu.memory_space<vmem>>, vector<16xf32>,
        %parallel_loop3A_809 = arith.constant 160 : i32
        %parallel_loop3A_810 = vector.broadcast %parallel_loop3A_809 : i32 to vector<16xi32>
        %parallel_loop3A_811 = arith.addi %parallel_loop3A_298, %parallel_loop3A_810 : vector<16xi32>
        %parallel_loop3A_812 = arith.addi %parallel_loop3A_811, %iota3A : vector<16xi32>
        %parallel_loop3A_813 = tpu.vector_load_idx %arg5[%parallel_loop3A_812] : memref<768xf32, #tpu.memory_space<vmem>>[vector<16xi32>], vector<16xf32>,
        %parallel_loop3A_814 = arith.constant 64 : i32
        %parallel_loop3A_815 = arith.divsi %parallel_loop3A_292, %parallel_loop3A_814 : i32
        %parallel_loop3A_816 = arith.constant 0 : i32
        %parallel_loop3A_817 = arith.cmpi sgt, %parallel_loop3A_292, %parallel_loop3A_816 : i32
        %parallel_loop3A_818 = arith.extui %parallel_loop3A_817 : i1 to i32
        %parallel_loop3A_819 = arith.constant 0 : i32
        %parallel_loop3A_820 = arith.cmpi slt, %parallel_loop3A_292, %parallel_loop3A_819 : i32
        %parallel_loop3A_821 = arith.extui %parallel_loop3A_820 : i1 to i32
        %parallel_loop3A_822 = arith.subi %parallel_loop3A_818, %parallel_loop3A_821 : i32
        %parallel_loop3A_823 = arith.constant 0 : i32
        %parallel_loop3A_824 = arith.cmpi sgt, %parallel_loop3A_814, %parallel_loop3A_823 : i32
        %parallel_loop3A_825 = arith.extui %parallel_loop3A_824 : i1 to i32
        %parallel_loop3A_826 = arith.constant 0 : i32
        %parallel_loop3A_827 = arith.cmpi slt, %parallel_loop3A_814, %parallel_loop3A_826 : i32
        %parallel_loop3A_828 = arith.extui %parallel_loop3A_827 : i1 to i32
        %parallel_loop3A_829 = arith.subi %parallel_loop3A_825, %parallel_loop3A_828 : i32
        %parallel_loop3A_830 = arith.cmpi ne, %parallel_loop3A_822, %parallel_loop3A_829 : i32
        %parallel_loop3A_831 = arith.remsi %parallel_loop3A_292, %parallel_loop3A_814 : i32
        %parallel_loop3A_832 = arith.constant 0 : i32
        %parallel_loop3A_833 = arith.cmpi ne, %parallel_loop3A_831, %parallel_loop3A_832 : i32
        %parallel_loop3A_834 = arith.andi %parallel_loop3A_830, %parallel_loop3A_833 : i1
        %parallel_loop3A_835 = arith.constant 1 : i32
        %parallel_loop3A_836 = arith.subi %parallel_loop3A_815, %parallel_loop3A_835 : i32
        %parallel_loop3A_837 = arith.select %parallel_loop3A_834, %parallel_loop3A_836, %parallel_loop3A_815 : i32
        %parallel_loop3A_838 = arith.constant 64 : i32
        %parallel_loop3A_839 = arith.constant 0 : i32
        %parallel_loop3A_840 = arith.cmpi eq, %parallel_loop3A_838, %parallel_loop3A_839 : i32
        %parallel_loop3A_841 = arith.constant 1 : i32
        %parallel_loop3A_842 = arith.select %parallel_loop3A_840, %parallel_loop3A_841, %parallel_loop3A_838 : i32
        %parallel_loop3A_843 = arith.remsi %parallel_loop3A_292, %parallel_loop3A_842 : i32
        %parallel_loop3A_844 = arith.constant 0 : i32
        %parallel_loop3A_845 = arith.cmpi ne, %parallel_loop3A_843, %parallel_loop3A_844 : i32
        %parallel_loop3A_846 = arith.constant 0 : i32
        %parallel_loop3A_847 = arith.cmpi slt, %parallel_loop3A_843, %parallel_loop3A_846 : i32
        %parallel_loop3A_848 = arith.constant 0 : i32
        %parallel_loop3A_849 = arith.cmpi slt, %parallel_loop3A_842, %parallel_loop3A_848 : i32
        %parallel_loop3A_850 = arith.xori %parallel_loop3A_847, %parallel_loop3A_849 : i1
        %parallel_loop3A_851 = arith.andi %parallel_loop3A_850, %parallel_loop3A_845 : i1
        %parallel_loop3A_852 = arith.addi %parallel_loop3A_843, %parallel_loop3A_842 : i32
        %parallel_loop3A_853 = arith.select %parallel_loop3A_851, %parallel_loop3A_852, %parallel_loop3A_843 : i32
        %parallel_loop3A_854 = arith.constant 0 : i32
        %parallel_loop3A_855 = arith.index_cast %parallel_loop3A_837 : i32 to index
        %parallel_loop3A_856 = arith.index_cast %parallel_loop3A_853 : i32 to index
        %parallel_loop3A_857 = arith.index_cast %parallel_loop3A_854 : i32 to index
        %parallel_loop3A_858 = arith.constant 160 : index
        %parallel_loop3A_859 = tpu.vector_load %arg7[%parallel_loop3A_855, %parallel_loop3A_856, %parallel_loop3A_857, %parallel_loop3A_858] {strides = array<i32>} : memref<2x64x1x256xf32, #tpu.memory_space<vmem>>, vector<16xf32>,
        tpu.vector_store %arg7[%parallel_loop3A_855, %parallel_loop3A_856, %parallel_loop3A_857, %parallel_loop3A_858], %parallel_loop3A_813 {strides = array<i32>} : memref<2x64x1x256xf32, #tpu.memory_space<vmem>>, vector<16xf32>,
        %parallel_loop3A_860 = arith.constant 176 : i32
        %parallel_loop3A_861 = vector.broadcast %parallel_loop3A_860 : i32 to vector<16xi32>
        %parallel_loop3A_862 = arith.addi %parallel_loop3A_298, %parallel_loop3A_861 : vector<16xi32>
        %parallel_loop3A_863 = arith.addi %parallel_loop3A_862, %iota3A : vector<16xi32>
        %parallel_loop3A_864 = tpu.vector_load_idx %arg5[%parallel_loop3A_863] : memref<768xf32, #tpu.memory_space<vmem>>[vector<16xi32>], vector<16xf32>,
        %parallel_loop3A_865 = arith.constant 64 : i32
        %parallel_loop3A_866 = arith.divsi %parallel_loop3A_292, %parallel_loop3A_865 : i32
        %parallel_loop3A_867 = arith.constant 0 : i32
        %parallel_loop3A_868 = arith.cmpi sgt, %parallel_loop3A_292, %parallel_loop3A_867 : i32
        %parallel_loop3A_869 = arith.extui %parallel_loop3A_868 : i1 to i32
        %parallel_loop3A_870 = arith.constant 0 : i32
        %parallel_loop3A_871 = arith.cmpi slt, %parallel_loop3A_292, %parallel_loop3A_870 : i32
        %parallel_loop3A_872 = arith.extui %parallel_loop3A_871 : i1 to i32
        %parallel_loop3A_873 = arith.subi %parallel_loop3A_869, %parallel_loop3A_872 : i32
        %parallel_loop3A_874 = arith.constant 0 : i32
        %parallel_loop3A_875 = arith.cmpi sgt, %parallel_loop3A_865, %parallel_loop3A_874 : i32
        %parallel_loop3A_876 = arith.extui %parallel_loop3A_875 : i1 to i32
        %parallel_loop3A_877 = arith.constant 0 : i32
        %parallel_loop3A_878 = arith.cmpi slt, %parallel_loop3A_865, %parallel_loop3A_877 : i32
        %parallel_loop3A_879 = arith.extui %parallel_loop3A_878 : i1 to i32
        %parallel_loop3A_880 = arith.subi %parallel_loop3A_876, %parallel_loop3A_879 : i32
        %parallel_loop3A_881 = arith.cmpi ne, %parallel_loop3A_873, %parallel_loop3A_880 : i32
        %parallel_loop3A_882 = arith.remsi %parallel_loop3A_292, %parallel_loop3A_865 : i32
        %parallel_loop3A_883 = arith.constant 0 : i32
        %parallel_loop3A_884 = arith.cmpi ne, %parallel_loop3A_882, %parallel_loop3A_883 : i32
        %parallel_loop3A_885 = arith.andi %parallel_loop3A_881, %parallel_loop3A_884 : i1
        %parallel_loop3A_886 = arith.constant 1 : i32
        %parallel_loop3A_887 = arith.subi %parallel_loop3A_866, %parallel_loop3A_886 : i32
        %parallel_loop3A_888 = arith.select %parallel_loop3A_885, %parallel_loop3A_887, %parallel_loop3A_866 : i32
        %parallel_loop3A_889 = arith.constant 64 : i32
        %parallel_loop3A_890 = arith.constant 0 : i32
        %parallel_loop3A_891 = arith.cmpi eq, %parallel_loop3A_889, %parallel_loop3A_890 : i32
        %parallel_loop3A_892 = arith.constant 1 : i32
        %parallel_loop3A_893 = arith.select %parallel_loop3A_891, %parallel_loop3A_892, %parallel_loop3A_889 : i32
        %parallel_loop3A_894 = arith.remsi %parallel_loop3A_292, %parallel_loop3A_893 : i32
        %parallel_loop3A_895 = arith.constant 0 : i32
        %parallel_loop3A_896 = arith.cmpi ne, %parallel_loop3A_894, %parallel_loop3A_895 : i32
        %parallel_loop3A_897 = arith.constant 0 : i32
        %parallel_loop3A_898 = arith.cmpi slt, %parallel_loop3A_894, %parallel_loop3A_897 : i32
        %parallel_loop3A_899 = arith.constant 0 : i32
        %parallel_loop3A_900 = arith.cmpi slt, %parallel_loop3A_893, %parallel_loop3A_899 : i32
        %parallel_loop3A_901 = arith.xori %parallel_loop3A_898, %parallel_loop3A_900 : i1
        %parallel_loop3A_902 = arith.andi %parallel_loop3A_901, %parallel_loop3A_896 : i1
        %parallel_loop3A_903 = arith.addi %parallel_loop3A_894, %parallel_loop3A_893 : i32
        %parallel_loop3A_904 = arith.select %parallel_loop3A_902, %parallel_loop3A_903, %parallel_loop3A_894 : i32
        %parallel_loop3A_905 = arith.constant 0 : i32
        %parallel_loop3A_906 = arith.index_cast %parallel_loop3A_888 : i32 to index
        %parallel_loop3A_907 = arith.index_cast %parallel_loop3A_904 : i32 to index
        %parallel_loop3A_908 = arith.index_cast %parallel_loop3A_905 : i32 to index
        %parallel_loop3A_909 = arith.constant 176 : index
        %parallel_loop3A_910 = tpu.vector_load %arg7[%parallel_loop3A_906, %parallel_loop3A_907, %parallel_loop3A_908, %parallel_loop3A_909] {strides = array<i32>} : memref<2x64x1x256xf32, #tpu.memory_space<vmem>>, vector<16xf32>,
        tpu.vector_store %arg7[%parallel_loop3A_906, %parallel_loop3A_907, %parallel_loop3A_908, %parallel_loop3A_909], %parallel_loop3A_864 {strides = array<i32>} : memref<2x64x1x256xf32, #tpu.memory_space<vmem>>, vector<16xf32>,
        %parallel_loop3A_911 = arith.constant 192 : i32
        %parallel_loop3A_912 = vector.broadcast %parallel_loop3A_911 : i32 to vector<16xi32>
        %parallel_loop3A_913 = arith.addi %parallel_loop3A_298, %parallel_loop3A_912 : vector<16xi32>
        %parallel_loop3A_914 = arith.addi %parallel_loop3A_913, %iota3A : vector<16xi32>
        %parallel_loop3A_915 = tpu.vector_load_idx %arg5[%parallel_loop3A_914] : memref<768xf32, #tpu.memory_space<vmem>>[vector<16xi32>], vector<16xf32>,
        %parallel_loop3A_916 = arith.constant 64 : i32
        %parallel_loop3A_917 = arith.divsi %parallel_loop3A_292, %parallel_loop3A_916 : i32
        %parallel_loop3A_918 = arith.constant 0 : i32
        %parallel_loop3A_919 = arith.cmpi sgt, %parallel_loop3A_292, %parallel_loop3A_918 : i32
        %parallel_loop3A_920 = arith.extui %parallel_loop3A_919 : i1 to i32
        %parallel_loop3A_921 = arith.constant 0 : i32
        %parallel_loop3A_922 = arith.cmpi slt, %parallel_loop3A_292, %parallel_loop3A_921 : i32
        %parallel_loop3A_923 = arith.extui %parallel_loop3A_922 : i1 to i32
        %parallel_loop3A_924 = arith.subi %parallel_loop3A_920, %parallel_loop3A_923 : i32
        %parallel_loop3A_925 = arith.constant 0 : i32
        %parallel_loop3A_926 = arith.cmpi sgt, %parallel_loop3A_916, %parallel_loop3A_925 : i32
        %parallel_loop3A_927 = arith.extui %parallel_loop3A_926 : i1 to i32
        %parallel_loop3A_928 = arith.constant 0 : i32
        %parallel_loop3A_929 = arith.cmpi slt, %parallel_loop3A_916, %parallel_loop3A_928 : i32
        %parallel_loop3A_930 = arith.extui %parallel_loop3A_929 : i1 to i32
        %parallel_loop3A_931 = arith.subi %parallel_loop3A_927, %parallel_loop3A_930 : i32
        %parallel_loop3A_932 = arith.cmpi ne, %parallel_loop3A_924, %parallel_loop3A_931 : i32
        %parallel_loop3A_933 = arith.remsi %parallel_loop3A_292, %parallel_loop3A_916 : i32
        %parallel_loop3A_934 = arith.constant 0 : i32
        %parallel_loop3A_935 = arith.cmpi ne, %parallel_loop3A_933, %parallel_loop3A_934 : i32
        %parallel_loop3A_936 = arith.andi %parallel_loop3A_932, %parallel_loop3A_935 : i1
        %parallel_loop3A_937 = arith.constant 1 : i32
        %parallel_loop3A_938 = arith.subi %parallel_loop3A_917, %parallel_loop3A_937 : i32
        %parallel_loop3A_939 = arith.select %parallel_loop3A_936, %parallel_loop3A_938, %parallel_loop3A_917 : i32
        %parallel_loop3A_940 = arith.constant 64 : i32
        %parallel_loop3A_941 = arith.constant 0 : i32
        %parallel_loop3A_942 = arith.cmpi eq, %parallel_loop3A_940, %parallel_loop3A_941 : i32
        %parallel_loop3A_943 = arith.constant 1 : i32
        %parallel_loop3A_944 = arith.select %parallel_loop3A_942, %parallel_loop3A_943, %parallel_loop3A_940 : i32
        %parallel_loop3A_945 = arith.remsi %parallel_loop3A_292, %parallel_loop3A_944 : i32
        %parallel_loop3A_946 = arith.constant 0 : i32
        %parallel_loop3A_947 = arith.cmpi ne, %parallel_loop3A_945, %parallel_loop3A_946 : i32
        %parallel_loop3A_948 = arith.constant 0 : i32
        %parallel_loop3A_949 = arith.cmpi slt, %parallel_loop3A_945, %parallel_loop3A_948 : i32
        %parallel_loop3A_950 = arith.constant 0 : i32
        %parallel_loop3A_951 = arith.cmpi slt, %parallel_loop3A_944, %parallel_loop3A_950 : i32
        %parallel_loop3A_952 = arith.xori %parallel_loop3A_949, %parallel_loop3A_951 : i1
        %parallel_loop3A_953 = arith.andi %parallel_loop3A_952, %parallel_loop3A_947 : i1
        %parallel_loop3A_954 = arith.addi %parallel_loop3A_945, %parallel_loop3A_944 : i32
        %parallel_loop3A_955 = arith.select %parallel_loop3A_953, %parallel_loop3A_954, %parallel_loop3A_945 : i32
        %parallel_loop3A_956 = arith.constant 0 : i32
        %parallel_loop3A_957 = arith.index_cast %parallel_loop3A_939 : i32 to index
        %parallel_loop3A_958 = arith.index_cast %parallel_loop3A_955 : i32 to index
        %parallel_loop3A_959 = arith.index_cast %parallel_loop3A_956 : i32 to index
        %parallel_loop3A_960 = arith.constant 192 : index
        %parallel_loop3A_961 = tpu.vector_load %arg7[%parallel_loop3A_957, %parallel_loop3A_958, %parallel_loop3A_959, %parallel_loop3A_960] {strides = array<i32>} : memref<2x64x1x256xf32, #tpu.memory_space<vmem>>, vector<16xf32>,
        tpu.vector_store %arg7[%parallel_loop3A_957, %parallel_loop3A_958, %parallel_loop3A_959, %parallel_loop3A_960], %parallel_loop3A_915 {strides = array<i32>} : memref<2x64x1x256xf32, #tpu.memory_space<vmem>>, vector<16xf32>,
        %parallel_loop3A_962 = arith.constant 208 : i32
        %parallel_loop3A_963 = vector.broadcast %parallel_loop3A_962 : i32 to vector<16xi32>
        %parallel_loop3A_964 = arith.addi %parallel_loop3A_298, %parallel_loop3A_963 : vector<16xi32>
        %parallel_loop3A_965 = arith.addi %parallel_loop3A_964, %iota3A : vector<16xi32>
        %parallel_loop3A_966 = tpu.vector_load_idx %arg5[%parallel_loop3A_965] : memref<768xf32, #tpu.memory_space<vmem>>[vector<16xi32>], vector<16xf32>,
        %parallel_loop3A_967 = arith.constant 64 : i32
        %parallel_loop3A_968 = arith.divsi %parallel_loop3A_292, %parallel_loop3A_967 : i32
        %parallel_loop3A_969 = arith.constant 0 : i32
        %parallel_loop3A_970 = arith.cmpi sgt, %parallel_loop3A_292, %parallel_loop3A_969 : i32
        %parallel_loop3A_971 = arith.extui %parallel_loop3A_970 : i1 to i32
        %parallel_loop3A_972 = arith.constant 0 : i32
        %parallel_loop3A_973 = arith.cmpi slt, %parallel_loop3A_292, %parallel_loop3A_972 : i32
        %parallel_loop3A_974 = arith.extui %parallel_loop3A_973 : i1 to i32
        %parallel_loop3A_975 = arith.subi %parallel_loop3A_971, %parallel_loop3A_974 : i32
        %parallel_loop3A_976 = arith.constant 0 : i32
        %parallel_loop3A_977 = arith.cmpi sgt, %parallel_loop3A_967, %parallel_loop3A_976 : i32
        %parallel_loop3A_978 = arith.extui %parallel_loop3A_977 : i1 to i32
        %parallel_loop3A_979 = arith.constant 0 : i32
        %parallel_loop3A_980 = arith.cmpi slt, %parallel_loop3A_967, %parallel_loop3A_979 : i32
        %parallel_loop3A_981 = arith.extui %parallel_loop3A_980 : i1 to i32
        %parallel_loop3A_982 = arith.subi %parallel_loop3A_978, %parallel_loop3A_981 : i32
        %parallel_loop3A_983 = arith.cmpi ne, %parallel_loop3A_975, %parallel_loop3A_982 : i32
        %parallel_loop3A_984 = arith.remsi %parallel_loop3A_292, %parallel_loop3A_967 : i32
        %parallel_loop3A_985 = arith.constant 0 : i32
        %parallel_loop3A_986 = arith.cmpi ne, %parallel_loop3A_984, %parallel_loop3A_985 : i32
        %parallel_loop3A_987 = arith.andi %parallel_loop3A_983, %parallel_loop3A_986 : i1
        %parallel_loop3A_988 = arith.constant 1 : i32
        %parallel_loop3A_989 = arith.subi %parallel_loop3A_968, %parallel_loop3A_988 : i32
        %parallel_loop3A_990 = arith.select %parallel_loop3A_987, %parallel_loop3A_989, %parallel_loop3A_968 : i32
        %parallel_loop3A_991 = arith.constant 64 : i32
        %parallel_loop3A_992 = arith.constant 0 : i32
        %parallel_loop3A_993 = arith.cmpi eq, %parallel_loop3A_991, %parallel_loop3A_992 : i32
        %parallel_loop3A_994 = arith.constant 1 : i32
        %parallel_loop3A_995 = arith.select %parallel_loop3A_993, %parallel_loop3A_994, %parallel_loop3A_991 : i32
        %parallel_loop3A_996 = arith.remsi %parallel_loop3A_292, %parallel_loop3A_995 : i32
        %parallel_loop3A_997 = arith.constant 0 : i32
        %parallel_loop3A_998 = arith.cmpi ne, %parallel_loop3A_996, %parallel_loop3A_997 : i32
        %parallel_loop3A_999 = arith.constant 0 : i32
        %parallel_loop3A_1000 = arith.cmpi slt, %parallel_loop3A_996, %parallel_loop3A_999 : i32
        %parallel_loop3A_1001 = arith.constant 0 : i32
        %parallel_loop3A_1002 = arith.cmpi slt, %parallel_loop3A_995, %parallel_loop3A_1001 : i32
        %parallel_loop3A_1003 = arith.xori %parallel_loop3A_1000, %parallel_loop3A_1002 : i1
        %parallel_loop3A_1004 = arith.andi %parallel_loop3A_1003, %parallel_loop3A_998 : i1
        %parallel_loop3A_1005 = arith.addi %parallel_loop3A_996, %parallel_loop3A_995 : i32
        %parallel_loop3A_1006 = arith.select %parallel_loop3A_1004, %parallel_loop3A_1005, %parallel_loop3A_996 : i32
        %parallel_loop3A_1007 = arith.constant 0 : i32
        %parallel_loop3A_1008 = arith.index_cast %parallel_loop3A_990 : i32 to index
        %parallel_loop3A_1009 = arith.index_cast %parallel_loop3A_1006 : i32 to index
        %parallel_loop3A_1010 = arith.index_cast %parallel_loop3A_1007 : i32 to index
        %parallel_loop3A_1011 = arith.constant 208 : index
        %parallel_loop3A_1012 = tpu.vector_load %arg7[%parallel_loop3A_1008, %parallel_loop3A_1009, %parallel_loop3A_1010, %parallel_loop3A_1011] {strides = array<i32>} : memref<2x64x1x256xf32, #tpu.memory_space<vmem>>, vector<16xf32>,
        tpu.vector_store %arg7[%parallel_loop3A_1008, %parallel_loop3A_1009, %parallel_loop3A_1010, %parallel_loop3A_1011], %parallel_loop3A_966 {strides = array<i32>} : memref<2x64x1x256xf32, #tpu.memory_space<vmem>>, vector<16xf32>,
        %parallel_loop3A_1013 = arith.constant 224 : i32
        %parallel_loop3A_1014 = vector.broadcast %parallel_loop3A_1013 : i32 to vector<16xi32>
        %parallel_loop3A_1015 = arith.addi %parallel_loop3A_298, %parallel_loop3A_1014 : vector<16xi32>
        %parallel_loop3A_1016 = arith.addi %parallel_loop3A_1015, %iota3A : vector<16xi32>
        %parallel_loop3A_1017 = tpu.vector_load_idx %arg5[%parallel_loop3A_1016] : memref<768xf32, #tpu.memory_space<vmem>>[vector<16xi32>], vector<16xf32>,
        %parallel_loop3A_1018 = arith.constant 64 : i32
        %parallel_loop3A_1019 = arith.divsi %parallel_loop3A_292, %parallel_loop3A_1018 : i32
        %parallel_loop3A_1020 = arith.constant 0 : i32
        %parallel_loop3A_1021 = arith.cmpi sgt, %parallel_loop3A_292, %parallel_loop3A_1020 : i32
        %parallel_loop3A_1022 = arith.extui %parallel_loop3A_1021 : i1 to i32
        %parallel_loop3A_1023 = arith.constant 0 : i32
        %parallel_loop3A_1024 = arith.cmpi slt, %parallel_loop3A_292, %parallel_loop3A_1023 : i32
        %parallel_loop3A_1025 = arith.extui %parallel_loop3A_1024 : i1 to i32
        %parallel_loop3A_1026 = arith.subi %parallel_loop3A_1022, %parallel_loop3A_1025 : i32
        %parallel_loop3A_1027 = arith.constant 0 : i32
        %parallel_loop3A_1028 = arith.cmpi sgt, %parallel_loop3A_1018, %parallel_loop3A_1027 : i32
        %parallel_loop3A_1029 = arith.extui %parallel_loop3A_1028 : i1 to i32
        %parallel_loop3A_1030 = arith.constant 0 : i32
        %parallel_loop3A_1031 = arith.cmpi slt, %parallel_loop3A_1018, %parallel_loop3A_1030 : i32
        %parallel_loop3A_1032 = arith.extui %parallel_loop3A_1031 : i1 to i32
        %parallel_loop3A_1033 = arith.subi %parallel_loop3A_1029, %parallel_loop3A_1032 : i32
        %parallel_loop3A_1034 = arith.cmpi ne, %parallel_loop3A_1026, %parallel_loop3A_1033 : i32
        %parallel_loop3A_1035 = arith.remsi %parallel_loop3A_292, %parallel_loop3A_1018 : i32
        %parallel_loop3A_1036 = arith.constant 0 : i32
        %parallel_loop3A_1037 = arith.cmpi ne, %parallel_loop3A_1035, %parallel_loop3A_1036 : i32
        %parallel_loop3A_1038 = arith.andi %parallel_loop3A_1034, %parallel_loop3A_1037 : i1
        %parallel_loop3A_1039 = arith.constant 1 : i32
        %parallel_loop3A_1040 = arith.subi %parallel_loop3A_1019, %parallel_loop3A_1039 : i32
        %parallel_loop3A_1041 = arith.select %parallel_loop3A_1038, %parallel_loop3A_1040, %parallel_loop3A_1019 : i32
        %parallel_loop3A_1042 = arith.constant 64 : i32
        %parallel_loop3A_1043 = arith.constant 0 : i32
        %parallel_loop3A_1044 = arith.cmpi eq, %parallel_loop3A_1042, %parallel_loop3A_1043 : i32
        %parallel_loop3A_1045 = arith.constant 1 : i32
        %parallel_loop3A_1046 = arith.select %parallel_loop3A_1044, %parallel_loop3A_1045, %parallel_loop3A_1042 : i32
        %parallel_loop3A_1047 = arith.remsi %parallel_loop3A_292, %parallel_loop3A_1046 : i32
        %parallel_loop3A_1048 = arith.constant 0 : i32
        %parallel_loop3A_1049 = arith.cmpi ne, %parallel_loop3A_1047, %parallel_loop3A_1048 : i32
        %parallel_loop3A_1050 = arith.constant 0 : i32
        %parallel_loop3A_1051 = arith.cmpi slt, %parallel_loop3A_1047, %parallel_loop3A_1050 : i32
        %parallel_loop3A_1052 = arith.constant 0 : i32
        %parallel_loop3A_1053 = arith.cmpi slt, %parallel_loop3A_1046, %parallel_loop3A_1052 : i32
        %parallel_loop3A_1054 = arith.xori %parallel_loop3A_1051, %parallel_loop3A_1053 : i1
        %parallel_loop3A_1055 = arith.andi %parallel_loop3A_1054, %parallel_loop3A_1049 : i1
        %parallel_loop3A_1056 = arith.addi %parallel_loop3A_1047, %parallel_loop3A_1046 : i32
        %parallel_loop3A_1057 = arith.select %parallel_loop3A_1055, %parallel_loop3A_1056, %parallel_loop3A_1047 : i32
        %parallel_loop3A_1058 = arith.constant 0 : i32
        %parallel_loop3A_1059 = arith.index_cast %parallel_loop3A_1041 : i32 to index
        %parallel_loop3A_1060 = arith.index_cast %parallel_loop3A_1057 : i32 to index
        %parallel_loop3A_1061 = arith.index_cast %parallel_loop3A_1058 : i32 to index
        %parallel_loop3A_1062 = arith.constant 224 : index
        %parallel_loop3A_1063 = tpu.vector_load %arg7[%parallel_loop3A_1059, %parallel_loop3A_1060, %parallel_loop3A_1061, %parallel_loop3A_1062] {strides = array<i32>} : memref<2x64x1x256xf32, #tpu.memory_space<vmem>>, vector<16xf32>,
        tpu.vector_store %arg7[%parallel_loop3A_1059, %parallel_loop3A_1060, %parallel_loop3A_1061, %parallel_loop3A_1062], %parallel_loop3A_1017 {strides = array<i32>} : memref<2x64x1x256xf32, #tpu.memory_space<vmem>>, vector<16xf32>,
        %parallel_loop3A_1064 = arith.constant 240 : i32
        %parallel_loop3A_1065 = vector.broadcast %parallel_loop3A_1064 : i32 to vector<16xi32>
        %parallel_loop3A_1066 = arith.addi %parallel_loop3A_298, %parallel_loop3A_1065 : vector<16xi32>
        %parallel_loop3A_1067 = arith.addi %parallel_loop3A_1066, %iota3A : vector<16xi32>
        %parallel_loop3A_1068 = tpu.vector_load_idx %arg5[%parallel_loop3A_1067] : memref<768xf32, #tpu.memory_space<vmem>>[vector<16xi32>], vector<16xf32>,
        %parallel_loop3A_1069 = arith.constant 64 : i32
        %parallel_loop3A_1070 = arith.divsi %parallel_loop3A_292, %parallel_loop3A_1069 : i32
        %parallel_loop3A_1071 = arith.constant 0 : i32
        %parallel_loop3A_1072 = arith.cmpi sgt, %parallel_loop3A_292, %parallel_loop3A_1071 : i32
        %parallel_loop3A_1073 = arith.extui %parallel_loop3A_1072 : i1 to i32
        %parallel_loop3A_1074 = arith.constant 0 : i32
        %parallel_loop3A_1075 = arith.cmpi slt, %parallel_loop3A_292, %parallel_loop3A_1074 : i32
        %parallel_loop3A_1076 = arith.extui %parallel_loop3A_1075 : i1 to i32
        %parallel_loop3A_1077 = arith.subi %parallel_loop3A_1073, %parallel_loop3A_1076 : i32
        %parallel_loop3A_1078 = arith.constant 0 : i32
        %parallel_loop3A_1079 = arith.cmpi sgt, %parallel_loop3A_1069, %parallel_loop3A_1078 : i32
        %parallel_loop3A_1080 = arith.extui %parallel_loop3A_1079 : i1 to i32
        %parallel_loop3A_1081 = arith.constant 0 : i32
        %parallel_loop3A_1082 = arith.cmpi slt, %parallel_loop3A_1069, %parallel_loop3A_1081 : i32
        %parallel_loop3A_1083 = arith.extui %parallel_loop3A_1082 : i1 to i32
        %parallel_loop3A_1084 = arith.subi %parallel_loop3A_1080, %parallel_loop3A_1083 : i32
        %parallel_loop3A_1085 = arith.cmpi ne, %parallel_loop3A_1077, %parallel_loop3A_1084 : i32
        %parallel_loop3A_1086 = arith.remsi %parallel_loop3A_292, %parallel_loop3A_1069 : i32
        %parallel_loop3A_1087 = arith.constant 0 : i32
        %parallel_loop3A_1088 = arith.cmpi ne, %parallel_loop3A_1086, %parallel_loop3A_1087 : i32
        %parallel_loop3A_1089 = arith.andi %parallel_loop3A_1085, %parallel_loop3A_1088 : i1
        %parallel_loop3A_1090 = arith.constant 1 : i32
        %parallel_loop3A_1091 = arith.subi %parallel_loop3A_1070, %parallel_loop3A_1090 : i32
        %parallel_loop3A_1092 = arith.select %parallel_loop3A_1089, %parallel_loop3A_1091, %parallel_loop3A_1070 : i32
        %parallel_loop3A_1093 = arith.constant 64 : i32
        %parallel_loop3A_1094 = arith.constant 0 : i32
        %parallel_loop3A_1095 = arith.cmpi eq, %parallel_loop3A_1093, %parallel_loop3A_1094 : i32
        %parallel_loop3A_1096 = arith.constant 1 : i32
        %parallel_loop3A_1097 = arith.select %parallel_loop3A_1095, %parallel_loop3A_1096, %parallel_loop3A_1093 : i32
        %parallel_loop3A_1098 = arith.remsi %parallel_loop3A_292, %parallel_loop3A_1097 : i32
        %parallel_loop3A_1099 = arith.constant 0 : i32
        %parallel_loop3A_1100 = arith.cmpi ne, %parallel_loop3A_1098, %parallel_loop3A_1099 : i32
        %parallel_loop3A_1101 = arith.constant 0 : i32
        %parallel_loop3A_1102 = arith.cmpi slt, %parallel_loop3A_1098, %parallel_loop3A_1101 : i32
        %parallel_loop3A_1103 = arith.constant 0 : i32
        %parallel_loop3A_1104 = arith.cmpi slt, %parallel_loop3A_1097, %parallel_loop3A_1103 : i32
        %parallel_loop3A_1105 = arith.xori %parallel_loop3A_1102, %parallel_loop3A_1104 : i1
        %parallel_loop3A_1106 = arith.andi %parallel_loop3A_1105, %parallel_loop3A_1100 : i1
        %parallel_loop3A_1107 = arith.addi %parallel_loop3A_1098, %parallel_loop3A_1097 : i32
        %parallel_loop3A_1108 = arith.select %parallel_loop3A_1106, %parallel_loop3A_1107, %parallel_loop3A_1098 : i32
        %parallel_loop3A_1109 = arith.constant 0 : i32
        %parallel_loop3A_1110 = arith.index_cast %parallel_loop3A_1092 : i32 to index
        %parallel_loop3A_1111 = arith.index_cast %parallel_loop3A_1108 : i32 to index
        %parallel_loop3A_1112 = arith.index_cast %parallel_loop3A_1109 : i32 to index
        %parallel_loop3A_1113 = arith.constant 240 : index
        %parallel_loop3A_1114 = tpu.vector_load %arg7[%parallel_loop3A_1110, %parallel_loop3A_1111, %parallel_loop3A_1112, %parallel_loop3A_1113] {strides = array<i32>} : memref<2x64x1x256xf32, #tpu.memory_space<vmem>>, vector<16xf32>,
        tpu.vector_store %arg7[%parallel_loop3A_1110, %parallel_loop3A_1111, %parallel_loop3A_1112, %parallel_loop3A_1113], %parallel_loop3A_1068 {strides = array<i32>} : memref<2x64x1x256xf32, #tpu.memory_space<vmem>>, vector<16xf32>,
      } {sc.loop_unroll_factor = 2 : i64, sc.parallel_access}
      %add3A_179 = arith.constant 0 : i32
      %add3A_180 = arith.addi %add3A_139, %add3A_179 : i32
      %mul3A_181 = arith.constant 128 : i32
      %mul3A_182 = arith.muli %add3A_180, %mul3A_181 : i32
      %add3A_183 = arith.addi %mul3A_2, %mul3A_182 : i32
      %jit3A_184 = arith.constant 64 : i32
      %div3A_185 = arith.divsi %add3A_183, %jit3A_184 : i32
      %sign3A_186 = arith.constant 0 : i32
      %sign3A_187 = arith.cmpi sgt, %add3A_183, %sign3A_186 : i32
      %sign3A_188 = arith.extui %sign3A_187 : i1 to i32
      %sign3A_189 = arith.constant 0 : i32
      %sign3A_190 = arith.cmpi slt, %add3A_183, %sign3A_189 : i32
      %sign3A_191 = arith.extui %sign3A_190 : i1 to i32
      %sign3A_192 = arith.subi %sign3A_188, %sign3A_191 : i32
      %sign3A_193 = arith.constant 0 : i32
      %sign3A_194 = arith.cmpi sgt, %jit3A_184, %sign3A_193 : i32
      %sign3A_195 = arith.extui %sign3A_194 : i1 to i32
      %sign3A_196 = arith.constant 0 : i32
      %sign3A_197 = arith.cmpi slt, %jit3A_184, %sign3A_196 : i32
      %sign3A_198 = arith.extui %sign3A_197 : i1 to i32
      %sign3A_199 = arith.subi %sign3A_195, %sign3A_198 : i32
      %ne3A_200 = arith.cmpi ne, %sign3A_192, %sign3A_199 : i32
      %rem3A_201 = arith.remsi %add3A_183, %jit3A_184 : i32
      %ne3A_202 = arith.constant 0 : i32
      %ne3A_203 = arith.cmpi ne, %rem3A_201, %ne3A_202 : i32
      %and3A_204 = arith.andi %ne3A_200, %ne3A_203 : i1
      %sub3A_205 = arith.constant 1 : i32
      %sub3A_206 = arith.subi %div3A_185, %sub3A_205 : i32
      %select_n3A_207 = arith.select %and3A_204, %sub3A_206, %div3A_185 : i32
      %dma_start3A_208 = arith.constant 0 : i32
      %dma_start3A_209 = arith.constant 0 : i32
      %dma_start3A_210 = arith.constant 0 : i32
      %dma_start3A_211 = tpu.memref_slice %arg4[%select_n3A_207, %dma_start3A_208, %dma_start3A_209, %dma_start3A_210] : memref<4096x64x1x256xf32, #tpu.memory_space<hbm>> -> memref<2x64x1x256xf32, #tpu.memory_space<hbm>>
      %dma_start3A_212 = arith.constant 0 : i32
      %dma_start3A_213 = arith.constant 0 : i32
      %dma_start3A_214 = arith.constant 0 : i32
      %dma_start3A_215 = tpu.memref_slice %arg4[%select_n3A_207, %dma_start3A_212, %dma_start3A_213, %dma_start3A_214] : memref<4096x64x1x256xf32, #tpu.memory_space<hbm>> -> memref<2x64x1x256xf32, #tpu.memory_space<hbm>>
      tpu.enqueue_dma source(%arg7 : memref<2x64x1x256xf32, #tpu.memory_space<vmem>>) target(%dma_start3A_215 : memref<2x64x1x256xf32, #tpu.memory_space<hbm>>) target_semaphore(%arg9 : memref<!tpu.dma_semaphore, #tpu.memory_space<semaphore_mem>>)
      %jit3A_216 = arith.constant 64 : i32
      %div3A_217 = arith.divsi %mul3A_2, %jit3A_216 : i32
      %sign3A_218 = arith.constant 0 : i32
      %sign3A_219 = arith.cmpi sgt, %mul3A_2, %sign3A_218 : i32
      %sign3A_220 = arith.extui %sign3A_219 : i1 to i32
      %sign3A_221 = arith.constant 0 : i32
      %sign3A_222 = arith.cmpi slt, %mul3A_2, %sign3A_221 : i32
      %sign3A_223 = arith.extui %sign3A_222 : i1 to i32
      %sign3A_224 = arith.subi %sign3A_220, %sign3A_223 : i32
      %sign3A_225 = arith.constant 0 : i32
      %sign3A_226 = arith.cmpi sgt, %jit3A_216, %sign3A_225 : i32
      %sign3A_227 = arith.extui %sign3A_226 : i1 to i32
      %sign3A_228 = arith.constant 0 : i32
      %sign3A_229 = arith.cmpi slt, %jit3A_216, %sign3A_228 : i32
      %sign3A_230 = arith.extui %sign3A_229 : i1 to i32
      %sign3A_231 = arith.subi %sign3A_227, %sign3A_230 : i32
      %ne3A_232 = arith.cmpi ne, %sign3A_224, %sign3A_231 : i32
      %rem3A_233 = arith.remsi %mul3A_2, %jit3A_216 : i32
      %ne3A_234 = arith.constant 0 : i32
      %ne3A_235 = arith.cmpi ne, %rem3A_233, %ne3A_234 : i32
      %and3A_236 = arith.andi %ne3A_232, %ne3A_235 : i1
      %sub3A_237 = arith.constant 1 : i32
      %sub3A_238 = arith.subi %div3A_217, %sub3A_237 : i32
      %select_n3A_239 = arith.select %and3A_236, %sub3A_238, %div3A_217 : i32
      %dma_wait3A_240 = arith.constant 0 : i32
      %dma_wait3A_241 = arith.constant 0 : i32
      %dma_wait3A_242 = arith.constant 0 : i32
      %dma_wait3A_243 = tpu.memref_slice %arg4[%select_n3A_239, %dma_wait3A_240, %dma_wait3A_241, %dma_wait3A_242] : memref<4096x64x1x256xf32, #tpu.memory_space<hbm>> -> memref<2x64x1x256xf32, #tpu.memory_space<hbm>>
      %dma_wait3A_244 = arith.constant 0 : i32
      %dma_wait3A_245 = arith.constant 0 : i32
      %dma_wait3A_246 = arith.constant 0 : i32
      %dma_wait3A_247 = tpu.memref_slice %arg4[%select_n3A_239, %dma_wait3A_244, %dma_wait3A_245, %dma_wait3A_246] : memref<4096x64x1x256xf32, #tpu.memory_space<hbm>> -> memref<2x64x1x256xf32, #tpu.memory_space<hbm>>
      tpu.wait_dma2 semaphore(%arg10 : memref<!tpu.dma_semaphore, #tpu.memory_space<semaphore_mem>>) src(%arg8 : memref<2x64x1x256xf32, #tpu.memory_space<vmem>>) dst(%dma_wait3A_247 : memref<2x64x1x256xf32, #tpu.memory_space<hbm>>)
      %add3A_248 = arith.constant 1 : i32
      %add3A_249 = arith.addi %add3A_139, %add3A_248 : i32
      %mul3A_250 = arith.constant 128 : i32
      %mul3A_251 = arith.muli %add3A_249, %mul3A_250 : i32
      %parallel_loop3A_252 = arith.constant 0 : i32
      %parallel_loop3A_253 = arith.constant 128 : i32
      %parallel_loop3A_254 = arith.constant 1 : i32
      scf.for %parallel_loop3A_292 = %parallel_loop3A_252 to %parallel_loop3A_253 step %parallel_loop3A_254  : i32 {
        %parallel_loop3A_293 = arith.addi %mul3A_251, %parallel_loop3A_292 : i32
        %parallel_loop3A_294 = vector.broadcast %parallel_loop3A_293 : i32 to vector<16xi32>
        %parallel_loop3A_295 = tpu.vector_load_idx %arg6[%parallel_loop3A_294] : memref<8192xi32, #tpu.memory_space<vmem>>[vector<16xi32>], vector<16xi32>,
        %parallel_loop3A_296 = arith.constant 8 : i32
        %parallel_loop3A_297 = vector.broadcast %parallel_loop3A_296 : i32 to vector<16xi32>
        %parallel_loop3A_298 = arith.shli %parallel_loop3A_295, %parallel_loop3A_297 : vector<16xi32>
        %parallel_loop3A_299 = arith.constant 0 : i32
        %parallel_loop3A_300 = vector.broadcast %parallel_loop3A_299 : i32 to vector<16xi32>
        %parallel_loop3A_301 = arith.addi %parallel_loop3A_298, %parallel_loop3A_300 : vector<16xi32>
        %parallel_loop3A_302 = arith.addi %parallel_loop3A_301, %iota3A : vector<16xi32>
        %parallel_loop3A_303 = tpu.vector_load_idx %arg5[%parallel_loop3A_302] : memref<768xf32, #tpu.memory_space<vmem>>[vector<16xi32>], vector<16xf32>,
        %parallel_loop3A_304 = arith.constant 64 : i32
        %parallel_loop3A_305 = arith.divsi %parallel_loop3A_292, %parallel_loop3A_304 : i32
        %parallel_loop3A_306 = arith.constant 0 : i32
        %parallel_loop3A_307 = arith.cmpi sgt, %parallel_loop3A_292, %parallel_loop3A_306 : i32
        %parallel_loop3A_308 = arith.extui %parallel_loop3A_307 : i1 to i32
        %parallel_loop3A_309 = arith.constant 0 : i32
        %parallel_loop3A_310 = arith.cmpi slt, %parallel_loop3A_292, %parallel_loop3A_309 : i32
        %parallel_loop3A_311 = arith.extui %parallel_loop3A_310 : i1 to i32
        %parallel_loop3A_312 = arith.subi %parallel_loop3A_308, %parallel_loop3A_311 : i32
        %parallel_loop3A_313 = arith.constant 0 : i32
        %parallel_loop3A_314 = arith.cmpi sgt, %parallel_loop3A_304, %parallel_loop3A_313 : i32
        %parallel_loop3A_315 = arith.extui %parallel_loop3A_314 : i1 to i32
        %parallel_loop3A_316 = arith.constant 0 : i32
        %parallel_loop3A_317 = arith.cmpi slt, %parallel_loop3A_304, %parallel_loop3A_316 : i32
        %parallel_loop3A_318 = arith.extui %parallel_loop3A_317 : i1 to i32
        %parallel_loop3A_319 = arith.subi %parallel_loop3A_315, %parallel_loop3A_318 : i32
        %parallel_loop3A_320 = arith.cmpi ne, %parallel_loop3A_312, %parallel_loop3A_319 : i32
        %parallel_loop3A_321 = arith.remsi %parallel_loop3A_292, %parallel_loop3A_304 : i32
        %parallel_loop3A_322 = arith.constant 0 : i32
        %parallel_loop3A_323 = arith.cmpi ne, %parallel_loop3A_321, %parallel_loop3A_322 : i32
        %parallel_loop3A_324 = arith.andi %parallel_loop3A_320, %parallel_loop3A_323 : i1
        %parallel_loop3A_325 = arith.constant 1 : i32
        %parallel_loop3A_326 = arith.subi %parallel_loop3A_305, %parallel_loop3A_325 : i32
        %parallel_loop3A_327 = arith.select %parallel_loop3A_324, %parallel_loop3A_326, %parallel_loop3A_305 : i32
        %parallel_loop3A_328 = arith.constant 64 : i32
        %parallel_loop3A_329 = arith.constant 0 : i32
        %parallel_loop3A_330 = arith.cmpi eq, %parallel_loop3A_328, %parallel_loop3A_329 : i32
        %parallel_loop3A_331 = arith.constant 1 : i32
        %parallel_loop3A_332 = arith.select %parallel_loop3A_330, %parallel_loop3A_331, %parallel_loop3A_328 : i32
        %parallel_loop3A_333 = arith.remsi %parallel_loop3A_292, %parallel_loop3A_332 : i32
        %parallel_loop3A_334 = arith.constant 0 : i32
        %parallel_loop3A_335 = arith.cmpi ne, %parallel_loop3A_333, %parallel_loop3A_334 : i32
        %parallel_loop3A_336 = arith.constant 0 : i32
        %parallel_loop3A_337 = arith.cmpi slt, %parallel_loop3A_333, %parallel_loop3A_336 : i32
        %parallel_loop3A_338 = arith.constant 0 : i32
        %parallel_loop3A_339 = arith.cmpi slt, %parallel_loop3A_332, %parallel_loop3A_338 : i32
        %parallel_loop3A_340 = arith.xori %parallel_loop3A_337, %parallel_loop3A_339 : i1
        %parallel_loop3A_341 = arith.andi %parallel_loop3A_340, %parallel_loop3A_335 : i1
        %parallel_loop3A_342 = arith.addi %parallel_loop3A_333, %parallel_loop3A_332 : i32
        %parallel_loop3A_343 = arith.select %parallel_loop3A_341, %parallel_loop3A_342, %parallel_loop3A_333 : i32
        %parallel_loop3A_344 = arith.constant 0 : i32
        %parallel_loop3A_345 = arith.index_cast %parallel_loop3A_327 : i32 to index
        %parallel_loop3A_346 = arith.index_cast %parallel_loop3A_343 : i32 to index
        %parallel_loop3A_347 = arith.index_cast %parallel_loop3A_344 : i32 to index
        %parallel_loop3A_348 = arith.constant 0 : index
        %parallel_loop3A_349 = tpu.vector_load %arg8[%parallel_loop3A_345, %parallel_loop3A_346, %parallel_loop3A_347, %parallel_loop3A_348] {strides = array<i32>} : memref<2x64x1x256xf32, #tpu.memory_space<vmem>>, vector<16xf32>,
        tpu.vector_store %arg8[%parallel_loop3A_345, %parallel_loop3A_346, %parallel_loop3A_347, %parallel_loop3A_348], %parallel_loop3A_303 {strides = array<i32>} : memref<2x64x1x256xf32, #tpu.memory_space<vmem>>, vector<16xf32>,
        %parallel_loop3A_350 = arith.constant 16 : i32
        %parallel_loop3A_351 = vector.broadcast %parallel_loop3A_350 : i32 to vector<16xi32>
        %parallel_loop3A_352 = arith.addi %parallel_loop3A_298, %parallel_loop3A_351 : vector<16xi32>
        %parallel_loop3A_353 = arith.addi %parallel_loop3A_352, %iota3A : vector<16xi32>
        %parallel_loop3A_354 = tpu.vector_load_idx %arg5[%parallel_loop3A_353] : memref<768xf32, #tpu.memory_space<vmem>>[vector<16xi32>], vector<16xf32>,
        %parallel_loop3A_355 = arith.constant 64 : i32
        %parallel_loop3A_356 = arith.divsi %parallel_loop3A_292, %parallel_loop3A_355 : i32
        %parallel_loop3A_357 = arith.constant 0 : i32
        %parallel_loop3A_358 = arith.cmpi sgt, %parallel_loop3A_292, %parallel_loop3A_357 : i32
        %parallel_loop3A_359 = arith.extui %parallel_loop3A_358 : i1 to i32
        %parallel_loop3A_360 = arith.constant 0 : i32
        %parallel_loop3A_361 = arith.cmpi slt, %parallel_loop3A_292, %parallel_loop3A_360 : i32
        %parallel_loop3A_362 = arith.extui %parallel_loop3A_361 : i1 to i32
        %parallel_loop3A_363 = arith.subi %parallel_loop3A_359, %parallel_loop3A_362 : i32
        %parallel_loop3A_364 = arith.constant 0 : i32
        %parallel_loop3A_365 = arith.cmpi sgt, %parallel_loop3A_355, %parallel_loop3A_364 : i32
        %parallel_loop3A_366 = arith.extui %parallel_loop3A_365 : i1 to i32
        %parallel_loop3A_367 = arith.constant 0 : i32
        %parallel_loop3A_368 = arith.cmpi slt, %parallel_loop3A_355, %parallel_loop3A_367 : i32
        %parallel_loop3A_369 = arith.extui %parallel_loop3A_368 : i1 to i32
        %parallel_loop3A_370 = arith.subi %parallel_loop3A_366, %parallel_loop3A_369 : i32
        %parallel_loop3A_371 = arith.cmpi ne, %parallel_loop3A_363, %parallel_loop3A_370 : i32
        %parallel_loop3A_372 = arith.remsi %parallel_loop3A_292, %parallel_loop3A_355 : i32
        %parallel_loop3A_373 = arith.constant 0 : i32
        %parallel_loop3A_374 = arith.cmpi ne, %parallel_loop3A_372, %parallel_loop3A_373 : i32
        %parallel_loop3A_375 = arith.andi %parallel_loop3A_371, %parallel_loop3A_374 : i1
        %parallel_loop3A_376 = arith.constant 1 : i32
        %parallel_loop3A_377 = arith.subi %parallel_loop3A_356, %parallel_loop3A_376 : i32
        %parallel_loop3A_378 = arith.select %parallel_loop3A_375, %parallel_loop3A_377, %parallel_loop3A_356 : i32
        %parallel_loop3A_379 = arith.constant 64 : i32
        %parallel_loop3A_380 = arith.constant 0 : i32
        %parallel_loop3A_381 = arith.cmpi eq, %parallel_loop3A_379, %parallel_loop3A_380 : i32
        %parallel_loop3A_382 = arith.constant 1 : i32
        %parallel_loop3A_383 = arith.select %parallel_loop3A_381, %parallel_loop3A_382, %parallel_loop3A_379 : i32
        %parallel_loop3A_384 = arith.remsi %parallel_loop3A_292, %parallel_loop3A_383 : i32
        %parallel_loop3A_385 = arith.constant 0 : i32
        %parallel_loop3A_386 = arith.cmpi ne, %parallel_loop3A_384, %parallel_loop3A_385 : i32
        %parallel_loop3A_387 = arith.constant 0 : i32
        %parallel_loop3A_388 = arith.cmpi slt, %parallel_loop3A_384, %parallel_loop3A_387 : i32
        %parallel_loop3A_389 = arith.constant 0 : i32
        %parallel_loop3A_390 = arith.cmpi slt, %parallel_loop3A_383, %parallel_loop3A_389 : i32
        %parallel_loop3A_391 = arith.xori %parallel_loop3A_388, %parallel_loop3A_390 : i1
        %parallel_loop3A_392 = arith.andi %parallel_loop3A_391, %parallel_loop3A_386 : i1
        %parallel_loop3A_393 = arith.addi %parallel_loop3A_384, %parallel_loop3A_383 : i32
        %parallel_loop3A_394 = arith.select %parallel_loop3A_392, %parallel_loop3A_393, %parallel_loop3A_384 : i32
        %parallel_loop3A_395 = arith.constant 0 : i32
        %parallel_loop3A_396 = arith.index_cast %parallel_loop3A_378 : i32 to index
        %parallel_loop3A_397 = arith.index_cast %parallel_loop3A_394 : i32 to index
        %parallel_loop3A_398 = arith.index_cast %parallel_loop3A_395 : i32 to index
        %parallel_loop3A_399 = arith.constant 16 : index
        %parallel_loop3A_400 = tpu.vector_load %arg8[%parallel_loop3A_396, %parallel_loop3A_397, %parallel_loop3A_398, %parallel_loop3A_399] {strides = array<i32>} : memref<2x64x1x256xf32, #tpu.memory_space<vmem>>, vector<16xf32>,
        tpu.vector_store %arg8[%parallel_loop3A_396, %parallel_loop3A_397, %parallel_loop3A_398, %parallel_loop3A_399], %parallel_loop3A_354 {strides = array<i32>} : memref<2x64x1x256xf32, #tpu.memory_space<vmem>>, vector<16xf32>,
        %parallel_loop3A_401 = arith.constant 32 : i32
        %parallel_loop3A_402 = vector.broadcast %parallel_loop3A_401 : i32 to vector<16xi32>
        %parallel_loop3A_403 = arith.addi %parallel_loop3A_298, %parallel_loop3A_402 : vector<16xi32>
        %parallel_loop3A_404 = arith.addi %parallel_loop3A_403, %iota3A : vector<16xi32>
        %parallel_loop3A_405 = tpu.vector_load_idx %arg5[%parallel_loop3A_404] : memref<768xf32, #tpu.memory_space<vmem>>[vector<16xi32>], vector<16xf32>,
        %parallel_loop3A_406 = arith.constant 64 : i32
        %parallel_loop3A_407 = arith.divsi %parallel_loop3A_292, %parallel_loop3A_406 : i32
        %parallel_loop3A_408 = arith.constant 0 : i32
        %parallel_loop3A_409 = arith.cmpi sgt, %parallel_loop3A_292, %parallel_loop3A_408 : i32
        %parallel_loop3A_410 = arith.extui %parallel_loop3A_409 : i1 to i32
        %parallel_loop3A_411 = arith.constant 0 : i32
        %parallel_loop3A_412 = arith.cmpi slt, %parallel_loop3A_292, %parallel_loop3A_411 : i32
        %parallel_loop3A_413 = arith.extui %parallel_loop3A_412 : i1 to i32
        %parallel_loop3A_414 = arith.subi %parallel_loop3A_410, %parallel_loop3A_413 : i32
        %parallel_loop3A_415 = arith.constant 0 : i32
        %parallel_loop3A_416 = arith.cmpi sgt, %parallel_loop3A_406, %parallel_loop3A_415 : i32
        %parallel_loop3A_417 = arith.extui %parallel_loop3A_416 : i1 to i32
        %parallel_loop3A_418 = arith.constant 0 : i32
        %parallel_loop3A_419 = arith.cmpi slt, %parallel_loop3A_406, %parallel_loop3A_418 : i32
        %parallel_loop3A_420 = arith.extui %parallel_loop3A_419 : i1 to i32
        %parallel_loop3A_421 = arith.subi %parallel_loop3A_417, %parallel_loop3A_420 : i32
        %parallel_loop3A_422 = arith.cmpi ne, %parallel_loop3A_414, %parallel_loop3A_421 : i32
        %parallel_loop3A_423 = arith.remsi %parallel_loop3A_292, %parallel_loop3A_406 : i32
        %parallel_loop3A_424 = arith.constant 0 : i32
        %parallel_loop3A_425 = arith.cmpi ne, %parallel_loop3A_423, %parallel_loop3A_424 : i32
        %parallel_loop3A_426 = arith.andi %parallel_loop3A_422, %parallel_loop3A_425 : i1
        %parallel_loop3A_427 = arith.constant 1 : i32
        %parallel_loop3A_428 = arith.subi %parallel_loop3A_407, %parallel_loop3A_427 : i32
        %parallel_loop3A_429 = arith.select %parallel_loop3A_426, %parallel_loop3A_428, %parallel_loop3A_407 : i32
        %parallel_loop3A_430 = arith.constant 64 : i32
        %parallel_loop3A_431 = arith.constant 0 : i32
        %parallel_loop3A_432 = arith.cmpi eq, %parallel_loop3A_430, %parallel_loop3A_431 : i32
        %parallel_loop3A_433 = arith.constant 1 : i32
        %parallel_loop3A_434 = arith.select %parallel_loop3A_432, %parallel_loop3A_433, %parallel_loop3A_430 : i32
        %parallel_loop3A_435 = arith.remsi %parallel_loop3A_292, %parallel_loop3A_434 : i32
        %parallel_loop3A_436 = arith.constant 0 : i32
        %parallel_loop3A_437 = arith.cmpi ne, %parallel_loop3A_435, %parallel_loop3A_436 : i32
        %parallel_loop3A_438 = arith.constant 0 : i32
        %parallel_loop3A_439 = arith.cmpi slt, %parallel_loop3A_435, %parallel_loop3A_438 : i32
        %parallel_loop3A_440 = arith.constant 0 : i32
        %parallel_loop3A_441 = arith.cmpi slt, %parallel_loop3A_434, %parallel_loop3A_440 : i32
        %parallel_loop3A_442 = arith.xori %parallel_loop3A_439, %parallel_loop3A_441 : i1
        %parallel_loop3A_443 = arith.andi %parallel_loop3A_442, %parallel_loop3A_437 : i1
        %parallel_loop3A_444 = arith.addi %parallel_loop3A_435, %parallel_loop3A_434 : i32
        %parallel_loop3A_445 = arith.select %parallel_loop3A_443, %parallel_loop3A_444, %parallel_loop3A_435 : i32
        %parallel_loop3A_446 = arith.constant 0 : i32
        %parallel_loop3A_447 = arith.index_cast %parallel_loop3A_429 : i32 to index
        %parallel_loop3A_448 = arith.index_cast %parallel_loop3A_445 : i32 to index
        %parallel_loop3A_449 = arith.index_cast %parallel_loop3A_446 : i32 to index
        %parallel_loop3A_450 = arith.constant 32 : index
        %parallel_loop3A_451 = tpu.vector_load %arg8[%parallel_loop3A_447, %parallel_loop3A_448, %parallel_loop3A_449, %parallel_loop3A_450] {strides = array<i32>} : memref<2x64x1x256xf32, #tpu.memory_space<vmem>>, vector<16xf32>,
        tpu.vector_store %arg8[%parallel_loop3A_447, %parallel_loop3A_448, %parallel_loop3A_449, %parallel_loop3A_450], %parallel_loop3A_405 {strides = array<i32>} : memref<2x64x1x256xf32, #tpu.memory_space<vmem>>, vector<16xf32>,
        %parallel_loop3A_452 = arith.constant 48 : i32
        %parallel_loop3A_453 = vector.broadcast %parallel_loop3A_452 : i32 to vector<16xi32>
        %parallel_loop3A_454 = arith.addi %parallel_loop3A_298, %parallel_loop3A_453 : vector<16xi32>
        %parallel_loop3A_455 = arith.addi %parallel_loop3A_454, %iota3A : vector<16xi32>
        %parallel_loop3A_456 = tpu.vector_load_idx %arg5[%parallel_loop3A_455] : memref<768xf32, #tpu.memory_space<vmem>>[vector<16xi32>], vector<16xf32>,
        %parallel_loop3A_457 = arith.constant 64 : i32
        %parallel_loop3A_458 = arith.divsi %parallel_loop3A_292, %parallel_loop3A_457 : i32
        %parallel_loop3A_459 = arith.constant 0 : i32
        %parallel_loop3A_460 = arith.cmpi sgt, %parallel_loop3A_292, %parallel_loop3A_459 : i32
        %parallel_loop3A_461 = arith.extui %parallel_loop3A_460 : i1 to i32
        %parallel_loop3A_462 = arith.constant 0 : i32
        %parallel_loop3A_463 = arith.cmpi slt, %parallel_loop3A_292, %parallel_loop3A_462 : i32
        %parallel_loop3A_464 = arith.extui %parallel_loop3A_463 : i1 to i32
        %parallel_loop3A_465 = arith.subi %parallel_loop3A_461, %parallel_loop3A_464 : i32
        %parallel_loop3A_466 = arith.constant 0 : i32
        %parallel_loop3A_467 = arith.cmpi sgt, %parallel_loop3A_457, %parallel_loop3A_466 : i32
        %parallel_loop3A_468 = arith.extui %parallel_loop3A_467 : i1 to i32
        %parallel_loop3A_469 = arith.constant 0 : i32
        %parallel_loop3A_470 = arith.cmpi slt, %parallel_loop3A_457, %parallel_loop3A_469 : i32
        %parallel_loop3A_471 = arith.extui %parallel_loop3A_470 : i1 to i32
        %parallel_loop3A_472 = arith.subi %parallel_loop3A_468, %parallel_loop3A_471 : i32
        %parallel_loop3A_473 = arith.cmpi ne, %parallel_loop3A_465, %parallel_loop3A_472 : i32
        %parallel_loop3A_474 = arith.remsi %parallel_loop3A_292, %parallel_loop3A_457 : i32
        %parallel_loop3A_475 = arith.constant 0 : i32
        %parallel_loop3A_476 = arith.cmpi ne, %parallel_loop3A_474, %parallel_loop3A_475 : i32
        %parallel_loop3A_477 = arith.andi %parallel_loop3A_473, %parallel_loop3A_476 : i1
        %parallel_loop3A_478 = arith.constant 1 : i32
        %parallel_loop3A_479 = arith.subi %parallel_loop3A_458, %parallel_loop3A_478 : i32
        %parallel_loop3A_480 = arith.select %parallel_loop3A_477, %parallel_loop3A_479, %parallel_loop3A_458 : i32
        %parallel_loop3A_481 = arith.constant 64 : i32
        %parallel_loop3A_482 = arith.constant 0 : i32
        %parallel_loop3A_483 = arith.cmpi eq, %parallel_loop3A_481, %parallel_loop3A_482 : i32
        %parallel_loop3A_484 = arith.constant 1 : i32
        %parallel_loop3A_485 = arith.select %parallel_loop3A_483, %parallel_loop3A_484, %parallel_loop3A_481 : i32
        %parallel_loop3A_486 = arith.remsi %parallel_loop3A_292, %parallel_loop3A_485 : i32
        %parallel_loop3A_487 = arith.constant 0 : i32
        %parallel_loop3A_488 = arith.cmpi ne, %parallel_loop3A_486, %parallel_loop3A_487 : i32
        %parallel_loop3A_489 = arith.constant 0 : i32
        %parallel_loop3A_490 = arith.cmpi slt, %parallel_loop3A_486, %parallel_loop3A_489 : i32
        %parallel_loop3A_491 = arith.constant 0 : i32
        %parallel_loop3A_492 = arith.cmpi slt, %parallel_loop3A_485, %parallel_loop3A_491 : i32
        %parallel_loop3A_493 = arith.xori %parallel_loop3A_490, %parallel_loop3A_492 : i1
        %parallel_loop3A_494 = arith.andi %parallel_loop3A_493, %parallel_loop3A_488 : i1
        %parallel_loop3A_495 = arith.addi %parallel_loop3A_486, %parallel_loop3A_485 : i32
        %parallel_loop3A_496 = arith.select %parallel_loop3A_494, %parallel_loop3A_495, %parallel_loop3A_486 : i32
        %parallel_loop3A_497 = arith.constant 0 : i32
        %parallel_loop3A_498 = arith.index_cast %parallel_loop3A_480 : i32 to index
        %parallel_loop3A_499 = arith.index_cast %parallel_loop3A_496 : i32 to index
        %parallel_loop3A_500 = arith.index_cast %parallel_loop3A_497 : i32 to index
        %parallel_loop3A_501 = arith.constant 48 : index
        %parallel_loop3A_502 = tpu.vector_load %arg8[%parallel_loop3A_498, %parallel_loop3A_499, %parallel_loop3A_500, %parallel_loop3A_501] {strides = array<i32>} : memref<2x64x1x256xf32, #tpu.memory_space<vmem>>, vector<16xf32>,
        tpu.vector_store %arg8[%parallel_loop3A_498, %parallel_loop3A_499, %parallel_loop3A_500, %parallel_loop3A_501], %parallel_loop3A_456 {strides = array<i32>} : memref<2x64x1x256xf32, #tpu.memory_space<vmem>>, vector<16xf32>,
        %parallel_loop3A_503 = arith.constant 64 : i32
        %parallel_loop3A_504 = vector.broadcast %parallel_loop3A_503 : i32 to vector<16xi32>
        %parallel_loop3A_505 = arith.addi %parallel_loop3A_298, %parallel_loop3A_504 : vector<16xi32>
        %parallel_loop3A_506 = arith.addi %parallel_loop3A_505, %iota3A : vector<16xi32>
        %parallel_loop3A_507 = tpu.vector_load_idx %arg5[%parallel_loop3A_506] : memref<768xf32, #tpu.memory_space<vmem>>[vector<16xi32>], vector<16xf32>,
        %parallel_loop3A_508 = arith.constant 64 : i32
        %parallel_loop3A_509 = arith.divsi %parallel_loop3A_292, %parallel_loop3A_508 : i32
        %parallel_loop3A_510 = arith.constant 0 : i32
        %parallel_loop3A_511 = arith.cmpi sgt, %parallel_loop3A_292, %parallel_loop3A_510 : i32
        %parallel_loop3A_512 = arith.extui %parallel_loop3A_511 : i1 to i32
        %parallel_loop3A_513 = arith.constant 0 : i32
        %parallel_loop3A_514 = arith.cmpi slt, %parallel_loop3A_292, %parallel_loop3A_513 : i32
        %parallel_loop3A_515 = arith.extui %parallel_loop3A_514 : i1 to i32
        %parallel_loop3A_516 = arith.subi %parallel_loop3A_512, %parallel_loop3A_515 : i32
        %parallel_loop3A_517 = arith.constant 0 : i32
        %parallel_loop3A_518 = arith.cmpi sgt, %parallel_loop3A_508, %parallel_loop3A_517 : i32
        %parallel_loop3A_519 = arith.extui %parallel_loop3A_518 : i1 to i32
        %parallel_loop3A_520 = arith.constant 0 : i32
        %parallel_loop3A_521 = arith.cmpi slt, %parallel_loop3A_508, %parallel_loop3A_520 : i32
        %parallel_loop3A_522 = arith.extui %parallel_loop3A_521 : i1 to i32
        %parallel_loop3A_523 = arith.subi %parallel_loop3A_519, %parallel_loop3A_522 : i32
        %parallel_loop3A_524 = arith.cmpi ne, %parallel_loop3A_516, %parallel_loop3A_523 : i32
        %parallel_loop3A_525 = arith.remsi %parallel_loop3A_292, %parallel_loop3A_508 : i32
        %parallel_loop3A_526 = arith.constant 0 : i32
        %parallel_loop3A_527 = arith.cmpi ne, %parallel_loop3A_525, %parallel_loop3A_526 : i32
        %parallel_loop3A_528 = arith.andi %parallel_loop3A_524, %parallel_loop3A_527 : i1
        %parallel_loop3A_529 = arith.constant 1 : i32
        %parallel_loop3A_530 = arith.subi %parallel_loop3A_509, %parallel_loop3A_529 : i32
        %parallel_loop3A_531 = arith.select %parallel_loop3A_528, %parallel_loop3A_530, %parallel_loop3A_509 : i32
        %parallel_loop3A_532 = arith.constant 64 : i32
        %parallel_loop3A_533 = arith.constant 0 : i32
        %parallel_loop3A_534 = arith.cmpi eq, %parallel_loop3A_532, %parallel_loop3A_533 : i32
        %parallel_loop3A_535 = arith.constant 1 : i32
        %parallel_loop3A_536 = arith.select %parallel_loop3A_534, %parallel_loop3A_535, %parallel_loop3A_532 : i32
        %parallel_loop3A_537 = arith.remsi %parallel_loop3A_292, %parallel_loop3A_536 : i32
        %parallel_loop3A_538 = arith.constant 0 : i32
        %parallel_loop3A_539 = arith.cmpi ne, %parallel_loop3A_537, %parallel_loop3A_538 : i32
        %parallel_loop3A_540 = arith.constant 0 : i32
        %parallel_loop3A_541 = arith.cmpi slt, %parallel_loop3A_537, %parallel_loop3A_540 : i32
        %parallel_loop3A_542 = arith.constant 0 : i32
        %parallel_loop3A_543 = arith.cmpi slt, %parallel_loop3A_536, %parallel_loop3A_542 : i32
        %parallel_loop3A_544 = arith.xori %parallel_loop3A_541, %parallel_loop3A_543 : i1
        %parallel_loop3A_545 = arith.andi %parallel_loop3A_544, %parallel_loop3A_539 : i1
        %parallel_loop3A_546 = arith.addi %parallel_loop3A_537, %parallel_loop3A_536 : i32
        %parallel_loop3A_547 = arith.select %parallel_loop3A_545, %parallel_loop3A_546, %parallel_loop3A_537 : i32
        %parallel_loop3A_548 = arith.constant 0 : i32
        %parallel_loop3A_549 = arith.index_cast %parallel_loop3A_531 : i32 to index
        %parallel_loop3A_550 = arith.index_cast %parallel_loop3A_547 : i32 to index
        %parallel_loop3A_551 = arith.index_cast %parallel_loop3A_548 : i32 to index
        %parallel_loop3A_552 = arith.constant 64 : index
        %parallel_loop3A_553 = tpu.vector_load %arg8[%parallel_loop3A_549, %parallel_loop3A_550, %parallel_loop3A_551, %parallel_loop3A_552] {strides = array<i32>} : memref<2x64x1x256xf32, #tpu.memory_space<vmem>>, vector<16xf32>,
        tpu.vector_store %arg8[%parallel_loop3A_549, %parallel_loop3A_550, %parallel_loop3A_551, %parallel_loop3A_552], %parallel_loop3A_507 {strides = array<i32>} : memref<2x64x1x256xf32, #tpu.memory_space<vmem>>, vector<16xf32>,
        %parallel_loop3A_554 = arith.constant 80 : i32
        %parallel_loop3A_555 = vector.broadcast %parallel_loop3A_554 : i32 to vector<16xi32>
        %parallel_loop3A_556 = arith.addi %parallel_loop3A_298, %parallel_loop3A_555 : vector<16xi32>
        %parallel_loop3A_557 = arith.addi %parallel_loop3A_556, %iota3A : vector<16xi32>
        %parallel_loop3A_558 = tpu.vector_load_idx %arg5[%parallel_loop3A_557] : memref<768xf32, #tpu.memory_space<vmem>>[vector<16xi32>], vector<16xf32>,
        %parallel_loop3A_559 = arith.constant 64 : i32
        %parallel_loop3A_560 = arith.divsi %parallel_loop3A_292, %parallel_loop3A_559 : i32
        %parallel_loop3A_561 = arith.constant 0 : i32
        %parallel_loop3A_562 = arith.cmpi sgt, %parallel_loop3A_292, %parallel_loop3A_561 : i32
        %parallel_loop3A_563 = arith.extui %parallel_loop3A_562 : i1 to i32
        %parallel_loop3A_564 = arith.constant 0 : i32
        %parallel_loop3A_565 = arith.cmpi slt, %parallel_loop3A_292, %parallel_loop3A_564 : i32
        %parallel_loop3A_566 = arith.extui %parallel_loop3A_565 : i1 to i32
        %parallel_loop3A_567 = arith.subi %parallel_loop3A_563, %parallel_loop3A_566 : i32
        %parallel_loop3A_568 = arith.constant 0 : i32
        %parallel_loop3A_569 = arith.cmpi sgt, %parallel_loop3A_559, %parallel_loop3A_568 : i32
        %parallel_loop3A_570 = arith.extui %parallel_loop3A_569 : i1 to i32
        %parallel_loop3A_571 = arith.constant 0 : i32
        %parallel_loop3A_572 = arith.cmpi slt, %parallel_loop3A_559, %parallel_loop3A_571 : i32
        %parallel_loop3A_573 = arith.extui %parallel_loop3A_572 : i1 to i32
        %parallel_loop3A_574 = arith.subi %parallel_loop3A_570, %parallel_loop3A_573 : i32
        %parallel_loop3A_575 = arith.cmpi ne, %parallel_loop3A_567, %parallel_loop3A_574 : i32
        %parallel_loop3A_576 = arith.remsi %parallel_loop3A_292, %parallel_loop3A_559 : i32
        %parallel_loop3A_577 = arith.constant 0 : i32
        %parallel_loop3A_578 = arith.cmpi ne, %parallel_loop3A_576, %parallel_loop3A_577 : i32
        %parallel_loop3A_579 = arith.andi %parallel_loop3A_575, %parallel_loop3A_578 : i1
        %parallel_loop3A_580 = arith.constant 1 : i32
        %parallel_loop3A_581 = arith.subi %parallel_loop3A_560, %parallel_loop3A_580 : i32
        %parallel_loop3A_582 = arith.select %parallel_loop3A_579, %parallel_loop3A_581, %parallel_loop3A_560 : i32
        %parallel_loop3A_583 = arith.constant 64 : i32
        %parallel_loop3A_584 = arith.constant 0 : i32
        %parallel_loop3A_585 = arith.cmpi eq, %parallel_loop3A_583, %parallel_loop3A_584 : i32
        %parallel_loop3A_586 = arith.constant 1 : i32
        %parallel_loop3A_587 = arith.select %parallel_loop3A_585, %parallel_loop3A_586, %parallel_loop3A_583 : i32
        %parallel_loop3A_588 = arith.remsi %parallel_loop3A_292, %parallel_loop3A_587 : i32
        %parallel_loop3A_589 = arith.constant 0 : i32
        %parallel_loop3A_590 = arith.cmpi ne, %parallel_loop3A_588, %parallel_loop3A_589 : i32
        %parallel_loop3A_591 = arith.constant 0 : i32
        %parallel_loop3A_592 = arith.cmpi slt, %parallel_loop3A_588, %parallel_loop3A_591 : i32
        %parallel_loop3A_593 = arith.constant 0 : i32
        %parallel_loop3A_594 = arith.cmpi slt, %parallel_loop3A_587, %parallel_loop3A_593 : i32
        %parallel_loop3A_595 = arith.xori %parallel_loop3A_592, %parallel_loop3A_594 : i1
        %parallel_loop3A_596 = arith.andi %parallel_loop3A_595, %parallel_loop3A_590 : i1
        %parallel_loop3A_597 = arith.addi %parallel_loop3A_588, %parallel_loop3A_587 : i32
        %parallel_loop3A_598 = arith.select %parallel_loop3A_596, %parallel_loop3A_597, %parallel_loop3A_588 : i32
        %parallel_loop3A_599 = arith.constant 0 : i32
        %parallel_loop3A_600 = arith.index_cast %parallel_loop3A_582 : i32 to index
        %parallel_loop3A_601 = arith.index_cast %parallel_loop3A_598 : i32 to index
        %parallel_loop3A_602 = arith.index_cast %parallel_loop3A_599 : i32 to index
        %parallel_loop3A_603 = arith.constant 80 : index
        %parallel_loop3A_604 = tpu.vector_load %arg8[%parallel_loop3A_600, %parallel_loop3A_601, %parallel_loop3A_602, %parallel_loop3A_603] {strides = array<i32>} : memref<2x64x1x256xf32, #tpu.memory_space<vmem>>, vector<16xf32>,
        tpu.vector_store %arg8[%parallel_loop3A_600, %parallel_loop3A_601, %parallel_loop3A_602, %parallel_loop3A_603], %parallel_loop3A_558 {strides = array<i32>} : memref<2x64x1x256xf32, #tpu.memory_space<vmem>>, vector<16xf32>,
        %parallel_loop3A_605 = arith.constant 96 : i32
        %parallel_loop3A_606 = vector.broadcast %parallel_loop3A_605 : i32 to vector<16xi32>
        %parallel_loop3A_607 = arith.addi %parallel_loop3A_298, %parallel_loop3A_606 : vector<16xi32>
        %parallel_loop3A_608 = arith.addi %parallel_loop3A_607, %iota3A : vector<16xi32>
        %parallel_loop3A_609 = tpu.vector_load_idx %arg5[%parallel_loop3A_608] : memref<768xf32, #tpu.memory_space<vmem>>[vector<16xi32>], vector<16xf32>,
        %parallel_loop3A_610 = arith.constant 64 : i32
        %parallel_loop3A_611 = arith.divsi %parallel_loop3A_292, %parallel_loop3A_610 : i32
        %parallel_loop3A_612 = arith.constant 0 : i32
        %parallel_loop3A_613 = arith.cmpi sgt, %parallel_loop3A_292, %parallel_loop3A_612 : i32
        %parallel_loop3A_614 = arith.extui %parallel_loop3A_613 : i1 to i32
        %parallel_loop3A_615 = arith.constant 0 : i32
        %parallel_loop3A_616 = arith.cmpi slt, %parallel_loop3A_292, %parallel_loop3A_615 : i32
        %parallel_loop3A_617 = arith.extui %parallel_loop3A_616 : i1 to i32
        %parallel_loop3A_618 = arith.subi %parallel_loop3A_614, %parallel_loop3A_617 : i32
        %parallel_loop3A_619 = arith.constant 0 : i32
        %parallel_loop3A_620 = arith.cmpi sgt, %parallel_loop3A_610, %parallel_loop3A_619 : i32
        %parallel_loop3A_621 = arith.extui %parallel_loop3A_620 : i1 to i32
        %parallel_loop3A_622 = arith.constant 0 : i32
        %parallel_loop3A_623 = arith.cmpi slt, %parallel_loop3A_610, %parallel_loop3A_622 : i32
        %parallel_loop3A_624 = arith.extui %parallel_loop3A_623 : i1 to i32
        %parallel_loop3A_625 = arith.subi %parallel_loop3A_621, %parallel_loop3A_624 : i32
        %parallel_loop3A_626 = arith.cmpi ne, %parallel_loop3A_618, %parallel_loop3A_625 : i32
        %parallel_loop3A_627 = arith.remsi %parallel_loop3A_292, %parallel_loop3A_610 : i32
        %parallel_loop3A_628 = arith.constant 0 : i32
        %parallel_loop3A_629 = arith.cmpi ne, %parallel_loop3A_627, %parallel_loop3A_628 : i32
        %parallel_loop3A_630 = arith.andi %parallel_loop3A_626, %parallel_loop3A_629 : i1
        %parallel_loop3A_631 = arith.constant 1 : i32
        %parallel_loop3A_632 = arith.subi %parallel_loop3A_611, %parallel_loop3A_631 : i32
        %parallel_loop3A_633 = arith.select %parallel_loop3A_630, %parallel_loop3A_632, %parallel_loop3A_611 : i32
        %parallel_loop3A_634 = arith.constant 64 : i32
        %parallel_loop3A_635 = arith.constant 0 : i32
        %parallel_loop3A_636 = arith.cmpi eq, %parallel_loop3A_634, %parallel_loop3A_635 : i32
        %parallel_loop3A_637 = arith.constant 1 : i32
        %parallel_loop3A_638 = arith.select %parallel_loop3A_636, %parallel_loop3A_637, %parallel_loop3A_634 : i32
        %parallel_loop3A_639 = arith.remsi %parallel_loop3A_292, %parallel_loop3A_638 : i32
        %parallel_loop3A_640 = arith.constant 0 : i32
        %parallel_loop3A_641 = arith.cmpi ne, %parallel_loop3A_639, %parallel_loop3A_640 : i32
        %parallel_loop3A_642 = arith.constant 0 : i32
        %parallel_loop3A_643 = arith.cmpi slt, %parallel_loop3A_639, %parallel_loop3A_642 : i32
        %parallel_loop3A_644 = arith.constant 0 : i32
        %parallel_loop3A_645 = arith.cmpi slt, %parallel_loop3A_638, %parallel_loop3A_644 : i32
        %parallel_loop3A_646 = arith.xori %parallel_loop3A_643, %parallel_loop3A_645 : i1
        %parallel_loop3A_647 = arith.andi %parallel_loop3A_646, %parallel_loop3A_641 : i1
        %parallel_loop3A_648 = arith.addi %parallel_loop3A_639, %parallel_loop3A_638 : i32
        %parallel_loop3A_649 = arith.select %parallel_loop3A_647, %parallel_loop3A_648, %parallel_loop3A_639 : i32
        %parallel_loop3A_650 = arith.constant 0 : i32
        %parallel_loop3A_651 = arith.index_cast %parallel_loop3A_633 : i32 to index
        %parallel_loop3A_652 = arith.index_cast %parallel_loop3A_649 : i32 to index
        %parallel_loop3A_653 = arith.index_cast %parallel_loop3A_650 : i32 to index
        %parallel_loop3A_654 = arith.constant 96 : index
        %parallel_loop3A_655 = tpu.vector_load %arg8[%parallel_loop3A_651, %parallel_loop3A_652, %parallel_loop3A_653, %parallel_loop3A_654] {strides = array<i32>} : memref<2x64x1x256xf32, #tpu.memory_space<vmem>>, vector<16xf32>,
        tpu.vector_store %arg8[%parallel_loop3A_651, %parallel_loop3A_652, %parallel_loop3A_653, %parallel_loop3A_654], %parallel_loop3A_609 {strides = array<i32>} : memref<2x64x1x256xf32, #tpu.memory_space<vmem>>, vector<16xf32>,
        %parallel_loop3A_656 = arith.constant 112 : i32
        %parallel_loop3A_657 = vector.broadcast %parallel_loop3A_656 : i32 to vector<16xi32>
        %parallel_loop3A_658 = arith.addi %parallel_loop3A_298, %parallel_loop3A_657 : vector<16xi32>
        %parallel_loop3A_659 = arith.addi %parallel_loop3A_658, %iota3A : vector<16xi32>
        %parallel_loop3A_660 = tpu.vector_load_idx %arg5[%parallel_loop3A_659] : memref<768xf32, #tpu.memory_space<vmem>>[vector<16xi32>], vector<16xf32>,
        %parallel_loop3A_661 = arith.constant 64 : i32
        %parallel_loop3A_662 = arith.divsi %parallel_loop3A_292, %parallel_loop3A_661 : i32
        %parallel_loop3A_663 = arith.constant 0 : i32
        %parallel_loop3A_664 = arith.cmpi sgt, %parallel_loop3A_292, %parallel_loop3A_663 : i32
        %parallel_loop3A_665 = arith.extui %parallel_loop3A_664 : i1 to i32
        %parallel_loop3A_666 = arith.constant 0 : i32
        %parallel_loop3A_667 = arith.cmpi slt, %parallel_loop3A_292, %parallel_loop3A_666 : i32
        %parallel_loop3A_668 = arith.extui %parallel_loop3A_667 : i1 to i32
        %parallel_loop3A_669 = arith.subi %parallel_loop3A_665, %parallel_loop3A_668 : i32
        %parallel_loop3A_670 = arith.constant 0 : i32
        %parallel_loop3A_671 = arith.cmpi sgt, %parallel_loop3A_661, %parallel_loop3A_670 : i32
        %parallel_loop3A_672 = arith.extui %parallel_loop3A_671 : i1 to i32
        %parallel_loop3A_673 = arith.constant 0 : i32
        %parallel_loop3A_674 = arith.cmpi slt, %parallel_loop3A_661, %parallel_loop3A_673 : i32
        %parallel_loop3A_675 = arith.extui %parallel_loop3A_674 : i1 to i32
        %parallel_loop3A_676 = arith.subi %parallel_loop3A_672, %parallel_loop3A_675 : i32
        %parallel_loop3A_677 = arith.cmpi ne, %parallel_loop3A_669, %parallel_loop3A_676 : i32
        %parallel_loop3A_678 = arith.remsi %parallel_loop3A_292, %parallel_loop3A_661 : i32
        %parallel_loop3A_679 = arith.constant 0 : i32
        %parallel_loop3A_680 = arith.cmpi ne, %parallel_loop3A_678, %parallel_loop3A_679 : i32
        %parallel_loop3A_681 = arith.andi %parallel_loop3A_677, %parallel_loop3A_680 : i1
        %parallel_loop3A_682 = arith.constant 1 : i32
        %parallel_loop3A_683 = arith.subi %parallel_loop3A_662, %parallel_loop3A_682 : i32
        %parallel_loop3A_684 = arith.select %parallel_loop3A_681, %parallel_loop3A_683, %parallel_loop3A_662 : i32
        %parallel_loop3A_685 = arith.constant 64 : i32
        %parallel_loop3A_686 = arith.constant 0 : i32
        %parallel_loop3A_687 = arith.cmpi eq, %parallel_loop3A_685, %parallel_loop3A_686 : i32
        %parallel_loop3A_688 = arith.constant 1 : i32
        %parallel_loop3A_689 = arith.select %parallel_loop3A_687, %parallel_loop3A_688, %parallel_loop3A_685 : i32
        %parallel_loop3A_690 = arith.remsi %parallel_loop3A_292, %parallel_loop3A_689 : i32
        %parallel_loop3A_691 = arith.constant 0 : i32
        %parallel_loop3A_692 = arith.cmpi ne, %parallel_loop3A_690, %parallel_loop3A_691 : i32
        %parallel_loop3A_693 = arith.constant 0 : i32
        %parallel_loop3A_694 = arith.cmpi slt, %parallel_loop3A_690, %parallel_loop3A_693 : i32
        %parallel_loop3A_695 = arith.constant 0 : i32
        %parallel_loop3A_696 = arith.cmpi slt, %parallel_loop3A_689, %parallel_loop3A_695 : i32
        %parallel_loop3A_697 = arith.xori %parallel_loop3A_694, %parallel_loop3A_696 : i1
        %parallel_loop3A_698 = arith.andi %parallel_loop3A_697, %parallel_loop3A_692 : i1
        %parallel_loop3A_699 = arith.addi %parallel_loop3A_690, %parallel_loop3A_689 : i32
        %parallel_loop3A_700 = arith.select %parallel_loop3A_698, %parallel_loop3A_699, %parallel_loop3A_690 : i32
        %parallel_loop3A_701 = arith.constant 0 : i32
        %parallel_loop3A_702 = arith.index_cast %parallel_loop3A_684 : i32 to index
        %parallel_loop3A_703 = arith.index_cast %parallel_loop3A_700 : i32 to index
        %parallel_loop3A_704 = arith.index_cast %parallel_loop3A_701 : i32 to index
        %parallel_loop3A_705 = arith.constant 112 : index
        %parallel_loop3A_706 = tpu.vector_load %arg8[%parallel_loop3A_702, %parallel_loop3A_703, %parallel_loop3A_704, %parallel_loop3A_705] {strides = array<i32>} : memref<2x64x1x256xf32, #tpu.memory_space<vmem>>, vector<16xf32>,
        tpu.vector_store %arg8[%parallel_loop3A_702, %parallel_loop3A_703, %parallel_loop3A_704, %parallel_loop3A_705], %parallel_loop3A_660 {strides = array<i32>} : memref<2x64x1x256xf32, #tpu.memory_space<vmem>>, vector<16xf32>,
        %parallel_loop3A_707 = arith.constant 128 : i32
        %parallel_loop3A_708 = vector.broadcast %parallel_loop3A_707 : i32 to vector<16xi32>
        %parallel_loop3A_709 = arith.addi %parallel_loop3A_298, %parallel_loop3A_708 : vector<16xi32>
        %parallel_loop3A_710 = arith.addi %parallel_loop3A_709, %iota3A : vector<16xi32>
        %parallel_loop3A_711 = tpu.vector_load_idx %arg5[%parallel_loop3A_710] : memref<768xf32, #tpu.memory_space<vmem>>[vector<16xi32>], vector<16xf32>,
        %parallel_loop3A_712 = arith.constant 64 : i32
        %parallel_loop3A_713 = arith.divsi %parallel_loop3A_292, %parallel_loop3A_712 : i32
        %parallel_loop3A_714 = arith.constant 0 : i32
        %parallel_loop3A_715 = arith.cmpi sgt, %parallel_loop3A_292, %parallel_loop3A_714 : i32
        %parallel_loop3A_716 = arith.extui %parallel_loop3A_715 : i1 to i32
        %parallel_loop3A_717 = arith.constant 0 : i32
        %parallel_loop3A_718 = arith.cmpi slt, %parallel_loop3A_292, %parallel_loop3A_717 : i32
        %parallel_loop3A_719 = arith.extui %parallel_loop3A_718 : i1 to i32
        %parallel_loop3A_720 = arith.subi %parallel_loop3A_716, %parallel_loop3A_719 : i32
        %parallel_loop3A_721 = arith.constant 0 : i32
        %parallel_loop3A_722 = arith.cmpi sgt, %parallel_loop3A_712, %parallel_loop3A_721 : i32
        %parallel_loop3A_723 = arith.extui %parallel_loop3A_722 : i1 to i32
        %parallel_loop3A_724 = arith.constant 0 : i32
        %parallel_loop3A_725 = arith.cmpi slt, %parallel_loop3A_712, %parallel_loop3A_724 : i32
        %parallel_loop3A_726 = arith.extui %parallel_loop3A_725 : i1 to i32
        %parallel_loop3A_727 = arith.subi %parallel_loop3A_723, %parallel_loop3A_726 : i32
        %parallel_loop3A_728 = arith.cmpi ne, %parallel_loop3A_720, %parallel_loop3A_727 : i32
        %parallel_loop3A_729 = arith.remsi %parallel_loop3A_292, %parallel_loop3A_712 : i32
        %parallel_loop3A_730 = arith.constant 0 : i32
        %parallel_loop3A_731 = arith.cmpi ne, %parallel_loop3A_729, %parallel_loop3A_730 : i32
        %parallel_loop3A_732 = arith.andi %parallel_loop3A_728, %parallel_loop3A_731 : i1
        %parallel_loop3A_733 = arith.constant 1 : i32
        %parallel_loop3A_734 = arith.subi %parallel_loop3A_713, %parallel_loop3A_733 : i32
        %parallel_loop3A_735 = arith.select %parallel_loop3A_732, %parallel_loop3A_734, %parallel_loop3A_713 : i32
        %parallel_loop3A_736 = arith.constant 64 : i32
        %parallel_loop3A_737 = arith.constant 0 : i32
        %parallel_loop3A_738 = arith.cmpi eq, %parallel_loop3A_736, %parallel_loop3A_737 : i32
        %parallel_loop3A_739 = arith.constant 1 : i32
        %parallel_loop3A_740 = arith.select %parallel_loop3A_738, %parallel_loop3A_739, %parallel_loop3A_736 : i32
        %parallel_loop3A_741 = arith.remsi %parallel_loop3A_292, %parallel_loop3A_740 : i32
        %parallel_loop3A_742 = arith.constant 0 : i32
        %parallel_loop3A_743 = arith.cmpi ne, %parallel_loop3A_741, %parallel_loop3A_742 : i32
        %parallel_loop3A_744 = arith.constant 0 : i32
        %parallel_loop3A_745 = arith.cmpi slt, %parallel_loop3A_741, %parallel_loop3A_744 : i32
        %parallel_loop3A_746 = arith.constant 0 : i32
        %parallel_loop3A_747 = arith.cmpi slt, %parallel_loop3A_740, %parallel_loop3A_746 : i32
        %parallel_loop3A_748 = arith.xori %parallel_loop3A_745, %parallel_loop3A_747 : i1
        %parallel_loop3A_749 = arith.andi %parallel_loop3A_748, %parallel_loop3A_743 : i1
        %parallel_loop3A_750 = arith.addi %parallel_loop3A_741, %parallel_loop3A_740 : i32
        %parallel_loop3A_751 = arith.select %parallel_loop3A_749, %parallel_loop3A_750, %parallel_loop3A_741 : i32
        %parallel_loop3A_752 = arith.constant 0 : i32
        %parallel_loop3A_753 = arith.index_cast %parallel_loop3A_735 : i32 to index
        %parallel_loop3A_754 = arith.index_cast %parallel_loop3A_751 : i32 to index
        %parallel_loop3A_755 = arith.index_cast %parallel_loop3A_752 : i32 to index
        %parallel_loop3A_756 = arith.constant 128 : index
        %parallel_loop3A_757 = tpu.vector_load %arg8[%parallel_loop3A_753, %parallel_loop3A_754, %parallel_loop3A_755, %parallel_loop3A_756] {strides = array<i32>} : memref<2x64x1x256xf32, #tpu.memory_space<vmem>>, vector<16xf32>,
        tpu.vector_store %arg8[%parallel_loop3A_753, %parallel_loop3A_754, %parallel_loop3A_755, %parallel_loop3A_756], %parallel_loop3A_711 {strides = array<i32>} : memref<2x64x1x256xf32, #tpu.memory_space<vmem>>, vector<16xf32>,
        %parallel_loop3A_758 = arith.constant 144 : i32
        %parallel_loop3A_759 = vector.broadcast %parallel_loop3A_758 : i32 to vector<16xi32>
        %parallel_loop3A_760 = arith.addi %parallel_loop3A_298, %parallel_loop3A_759 : vector<16xi32>
        %parallel_loop3A_761 = arith.addi %parallel_loop3A_760, %iota3A : vector<16xi32>
        %parallel_loop3A_762 = tpu.vector_load_idx %arg5[%parallel_loop3A_761] : memref<768xf32, #tpu.memory_space<vmem>>[vector<16xi32>], vector<16xf32>,
        %parallel_loop3A_763 = arith.constant 64 : i32
        %parallel_loop3A_764 = arith.divsi %parallel_loop3A_292, %parallel_loop3A_763 : i32
        %parallel_loop3A_765 = arith.constant 0 : i32
        %parallel_loop3A_766 = arith.cmpi sgt, %parallel_loop3A_292, %parallel_loop3A_765 : i32
        %parallel_loop3A_767 = arith.extui %parallel_loop3A_766 : i1 to i32
        %parallel_loop3A_768 = arith.constant 0 : i32
        %parallel_loop3A_769 = arith.cmpi slt, %parallel_loop3A_292, %parallel_loop3A_768 : i32
        %parallel_loop3A_770 = arith.extui %parallel_loop3A_769 : i1 to i32
        %parallel_loop3A_771 = arith.subi %parallel_loop3A_767, %parallel_loop3A_770 : i32
        %parallel_loop3A_772 = arith.constant 0 : i32
        %parallel_loop3A_773 = arith.cmpi sgt, %parallel_loop3A_763, %parallel_loop3A_772 : i32
        %parallel_loop3A_774 = arith.extui %parallel_loop3A_773 : i1 to i32
        %parallel_loop3A_775 = arith.constant 0 : i32
        %parallel_loop3A_776 = arith.cmpi slt, %parallel_loop3A_763, %parallel_loop3A_775 : i32
        %parallel_loop3A_777 = arith.extui %parallel_loop3A_776 : i1 to i32
        %parallel_loop3A_778 = arith.subi %parallel_loop3A_774, %parallel_loop3A_777 : i32
        %parallel_loop3A_779 = arith.cmpi ne, %parallel_loop3A_771, %parallel_loop3A_778 : i32
        %parallel_loop3A_780 = arith.remsi %parallel_loop3A_292, %parallel_loop3A_763 : i32
        %parallel_loop3A_781 = arith.constant 0 : i32
        %parallel_loop3A_782 = arith.cmpi ne, %parallel_loop3A_780, %parallel_loop3A_781 : i32
        %parallel_loop3A_783 = arith.andi %parallel_loop3A_779, %parallel_loop3A_782 : i1
        %parallel_loop3A_784 = arith.constant 1 : i32
        %parallel_loop3A_785 = arith.subi %parallel_loop3A_764, %parallel_loop3A_784 : i32
        %parallel_loop3A_786 = arith.select %parallel_loop3A_783, %parallel_loop3A_785, %parallel_loop3A_764 : i32
        %parallel_loop3A_787 = arith.constant 64 : i32
        %parallel_loop3A_788 = arith.constant 0 : i32
        %parallel_loop3A_789 = arith.cmpi eq, %parallel_loop3A_787, %parallel_loop3A_788 : i32
        %parallel_loop3A_790 = arith.constant 1 : i32
        %parallel_loop3A_791 = arith.select %parallel_loop3A_789, %parallel_loop3A_790, %parallel_loop3A_787 : i32
        %parallel_loop3A_792 = arith.remsi %parallel_loop3A_292, %parallel_loop3A_791 : i32
        %parallel_loop3A_793 = arith.constant 0 : i32
        %parallel_loop3A_794 = arith.cmpi ne, %parallel_loop3A_792, %parallel_loop3A_793 : i32
        %parallel_loop3A_795 = arith.constant 0 : i32
        %parallel_loop3A_796 = arith.cmpi slt, %parallel_loop3A_792, %parallel_loop3A_795 : i32
        %parallel_loop3A_797 = arith.constant 0 : i32
        %parallel_loop3A_798 = arith.cmpi slt, %parallel_loop3A_791, %parallel_loop3A_797 : i32
        %parallel_loop3A_799 = arith.xori %parallel_loop3A_796, %parallel_loop3A_798 : i1
        %parallel_loop3A_800 = arith.andi %parallel_loop3A_799, %parallel_loop3A_794 : i1
        %parallel_loop3A_801 = arith.addi %parallel_loop3A_792, %parallel_loop3A_791 : i32
        %parallel_loop3A_802 = arith.select %parallel_loop3A_800, %parallel_loop3A_801, %parallel_loop3A_792 : i32
        %parallel_loop3A_803 = arith.constant 0 : i32
        %parallel_loop3A_804 = arith.index_cast %parallel_loop3A_786 : i32 to index
        %parallel_loop3A_805 = arith.index_cast %parallel_loop3A_802 : i32 to index
        %parallel_loop3A_806 = arith.index_cast %parallel_loop3A_803 : i32 to index
        %parallel_loop3A_807 = arith.constant 144 : index
        %parallel_loop3A_808 = tpu.vector_load %arg8[%parallel_loop3A_804, %parallel_loop3A_805, %parallel_loop3A_806, %parallel_loop3A_807] {strides = array<i32>} : memref<2x64x1x256xf32, #tpu.memory_space<vmem>>, vector<16xf32>,
        tpu.vector_store %arg8[%parallel_loop3A_804, %parallel_loop3A_805, %parallel_loop3A_806, %parallel_loop3A_807], %parallel_loop3A_762 {strides = array<i32>} : memref<2x64x1x256xf32, #tpu.memory_space<vmem>>, vector<16xf32>,
        %parallel_loop3A_809 = arith.constant 160 : i32
        %parallel_loop3A_810 = vector.broadcast %parallel_loop3A_809 : i32 to vector<16xi32>
        %parallel_loop3A_811 = arith.addi %parallel_loop3A_298, %parallel_loop3A_810 : vector<16xi32>
        %parallel_loop3A_812 = arith.addi %parallel_loop3A_811, %iota3A : vector<16xi32>
        %parallel_loop3A_813 = tpu.vector_load_idx %arg5[%parallel_loop3A_812] : memref<768xf32, #tpu.memory_space<vmem>>[vector<16xi32>], vector<16xf32>,
        %parallel_loop3A_814 = arith.constant 64 : i32
        %parallel_loop3A_815 = arith.divsi %parallel_loop3A_292, %parallel_loop3A_814 : i32
        %parallel_loop3A_816 = arith.constant 0 : i32
        %parallel_loop3A_817 = arith.cmpi sgt, %parallel_loop3A_292, %parallel_loop3A_816 : i32
        %parallel_loop3A_818 = arith.extui %parallel_loop3A_817 : i1 to i32
        %parallel_loop3A_819 = arith.constant 0 : i32
        %parallel_loop3A_820 = arith.cmpi slt, %parallel_loop3A_292, %parallel_loop3A_819 : i32
        %parallel_loop3A_821 = arith.extui %parallel_loop3A_820 : i1 to i32
        %parallel_loop3A_822 = arith.subi %parallel_loop3A_818, %parallel_loop3A_821 : i32
        %parallel_loop3A_823 = arith.constant 0 : i32
        %parallel_loop3A_824 = arith.cmpi sgt, %parallel_loop3A_814, %parallel_loop3A_823 : i32
        %parallel_loop3A_825 = arith.extui %parallel_loop3A_824 : i1 to i32
        %parallel_loop3A_826 = arith.constant 0 : i32
        %parallel_loop3A_827 = arith.cmpi slt, %parallel_loop3A_814, %parallel_loop3A_826 : i32
        %parallel_loop3A_828 = arith.extui %parallel_loop3A_827 : i1 to i32
        %parallel_loop3A_829 = arith.subi %parallel_loop3A_825, %parallel_loop3A_828 : i32
        %parallel_loop3A_830 = arith.cmpi ne, %parallel_loop3A_822, %parallel_loop3A_829 : i32
        %parallel_loop3A_831 = arith.remsi %parallel_loop3A_292, %parallel_loop3A_814 : i32
        %parallel_loop3A_832 = arith.constant 0 : i32
        %parallel_loop3A_833 = arith.cmpi ne, %parallel_loop3A_831, %parallel_loop3A_832 : i32
        %parallel_loop3A_834 = arith.andi %parallel_loop3A_830, %parallel_loop3A_833 : i1
        %parallel_loop3A_835 = arith.constant 1 : i32
        %parallel_loop3A_836 = arith.subi %parallel_loop3A_815, %parallel_loop3A_835 : i32
        %parallel_loop3A_837 = arith.select %parallel_loop3A_834, %parallel_loop3A_836, %parallel_loop3A_815 : i32
        %parallel_loop3A_838 = arith.constant 64 : i32
        %parallel_loop3A_839 = arith.constant 0 : i32
        %parallel_loop3A_840 = arith.cmpi eq, %parallel_loop3A_838, %parallel_loop3A_839 : i32
        %parallel_loop3A_841 = arith.constant 1 : i32
        %parallel_loop3A_842 = arith.select %parallel_loop3A_840, %parallel_loop3A_841, %parallel_loop3A_838 : i32
        %parallel_loop3A_843 = arith.remsi %parallel_loop3A_292, %parallel_loop3A_842 : i32
        %parallel_loop3A_844 = arith.constant 0 : i32
        %parallel_loop3A_845 = arith.cmpi ne, %parallel_loop3A_843, %parallel_loop3A_844 : i32
        %parallel_loop3A_846 = arith.constant 0 : i32
        %parallel_loop3A_847 = arith.cmpi slt, %parallel_loop3A_843, %parallel_loop3A_846 : i32
        %parallel_loop3A_848 = arith.constant 0 : i32
        %parallel_loop3A_849 = arith.cmpi slt, %parallel_loop3A_842, %parallel_loop3A_848 : i32
        %parallel_loop3A_850 = arith.xori %parallel_loop3A_847, %parallel_loop3A_849 : i1
        %parallel_loop3A_851 = arith.andi %parallel_loop3A_850, %parallel_loop3A_845 : i1
        %parallel_loop3A_852 = arith.addi %parallel_loop3A_843, %parallel_loop3A_842 : i32
        %parallel_loop3A_853 = arith.select %parallel_loop3A_851, %parallel_loop3A_852, %parallel_loop3A_843 : i32
        %parallel_loop3A_854 = arith.constant 0 : i32
        %parallel_loop3A_855 = arith.index_cast %parallel_loop3A_837 : i32 to index
        %parallel_loop3A_856 = arith.index_cast %parallel_loop3A_853 : i32 to index
        %parallel_loop3A_857 = arith.index_cast %parallel_loop3A_854 : i32 to index
        %parallel_loop3A_858 = arith.constant 160 : index
        %parallel_loop3A_859 = tpu.vector_load %arg8[%parallel_loop3A_855, %parallel_loop3A_856, %parallel_loop3A_857, %parallel_loop3A_858] {strides = array<i32>} : memref<2x64x1x256xf32, #tpu.memory_space<vmem>>, vector<16xf32>,
        tpu.vector_store %arg8[%parallel_loop3A_855, %parallel_loop3A_856, %parallel_loop3A_857, %parallel_loop3A_858], %parallel_loop3A_813 {strides = array<i32>} : memref<2x64x1x256xf32, #tpu.memory_space<vmem>>, vector<16xf32>,
        %parallel_loop3A_860 = arith.constant 176 : i32
        %parallel_loop3A_861 = vector.broadcast %parallel_loop3A_860 : i32 to vector<16xi32>
        %parallel_loop3A_862 = arith.addi %parallel_loop3A_298, %parallel_loop3A_861 : vector<16xi32>
        %parallel_loop3A_863 = arith.addi %parallel_loop3A_862, %iota3A : vector<16xi32>
        %parallel_loop3A_864 = tpu.vector_load_idx %arg5[%parallel_loop3A_863] : memref<768xf32, #tpu.memory_space<vmem>>[vector<16xi32>], vector<16xf32>,
        %parallel_loop3A_865 = arith.constant 64 : i32
        %parallel_loop3A_866 = arith.divsi %parallel_loop3A_292, %parallel_loop3A_865 : i32
        %parallel_loop3A_867 = arith.constant 0 : i32
        %parallel_loop3A_868 = arith.cmpi sgt, %parallel_loop3A_292, %parallel_loop3A_867 : i32
        %parallel_loop3A_869 = arith.extui %parallel_loop3A_868 : i1 to i32
        %parallel_loop3A_870 = arith.constant 0 : i32
        %parallel_loop3A_871 = arith.cmpi slt, %parallel_loop3A_292, %parallel_loop3A_870 : i32
        %parallel_loop3A_872 = arith.extui %parallel_loop3A_871 : i1 to i32
        %parallel_loop3A_873 = arith.subi %parallel_loop3A_869, %parallel_loop3A_872 : i32
        %parallel_loop3A_874 = arith.constant 0 : i32
        %parallel_loop3A_875 = arith.cmpi sgt, %parallel_loop3A_865, %parallel_loop3A_874 : i32
        %parallel_loop3A_876 = arith.extui %parallel_loop3A_875 : i1 to i32
        %parallel_loop3A_877 = arith.constant 0 : i32
        %parallel_loop3A_878 = arith.cmpi slt, %parallel_loop3A_865, %parallel_loop3A_877 : i32
        %parallel_loop3A_879 = arith.extui %parallel_loop3A_878 : i1 to i32
        %parallel_loop3A_880 = arith.subi %parallel_loop3A_876, %parallel_loop3A_879 : i32
        %parallel_loop3A_881 = arith.cmpi ne, %parallel_loop3A_873, %parallel_loop3A_880 : i32
        %parallel_loop3A_882 = arith.remsi %parallel_loop3A_292, %parallel_loop3A_865 : i32
        %parallel_loop3A_883 = arith.constant 0 : i32
        %parallel_loop3A_884 = arith.cmpi ne, %parallel_loop3A_882, %parallel_loop3A_883 : i32
        %parallel_loop3A_885 = arith.andi %parallel_loop3A_881, %parallel_loop3A_884 : i1
        %parallel_loop3A_886 = arith.constant 1 : i32
        %parallel_loop3A_887 = arith.subi %parallel_loop3A_866, %parallel_loop3A_886 : i32
        %parallel_loop3A_888 = arith.select %parallel_loop3A_885, %parallel_loop3A_887, %parallel_loop3A_866 : i32
        %parallel_loop3A_889 = arith.constant 64 : i32
        %parallel_loop3A_890 = arith.constant 0 : i32
        %parallel_loop3A_891 = arith.cmpi eq, %parallel_loop3A_889, %parallel_loop3A_890 : i32
        %parallel_loop3A_892 = arith.constant 1 : i32
        %parallel_loop3A_893 = arith.select %parallel_loop3A_891, %parallel_loop3A_892, %parallel_loop3A_889 : i32
        %parallel_loop3A_894 = arith.remsi %parallel_loop3A_292, %parallel_loop3A_893 : i32
        %parallel_loop3A_895 = arith.constant 0 : i32
        %parallel_loop3A_896 = arith.cmpi ne, %parallel_loop3A_894, %parallel_loop3A_895 : i32
        %parallel_loop3A_897 = arith.constant 0 : i32
        %parallel_loop3A_898 = arith.cmpi slt, %parallel_loop3A_894, %parallel_loop3A_897 : i32
        %parallel_loop3A_899 = arith.constant 0 : i32
        %parallel_loop3A_900 = arith.cmpi slt, %parallel_loop3A_893, %parallel_loop3A_899 : i32
        %parallel_loop3A_901 = arith.xori %parallel_loop3A_898, %parallel_loop3A_900 : i1
        %parallel_loop3A_902 = arith.andi %parallel_loop3A_901, %parallel_loop3A_896 : i1
        %parallel_loop3A_903 = arith.addi %parallel_loop3A_894, %parallel_loop3A_893 : i32
        %parallel_loop3A_904 = arith.select %parallel_loop3A_902, %parallel_loop3A_903, %parallel_loop3A_894 : i32
        %parallel_loop3A_905 = arith.constant 0 : i32
        %parallel_loop3A_906 = arith.index_cast %parallel_loop3A_888 : i32 to index
        %parallel_loop3A_907 = arith.index_cast %parallel_loop3A_904 : i32 to index
        %parallel_loop3A_908 = arith.index_cast %parallel_loop3A_905 : i32 to index
        %parallel_loop3A_909 = arith.constant 176 : index
        %parallel_loop3A_910 = tpu.vector_load %arg8[%parallel_loop3A_906, %parallel_loop3A_907, %parallel_loop3A_908, %parallel_loop3A_909] {strides = array<i32>} : memref<2x64x1x256xf32, #tpu.memory_space<vmem>>, vector<16xf32>,
        tpu.vector_store %arg8[%parallel_loop3A_906, %parallel_loop3A_907, %parallel_loop3A_908, %parallel_loop3A_909], %parallel_loop3A_864 {strides = array<i32>} : memref<2x64x1x256xf32, #tpu.memory_space<vmem>>, vector<16xf32>,
        %parallel_loop3A_911 = arith.constant 192 : i32
        %parallel_loop3A_912 = vector.broadcast %parallel_loop3A_911 : i32 to vector<16xi32>
        %parallel_loop3A_913 = arith.addi %parallel_loop3A_298, %parallel_loop3A_912 : vector<16xi32>
        %parallel_loop3A_914 = arith.addi %parallel_loop3A_913, %iota3A : vector<16xi32>
        %parallel_loop3A_915 = tpu.vector_load_idx %arg5[%parallel_loop3A_914] : memref<768xf32, #tpu.memory_space<vmem>>[vector<16xi32>], vector<16xf32>,
        %parallel_loop3A_916 = arith.constant 64 : i32
        %parallel_loop3A_917 = arith.divsi %parallel_loop3A_292, %parallel_loop3A_916 : i32
        %parallel_loop3A_918 = arith.constant 0 : i32
        %parallel_loop3A_919 = arith.cmpi sgt, %parallel_loop3A_292, %parallel_loop3A_918 : i32
        %parallel_loop3A_920 = arith.extui %parallel_loop3A_919 : i1 to i32
        %parallel_loop3A_921 = arith.constant 0 : i32
        %parallel_loop3A_922 = arith.cmpi slt, %parallel_loop3A_292, %parallel_loop3A_921 : i32
        %parallel_loop3A_923 = arith.extui %parallel_loop3A_922 : i1 to i32
        %parallel_loop3A_924 = arith.subi %parallel_loop3A_920, %parallel_loop3A_923 : i32
        %parallel_loop3A_925 = arith.constant 0 : i32
        %parallel_loop3A_926 = arith.cmpi sgt, %parallel_loop3A_916, %parallel_loop3A_925 : i32
        %parallel_loop3A_927 = arith.extui %parallel_loop3A_926 : i1 to i32
        %parallel_loop3A_928 = arith.constant 0 : i32
        %parallel_loop3A_929 = arith.cmpi slt, %parallel_loop3A_916, %parallel_loop3A_928 : i32
        %parallel_loop3A_930 = arith.extui %parallel_loop3A_929 : i1 to i32
        %parallel_loop3A_931 = arith.subi %parallel_loop3A_927, %parallel_loop3A_930 : i32
        %parallel_loop3A_932 = arith.cmpi ne, %parallel_loop3A_924, %parallel_loop3A_931 : i32
        %parallel_loop3A_933 = arith.remsi %parallel_loop3A_292, %parallel_loop3A_916 : i32
        %parallel_loop3A_934 = arith.constant 0 : i32
        %parallel_loop3A_935 = arith.cmpi ne, %parallel_loop3A_933, %parallel_loop3A_934 : i32
        %parallel_loop3A_936 = arith.andi %parallel_loop3A_932, %parallel_loop3A_935 : i1
        %parallel_loop3A_937 = arith.constant 1 : i32
        %parallel_loop3A_938 = arith.subi %parallel_loop3A_917, %parallel_loop3A_937 : i32
        %parallel_loop3A_939 = arith.select %parallel_loop3A_936, %parallel_loop3A_938, %parallel_loop3A_917 : i32
        %parallel_loop3A_940 = arith.constant 64 : i32
        %parallel_loop3A_941 = arith.constant 0 : i32
        %parallel_loop3A_942 = arith.cmpi eq, %parallel_loop3A_940, %parallel_loop3A_941 : i32
        %parallel_loop3A_943 = arith.constant 1 : i32
        %parallel_loop3A_944 = arith.select %parallel_loop3A_942, %parallel_loop3A_943, %parallel_loop3A_940 : i32
        %parallel_loop3A_945 = arith.remsi %parallel_loop3A_292, %parallel_loop3A_944 : i32
        %parallel_loop3A_946 = arith.constant 0 : i32
        %parallel_loop3A_947 = arith.cmpi ne, %parallel_loop3A_945, %parallel_loop3A_946 : i32
        %parallel_loop3A_948 = arith.constant 0 : i32
        %parallel_loop3A_949 = arith.cmpi slt, %parallel_loop3A_945, %parallel_loop3A_948 : i32
        %parallel_loop3A_950 = arith.constant 0 : i32
        %parallel_loop3A_951 = arith.cmpi slt, %parallel_loop3A_944, %parallel_loop3A_950 : i32
        %parallel_loop3A_952 = arith.xori %parallel_loop3A_949, %parallel_loop3A_951 : i1
        %parallel_loop3A_953 = arith.andi %parallel_loop3A_952, %parallel_loop3A_947 : i1
        %parallel_loop3A_954 = arith.addi %parallel_loop3A_945, %parallel_loop3A_944 : i32
        %parallel_loop3A_955 = arith.select %parallel_loop3A_953, %parallel_loop3A_954, %parallel_loop3A_945 : i32
        %parallel_loop3A_956 = arith.constant 0 : i32
        %parallel_loop3A_957 = arith.index_cast %parallel_loop3A_939 : i32 to index
        %parallel_loop3A_958 = arith.index_cast %parallel_loop3A_955 : i32 to index
        %parallel_loop3A_959 = arith.index_cast %parallel_loop3A_956 : i32 to index
        %parallel_loop3A_960 = arith.constant 192 : index
        %parallel_loop3A_961 = tpu.vector_load %arg8[%parallel_loop3A_957, %parallel_loop3A_958, %parallel_loop3A_959, %parallel_loop3A_960] {strides = array<i32>} : memref<2x64x1x256xf32, #tpu.memory_space<vmem>>, vector<16xf32>,
        tpu.vector_store %arg8[%parallel_loop3A_957, %parallel_loop3A_958, %parallel_loop3A_959, %parallel_loop3A_960], %parallel_loop3A_915 {strides = array<i32>} : memref<2x64x1x256xf32, #tpu.memory_space<vmem>>, vector<16xf32>,
        %parallel_loop3A_962 = arith.constant 208 : i32
        %parallel_loop3A_963 = vector.broadcast %parallel_loop3A_962 : i32 to vector<16xi32>
        %parallel_loop3A_964 = arith.addi %parallel_loop3A_298, %parallel_loop3A_963 : vector<16xi32>
        %parallel_loop3A_965 = arith.addi %parallel_loop3A_964, %iota3A : vector<16xi32>
        %parallel_loop3A_966 = tpu.vector_load_idx %arg5[%parallel_loop3A_965] : memref<768xf32, #tpu.memory_space<vmem>>[vector<16xi32>], vector<16xf32>,
        %parallel_loop3A_967 = arith.constant 64 : i32
        %parallel_loop3A_968 = arith.divsi %parallel_loop3A_292, %parallel_loop3A_967 : i32
        %parallel_loop3A_969 = arith.constant 0 : i32
        %parallel_loop3A_970 = arith.cmpi sgt, %parallel_loop3A_292, %parallel_loop3A_969 : i32
        %parallel_loop3A_971 = arith.extui %parallel_loop3A_970 : i1 to i32
        %parallel_loop3A_972 = arith.constant 0 : i32
        %parallel_loop3A_973 = arith.cmpi slt, %parallel_loop3A_292, %parallel_loop3A_972 : i32
        %parallel_loop3A_974 = arith.extui %parallel_loop3A_973 : i1 to i32
        %parallel_loop3A_975 = arith.subi %parallel_loop3A_971, %parallel_loop3A_974 : i32
        %parallel_loop3A_976 = arith.constant 0 : i32
        %parallel_loop3A_977 = arith.cmpi sgt, %parallel_loop3A_967, %parallel_loop3A_976 : i32
        %parallel_loop3A_978 = arith.extui %parallel_loop3A_977 : i1 to i32
        %parallel_loop3A_979 = arith.constant 0 : i32
        %parallel_loop3A_980 = arith.cmpi slt, %parallel_loop3A_967, %parallel_loop3A_979 : i32
        %parallel_loop3A_981 = arith.extui %parallel_loop3A_980 : i1 to i32
        %parallel_loop3A_982 = arith.subi %parallel_loop3A_978, %parallel_loop3A_981 : i32
        %parallel_loop3A_983 = arith.cmpi ne, %parallel_loop3A_975, %parallel_loop3A_982 : i32
        %parallel_loop3A_984 = arith.remsi %parallel_loop3A_292, %parallel_loop3A_967 : i32
        %parallel_loop3A_985 = arith.constant 0 : i32
        %parallel_loop3A_986 = arith.cmpi ne, %parallel_loop3A_984, %parallel_loop3A_985 : i32
        %parallel_loop3A_987 = arith.andi %parallel_loop3A_983, %parallel_loop3A_986 : i1
        %parallel_loop3A_988 = arith.constant 1 : i32
        %parallel_loop3A_989 = arith.subi %parallel_loop3A_968, %parallel_loop3A_988 : i32
        %parallel_loop3A_990 = arith.select %parallel_loop3A_987, %parallel_loop3A_989, %parallel_loop3A_968 : i32
        %parallel_loop3A_991 = arith.constant 64 : i32
        %parallel_loop3A_992 = arith.constant 0 : i32
        %parallel_loop3A_993 = arith.cmpi eq, %parallel_loop3A_991, %parallel_loop3A_992 : i32
        %parallel_loop3A_994 = arith.constant 1 : i32
        %parallel_loop3A_995 = arith.select %parallel_loop3A_993, %parallel_loop3A_994, %parallel_loop3A_991 : i32
        %parallel_loop3A_996 = arith.remsi %parallel_loop3A_292, %parallel_loop3A_995 : i32
        %parallel_loop3A_997 = arith.constant 0 : i32
        %parallel_loop3A_998 = arith.cmpi ne, %parallel_loop3A_996, %parallel_loop3A_997 : i32
        %parallel_loop3A_999 = arith.constant 0 : i32
        %parallel_loop3A_1000 = arith.cmpi slt, %parallel_loop3A_996, %parallel_loop3A_999 : i32
        %parallel_loop3A_1001 = arith.constant 0 : i32
        %parallel_loop3A_1002 = arith.cmpi slt, %parallel_loop3A_995, %parallel_loop3A_1001 : i32
        %parallel_loop3A_1003 = arith.xori %parallel_loop3A_1000, %parallel_loop3A_1002 : i1
        %parallel_loop3A_1004 = arith.andi %parallel_loop3A_1003, %parallel_loop3A_998 : i1
        %parallel_loop3A_1005 = arith.addi %parallel_loop3A_996, %parallel_loop3A_995 : i32
        %parallel_loop3A_1006 = arith.select %parallel_loop3A_1004, %parallel_loop3A_1005, %parallel_loop3A_996 : i32
        %parallel_loop3A_1007 = arith.constant 0 : i32
        %parallel_loop3A_1008 = arith.index_cast %parallel_loop3A_990 : i32 to index
        %parallel_loop3A_1009 = arith.index_cast %parallel_loop3A_1006 : i32 to index
        %parallel_loop3A_1010 = arith.index_cast %parallel_loop3A_1007 : i32 to index
        %parallel_loop3A_1011 = arith.constant 208 : index
        %parallel_loop3A_1012 = tpu.vector_load %arg8[%parallel_loop3A_1008, %parallel_loop3A_1009, %parallel_loop3A_1010, %parallel_loop3A_1011] {strides = array<i32>} : memref<2x64x1x256xf32, #tpu.memory_space<vmem>>, vector<16xf32>,
        tpu.vector_store %arg8[%parallel_loop3A_1008, %parallel_loop3A_1009, %parallel_loop3A_1010, %parallel_loop3A_1011], %parallel_loop3A_966 {strides = array<i32>} : memref<2x64x1x256xf32, #tpu.memory_space<vmem>>, vector<16xf32>,
        %parallel_loop3A_1013 = arith.constant 224 : i32
        %parallel_loop3A_1014 = vector.broadcast %parallel_loop3A_1013 : i32 to vector<16xi32>
        %parallel_loop3A_1015 = arith.addi %parallel_loop3A_298, %parallel_loop3A_1014 : vector<16xi32>
        %parallel_loop3A_1016 = arith.addi %parallel_loop3A_1015, %iota3A : vector<16xi32>
        %parallel_loop3A_1017 = tpu.vector_load_idx %arg5[%parallel_loop3A_1016] : memref<768xf32, #tpu.memory_space<vmem>>[vector<16xi32>], vector<16xf32>,
        %parallel_loop3A_1018 = arith.constant 64 : i32
        %parallel_loop3A_1019 = arith.divsi %parallel_loop3A_292, %parallel_loop3A_1018 : i32
        %parallel_loop3A_1020 = arith.constant 0 : i32
        %parallel_loop3A_1021 = arith.cmpi sgt, %parallel_loop3A_292, %parallel_loop3A_1020 : i32
        %parallel_loop3A_1022 = arith.extui %parallel_loop3A_1021 : i1 to i32
        %parallel_loop3A_1023 = arith.constant 0 : i32
        %parallel_loop3A_1024 = arith.cmpi slt, %parallel_loop3A_292, %parallel_loop3A_1023 : i32
        %parallel_loop3A_1025 = arith.extui %parallel_loop3A_1024 : i1 to i32
        %parallel_loop3A_1026 = arith.subi %parallel_loop3A_1022, %parallel_loop3A_1025 : i32
        %parallel_loop3A_1027 = arith.constant 0 : i32
        %parallel_loop3A_1028 = arith.cmpi sgt, %parallel_loop3A_1018, %parallel_loop3A_1027 : i32
        %parallel_loop3A_1029 = arith.extui %parallel_loop3A_1028 : i1 to i32
        %parallel_loop3A_1030 = arith.constant 0 : i32
        %parallel_loop3A_1031 = arith.cmpi slt, %parallel_loop3A_1018, %parallel_loop3A_1030 : i32
        %parallel_loop3A_1032 = arith.extui %parallel_loop3A_1031 : i1 to i32
        %parallel_loop3A_1033 = arith.subi %parallel_loop3A_1029, %parallel_loop3A_1032 : i32
        %parallel_loop3A_1034 = arith.cmpi ne, %parallel_loop3A_1026, %parallel_loop3A_1033 : i32
        %parallel_loop3A_1035 = arith.remsi %parallel_loop3A_292, %parallel_loop3A_1018 : i32
        %parallel_loop3A_1036 = arith.constant 0 : i32
        %parallel_loop3A_1037 = arith.cmpi ne, %parallel_loop3A_1035, %parallel_loop3A_1036 : i32
        %parallel_loop3A_1038 = arith.andi %parallel_loop3A_1034, %parallel_loop3A_1037 : i1
        %parallel_loop3A_1039 = arith.constant 1 : i32
        %parallel_loop3A_1040 = arith.subi %parallel_loop3A_1019, %parallel_loop3A_1039 : i32
        %parallel_loop3A_1041 = arith.select %parallel_loop3A_1038, %parallel_loop3A_1040, %parallel_loop3A_1019 : i32
        %parallel_loop3A_1042 = arith.constant 64 : i32
        %parallel_loop3A_1043 = arith.constant 0 : i32
        %parallel_loop3A_1044 = arith.cmpi eq, %parallel_loop3A_1042, %parallel_loop3A_1043 : i32
        %parallel_loop3A_1045 = arith.constant 1 : i32
        %parallel_loop3A_1046 = arith.select %parallel_loop3A_1044, %parallel_loop3A_1045, %parallel_loop3A_1042 : i32
        %parallel_loop3A_1047 = arith.remsi %parallel_loop3A_292, %parallel_loop3A_1046 : i32
        %parallel_loop3A_1048 = arith.constant 0 : i32
        %parallel_loop3A_1049 = arith.cmpi ne, %parallel_loop3A_1047, %parallel_loop3A_1048 : i32
        %parallel_loop3A_1050 = arith.constant 0 : i32
        %parallel_loop3A_1051 = arith.cmpi slt, %parallel_loop3A_1047, %parallel_loop3A_1050 : i32
        %parallel_loop3A_1052 = arith.constant 0 : i32
        %parallel_loop3A_1053 = arith.cmpi slt, %parallel_loop3A_1046, %parallel_loop3A_1052 : i32
        %parallel_loop3A_1054 = arith.xori %parallel_loop3A_1051, %parallel_loop3A_1053 : i1
        %parallel_loop3A_1055 = arith.andi %parallel_loop3A_1054, %parallel_loop3A_1049 : i1
        %parallel_loop3A_1056 = arith.addi %parallel_loop3A_1047, %parallel_loop3A_1046 : i32
        %parallel_loop3A_1057 = arith.select %parallel_loop3A_1055, %parallel_loop3A_1056, %parallel_loop3A_1047 : i32
        %parallel_loop3A_1058 = arith.constant 0 : i32
        %parallel_loop3A_1059 = arith.index_cast %parallel_loop3A_1041 : i32 to index
        %parallel_loop3A_1060 = arith.index_cast %parallel_loop3A_1057 : i32 to index
        %parallel_loop3A_1061 = arith.index_cast %parallel_loop3A_1058 : i32 to index
        %parallel_loop3A_1062 = arith.constant 224 : index
        %parallel_loop3A_1063 = tpu.vector_load %arg8[%parallel_loop3A_1059, %parallel_loop3A_1060, %parallel_loop3A_1061, %parallel_loop3A_1062] {strides = array<i32>} : memref<2x64x1x256xf32, #tpu.memory_space<vmem>>, vector<16xf32>,
        tpu.vector_store %arg8[%parallel_loop3A_1059, %parallel_loop3A_1060, %parallel_loop3A_1061, %parallel_loop3A_1062], %parallel_loop3A_1017 {strides = array<i32>} : memref<2x64x1x256xf32, #tpu.memory_space<vmem>>, vector<16xf32>,
        %parallel_loop3A_1064 = arith.constant 240 : i32
        %parallel_loop3A_1065 = vector.broadcast %parallel_loop3A_1064 : i32 to vector<16xi32>
        %parallel_loop3A_1066 = arith.addi %parallel_loop3A_298, %parallel_loop3A_1065 : vector<16xi32>
        %parallel_loop3A_1067 = arith.addi %parallel_loop3A_1066, %iota3A : vector<16xi32>
        %parallel_loop3A_1068 = tpu.vector_load_idx %arg5[%parallel_loop3A_1067] : memref<768xf32, #tpu.memory_space<vmem>>[vector<16xi32>], vector<16xf32>,
        %parallel_loop3A_1069 = arith.constant 64 : i32
        %parallel_loop3A_1070 = arith.divsi %parallel_loop3A_292, %parallel_loop3A_1069 : i32
        %parallel_loop3A_1071 = arith.constant 0 : i32
        %parallel_loop3A_1072 = arith.cmpi sgt, %parallel_loop3A_292, %parallel_loop3A_1071 : i32
        %parallel_loop3A_1073 = arith.extui %parallel_loop3A_1072 : i1 to i32
        %parallel_loop3A_1074 = arith.constant 0 : i32
        %parallel_loop3A_1075 = arith.cmpi slt, %parallel_loop3A_292, %parallel_loop3A_1074 : i32
        %parallel_loop3A_1076 = arith.extui %parallel_loop3A_1075 : i1 to i32
        %parallel_loop3A_1077 = arith.subi %parallel_loop3A_1073, %parallel_loop3A_1076 : i32
        %parallel_loop3A_1078 = arith.constant 0 : i32
        %parallel_loop3A_1079 = arith.cmpi sgt, %parallel_loop3A_1069, %parallel_loop3A_1078 : i32
        %parallel_loop3A_1080 = arith.extui %parallel_loop3A_1079 : i1 to i32
        %parallel_loop3A_1081 = arith.constant 0 : i32
        %parallel_loop3A_1082 = arith.cmpi slt, %parallel_loop3A_1069, %parallel_loop3A_1081 : i32
        %parallel_loop3A_1083 = arith.extui %parallel_loop3A_1082 : i1 to i32
        %parallel_loop3A_1084 = arith.subi %parallel_loop3A_1080, %parallel_loop3A_1083 : i32
        %parallel_loop3A_1085 = arith.cmpi ne, %parallel_loop3A_1077, %parallel_loop3A_1084 : i32
        %parallel_loop3A_1086 = arith.remsi %parallel_loop3A_292, %parallel_loop3A_1069 : i32
        %parallel_loop3A_1087 = arith.constant 0 : i32
        %parallel_loop3A_1088 = arith.cmpi ne, %parallel_loop3A_1086, %parallel_loop3A_1087 : i32
        %parallel_loop3A_1089 = arith.andi %parallel_loop3A_1085, %parallel_loop3A_1088 : i1
        %parallel_loop3A_1090 = arith.constant 1 : i32
        %parallel_loop3A_1091 = arith.subi %parallel_loop3A_1070, %parallel_loop3A_1090 : i32
        %parallel_loop3A_1092 = arith.select %parallel_loop3A_1089, %parallel_loop3A_1091, %parallel_loop3A_1070 : i32
        %parallel_loop3A_1093 = arith.constant 64 : i32
        %parallel_loop3A_1094 = arith.constant 0 : i32
        %parallel_loop3A_1095 = arith.cmpi eq, %parallel_loop3A_1093, %parallel_loop3A_1094 : i32
        %parallel_loop3A_1096 = arith.constant 1 : i32
        %parallel_loop3A_1097 = arith.select %parallel_loop3A_1095, %parallel_loop3A_1096, %parallel_loop3A_1093 : i32
        %parallel_loop3A_1098 = arith.remsi %parallel_loop3A_292, %parallel_loop3A_1097 : i32
        %parallel_loop3A_1099 = arith.constant 0 : i32
        %parallel_loop3A_1100 = arith.cmpi ne, %parallel_loop3A_1098, %parallel_loop3A_1099 : i32
        %parallel_loop3A_1101 = arith.constant 0 : i32
        %parallel_loop3A_1102 = arith.cmpi slt, %parallel_loop3A_1098, %parallel_loop3A_1101 : i32
        %parallel_loop3A_1103 = arith.constant 0 : i32
        %parallel_loop3A_1104 = arith.cmpi slt, %parallel_loop3A_1097, %parallel_loop3A_1103 : i32
        %parallel_loop3A_1105 = arith.xori %parallel_loop3A_1102, %parallel_loop3A_1104 : i1
        %parallel_loop3A_1106 = arith.andi %parallel_loop3A_1105, %parallel_loop3A_1100 : i1
        %parallel_loop3A_1107 = arith.addi %parallel_loop3A_1098, %parallel_loop3A_1097 : i32
        %parallel_loop3A_1108 = arith.select %parallel_loop3A_1106, %parallel_loop3A_1107, %parallel_loop3A_1098 : i32
        %parallel_loop3A_1109 = arith.constant 0 : i32
        %parallel_loop3A_1110 = arith.index_cast %parallel_loop3A_1092 : i32 to index
        %parallel_loop3A_1111 = arith.index_cast %parallel_loop3A_1108 : i32 to index
        %parallel_loop3A_1112 = arith.index_cast %parallel_loop3A_1109 : i32 to index
        %parallel_loop3A_1113 = arith.constant 240 : index
        %parallel_loop3A_1114 = tpu.vector_load %arg8[%parallel_loop3A_1110, %parallel_loop3A_1111, %parallel_loop3A_1112, %parallel_loop3A_1113] {strides = array<i32>} : memref<2x64x1x256xf32, #tpu.memory_space<vmem>>, vector<16xf32>,
        tpu.vector_store %arg8[%parallel_loop3A_1110, %parallel_loop3A_1111, %parallel_loop3A_1112, %parallel_loop3A_1113], %parallel_loop3A_1068 {strides = array<i32>} : memref<2x64x1x256xf32, #tpu.memory_space<vmem>>, vector<16xf32>,
      } {sc.loop_unroll_factor = 2 : i64, sc.parallel_access}
      %add3A_255 = arith.constant 1 : i32
      %add3A_256 = arith.addi %add3A_139, %add3A_255 : i32
      %mul3A_257 = arith.constant 128 : i32
      %mul3A_258 = arith.muli %add3A_256, %mul3A_257 : i32
      %add3A_259 = arith.addi %mul3A_2, %mul3A_258 : i32
      %jit3A_260 = arith.constant 64 : i32
      %div3A_261 = arith.divsi %add3A_259, %jit3A_260 : i32
      %sign3A_262 = arith.constant 0 : i32
      %sign3A_263 = arith.cmpi sgt, %add3A_259, %sign3A_262 : i32
      %sign3A_264 = arith.extui %sign3A_263 : i1 to i32
      %sign3A_265 = arith.constant 0 : i32
      %sign3A_266 = arith.cmpi slt, %add3A_259, %sign3A_265 : i32
      %sign3A_267 = arith.extui %sign3A_266 : i1 to i32
      %sign3A_268 = arith.subi %sign3A_264, %sign3A_267 : i32
      %sign3A_269 = arith.constant 0 : i32
      %sign3A_270 = arith.cmpi sgt, %jit3A_260, %sign3A_269 : i32
      %sign3A_271 = arith.extui %sign3A_270 : i1 to i32
      %sign3A_272 = arith.constant 0 : i32
      %sign3A_273 = arith.cmpi slt, %jit3A_260, %sign3A_272 : i32
      %sign3A_274 = arith.extui %sign3A_273 : i1 to i32
      %sign3A_275 = arith.subi %sign3A_271, %sign3A_274 : i32
      %ne3A_276 = arith.cmpi ne, %sign3A_268, %sign3A_275 : i32
      %rem3A_277 = arith.remsi %add3A_259, %jit3A_260 : i32
      %ne3A_278 = arith.constant 0 : i32
      %ne3A_279 = arith.cmpi ne, %rem3A_277, %ne3A_278 : i32
      %and3A_280 = arith.andi %ne3A_276, %ne3A_279 : i1
      %sub3A_281 = arith.constant 1 : i32
      %sub3A_282 = arith.subi %div3A_261, %sub3A_281 : i32
      %select_n3A_283 = arith.select %and3A_280, %sub3A_282, %div3A_261 : i32
      %dma_start3A_284 = arith.constant 0 : i32
      %dma_start3A_285 = arith.constant 0 : i32
      %dma_start3A_286 = arith.constant 0 : i32
      %dma_start3A_287 = tpu.memref_slice %arg4[%select_n3A_283, %dma_start3A_284, %dma_start3A_285, %dma_start3A_286] : memref<4096x64x1x256xf32, #tpu.memory_space<hbm>> -> memref<2x64x1x256xf32, #tpu.memory_space<hbm>>
      %dma_start3A_288 = arith.constant 0 : i32
      %dma_start3A_289 = arith.constant 0 : i32
      %dma_start3A_290 = arith.constant 0 : i32
      %dma_start3A_291 = tpu.memref_slice %arg4[%select_n3A_283, %dma_start3A_288, %dma_start3A_289, %dma_start3A_290] : memref<4096x64x1x256xf32, #tpu.memory_space<hbm>> -> memref<2x64x1x256xf32, #tpu.memory_space<hbm>>
      tpu.enqueue_dma source(%arg8 : memref<2x64x1x256xf32, #tpu.memory_space<vmem>>) target(%dma_start3A_291 : memref<2x64x1x256xf32, #tpu.memory_space<hbm>>) target_semaphore(%arg10 : memref<!tpu.dma_semaphore, #tpu.memory_space<semaphore_mem>>)
    }
    %scan3A_71 = arith.constant 31 : i32
    %jit3A_72 = arith.constant 64 : i32
    %div3A_73 = arith.divsi %mul3A_2, %jit3A_72 : i32
    %sign3A_74 = arith.constant 0 : i32
    %sign3A_75 = arith.cmpi sgt, %mul3A_2, %sign3A_74 : i32
    %sign3A_76 = arith.extui %sign3A_75 : i1 to i32
    %sign3A_77 = arith.constant 0 : i32
    %sign3A_78 = arith.cmpi slt, %mul3A_2, %sign3A_77 : i32
    %sign3A_79 = arith.extui %sign3A_78 : i1 to i32
    %sign3A_80 = arith.subi %sign3A_76, %sign3A_79 : i32
    %sign3A_81 = arith.constant 0 : i32
    %sign3A_82 = arith.cmpi sgt, %jit3A_72, %sign3A_81 : i32
    %sign3A_83 = arith.extui %sign3A_82 : i1 to i32
    %sign3A_84 = arith.constant 0 : i32
    %sign3A_85 = arith.cmpi slt, %jit3A_72, %sign3A_84 : i32
    %sign3A_86 = arith.extui %sign3A_85 : i1 to i32
    %sign3A_87 = arith.subi %sign3A_83, %sign3A_86 : i32
    %ne3A_88 = arith.cmpi ne, %sign3A_80, %sign3A_87 : i32
    %rem3A_89 = arith.remsi %mul3A_2, %jit3A_72 : i32
    %ne3A_90 = arith.constant 0 : i32
    %ne3A_91 = arith.cmpi ne, %rem3A_89, %ne3A_90 : i32
    %and3A_92 = arith.andi %ne3A_88, %ne3A_91 : i1
    %sub3A_93 = arith.constant 1 : i32
    %sub3A_94 = arith.subi %div3A_73, %sub3A_93 : i32
    %select_n3A_95 = arith.select %and3A_92, %sub3A_94, %div3A_73 : i32
    %dma_wait3A = arith.constant 0 : i32
    %dma_wait3A_96 = arith.constant 0 : i32
    %dma_wait3A_97 = arith.constant 0 : i32
    %dma_wait3A_98 = tpu.memref_slice %arg4[%select_n3A_95, %dma_wait3A, %dma_wait3A_96, %dma_wait3A_97] : memref<4096x64x1x256xf32, #tpu.memory_space<hbm>> -> memref<2x64x1x256xf32, #tpu.memory_space<hbm>>
    %dma_wait3A_99 = arith.constant 0 : i32
    %dma_wait3A_100 = arith.constant 0 : i32
    %dma_wait3A_101 = arith.constant 0 : i32
    %dma_wait3A_102 = tpu.memref_slice %arg4[%select_n3A_95, %dma_wait3A_99, %dma_wait3A_100, %dma_wait3A_101] : memref<4096x64x1x256xf32, #tpu.memory_space<hbm>> -> memref<2x64x1x256xf32, #tpu.memory_space<hbm>>
    tpu.wait_dma2 semaphore(%arg9 : memref<!tpu.dma_semaphore, #tpu.memory_space<semaphore_mem>>) src(%arg7 : memref<2x64x1x256xf32, #tpu.memory_space<vmem>>) dst(%dma_wait3A_102 : memref<2x64x1x256xf32, #tpu.memory_space<hbm>>)
    %jit3A_103 = arith.constant 64 : i32
    %div3A_104 = arith.divsi %mul3A_2, %jit3A_103 : i32
    %sign3A_105 = arith.constant 0 : i32
    %sign3A_106 = arith.cmpi sgt, %mul3A_2, %sign3A_105 : i32
    %sign3A_107 = arith.extui %sign3A_106 : i1 to i32
    %sign3A_108 = arith.constant 0 : i32
    %sign3A_109 = arith.cmpi slt, %mul3A_2, %sign3A_108 : i32
    %sign3A_110 = arith.extui %sign3A_109 : i1 to i32
    %sign3A_111 = arith.subi %sign3A_107, %sign3A_110 : i32
    %sign3A_112 = arith.constant 0 : i32
    %sign3A_113 = arith.cmpi sgt, %jit3A_103, %sign3A_112 : i32
    %sign3A_114 = arith.extui %sign3A_113 : i1 to i32
    %sign3A_115 = arith.constant 0 : i32
    %sign3A_116 = arith.cmpi slt, %jit3A_103, %sign3A_115 : i32
    %sign3A_117 = arith.extui %sign3A_116 : i1 to i32
    %sign3A_118 = arith.subi %sign3A_114, %sign3A_117 : i32
    %ne3A_119 = arith.cmpi ne, %sign3A_111, %sign3A_118 : i32
    %rem3A_120 = arith.remsi %mul3A_2, %jit3A_103 : i32
    %ne3A_121 = arith.constant 0 : i32
    %ne3A_122 = arith.cmpi ne, %rem3A_120, %ne3A_121 : i32
    %and3A_123 = arith.andi %ne3A_119, %ne3A_122 : i1
    %sub3A_124 = arith.constant 1 : i32
    %sub3A_125 = arith.subi %div3A_104, %sub3A_124 : i32
    %select_n3A_126 = arith.select %and3A_123, %sub3A_125, %div3A_104 : i32
    %dma_wait3A_127 = arith.constant 0 : i32
    %dma_wait3A_128 = arith.constant 0 : i32
    %dma_wait3A_129 = arith.constant 0 : i32
    %dma_wait3A_130 = tpu.memref_slice %arg4[%select_n3A_126, %dma_wait3A_127, %dma_wait3A_128, %dma_wait3A_129] : memref<4096x64x1x256xf32, #tpu.memory_space<hbm>> -> memref<2x64x1x256xf32, #tpu.memory_space<hbm>>
    %dma_wait3A_131 = arith.constant 0 : i32
    %dma_wait3A_132 = arith.constant 0 : i32
    %dma_wait3A_133 = arith.constant 0 : i32
    %dma_wait3A_134 = tpu.memref_slice %arg4[%select_n3A_126, %dma_wait3A_131, %dma_wait3A_132, %dma_wait3A_133] : memref<4096x64x1x256xf32, #tpu.memory_space<hbm>> -> memref<2x64x1x256xf32, #tpu.memory_space<hbm>>
    tpu.wait_dma2 semaphore(%arg10 : memref<!tpu.dma_semaphore, #tpu.memory_space<semaphore_mem>>) src(%arg8 : memref<2x64x1x256xf32, #tpu.memory_space<vmem>>) dst(%dma_wait3A_134 : memref<2x64x1x256xf32, #tpu.memory_space<hbm>>)
    return
  }
}

</mosaic_0001>

<sc_bundles>
// kernel: _sc_lookup.3.cloned.1.call-start
scs
__scs_entry_jumppad:
0x0: {  	(pc) =	sbr.rel $0x88, $3  }
0x1: {  	(tag) =	ssettag $0x0;
	lr =	simm.s32 $0x1  }
0x2: {  	[smem:$0x3F9F] =	sst lr;
	_ =	strace $0xD0000000  }
0x3: {  	_ = 	snop  }
0x4: {  	_ = 	snop  }
0x5: {  	_ = 	snop  }
0x6: {  	_ = 	snop  }
0x7: {  	_ = 	snop  }
__scs_overlays_trampoline_lowered:
0x8: {  	[smem:$0x3FAE] =	sst s0  }
0x9: {  	[smem:$0x3FAF] =	sst s1  }
0xa: {  	[smem:$0x3FB0] =	sst s2  }
0xb: {  	[smem:$0x3FB1] =	sst s3  }
0xc: {  	[smem:$0x3FB2] =	sst s4  }
0xd: {  	[smem:$0x3FB3] =	sst s5  }
0xe: {  	[smem:$0x3FB4] =	sst s6  }
0xf: {  	[smem:$0x3FB5] =	sst s7  }
0x10: {  	[smem:$0x3FB6] =	sst s8  }
0x11: {  	[smem:$0x3FB7] =	sst s9;
	s0 =	simm.s32 @!p0 $0x0  }
0x12: {  	s1 =	sld [smem:$0x3F9D];
	s0 =	simm.s32 @p0 $0x1  }
0x13: {  	[smem:$0x3FB8] =	sst s0;
	s0 =	simm.s32 @!p1 $0x0  }
0x14: {  	s2 =	sld [smem:$0x3F9C];
	s0 =	simm.s32 @p1 $0x1  }
0x15: {  	[smem:$0x3FB9] =	sst s0;
	s0 =	simm.s32 @!p2 $0x0  }
0x16: {  	s3 =	sld [smem:$0x3FDB];
	s0 =	simm.s32 @p2 $0x1  }
0x17: {  	s4 =	simm.s32 $0x1BF5;
	[smem:$0x3FBB] =	sst s0  }
0x18: {  	s0 =	sld [smem:$0x3F9E];
	_ =	swait.ge [sflag:s4], $0x0  }
0x19: {  	s7 =	sld [smem:$0x3F9F]  }
0x1a: {  	s8 =	sadd.s32 $0xFFFFE003, lr  }
0x1b: {  	s9 =	sadd.s32 $0xFFFFFEF7, lr;
	s5 =	simm.s32 $0xFFFFFFFF;
	p2 =	slt.u32 s8, $0xFFFFF086  }
0x1c: {  	p1 =	slt.u32 s9, $0xF7A;
	s5 =	simm.s32 @!p2 $0x0  }
0x1d: {  	s5 =	simm.s32 @p1 $0x1;
	p0 =	seq.s32 s7, s2  }
0x1e: {  	s7 =	smul.u32 @!p0 $0xF7A, s2;
	p2 =	seq.s32 @!p0 s5, $0x0  }
0x1f: {  	s9 =	smul.u32 $0xF7A, s1;
	s8 =	simm.s32 @!p0 $0x1BF5;
	p2 =	por !p2, p0  }
0x20: {  	[sflag:s8] =	ssyncset.s32 @!p0 $0xFFFFF086;
	s6 =	sadd.s32 @!p0 s3, s7;
	s7 =	simm.s32 @!p0 $0x108  }
0x21: {  	s3 =	sadd.s32 s3, s9;
	s6 =	sadd.s32 @!p0 $0x88, s6;
	s7 =	simm.s32 @p2 $0x1082  }
0x22: {  	[simem:s7], [sflag:s8] =	dma.local @!p0 [hbm:s6], $0xF7A  }
0x23: {  	s9 =	sor.u32 $0xD0000000, s2;
	s6 =	simm.s32 $0x108;
	_ =	swait.ge @!p0 [sflag:s8], $0x0  }
0x24: {  	s3 =	sadd.s32 $0x88, s3;
	s6 =	simm.s32 @!p1 $0x1082;
	[sflag:s4] =	ssyncset.s32 $0xFFFFF086  }
0x25: {  	[simem:s6], [sflag:s4] =	dma.local [hbm:s3], $0xF7A  }
0x26: {  	[smem:$0x3F9F] =	sst s1;
	(tag) =	ssettag s2;
	_ =	strace s9  }
0x27: {  	s1 =	sld [smem:$0x3FAF]  }
0x28: {  	s2 =	sld [smem:$0x3FB0]  }
0x29: {  	s4 =	sld [smem:$0x3FB2]  }
0x2a: {  	p0 =	seq.s32 s5, $0x0;
	s5 =	sld [smem:$0x3FB3]  }
0x2b: {  	s6 =	sld [smem:$0x3FB4]  }
0x2c: {  	s7 =	sld [smem:$0x3FB5]  }
0x2d: {  	s3 =	simm.s32 $0x108;
	s8 =	sld [smem:$0x3FB6]  }
0x2e: {  	s3 =	simm.s32 @!p0 $0x1082;
	s9 =	sld [smem:$0x3FB7]  }
0x2f: {  	lr =	sadd.s32 s0, s3;
	s0 =	sld [smem:$0x3FAE]  }
0x30: {  	s3 =	sld [smem:$0x3FB1]  }
0x31: {  	[smem:$0x3FBA] =	sst s10  }
0x32: {  	s10 =	sld [smem:$0x3FB8];
	_ =	sdelay $0x3  }
0x33: {  	p0 =	seq.s32 s10, $0x1;
	s10 =	sld [smem:$0x3FBA];
	_ =	sdelay $0x3  }
0x34: {  	[smem:$0x3FBA] =	sst s10  }
0x35: {  	s10 =	sld [smem:$0x3FB9];
	_ =	sdelay $0x3  }
0x36: {  	p1 =	seq.s32 s10, $0x1;
	s10 =	sld [smem:$0x3FBA];
	_ =	sdelay $0x3  }
0x37: {  	[smem:$0x3FBA] =	sst s10  }
0x38: {  	s10 =	sld [smem:$0x3FBB]  }
0x39: {  	_ = 	snop;
	(pc) =	sbr.ind lr, $3  }
0x3a: {  	_ = 	snop  }
0x3b: {  	_ = 	snop  }
0x3c: {  	p2 =	seq.s32 s10, $0x1;
	s10 =	sld [smem:$0x3FBA]  }
0x3d: {  	_ =	shalt  }
0x3e: {  	_ =	shalt  }
0x3f: {  	_ =	shalt  }
0x40: {  	_ =	shalt  }
0x41: {  	_ =	shalt  }
0x42: {  	_ =	shalt  }
0x43: {  	_ =	shalt  }
0x44: {  	_ =	shalt  }
0x45: {  	_ =	shalt  }
0x46: {  	_ =	shalt  }
0x47: {  	_ =	shalt  }
0x48: {  	_ =	shalt  }
0x49: {  	_ =	shalt  }
0x4a: {  	_ =	shalt  }
0x4b: {  	_ =	shalt  }
0x4c: {  	_ =	shalt  }
0x4d: {  	_ =	shalt  }
0x4e: {  	_ =	shalt  }
0x4f: {  	_ =	shalt  }
0x50: {  	_ =	shalt  }
0x51: {  	_ =	shalt  }
0x52: {  	_ =	shalt  }
0x53: {  	_ =	shalt  }
0x54: {  	_ =	shalt  }
0x55: {  	_ =	shalt  }
0x56: {  	_ =	shalt  }
0x57: {  	_ =	shalt  }
0x58: {  	_ =	shalt  }
0x59: {  	_ =	shalt  }
0x5a: {  	_ =	shalt  }
0x5b: {  	_ =	shalt  }
0x5c: {  	_ =	shalt  }
0x5d: {  	_ =	shalt  }
0x5e: {  	_ =	shalt  }
0x5f: {  	_ =	shalt  }
0x60: {  	_ =	shalt  }
0x61: {  	_ =	shalt  }
0x62: {  	_ =	shalt  }
0x63: {  	_ =	shalt  }
0x64: {  	_ =	shalt  }
0x65: {  	_ =	shalt  }
0x66: {  	_ =	shalt  }
0x67: {  	_ =	shalt  }
0x68: {  	_ =	shalt  }
0x69: {  	_ =	shalt  }
0x6a: {  	_ =	shalt  }
0x6b: {  	_ =	shalt  }
0x6c: {  	_ =	shalt  }
0x6d: {  	_ =	shalt  }
0x6e: {  	_ =	shalt  }
0x6f: {  	_ =	shalt  }
0x70: {  	_ =	shalt  }
0x71: {  	_ =	shalt  }
0x72: {  	_ =	shalt  }
0x73: {  	_ =	shalt  }
0x74: {  	_ =	shalt  }
0x75: {  	_ =	shalt  }
0x76: {  	_ =	shalt  }
0x77: {  	_ =	shalt  }
0x78: {  	_ =	shalt  }
0x79: {  	_ =	shalt  }
0x7a: {  	_ =	shalt  }
0x7b: {  	_ =	shalt  }
0x7c: {  	_ =	shalt  }
0x7d: {  	_ =	shalt  }
0x7e: {  	_ =	shalt  }
0x7f: {  	_ =	shalt  }
0x80: {  	_ =	shalt  }
0x81: {  	_ =	shalt  }
0x82: {  	_ =	shalt  }
0x83: {  	_ =	shalt  }
0x84: {  	_ =	shalt  }
0x85: {  	_ =	shalt  }
0x86: {  	_ =	shalt  }
0x87: {  	_ =	shalt  }
.Lfunc_end0:
.L_simem_size_0:
called_computation_lowered:
.L_overlay_start_0:
0x88: {  	s2 =	sld [smem:$0x3FD9]  }
0x89: {  	s3 =	sld [smem:$0x3FFE];
	_ =	sdelay $0x1  }
0x8a: {  	s1 =	srdreg.scid  }
0x8b: {  	s0 =	sand.u32 $0x1, s1  }
0x8c: {  	s18 =	sshll.u32 s0, $0xA;
	s2 =	sadd.s32 s3, s2  }
0x8d: {  	s2 =	sadd.s32 s2, s18  }
0x8e: {  	[smem:$0x3FC6] =	sst s2  }
0x8f: {  	_ = 	snop  }
0x90: {  	s2 =	sld [smem:$0x3FC9]  }
0x91: {  	s19 =	sld [smem:$0x3FC8]  }
0x92: {  	s4 =	sld [smem:$0x3FD0];
	(tm) =	ssettm $0x1  }
0x93: {  	s5 =	sld [smem:$0x3FFB];
	_ =	sdelay $0x3  }
0x94: {  	_ =	strace s5  }
0x95: {  	s5 =	sld [smem:$0x3FFC];
	_ =	sdelay $0x3  }
0x96: {  	_ =	strace s5  }
0x97: {  	s5 =	sld [smem:$0x3FFD];
	_ =	sdelay $0x3  }
0x98: {  	_ =	strace s5  }
0x99: {  	_ =	strace $0x8FFFFFFF  }
0x9a: {  	s20 =	sld [smem:$0x3FDB];
	_ =	sdelay $0x1  }
0x9b: {  	s6 =	simm.s32 $_scs_section_size  }
0x9c: {  	s7 =	simm.s32 $_size__tile_overlayer_lowered;
	s8 =	simm.s32 $_tile_overlayer_lowered  }
0x9d: {  	s23 =	simm.s32 $0x1BFF;
	s22 =	sshll.u32 s8, $0x1;
	s5 =	sadd.s32 s6, s20  }
0x9e: {  	s9 =	simm.s32 $0x0;
	s21 =	sshll.u32 s7, $0x1;
	s7 =	sadd.s32 s22, s5  }
0x9f: {  	[timem:s9], [sflag:s23] =	dma.local [hbm:s7], s21  }
0xa0: {  	_ =	swait.ge [sflag:s23], s21  }
0xa1: {  	s6 =	ssub.s32 $0x0, s21;
	[sflag:s23] =	ssyncset.done $0x0  }
0xa2: {  	[sflag:s23] =	ssyncadd.s32 s6;
	_ =	sdelay $0x1  }
0xa3: {  	s24 =	simm.s32 $0x1B8B  }
0xa4: {  	_ =	swait.ge [sflag:s24], $0x1  }
0xa5: {  	[sflag:s24] =	ssyncset.done $0x0  }
0xa6: {  	s25 =	simm.s32 $0x1B8E;
	[sflag:s24] =	ssyncadd.s32 $0xFFFFFFFF  }
0xa7: {  	s26 =	simm.s32 $execute0_lowered;
	[smem:$0x3FD2] =	sst s25  }
0xa8: {  	s6 =	sshll.u32 s26, $0x1;
	_ =	strace $0x80000046;
	[dreg:$0x1] =	wrdreg $0xFFFFFFFF  }
0xa9: {  	s28 =	simm.s32 $_size_execute0_lowered;
	s5 =	sadd.s32 s5, s6;
	[dreg:$0x0] =	wrdreg $0x0  }
0xaa: {  	s6 =	sshll.u32 s28, $0x1;
	[dreg:$0x2] =	wrdreg s5  }
0xab: {  	[dreg:$0x3] =	wrdreg s6  }
0xac: {  	[dreg:$0x4] =	wrdreg $0xC0  }
0xad: {  	_ =	task [dreg:s9], $0x5FFFF  }
0xae: {  	[dreg:$0x1] =	wrdreg $0xFFFFFFFF  }
0xaf: {  	[dreg:$0x0] =	wrdreg $0x60  }
0xb0: {  	[dreg:$0x2] =	wrdreg s2  }
0xb1: {  	[dreg:$0x3] =	wrdreg s19  }
0xb2: {  	[dreg:$0x4] =	wrdreg s4  }
0xb3: {  	[dreg:$0x5] =	wrdreg $0x9  }
0xb4: {  	_ =	task.clear_ibuf [dreg:s9], $0x6FFFF;
	_ =	strace $0x90000046  }
0xb5: {  	s29 =	simm.s32 $0x9;
	_ =	strace $0x80000048  }
0xb6: {  	_ =	swait.ge [sflag:s29], $0x1  }
0xb7: {  	[sflag:s29] =	ssyncadd.s32 $0xFFFFFFFF  }
0xb8: {  	_ =	strace $0x90000048  }
0xb9: {  	_ =	sfence  }
0xba: {  	s30 =	sld [smem:$0x0];
	_ =	sdelay $0x2  }
0xbb: {  	s31 =	sshll.u32 s1, $0xD;
	s1 =	sshrl.u32 s1, $0x2  }
0xbc: {  	s3 =	sand.u32 $0x4000, s31;
	s1 =	sadd.s32 s1, s30  }
0xbd: {  	s0 =	sor.u32 s3, s0;
	s1 =	sshll.u32 s1, $0x11  }
0xbe: {  	s0 =	sor.u32 s1, s0  }
0xbf: {  	s0 =	sadd.s32 $0x8F2B, s0  }
0xc0: {  	[sflag:s0] =	ssyncadd.remote.s32 $0x1  }
0xc1: {  	_ =	sfence.sel $0xFFFF  }
0xc2: {  	[dreg:$0x0] =	wrdreg $0xFFFFFFFF;
	(pc) =	sbr.abs _section_cstart, $3  }
0xc3: {  	[dreg:$0x1] =	wrdreg $0xFFFFFFFF  }
0xc4: {  	_ =	task.clear_ibuf [dreg:s9], $0x2FFFF;
	_ =	strace $0x9FFFFFFF  }
0xc5: {  	(tm) =	ssettm $0x7FFFFFFF  }
tec
execute0_lowered:
.L_overlay_start_1:
0x0: {  	(tag) =	ssettag $0x1  }
0x1: {  	s0 =	rddreg [dreg:$0x0]  }
0x2: {  	s3 =	rddreg [dreg:$0x2];
	s5 =	srdreg.scid  }
0x3: {  	s4 =	simm.s32 $0x0;
	s1 =	stileid.u32;
	s11 =	simm.s32 $0x300  }
0x4: {  	s12 =	simm.s32 $0x2300;
	s13 =	simm.s32 $0xA300;
	s14 =	simm.s32 $0x1  }
0x5: {  	v0 =	vlaneseq.u32;
	s15 =	simm.s32 $0x2;
	s16 =	simm.s32 $0x0;
	s5 =	sand.u32 $0x1, s5  }
0x6: {  	[smem:$0x7FF] =	sst s4;
	s6 =	sshll.u32 s1, $0xE;
	v1 =	vor.u32 $0x10, v0;
	v2 =	vor.u32 $0x20, v0;
	v3 =	vor.u32 $0x30, v0;
	s7 =	sshll.u32 s5, $0xD  }
0x7: {  	v4 =	vor.u32 $0x40, v0;
	v5 =	vor.u32 $0x50, v0;
	v6 =	vor.u32 $0x60, v0;
	_ =	strace $0x80000047;
	s8 =	ssub.s32 $0x2, s5;
	s5 =	sor.u32 s7, s6  }
0x8: {  	v7 =	vor.u32 $0x70, v0;
	v8 =	vor.u32 $0x80, v0;
	v9 =	vor.u32 $0x90, v0;
	s31 =	sshrl.u32 s8, $0x1;
	s7 =	sshrl.u32 s5, $0x3;
	s9 =	sshll.u32 s5, $0x5  }
0x9: {  	v10 =	vor.u32 $0xA0, v0;
	v11 =	vor.u32 $0xB0, v0;
	v12 =	vor.u32 $0xC0, v0;
	s10 =	ssub.s32 s8, s31;
	s6 =	sadd.s32 s0, s7;
	s7 =	sadd.s32 s3, s9  }
0xa: {  	v13 =	vor.u32 $0xD0, v0;
	v14 =	vor.u32 $0xE0, v0;
	v15 =	vor.u32 $0xF0, v0;
	s9 =	smax.u32 s10, $0x1;
	s10 =	simm.s32 $0x3;
	s8 =	sadd.s32 $0x1000, s7  }
.LBB2_1:
0xb: {  	s0 =	rddreg [dreg:$0x1]  }
0xc: {  	[tilespmem:s4], [sflag:$0x3] =	stream.linear.gather [hbm4b:s0+s4], $0x300, $0x38;
	[tilespmem:$0x12300] =	vst v63  }
0xd: {  	_ =	swait.ge [sflag:s10], $0x300  }
0xe: {  	s29 =	simm.s32 $0x1;
	[sflag:s10] =	ssyncset.done $0x0  }
0xf: {  	v16 =	vmov s29;
	[sflag:s10] =	ssyncadd.s32 $0xFFFFFD00  }
0x10: {  	[tilespmem:s11], [sflag:$0x3] =	stream.linear.gather [hbm4b:s6+s4], $0x2000, $0x38;
	[tilespmem:$0x12300] =	vst v63  }
0x11: {  	_ =	swait.ge [sflag:s10], $0x2000  }
0x12: {  	[sflag:s10] =	ssyncset.done $0x0  }
0x13: {  	[sflag:s10] =	ssyncadd.s32 $0xFFFFE000  }
0x14: {  	v16 =	vld.idx.msk [tilespmem:v16+s11+$0x0], $0xffff;
	_ =	sdelay $0x4  }
0x15: {  	v20 =	vshll.u32 v16, $0x8  }
0x16: {  	v16 =	vor.u32 v0, v20;
	_ =	sdelay $0x4  }
0x17: {  	v16 =	vld.idx.msk [tilespmem:v16+s4+$0x0], $0xffff  }
0x18: {  	v17 =	vor.u32 v1, v20  }
0x19: {  	s30 =	simm.s32 $0x100;
	s17 =	simm.s32 $0x0  }
0x1a: {  	s17 =	sand.u32 $0x4000, s17;
	s0 =	sand.u32 $0x3F00, s30  }
0x1b: {  	s23 =	sor.u32 s0, s17  }
0x1c: {  	[tilespmem:s23+$0x2300] =	vst v16  }
0x1d: {  	v16 =	vld.idx.msk [tilespmem:v17+s4+$0x0], $0xffff  }
0x1e: {  	v17 =	vor.u32 v2, v20;
	_ =	sdelay $0x1  }
0x1f: {  	v18 =	vmov s4  }
0x20: {  	v18 =	vand.u32 $0xFFFFFFFE, v18  }
0x21: {  	v18 =	vbroadcast v18, $0x0;
	[tilespmem:s23+$0x2310] =	vst v16  }
0x22: {  	v16 =	vld.idx.msk [tilespmem:v17+s4+$0x0], $0xffff  }
0x23: {  	s31 =	simm.s32 $0x3;
	v17 =	vor.u32 v3, v20  }
0x24: {  	v19 =	vmov s31;
	_ =	sdelay $0x2  }
0x25: {  	v18 =	vld.idx.msk [tilespmem:v18+s11+$0x0], $0xffff;
	[tilespmem:s23+$0x2320] =	vst v16  }
0x26: {  	v16 =	vld.idx.msk [tilespmem:v17+s4+$0x0], $0xffff  }
0x27: {  	v17 =	vld.idx.msk [tilespmem:v19+s11+$0x0], $0xffff  }
0x28: {  	v19 =	vor.u32 v4, v20;
	_ =	sdelay $0x2  }
0x29: {  	v23 =	vshll.u32 v18, $0x8  }
0x2a: {  	v18 =	vor.u32 v0, v23;
	[tilespmem:s23+$0x2330] =	vst v16;
	v22 =	vshll.u32 v17, $0x8  }
0x2b: {  	v16 =	vld.idx.msk [tilespmem:v19+s4+$0x0], $0xffff;
	v17 =	vor.u32 v0, v22  }
0x2c: {  	v19 =	vor.u32 v5, v20;
	_ =	sdelay $0x2  }
0x2d: {  	v18 =	vld.idx.msk [tilespmem:v18+s4+$0x0], $0xffff  }
0x2e: {  	v17 =	vld.idx.msk [tilespmem:v17+s4+$0x0], $0xffff;
	[tilespmem:s23+$0x2340] =	vst v16;
	v16 =	vor.u32 v1, v23  }
0x2f: {  	v21 =	vor.u32 v1, v22;
	v19 =	vld.idx.msk [tilespmem:v19+s4+$0x0], $0xffff  }
0x30: {  	s1 =	simm.s32 $0x300;
	s2 =	simm.s32 $0x200;
	v24 =	vor.u32 v6, v20  }
0x31: {  	s22 =	simm.s32 $0x2380;
	s17 =	sand.u32 $0x4000, s2;
	s0 =	sand.u32 $0x3F00, s1  }
0x32: {  	s19 =	sor.u32 s0, s17;
	[tilespmem:s22+$0xFFFFFF80] =	vst v18  }
0x33: {  	[tilespmem:s19+$0x2300] =	vst v17;
	v16 =	vld.idx.msk [tilespmem:v16+s4+$0x0], $0xffff  }
0x34: {  	v18 =	vor.u32 v2, v23;
	v17 =	vld.idx.msk [tilespmem:v21+s4+$0x0], $0xffff;
	[tilespmem:s23+$0x2350] =	vst v19  }
0x35: {  	s17 =	simm.s32 $0x2;
	v21 =	vor.u32 v2, v22;
	v19 =	vld.idx.msk [tilespmem:v24+s4+$0x0], $0xffff  }
0x36: {  	v25 =	vor.u32 v7, v20;
	v24 =	vmov s17  }
0x37: {  	s18 =	simm.s32 $0x5;
	v24 =	vand.u32 $0xFFFFFFFE, v24  }
0x38: {  	v26 =	vmov s18;
	v24 =	vbroadcast v24, $0x0;
	[tilespmem:s22+$0xFFFFFF90] =	vst v16  }
0x39: {  	[tilespmem:s19+$0x2310] =	vst v17;
	v16 =	vld.idx.msk [tilespmem:v18+s4+$0x0], $0xffff  }
0x3a: {  	v18 =	vor.u32 v3, v23;
	v17 =	vld.idx.msk [tilespmem:v21+s4+$0x0], $0xffff;
	[tilespmem:s23+$0x2360] =	vst v19  }
0x3b: {  	v19 =	vor.u32 v3, v22;
	v21 =	vld.idx.msk [tilespmem:v25+s4+$0x0], $0xffff  }
0x3c: {  	v25 =	vor.u32 v8, v20  }
0x3d: {  	v26 =	vld.idx.msk [tilespmem:v26+s11+$0x0], $0xffff  }
0x3e: {  	v24 =	vld.idx.msk [tilespmem:v24+s11+$0x0], $0xffff;
	[tilespmem:s22+$0xFFFFFFA0] =	vst v16  }
0x3f: {  	[tilespmem:s19+$0x2320] =	vst v17;
	v18 =	vld.idx.msk [tilespmem:v18+s4+$0x0], $0xffff  }
0x40: {  	v27 =	vor.u32 v4, v23;
	v19 =	vld.idx.msk [tilespmem:v19+s4+$0x0], $0xffff;
	[tilespmem:s23+$0x2370] =	vst v21  }
0x41: {  	v21 =	vor.u32 v4, v22;
	v25 =	vld.idx.msk [tilespmem:v25+s4+$0x0], $0xffff  }
0x42: {  	v16 =	vshll.u32 v26, $0x8;
	v26 =	vor.u32 v9, v20  }
0x43: {  	v28 =	vor.u32 v0, v16  }
0x44: {  	v17 =	vshll.u32 v24, $0x8;
	[tilespmem:s22+$0xFFFFFFB0] =	vst v18  }
0x45: {  	v18 =	vor.u32 v0, v17;
	[tilespmem:s19+$0x2330] =	vst v19;
	v19 =	vld.idx.msk [tilespmem:v27+s4+$0x0], $0xffff  }
0x46: {  	v24 =	vor.u32 v5, v23;
	v21 =	vld.idx.msk [tilespmem:v21+s4+$0x0], $0xffff;
	[tilespmem:s23+$0x2380] =	vst v25  }
0x47: {  	v25 =	vor.u32 v5, v22;
	v26 =	vld.idx.msk [tilespmem:v26+s4+$0x0], $0xffff  }
0x48: {  	v27 =	vld.idx.msk [tilespmem:v28+s4+$0x0], $0xffff;
	v28 =	vor.u32 v10, v20  }
0x49: {  	s24 =	simm.s32 $0x7;
	v29 =	vor.u32 v1, v16  }
0x4a: {  	s20 =	simm.s32 $0x500;
	s21 =	simm.s32 $0x400;
	v31 =	vmov s24;
	v18 =	vld.idx.msk [tilespmem:v18+s4+$0x0], $0xffff;
	[tilespmem:s22+$0xFFFFFFC0] =	vst v19  }
0x4b: {  	s0 =	sand.u32 $0x3F00, s20;
	s17 =	sand.u32 $0x4000, s21;
	[tilespmem:s19+$0x2340] =	vst v21;
	v19 =	vld.idx.msk [tilespmem:v24+s4+$0x0], $0xffff;
	v21 =	vor.u32 v1, v17  }
0x4c: {  	s18 =	simm.s32 $0x4;
	s17 =	sor.u32 s0, s17;
	v24 =	vld.idx.msk [tilespmem:v25+s4+$0x0], $0xffff;
	v25 =	vor.u32 v6, v23;
	[tilespmem:s23+$0x2390] =	vst v26  }
0x4d: {  	v30 =	vor.u32 v6, v22;
	[tilespmem:s17+$0x2300] =	vst v27;
	v26 =	vmov s18;
	v27 =	vld.idx.msk [tilespmem:v28+s4+$0x0], $0xffff  }
0x4e: {  	s18 =	simm.s32 $0x2580;
	v26 =	vand.u32 $0xFFFFFFFE, v26;
	v28 =	vld.idx.msk [tilespmem:v29+s4+$0x0], $0xffff;
	v29 =	vor.u32 v11, v20  }
0x4f: {  	v31 =	vld.idx.msk [tilespmem:v31+s11+$0x0], $0xffff;
	v26 =	vbroadcast v26, $0x0;
	[tilespmem:s18+$0xFFFFFF80] =	vst v18;
	v18 =	vor.u32 v2, v16  }
0x50: {  	v21 =	vld.idx.msk [tilespmem:v21+s4+$0x0], $0xffff;
	[tilespmem:s22+$0xFFFFFFD0] =	vst v19  }
0x51: {  	[tilespmem:s19+$0x2350] =	vst v24;
	v19 =	vld.idx.msk [tilespmem:v25+s4+$0x0], $0xffff;
	v24 =	vor.u32 v2, v17  }
0x52: {  	v25 =	vld.idx.msk [tilespmem:v30+s4+$0x0], $0xffff;
	v30 =	vor.u32 v7, v23;
	[tilespmem:s23+$0x23A0] =	vst v27  }
0x53: {  	[tilespmem:s17+$0x2310] =	vst v28;
	v28 =	vor.u32 v7, v22;
	v27 =	vld.idx.msk [tilespmem:v29+s4+$0x0], $0xffff  }
0x54: {  	v18 =	vld.idx.msk [tilespmem:v18+s4+$0x0], $0xffff;
	v29 =	vor.u32 v12, v20  }
0x55: {  	v26 =	vld.idx.msk [tilespmem:v26+s11+$0x0], $0xffff;
	[tilespmem:s18+$0xFFFFFF90] =	vst v21;
	v21 =	vor.u32 v3, v16  }
0x56: {  	v24 =	vld.idx.msk [tilespmem:v24+s4+$0x0], $0xffff;
	[tilespmem:s22+$0xFFFFFFE0] =	vst v19  }
0x57: {  	v19 =	vld.idx.msk [tilespmem:v30+s4+$0x0], $0xffff;
	[tilespmem:s19+$0x2360] =	vst v25;
	v25 =	vor.u32 v3, v17  }
0x58: {  	v28 =	vld.idx.msk [tilespmem:v28+s4+$0x0], $0xffff;
	[tilespmem:s23+$0x23B0] =	vst v27;
	v27 =	vor.u32 v8, v23  }
0x59: {  	v30 =	vor.u32 v8, v22;
	[tilespmem:s17+$0x2320] =	vst v18;
	v29 =	vld.idx.msk [tilespmem:v29+s4+$0x0], $0xffff  }
0x5a: {  	v32 =	vor.u32 v13, v20;
	v21 =	vld.idx.msk [tilespmem:v21+s4+$0x0], $0xffff  }
0x5b: {  	v18 =	vshll.u32 v26, $0x8;
	[tilespmem:s18+$0xFFFFFFA0] =	vst v24;
	v24 =	vor.u32 v4, v16  }
0x5c: {  	v26 =	vor.u32 v0, v18;
	v25 =	vld.idx.msk [tilespmem:v25+s4+$0x0], $0xffff;
	[tilespmem:s22+$0xFFFFFFF0] =	vst v19  }
0x5d: {  	v33 =	vor.u32 v4, v17;
	v27 =	vld.idx.msk [tilespmem:v27+s4+$0x0], $0xffff;
	[tilespmem:s19+$0x2370] =	vst v28  }
0x5e: {  	v28 =	vld.idx.msk [tilespmem:v30+s4+$0x0], $0xffff;
	v30 =	vor.u32 v9, v23;
	[tilespmem:s23+$0x23C0] =	vst v29  }
0x5f: {  	v19 =	vshll.u32 v31, $0x8;
	v29 =	vor.u32 v9, v22;
	[tilespmem:s17+$0x2330] =	vst v21;
	v21 =	vld.idx.msk [tilespmem:v32+s4+$0x0], $0xffff  }
0x60: {  	v31 =	vor.u32 v0, v19;
	v24 =	vld.idx.msk [tilespmem:v24+s4+$0x0], $0xffff  }
0x61: {  	v26 =	vld.idx.msk [tilespmem:v26+s4+$0x0], $0xffff;
	[tilespmem:s18+$0xFFFFFFB0] =	vst v25;
	v25 =	vor.u32 v5, v16  }
0x62: {  	v47 =	vld.idx.msk [tilespmem:v33+s4+$0x0], $0xffff;
	[tilespmem:s22+$0x0] =	vst v27;
	v27 =	vor.u32 v14, v20  }
0x63: {  	v48 =	vor.u32 v5, v17;
	v30 =	vld.idx.msk [tilespmem:v30+s4+$0x0], $0xffff;
	[tilespmem:s19+$0x2380] =	vst v28  }
0x64: {  	v28 =	vld.idx.msk [tilespmem:v29+s4+$0x0], $0xffff;
	v29 =	vor.u32 v10, v23  }
0x65: {  	v31 =	vld.idx.msk [tilespmem:v31+s4+$0x0], $0xffff;
	[tilespmem:s17+$0x2340] =	vst v24;
	v24 =	vor.u32 v10, v22  }
0x66: {  	[tilespmem:s23+$0x23D0] =	vst v21;
	v21 =	vld.idx.msk [tilespmem:v25+s4+$0x0], $0xffff;
	v25 =	vor.u32 v1, v19  }
0x67: {  	s25 =	simm.s32 $0x700;
	s20 =	simm.s32 $0x600;
	v49 =	vor.u32 v6, v16;
	[tilespmem:s18+$0xFFFFFFC0] =	vst v47;
	v27 =	vld.idx.msk [tilespmem:v27+s4+$0x0], $0xffff  }
0x68: {  	s20 =	sand.u32 $0x4000, s20;
	s0 =	sand.u32 $0x3F00, s25;
	v33 =	vld.idx.msk [tilespmem:v48+s4+$0x0], $0xffff;
	[tilespmem:s22+$0x10] =	vst v30;
	v30 =	vor.u32 v1, v18  }
0x69: {  	s20 =	sor.u32 s0, s20;
	v34 =	vor.u32 v6, v17;
	v29 =	vld.idx.msk [tilespmem:v29+s4+$0x0], $0xffff;
	[tilespmem:s19+$0x2390] =	vst v28  }
0x6a: {  	s26 =	simm.s32 $0x6;
	[tilespmem:s20+$0x2300] =	vst v31;
	v28 =	vor.u32 v11, v23;
	v24 =	vld.idx.msk [tilespmem:v24+s4+$0x0], $0xffff  }
0x6b: {  	s21 =	simm.s32 $0x2780;
	v20 =	vor.u32 v15, v20;
	v31 =	vmov s26;
	v25 =	vld.idx.msk [tilespmem:v25+s4+$0x0], $0xffff;
	[tilespmem:s17+$0x2350] =	vst v21  }
0x6c: {  	[tilespmem:s21+$0xFFFFFF80] =	vst v26;
	v21 =	vand.u32 $0xFFFFFFFE, v31;
	v31 =	vor.u32 v11, v22;
	v26 =	vld.idx.msk [tilespmem:v49+s4+$0x0], $0xffff  }
0x6d: {  	v50 =	vor.u32 v2, v19;
	v21 =	vbroadcast v21, $0x0;
	v30 =	vld.idx.msk [tilespmem:v30+s4+$0x0], $0xffff;
	[tilespmem:s18+$0xFFFFFFD0] =	vst v33  }
0x6e: {  	v33 =	vld.idx.msk [tilespmem:v34+s4+$0x0], $0xffff;
	[tilespmem:s22+$0x20] =	vst v29  }
0x6f: {  	s28 =	simm.s32 $0x9;
	[tilespmem:s23+$0x23E0] =	vst v27;
	v29 =	vor.u32 v2, v18;
	v28 =	vld.idx.msk [tilespmem:v28+s4+$0x0], $0xffff  }
0x70: {  	v53 =	vmov s28;
	[tilespmem:s19+$0x23A0] =	vst v24;
	v24 =	vld.idx.msk [tilespmem:v20+s4+$0x0], $0xffff  }
0x71: {  	v27 =	vor.u32 v7, v17;
	[tilespmem:s20+$0x2310] =	vst v25;
	v20 =	vld.idx.msk [tilespmem:v31+s4+$0x0], $0xffff  }
0x72: {  	v25 =	vor.u32 v12, v23;
	v31 =	vld.idx.msk [tilespmem:v50+s4+$0x0], $0xffff  }
0x73: {  	v51 =	vor.u32 v7, v16;
	v21 =	vld.idx.msk [tilespmem:v21+s11+$0x0], $0xffff;
	[tilespmem:s21+$0xFFFFFF90] =	vst v30  }
0x74: {  	[tilespmem:s17+$0x2360] =	vst v26;
	v30 =	vor.u32 v12, v22;
	v29 =	vld.idx.msk [tilespmem:v29+s4+$0x0], $0xffff  }
0x75: {  	v52 =	vor.u32 v3, v19;
	[tilespmem:s18+$0xFFFFFFE0] =	vst v33;
	v33 =	vld.idx.msk [tilespmem:v53+s11+$0x0], $0xffff  }
0x76: {  	v27 =	vld.idx.msk [tilespmem:v27+s4+$0x0], $0xffff;
	[tilespmem:s22+$0x30] =	vst v28;
	v28 =	vor.u32 v3, v18  }
0x77: {  	v54 =	vor.u32 v8, v17;
	v25 =	vld.idx.msk [tilespmem:v25+s4+$0x0], $0xffff;
	[tilespmem:s19+$0x23B0] =	vst v20  }
0x78: {  	v26 =	vld.idx.msk [tilespmem:v51+s4+$0x0], $0xffff;
	[tilespmem:s20+$0x2320] =	vst v31;
	v31 =	vor.u32 v13, v23  }
0x79: {  	v35 =	vor.u32 v8, v16;
	v30 =	vld.idx.msk [tilespmem:v30+s4+$0x0], $0xffff  }
0x7a: {  	v34 =	vld.idx.msk [tilespmem:v52+s4+$0x0], $0xffff;
	[tilespmem:s21+$0xFFFFFFA0] =	vst v29;
	v29 =	vor.u32 v13, v22  }
0x7b: {  	v36 =	vor.u32 v4, v19;
	v20 =	vshll.u32 v21, $0x8;
	v28 =	vld.idx.msk [tilespmem:v28+s4+$0x0], $0xffff;
	[tilespmem:s18+$0xFFFFFFF0] =	vst v27  }
0x7c: {  	v21 =	vshll.u32 v33, $0x8;
	v27 =	vor.u32 v0, v20;
	v32 =	vld.idx.msk [tilespmem:v54+s4+$0x0], $0xffff;
	[tilespmem:s22+$0x40] =	vst v25  }
0x7d: {  	[tilespmem:s17+$0x2370] =	vst v26;
	v58 =	vor.u32 v0, v21;
	v26 =	vld.idx.msk [tilespmem:v31+s4+$0x0], $0xffff  }
0x7e: {  	v25 =	vor.u32 v4, v18;
	v31 =	vld.idx.msk [tilespmem:v35+s4+$0x0], $0xffff;
	[tilespmem:s19+$0x23C0] =	vst v30  }
0x7f: {  	v55 =	vor.u32 v9, v17;
	[tilespmem:s20+$0x2330] =	vst v34;
	v29 =	vld.idx.msk [tilespmem:v29+s4+$0x0], $0xffff  }
0x80: {  	[tilespmem:s23+$0x23F0] =	vst v24;
	v30 =	vor.u32 v14, v23;
	v56 =	vld.idx.msk [tilespmem:v36+s4+$0x0], $0xffff  }
0x81: {  	v57 =	vor.u32 v9, v16;
	v37 =	vld.idx.msk [tilespmem:v27+s4+$0x0], $0xffff;
	[tilespmem:s21+$0xFFFFFFB0] =	vst v28  }
0x82: {  	v27 =	vor.u32 v5, v19;
	v61 =	vld.idx.msk [tilespmem:v58+s4+$0x0], $0xffff;
	[tilespmem:s18+$0x0] =	vst v32  }
0x83: {  	v59 =	vor.u32 v14, v22;
	v25 =	vld.idx.msk [tilespmem:v25+s4+$0x0], $0xffff;
	[tilespmem:s22+$0x50] =	vst v26  }
0x84: {  	s29 =	simm.s32 $0x800;
	s26 =	simm.s32 $0x900;
	v62 =	vor.u32 v1, v21;
	v28 =	vld.idx.msk [tilespmem:v55+s4+$0x0], $0xffff;
	[tilespmem:s17+$0x2380] =	vst v31  }
0x85: {  	s0 =	sand.u32 $0x4000, s29;
	s30 =	sand.u32 $0x3F00, s26;
	v26 =	vor.u32 v5, v18;
	v30 =	vld.idx.msk [tilespmem:v30+s4+$0x0], $0xffff;
	[tilespmem:s20+$0x2340] =	vst v56  }
0x86: {  	v60 =	vor.u32 v10, v17;
	s25 =	sor.u32 s30, s0;
	v31 =	vld.idx.msk [tilespmem:v57+s4+$0x0], $0xffff;
	[tilespmem:s19+$0x23D0] =	vst v29  }
0x87: {  	v23 =	vor.u32 v15, v23;
	v29 =	vld.idx.msk [tilespmem:v27+s4+$0x0], $0xffff;
	[tilespmem:s25+$0x2300] =	vst v61  }
0x88: {  	v27 =	vor.u32 v10, v16;
	v24 =	vld.idx.msk [tilespmem:v59+s4+$0x0], $0xffff;
	[tilespmem:s21+$0xFFFFFFC0] =	vst v25  }
0x89: {  	v39 =	vor.u32 v1, v20;
	v32 =	vld.idx.msk [tilespmem:v62+s4+$0x0], $0xffff;
	[tilespmem:s18+$0x10] =	vst v28  }
0x8a: {  	v63 =	vor.u32 v6, v19;
	v38 =	vld.idx.msk [tilespmem:v26+s4+$0x0], $0xffff;
	[tilespmem:s22+$0x60] =	vst v30  }
0x8b: {  	s31 =	simm.s32 $0x8;
	v28 =	vld.idx.msk [tilespmem:v60+s4+$0x0], $0xffff;
	[tilespmem:s17+$0x2390] =	vst v31;
	v31 =	vor.u32 v6, v18  }
0x8c: {  	s23 =	simm.s32 $0x2980;
	v25 =	vld.idx.msk [tilespmem:v23+s4+$0x0], $0xffff;
	v23 =	vmov s31;
	[tilespmem:s20+$0x2350] =	vst v29;
	v29 =	vor.u32 v11, v17  }
0x8d: {  	[tilespmem:s23+$0xFFFFFF80] =	vst v37;
	v26 =	vor.u32 v15, v22;
	v27 =	vld.idx.msk [tilespmem:v27+s4+$0x0], $0xffff;
	v30 =	vand.u32 $0xFFFFFFFE, v23  }
0x8e: {  	v33 =	vld.idx.msk [tilespmem:v39+s4+$0x0], $0xffff;
	v22 =	vbroadcast v30, $0x0;
	v30 =	vor.u32 v11, v16  }
0x8f: {  	s24 =	simm.s32 $0x2B80;
	s0 =	simm.s32 $0xA;
	v34 =	vor.u32 v2, v21;
	v23 =	vld.idx.msk [tilespmem:v63+s4+$0x0], $0xffff;
	[tilespmem:s21+$0xFFFFFFD0] =	vst v38  }
.LBB2_2:
0x90: {  	v35 =	vmov s0;
	p0 =	slt.u32 s0, $0x7E;
	v31 =	vld.idx.msk [tilespmem:v31+s4+$0x0], $0xffff;
	[tilespmem:s18+$0x20] =	vst v28;
	s28 =	smov.u32 s0;
	s0 =	sadd.s32 $0x2, s0  }
0x91: {  	v28 =	vand.u32 $0xFFFFFFFE, v35;
	s28 =	sadd.s32 $0x1, s28;
	v35 =	vor.u32 v2, v20;
	v29 =	vld.idx.msk [tilespmem:v29+s4+$0x0], $0xffff;
	[tilespmem:s19+$0x23E0] =	vst v24  }
0x92: {  	v36 =	vor.u32 v7, v18;
	v24 =	vbroadcast v28, $0x0;
	v28 =	vmov s28;
	[tilespmem:s17+$0x23A0] =	vst v27;
	v26 =	vld.idx.msk [tilespmem:v26+s4+$0x0], $0xffff  }
0x93: {  	[tilespmem:s25+$0x2310] =	vst v32;
	v27 =	vld.idx.msk [tilespmem:v30+s4+$0x0], $0xffff;
	v30 =	vor.u32 v12, v17  }
0x94: {  	v32 =	vld.idx.msk [tilespmem:v34+s4+$0x0], $0xffff;
	v34 =	vor.u32 v7, v19;
	[tilespmem:s22+$0x70] =	vst v25;
	s22 =	smov.u32 s18;
	s18 =	smov.u32 s21;
	s21 =	smov.u32 s23  }
0x95: {  	s23 =	smov.u32 s24;
	v25 =	vld.idx.msk [tilespmem:v22+s11+$0x0], $0xffff;
	[tilespmem:s21+$0xFFFFFF90] =	vst v33;
	v33 =	vor.u32 v12, v16;
	v22 =	vmov v24  }
0x96: {  	v24 =	vor.u32 v3, v21;
	v35 =	vld.idx.msk [tilespmem:v35+s4+$0x0], $0xffff;
	[tilespmem:s18+$0xFFFFFFE0] =	vst v31  }
0x97: {  	v31 =	vld.idx.msk [tilespmem:v36+s4+$0x0], $0xffff;
	[tilespmem:s22+$0x30] =	vst v29  }
0x98: {  	v29 =	vor.u32 v3, v20;
	[tilespmem:s20+$0x2360] =	vst v23;
	v23 =	vld.idx.msk [tilespmem:v30+s4+$0x0], $0xffff  }
0x99: {  	v30 =	vld.idx.msk [tilespmem:v34+s4+$0x0], $0xffff;
	v34 =	vor.u32 v8, v18;
	[tilespmem:s17+$0x23B0] =	vst v27  }
0x9a: {  	[tilespmem:s25+$0x2320] =	vst v32;
	v27 =	vld.idx.msk [tilespmem:v33+s4+$0x0], $0xffff;
	v32 =	vor.u32 v13, v17  }
0x9b: {  	v33 =	vor.u32 v8, v19;
	v24 =	vld.idx.msk [tilespmem:v24+s4+$0x0], $0xffff;
	[tilespmem:s19+$0x23F0] =	vst v26;
	s19 =	smov.u32 s17;
	s17 =	smov.u32 s20;
	s20 =	smov.u32 s25  }
0x9c: {  	v26 =	vld.idx.msk [tilespmem:v28+s11+$0x0], $0xffff;
	[tilespmem:s21+$0xFFFFFFA0] =	vst v35;
	v28 =	vor.u32 v13, v16  }
0x9d: {  	v25 =	vshll.u32 v25, $0x8;
	v35 =	vor.u32 v4, v21;
	v29 =	vld.idx.msk [tilespmem:v29+s4+$0x0], $0xffff;
	[tilespmem:s18+$0xFFFFFFF0] =	vst v31  }
0x9e: {  	v31 =	vor.u32 v0, v25;
	v34 =	vld.idx.msk [tilespmem:v34+s4+$0x0], $0xffff;
	[tilespmem:s22+$0x40] =	vst v23  }
0x9f: {  	v23 =	vor.u32 v4, v20;
	[tilespmem:s17+$0x2370] =	vst v30;
	v30 =	vld.idx.msk [tilespmem:v32+s4+$0x0], $0xffff  }
0xa0: {  	v32 =	vld.idx.msk [tilespmem:v33+s4+$0x0], $0xffff;
	v33 =	vor.u32 v9, v18;
	[tilespmem:s19+$0x23C0] =	vst v27  }
0xa1: {  	v27 =	vor.u32 v14, v17;
	[tilespmem:s20+$0x2330] =	vst v24;
	v24 =	vld.idx.msk [tilespmem:v28+s4+$0x0], $0xffff  }
0xa2: {  	v36 =	vshll.u32 v26, $0x8;
	v28 =	vor.u32 v9, v19;
	v26 =	vld.idx.msk [tilespmem:v35+s4+$0x0], $0xffff  }
0xa3: {  	v35 =	vor.u32 v0, v36;
	v37 =	vld.idx.msk [tilespmem:v31+s4+$0x0], $0xffff;
	[tilespmem:s21+$0xFFFFFFB0] =	vst v29  }
0xa4: {  	v29 =	vor.u32 v5, v21;
	v23 =	vld.idx.msk [tilespmem:v23+s4+$0x0], $0xffff;
	[tilespmem:s18+$0x0] =	vst v34  }
0xa5: {  	s26 =	sadd.s32 $0x200, s26;
	v31 =	vld.idx.msk [tilespmem:v33+s4+$0x0], $0xffff;
	v33 =	vor.u32 v14, v16;
	[tilespmem:s22+$0x50] =	vst v30  }
0xa6: {  	v30 =	vor.u32 v5, v20;
	[tilespmem:s17+$0x2380] =	vst v32;
	v27 =	vld.idx.msk [tilespmem:v27+s4+$0x0], $0xffff  }
0xa7: {  	v32 =	vld.idx.msk [tilespmem:v28+s4+$0x0], $0xffff;
	v28 =	vor.u32 v10, v18;
	[tilespmem:s19+$0x23D0] =	vst v24  }
0xa8: {  	v34 =	vld.idx.msk [tilespmem:v35+s4+$0x0], $0xffff;
	[tilespmem:s20+$0x2340] =	vst v26;
	v26 =	vor.u32 v15, v17;
	v17 =	vmovc v18;
	v18 =	vmov v20;
	v20 =	vmov v25  }
0xa9: {  	s24 =	sadd.s32 $0x200, s24;
	v35 =	vld.idx.msk [tilespmem:v29+s4+$0x0], $0xffff;
	v29 =	vor.u32 v10, v19  }
0xaa: {  	v38 =	vor.u32 v1, v36;
	[tilespmem:s21+$0xFFFFFFC0] =	vst v23;
	v24 =	vld.idx.msk [tilespmem:v33+s4+$0x0], $0xffff  }
0xab: {  	s25 =	sadd.s32 $0xFFFFFF00, s26;
	v23 =	vor.u32 v6, v21;
	v39 =	vld.idx.msk [tilespmem:v30+s4+$0x0], $0xffff;
	[tilespmem:s18+$0x10] =	vst v31  }
0xac: {  	s28 =	sand.u32 $0x3F00, s26;
	s25 =	sand.u32 $0x4000, s25;
	v33 =	vor.u32 v1, v20;
	v28 =	vld.idx.msk [tilespmem:v28+s4+$0x0], $0xffff;
	[tilespmem:s22+$0x60] =	vst v27  }
.Ltmp0:
0xad: {  	s25 =	sor.u32 s28, s25;
	v31 =	vor.u32 v6, v18;
	[tilespmem:s17+$0x2390] =	vst v32;
	v25 =	vld.idx.msk [tilespmem:v26+s4+$0x0], $0xffff;
	(pc) =	sbr.rel @p0 .LBB2_2-.Ltmp0, $4  }
0xae: {  	[tilespmem:s25+$0x2300] =	vst v34;
	v27 =	vld.idx.msk [tilespmem:v29+s4+$0x0], $0xffff;
	v29 =	vor.u32 v11, v17  }
0xaf: {  	v26 =	vor.u32 v15, v16;
	v16 =	vmovc v19;
	v19 =	vmov v21;
	v21 =	vmov v36;
	v32 =	vld.idx.msk [tilespmem:v38+s4+$0x0], $0xffff;
	[tilespmem:s20+$0x2350] =	vst v35  }
0xb0: {  	v30 =	vor.u32 v11, v16;
	[tilespmem:s23+$0xFFFFFF80] =	vst v37;
	v23 =	vld.idx.msk [tilespmem:v23+s4+$0x0], $0xffff  }
0xb1: {  	v34 =	vor.u32 v2, v21;
	v33 =	vld.idx.msk [tilespmem:v33+s4+$0x0], $0xffff;
	[tilespmem:s21+$0xFFFFFFD0] =	vst v39  }
0xb2: {  	_ =	sdelay $0x3  }
0xb3: {  	v22 =	vld.idx.msk [tilespmem:v22+s11+$0x0], $0xffff;
	_ =	sdelay $0x4  }
0xb4: {  	v22 =	vshll.u32 v22, $0x8  }
0xb5: {  	v35 =	vor.u32 v0, v22;
	_ =	sdelay $0x4  }
0xb6: {  	v35 =	vld.idx.msk [tilespmem:v35+s4+$0x0], $0xffff  }
0xb7: {  	v36 =	vor.u32 v1, v22;
	_ =	sdelay $0x3  }
0xb8: {  	v37 =	vor.u32 v2, v20;
	[tilespmem:s24+$0xFFFFFF80] =	vst v35  }
0xb9: {  	v35 =	vld.idx.msk [tilespmem:v36+s4+$0x0], $0xffff  }
0xba: {  	v42 =	vor.u32 v2, v22;
	_ =	sdelay $0x1  }
0xbb: {  	[tilespmem:s23+$0xFFFFFF90] =	vst v33  }
0xbc: {  	[tilespmem:s25+$0x2310] =	vst v32;
	v43 =	vld.idx.msk [tilespmem:v37+s4+$0x0], $0xffff  }
0xbd: {  	v45 =	vor.u32 v3, v20;
	v44 =	vld.idx.msk [tilespmem:v34+s4+$0x0], $0xffff;
	[tilespmem:s24+$0xFFFFFF90] =	vst v35  }
0xbe: {  	v46 =	vor.u32 v3, v21;
	v36 =	vld.idx.msk [tilespmem:v42+s4+$0x0], $0xffff  }
0xbf: {  	v47 =	vor.u32 v3, v22;
	_ =	sdelay $0x1  }
0xc0: {  	[tilespmem:s23+$0xFFFFFFA0] =	vst v43  }
0xc1: {  	[tilespmem:s25+$0x2320] =	vst v44;
	v32 =	vld.idx.msk [tilespmem:v45+s4+$0x0], $0xffff  }
0xc2: {  	v48 =	vor.u32 v4, v20;
	v33 =	vld.idx.msk [tilespmem:v46+s4+$0x0], $0xffff;
	[tilespmem:s24+$0xFFFFFFA0] =	vst v36  }
0xc3: {  	v49 =	vor.u32 v4, v21;
	v36 =	vld.idx.msk [tilespmem:v47+s4+$0x0], $0xffff  }
0xc4: {  	v50 =	vor.u32 v4, v22;
	_ =	sdelay $0x1  }
0xc5: {  	[tilespmem:s23+$0xFFFFFFB0] =	vst v32  }
0xc6: {  	[tilespmem:s25+$0x2330] =	vst v33;
	v32 =	vld.idx.msk [tilespmem:v48+s4+$0x0], $0xffff  }
0xc7: {  	v51 =	vor.u32 v5, v20;
	v33 =	vld.idx.msk [tilespmem:v49+s4+$0x0], $0xffff;
	[tilespmem:s24+$0xFFFFFFB0] =	vst v36  }
0xc8: {  	v52 =	vor.u32 v5, v21;
	v36 =	vld.idx.msk [tilespmem:v50+s4+$0x0], $0xffff  }
0xc9: {  	[tilespmem:s18+$0x20] =	vst v28;
	v53 =	vor.u32 v5, v22  }
0xca: {  	[tilespmem:s19+$0x23E0] =	vst v24  }
0xcb: {  	[tilespmem:s23+$0xFFFFFFC0] =	vst v32  }
0xcc: {  	[tilespmem:s25+$0x2340] =	vst v33;
	v55 =	vld.idx.msk [tilespmem:v51+s4+$0x0], $0xffff  }
0xcd: {  	v57 =	vor.u32 v6, v20;
	v56 =	vld.idx.msk [tilespmem:v52+s4+$0x0], $0xffff;
	[tilespmem:s24+$0xFFFFFFC0] =	vst v36  }
0xce: {  	v58 =	vor.u32 v6, v21;
	[tilespmem:s22+$0x70] =	vst v25;
	v28 =	vld.idx.msk [tilespmem:v53+s4+$0x0], $0xffff  }
0xcf: {  	v54 =	vld.idx.msk [tilespmem:v31+s4+$0x0], $0xffff;
	[tilespmem:s17+$0x23A0] =	vst v27;
	v59 =	vor.u32 v6, v22  }
0xd0: {  	v29 =	vld.idx.msk [tilespmem:v29+s4+$0x0], $0xffff;
	[tilespmem:s20+$0x2360] =	vst v23  }
0xd1: {  	v60 =	vor.u32 v7, v18;
	v26 =	vld.idx.msk [tilespmem:v26+s4+$0x0], $0xffff;
	[tilespmem:s23+$0xFFFFFFD0] =	vst v55  }
0xd2: {  	v61 =	vor.u32 v7, v19;
	[tilespmem:s25+$0x2350] =	vst v56;
	v62 =	vld.idx.msk [tilespmem:v57+s4+$0x0], $0xffff  }
0xd3: {  	v63 =	vor.u32 v7, v20;
	v27 =	vld.idx.msk [tilespmem:v58+s4+$0x0], $0xffff;
	[tilespmem:s24+$0xFFFFFFD0] =	vst v28  }
0xd4: {  	[tilespmem:s21+$0xFFFFFFE0] =	vst v54;
	v36 =	vor.u32 v7, v21;
	v25 =	vld.idx.msk [tilespmem:v59+s4+$0x0], $0xffff  }
0xd5: {  	v30 =	vld.idx.msk [tilespmem:v30+s4+$0x0], $0xffff;
	[tilespmem:s18+$0x30] =	vst v29;
	v37 =	vor.u32 v7, v22  }
0xd6: {  	v38 =	vor.u32 v12, v17;
	v24 =	vld.idx.msk [tilespmem:v60+s4+$0x0], $0xffff;
	[tilespmem:s19+$0x23F0] =	vst v26  }
0xd7: {  	v40 =	vor.u32 v8, v18;
	v39 =	vld.idx.msk [tilespmem:v61+s4+$0x0], $0xffff;
	[tilespmem:s23+$0xFFFFFFE0] =	vst v62  }
0xd8: {  	v41 =	vor.u32 v8, v19;
	[tilespmem:s25+$0x2360] =	vst v27;
	v33 =	vld.idx.msk [tilespmem:v63+s4+$0x0], $0xffff  }
0xd9: {  	v42 =	vor.u32 v8, v20;
	v27 =	vld.idx.msk [tilespmem:v36+s4+$0x0], $0xffff;
	[tilespmem:s24+$0xFFFFFFE0] =	vst v25  }
0xda: {  	[tilespmem:s17+$0x23B0] =	vst v30;
	v43 =	vor.u32 v8, v21;
	v23 =	vld.idx.msk [tilespmem:v37+s4+$0x0], $0xffff  }
0xdb: {  	v44 =	vld.idx.msk [tilespmem:v38+s4+$0x0], $0xffff;
	[tilespmem:s21+$0xFFFFFFF0] =	vst v24;
	v45 =	vor.u32 v8, v22  }
0xdc: {  	v46 =	vor.u32 v12, v16;
	[tilespmem:s20+$0x2370] =	vst v39;
	v31 =	vld.idx.msk [tilespmem:v40+s4+$0x0], $0xffff  }
0xdd: {  	v30 =	vld.idx.msk [tilespmem:v41+s4+$0x0], $0xffff;
	v47 =	vor.u32 v9, v18;
	[tilespmem:s23+$0xFFFFFFF0] =	vst v33  }
0xde: {  	v48 =	vor.u32 v9, v19;
	v28 =	vld.idx.msk [tilespmem:v42+s4+$0x0], $0xffff;
	[tilespmem:s25+$0x2370] =	vst v27  }
0xdf: {  	v49 =	vor.u32 v9, v20;
	v25 =	vld.idx.msk [tilespmem:v43+s4+$0x0], $0xffff;
	[tilespmem:s24+$0xFFFFFFF0] =	vst v23  }
0xe0: {  	[tilespmem:s18+$0x40] =	vst v44;
	v50 =	vor.u32 v9, v21;
	v24 =	vld.idx.msk [tilespmem:v45+s4+$0x0], $0xffff  }
0xe1: {  	[tilespmem:s21+$0x0] =	vst v31;
	v52 =	vor.u32 v9, v22;
	v51 =	vld.idx.msk [tilespmem:v46+s4+$0x0], $0xffff  }
0xe2: {  	v61 =	vor.u32 v13, v16;
	[tilespmem:s20+$0x2380] =	vst v30;
	v32 =	vld.idx.msk [tilespmem:v47+s4+$0x0], $0xffff  }
0xe3: {  	v54 =	vor.u32 v10, v18;
	v30 =	vld.idx.msk [tilespmem:v48+s4+$0x0], $0xffff;
	[tilespmem:s23+$0x0] =	vst v28  }
0xe4: {  	v55 =	vor.u32 v10, v19;
	v27 =	vld.idx.msk [tilespmem:v49+s4+$0x0], $0xffff;
	[tilespmem:s25+$0x2380] =	vst v25  }
0xe5: {  	v56 =	vor.u32 v10, v20;
	v23 =	vld.idx.msk [tilespmem:v50+s4+$0x0], $0xffff;
	[tilespmem:s24+$0x0] =	vst v24  }
0xe6: {  	[tilespmem:s17+$0x23C0] =	vst v51;
	v57 =	vor.u32 v10, v21;
	v58 =	vld.idx.msk [tilespmem:v52+s4+$0x0], $0xffff  }
0xe7: {  	v60 =	vor.u32 v10, v22;
	v39 =	vld.idx.msk [tilespmem:v61+s4+$0x0], $0xffff;
	[tilespmem:s21+$0x10] =	vst v32  }
0xe8: {  	[tilespmem:s20+$0x2390] =	vst v30;
	v33 =	vld.idx.msk [tilespmem:v54+s4+$0x0], $0xffff;
	v53 =	vor.u32 v13, v17  }
0xe9: {  	v62 =	vor.u32 v11, v18;
	v28 =	vld.idx.msk [tilespmem:v55+s4+$0x0], $0xffff;
	[tilespmem:s23+$0x10] =	vst v27  }
0xea: {  	v63 =	vor.u32 v11, v19;
	v25 =	vld.idx.msk [tilespmem:v56+s4+$0x0], $0xffff;
	[tilespmem:s25+$0x2390] =	vst v23  }
0xeb: {  	v36 =	vor.u32 v11, v20;
	v23 =	vld.idx.msk [tilespmem:v57+s4+$0x0], $0xffff;
	[tilespmem:s24+$0x10] =	vst v58  }
0xec: {  	[tilespmem:s17+$0x23D0] =	vst v39;
	v37 =	vor.u32 v11, v21;
	v38 =	vld.idx.msk [tilespmem:v60+s4+$0x0], $0xffff  }
0xed: {  	v40 =	vor.u32 v11, v22;
	[tilespmem:s21+$0x20] =	vst v33;
	v59 =	vld.idx.msk [tilespmem:v53+s4+$0x0], $0xffff  }
0xee: {  	v41 =	vor.u32 v14, v17;
	v30 =	vld.idx.msk [tilespmem:v62+s4+$0x0], $0xffff;
	[tilespmem:s20+$0x23A0] =	vst v28  }
0xef: {  	v42 =	vor.u32 v12, v18;
	v27 =	vld.idx.msk [tilespmem:v63+s4+$0x0], $0xffff;
	[tilespmem:s23+$0x20] =	vst v25  }
0xf0: {  	v43 =	vor.u32 v12, v19;
	v24 =	vld.idx.msk [tilespmem:v36+s4+$0x0], $0xffff;
	[tilespmem:s25+$0x23A0] =	vst v23  }
0xf1: {  	v44 =	vor.u32 v12, v20;
	v23 =	vld.idx.msk [tilespmem:v37+s4+$0x0], $0xffff;
	[tilespmem:s24+$0x20] =	vst v38  }
0xf2: {  	[tilespmem:s18+$0x50] =	vst v59;
	v45 =	vor.u32 v12, v21;
	v46 =	vld.idx.msk [tilespmem:v40+s4+$0x0], $0xffff  }
0xf3: {  	v48 =	vor.u32 v12, v22;
	[tilespmem:s21+$0x30] =	vst v30;
	v47 =	vld.idx.msk [tilespmem:v41+s4+$0x0], $0xffff  }
0xf4: {  	v49 =	vor.u32 v14, v16;
	v28 =	vld.idx.msk [tilespmem:v42+s4+$0x0], $0xffff;
	[tilespmem:s20+$0x23B0] =	vst v27  }
0xf5: {  	v50 =	vor.u32 v13, v18;
	v25 =	vld.idx.msk [tilespmem:v43+s4+$0x0], $0xffff;
	[tilespmem:s23+$0x30] =	vst v24  }
0xf6: {  	v51 =	vor.u32 v13, v19;
	v26 =	vld.idx.msk [tilespmem:v44+s4+$0x0], $0xffff;
	[tilespmem:s25+$0x23B0] =	vst v23  }
0xf7: {  	v52 =	vor.u32 v13, v20;
	v23 =	vld.idx.msk [tilespmem:v45+s4+$0x0], $0xffff;
	[tilespmem:s24+$0x30] =	vst v46  }
0xf8: {  	v53 =	vor.u32 v13, v21;
	[tilespmem:s18+$0x60] =	vst v47;
	v30 =	vld.idx.msk [tilespmem:v48+s4+$0x0], $0xffff  }
0xf9: {  	v55 =	vor.u32 v13, v22;
	v54 =	vld.idx.msk [tilespmem:v49+s4+$0x0], $0xffff;
	[tilespmem:s21+$0x40] =	vst v28  }
0xfa: {  	v17 =	vor.u32 v15, v17;
	v27 =	vld.idx.msk [tilespmem:v50+s4+$0x0], $0xffff;
	[tilespmem:s20+$0x23C0] =	vst v25  }
0xfb: {  	v56 =	vor.u32 v14, v18;
	v24 =	vld.idx.msk [tilespmem:v51+s4+$0x0], $0xffff;
	[tilespmem:s23+$0x40] =	vst v26  }
0xfc: {  	v57 =	vor.u32 v14, v19;
	v29 =	vld.idx.msk [tilespmem:v52+s4+$0x0], $0xffff;
	[tilespmem:s25+$0x23C0] =	vst v23  }
0xfd: {  	v58 =	vor.u32 v14, v20;
	v23 =	vld.idx.msk [tilespmem:v53+s4+$0x0], $0xffff;
	[tilespmem:s24+$0x40] =	vst v30  }
0xfe: {  	v59 =	vor.u32 v14, v21;
	[tilespmem:s17+$0x23E0] =	vst v54;
	v28 =	vld.idx.msk [tilespmem:v55+s4+$0x0], $0xffff  }
0xff: {  	v17 =	vld.idx.msk [tilespmem:v17+s4+$0x0], $0xffff;
	[tilespmem:s21+$0x50] =	vst v27;
	v60 =	vor.u32 v14, v22  }
0x100: {  	v16 =	vor.u32 v15, v16;
	v25 =	vld.idx.msk [tilespmem:v56+s4+$0x0], $0xffff;
	[tilespmem:s20+$0x23D0] =	vst v24  }
0x101: {  	v18 =	vor.u32 v15, v18;
	v24 =	vld.idx.msk [tilespmem:v57+s4+$0x0], $0xffff;
	[tilespmem:s23+$0x50] =	vst v29  }
0x102: {  	v19 =	vor.u32 v15, v19;
	v61 =	vld.idx.msk [tilespmem:v58+s4+$0x0], $0xffff;
	[tilespmem:s25+$0x23D0] =	vst v23  }
0x103: {  	v62 =	vor.u32 v15, v20;
	v23 =	vld.idx.msk [tilespmem:v59+s4+$0x0], $0xffff;
	[tilespmem:s24+$0x50] =	vst v28  }
0x104: {  	[tilespmem:s18+$0x70] =	vst v17;
	v17 =	vor.u32 v15, v21;
	v63 =	vld.idx.msk [tilespmem:v60+s4+$0x0], $0xffff  }
0x105: {  	v16 =	vld.idx.msk [tilespmem:v16+s4+$0x0], $0xffff;
	v22 =	vor.u32 v15, v22;
	[tilespmem:s21+$0x60] =	vst v25  }
0x106: {  	v18 =	vld.idx.msk [tilespmem:v18+s4+$0x0], $0xffff;
	[tilespmem:s20+$0x23E0] =	vst v24  }
0x107: {  	v19 =	vld.idx.msk [tilespmem:v19+s4+$0x0], $0xffff;
	[tilespmem:s23+$0x60] =	vst v61  }
0x108: {  	v20 =	vld.idx.msk [tilespmem:v62+s4+$0x0], $0xffff;
	[tilespmem:s25+$0x23E0] =	vst v23  }
0x109: {  	v17 =	vld.idx.msk [tilespmem:v17+s4+$0x0], $0xffff;
	[tilespmem:s24+$0x60] =	vst v63  }
0x10a: {  	[tilespmem:s17+$0x23F0] =	vst v16;
	v16 =	vld.idx.msk [tilespmem:v22+s4+$0x0], $0xffff  }
0x10b: {  	s0 =	simm.s32 $0x81;
	[tilespmem:s21+$0x70] =	vst v18  }
0x10c: {  	v18 =	vmov s0;
	[tilespmem:s20+$0x23F0] =	vst v19  }
0x10d: {  	[tilespmem:s23+$0x70] =	vst v20  }
0x10e: {  	[tilespmem:s25+$0x23F0] =	vst v17  }
0x10f: {  	[tilespmem:s24+$0x70] =	vst v16  }
0x110: {  	[hbm4b:s7+s4] =	stream.linear.scatter [tilespmem:s12], [sflag:$0x1], $0x8000, $0x38;
	[tilespmem:$0x12300] =	vst v63  }
0x111: {  	v16 =	vld.idx.msk [tilespmem:v18+s11+$0x0], $0xffff;
	_ =	sdelay $0x4  }
0x112: {  	v16 =	vshll.u32 v16, $0x8  }
0x113: {  	p4 =	por $0x1, $0x1;
	v17 =	vor.u32 v0, v16  }
.Ltmp1:
0x114: {  	_ = 	snop;
	(pc) =	sbr.rel @!p4 .LBB2_4-.Ltmp1, $4  }
0x115: {  	s31 =	simm.s32 $0x80  }
0x116: {  	v18 =	vmov s31  }
0x117: {  	p0 =	por $0x0, $0x0;
	p1 =	por $0x0, $0x0;
	p2 =	por $0x0, $0x0;
	v18 =	vand.u32 $0xFFFFFFFE, v18  }
0x118: {  	p3 =	por $0x0, $0x0;
	s18 =	simm.s32 $0xA400;
	s0 =	simm.s32 $0x83;
	v33 =	vbroadcast v18, $0x0;
	v37 =	vor.u32 v1, v16;
	v34 =	vld.idx.msk [tilespmem:v17+s4+$0x0], $0xffff  }
0x119: {  	_ =	sdelay $0x3  }
0x11a: {  	[tilespmem:s18+$0x0] =	vst v34  }
0x11b: {  	v17 =	vld.idx.msk [tilespmem:v37+s4+$0x0], $0xffff  }
0x11c: {  	v18 =	vor.u32 v2, v16;
	_ =	sdelay $0x3  }
0x11d: {  	v19 =	vld.idx.msk [tilespmem:v33+s11+$0x0], $0xffff;
	[tilespmem:s18+$0x10] =	vst v17  }
0x11e: {  	v17 =	vmov s0;
	v20 =	vld.idx.msk [tilespmem:v18+s4+$0x0], $0xffff  }
0x11f: {  	v21 =	vor.u32 v3, v16;
	_ =	sdelay $0x2  }
0x120: {  	v18 =	vshll.u32 v19, $0x8  }
0x121: {  	v19 =	vor.u32 v0, v18;
	v17 =	vld.idx.msk [tilespmem:v17+s11+$0x0], $0xffff;
	[tilespmem:s18+$0x20] =	vst v20  }
0x122: {  	v20 =	vld.idx.msk [tilespmem:v21+s4+$0x0], $0xffff  }
0x123: {  	v62 =	vor.u32 v4, v16;
	_ =	sdelay $0x2  }
0x124: {  	v22 =	vld.idx.msk [tilespmem:v19+s4+$0x0], $0xffff  }
0x125: {  	v19 =	vshll.u32 v17, $0x8;
	v17 =	vor.u32 v1, v18;
	[tilespmem:s18+$0x30] =	vst v20  }
0x126: {  	v20 =	vor.u32 v0, v19;
	v21 =	vld.idx.msk [tilespmem:v62+s4+$0x0], $0xffff  }
0x127: {  	v23 =	vor.u32 v5, v16;
	p4 =	por $0x1, $0x1  }
.Ltmp2:
0x128: {  	s31 =	simm.s32 $0x82;
	(pc) =	sbr.rel @!p4 .LBB2_6-.Ltmp2, $4  }
0x129: {  	v24 =	vmov s31;
	[tilespmem:s18+$0xFFFFFF00] =	vst v22  }
0x12a: {  	v63 =	vand.u32 $0xFFFFFFFE, v24;
	v35 =	vld.idx.msk [tilespmem:v17+s4+$0x0], $0xffff  }
0x12b: {  	v33 =	vbroadcast v63, $0x0;
	v34 =	vld.idx.msk [tilespmem:v20+s4+$0x0], $0xffff;
	[tilespmem:s18+$0x40] =	vst v21  }
0x12c: {  	s19 =	simm.s32 $0xA600;
	p0 =	por $0x1, $0x1;
	s0 =	simm.s32 $0x85;
	v38 =	vor.u32 v7, v18;
	v42 =	vor.u32 v2, v18;
	v37 =	vor.u32 v1, v19;
	v36 =	vld.idx.msk [tilespmem:v23+s4+$0x0], $0xffff  }
0x12d: {  	_ =	sdelay $0x1  }
0x12e: {  	v17 =	vor.u32 v6, v16  }
0x12f: {  	[tilespmem:s18+$0xFFFFFF10] =	vst v35  }
0x130: {  	[tilespmem:s19+$0x0] =	vst v34;
	v20 =	vld.idx.msk [tilespmem:v42+s4+$0x0], $0xffff  }
0x131: {  	v22 =	vor.u32 v3, v18;
	v21 =	vld.idx.msk [tilespmem:v37+s4+$0x0], $0xffff  }
0x132: {  	v23 =	vor.u32 v2, v19;
	[tilespmem:s18+$0x50] =	vst v36  }
0x133: {  	v17 =	vld.idx.msk [tilespmem:v17+s4+$0x0], $0xffff  }
0x134: {  	v24 =	vor.u32 v7, v16  }
0x135: {  	v25 =	vld.idx.msk [tilespmem:v33+s11+$0x0], $0xffff;
	[tilespmem:s18+$0xFFFFFF20] =	vst v20  }
0x136: {  	v20 =	vmov s0;
	[tilespmem:s19+$0x10] =	vst v21;
	v22 =	vld.idx.msk [tilespmem:v22+s4+$0x0], $0xffff  }
0x137: {  	v26 =	vor.u32 v4, v18;
	v23 =	vld.idx.msk [tilespmem:v23+s4+$0x0], $0xffff  }
0x138: {  	[tilespmem:s18+$0x60] =	vst v17;
	v17 =	vor.u32 v3, v19  }
0x139: {  	v24 =	vld.idx.msk [tilespmem:v24+s4+$0x0], $0xffff  }
0x13a: {  	v21 =	vshll.u32 v25, $0x8;
	v25 =	vor.u32 v8, v16  }
0x13b: {  	v27 =	vor.u32 v0, v21;
	v20 =	vld.idx.msk [tilespmem:v20+s11+$0x0], $0xffff;
	[tilespmem:s18+$0xFFFFFF30] =	vst v22  }
0x13c: {  	[tilespmem:s19+$0x20] =	vst v23;
	v22 =	vld.idx.msk [tilespmem:v26+s4+$0x0], $0xffff  }
0x13d: {  	v26 =	vor.u32 v5, v18;
	v23 =	vld.idx.msk [tilespmem:v17+s4+$0x0], $0xffff  }
0x13e: {  	[tilespmem:s18+$0x70] =	vst v24;
	v24 =	vor.u32 v4, v19  }
0x13f: {  	v25 =	vld.idx.msk [tilespmem:v25+s4+$0x0], $0xffff  }
0x140: {  	v28 =	vor.u32 v9, v16;
	v27 =	vld.idx.msk [tilespmem:v27+s4+$0x0], $0xffff  }
0x141: {  	v17 =	vshll.u32 v20, $0x8;
	v20 =	vor.u32 v1, v21;
	[tilespmem:s18+$0xFFFFFF40] =	vst v22  }
0x142: {  	v22 =	vor.u32 v0, v17;
	[tilespmem:s19+$0x30] =	vst v23;
	v23 =	vld.idx.msk [tilespmem:v26+s4+$0x0], $0xffff  }
0x143: {  	v29 =	vor.u32 v6, v18;
	v26 =	vld.idx.msk [tilespmem:v24+s4+$0x0], $0xffff  }
0x144: {  	p4 =	por $0x1, $0x1;
	[tilespmem:s18+$0x80] =	vst v25;
	v25 =	vor.u32 v5, v19  }
.Ltmp3:
0x145: {  	[tilespmem:s19+$0xFFFFFF00] =	vst v27;
	v39 =	vld.idx.msk [tilespmem:v28+s4+$0x0], $0xffff;
	(pc) =	sbr.rel @!p4 .LBB2_8-.Ltmp3, $4  }
0x146: {  	s31 =	simm.s32 $0x84;
	v35 =	vld.idx.msk [tilespmem:v20+s4+$0x0], $0xffff  }
0x147: {  	v24 =	vmov s31;
	v34 =	vld.idx.msk [tilespmem:v22+s4+$0x0], $0xffff;
	[tilespmem:s18+$0xFFFFFF50] =	vst v23  }
0x148: {  	v41 =	vor.u32 v10, v16;
	v42 =	vor.u32 v2, v21;
	v20 =	vand.u32 $0xFFFFFFFE, v24;
	[tilespmem:s19+$0x40] =	vst v26;
	v43 =	vld.idx.msk [tilespmem:v29+s4+$0x0], $0xffff  }
0x149: {  	s17 =	simm.s32 $0xA800;
	p1 =	por $0x1, $0x1;
	s0 =	simm.s32 $0x87;
	v37 =	vor.u32 v1, v17;
	v24 =	vor.u32 v7, v21;
	v33 =	vbroadcast v20, $0x0;
	v36 =	vld.idx.msk [tilespmem:v25+s4+$0x0], $0xffff  }
0x14a: {  	_ =	sdelay $0x2  }
0x14b: {  	[tilespmem:s18+$0x90] =	vst v39;
	v20 =	vor.u32 v6, v19  }
0x14c: {  	[tilespmem:s19+$0xFFFFFF10] =	vst v35;
	v22 =	vld.idx.msk [tilespmem:v41+s4+$0x0], $0xffff  }
0x14d: {  	v25 =	vor.u32 v11, v16;
	[tilespmem:s17+$0x0] =	vst v34;
	v23 =	vld.idx.msk [tilespmem:v42+s4+$0x0], $0xffff  }
0x14e: {  	v27 =	vor.u32 v3, v21;
	v26 =	vld.idx.msk [tilespmem:v37+s4+$0x0], $0xffff;
	[tilespmem:s18+$0xFFFFFF60] =	vst v43  }
0x14f: {  	v29 =	vor.u32 v2, v17;
	[tilespmem:s19+$0x50] =	vst v36;
	v28 =	vld.idx.msk [tilespmem:v38+s4+$0x0], $0xffff  }
0x150: {  	v30 =	vor.u32 v8, v18;
	v20 =	vld.idx.msk [tilespmem:v20+s4+$0x0], $0xffff  }
0x151: {  	v31 =	vld.idx.msk [tilespmem:v33+s11+$0x0], $0xffff;
	[tilespmem:s18+$0xA0] =	vst v22;
	v22 =	vor.u32 v7, v19  }
0x152: {  	v32 =	vmov s0;
	[tilespmem:s19+$0xFFFFFF20] =	vst v23;
	v23 =	vld.idx.msk [tilespmem:v25+s4+$0x0], $0xffff  }
0x153: {  	v25 =	vor.u32 v12, v16;
	[tilespmem:s17+$0x10] =	vst v26;
	v26 =	vld.idx.msk [tilespmem:v27+s4+$0x0], $0xffff  }
0x154: {  	[tilespmem:s18+$0xFFFFFF70] =	vst v28;
	v27 =	vld.idx.msk [tilespmem:v29+s4+$0x0], $0xffff;
	v28 =	vor.u32 v4, v21  }
0x155: {  	v29 =	vor.u32 v3, v17;
	[tilespmem:s19+$0x60] =	vst v20;
	v20 =	vld.idx.msk [tilespmem:v30+s4+$0x0], $0xffff  }
0x156: {  	v58 =	vor.u32 v9, v18;
	v30 =	vld.idx.msk [tilespmem:v22+s4+$0x0], $0xffff  }
0x157: {  	v32 =	vld.idx.msk [tilespmem:v32+s11+$0x0], $0xffff;
	v22 =	vshll.u32 v31, $0x8;
	[tilespmem:s18+$0xB0] =	vst v23;
	v23 =	vor.u32 v8, v19  }
0x158: {  	v31 =	vor.u32 v0, v22;
	v25 =	vld.idx.msk [tilespmem:v25+s4+$0x0], $0xffff;
	[tilespmem:s19+$0xFFFFFF30] =	vst v26  }
0x159: {  	[tilespmem:s17+$0x20] =	vst v27;
	v26 =	vld.idx.msk [tilespmem:v28+s4+$0x0], $0xffff;
	v27 =	vor.u32 v13, v16  }
0x15a: {  	v28 =	vld.idx.msk [tilespmem:v29+s4+$0x0], $0xffff;
	[tilespmem:s18+$0xFFFFFF80] =	vst v20;
	v20 =	vor.u32 v5, v21  }
0x15b: {  	[tilespmem:s19+$0x70] =	vst v30;
	v29 =	vld.idx.msk [tilespmem:v58+s4+$0x0], $0xffff;
	v30 =	vor.u32 v4, v17  }
0x15c: {  	v59 =	vor.u32 v10, v18;
	v23 =	vld.idx.msk [tilespmem:v23+s4+$0x0], $0xffff  }
0x15d: {  	v60 =	vor.u32 v9, v19;
	[tilespmem:s18+$0xC0] =	vst v25;
	v25 =	vld.idx.msk [tilespmem:v31+s4+$0x0], $0xffff  }
0x15e: {  	v61 =	vor.u32 v1, v22;
	v31 =	vshll.u32 v32, $0x8;
	v27 =	vld.idx.msk [tilespmem:v27+s4+$0x0], $0xffff;
	[tilespmem:s19+$0xFFFFFF40] =	vst v26  }
0x15f: {  	v26 =	vor.u32 v0, v31;
	[tilespmem:s17+$0x30] =	vst v28;
	v28 =	vld.idx.msk [tilespmem:v20+s4+$0x0], $0xffff  }
0x160: {  	v30 =	vld.idx.msk [tilespmem:v30+s4+$0x0], $0xffff;
	[tilespmem:s18+$0xFFFFFF90] =	vst v29;
	v29 =	vor.u32 v6, v21  }
0x161: {  	v63 =	vor.u32 v5, v17;
	p4 =	por $0x1, $0x1;
	[tilespmem:s19+$0x80] =	vst v23;
	v62 =	vld.idx.msk [tilespmem:v59+s4+$0x0], $0xffff  }
.Ltmp4:
0x162: {  	[tilespmem:s17+$0xFFFFFF00] =	vst v25;
	v23 =	vld.idx.msk [tilespmem:v60+s4+$0x0], $0xffff;
	(pc) =	sbr.rel @!p4 .LBB2_10-.Ltmp4, $4  }
0x163: {  	s31 =	simm.s32 $0x86;
	v35 =	vld.idx.msk [tilespmem:v61+s4+$0x0], $0xffff;
	[tilespmem:s18+$0xD0] =	vst v27  }
0x164: {  	v42 =	vor.u32 v2, v22;
	v37 =	vor.u32 v1, v31;
	v25 =	vmov s31;
	v34 =	vld.idx.msk [tilespmem:v26+s4+$0x0], $0xffff;
	[tilespmem:s19+$0xFFFFFF50] =	vst v28  }
0x165: {  	v20 =	vor.u32 v14, v16;
	v27 =	vor.u32 v7, v22;
	v25 =	vand.u32 $0xFFFFFFFE, v25;
	[tilespmem:s17+$0x40] =	vst v30;
	v28 =	vld.idx.msk [tilespmem:v29+s4+$0x0], $0xffff  }
0x166: {  	s20 =	simm.s32 $0xAA00;
	s0 =	simm.s32 $0x89;
	p2 =	por $0x1, $0x1;
	v26 =	vor.u32 v10, v19;
	v33 =	vbroadcast v25, $0x0;
	v25 =	vor.u32 v11, v18;
	v36 =	vld.idx.msk [tilespmem:v63+s4+$0x0], $0xffff;
	[tilespmem:s18+$0xFFFFFFA0] =	vst v62  }
0x167: {  	_ =	sdelay $0x3  }
0x168: {  	v29 =	vld.idx.msk [tilespmem:v20+s4+$0x0], $0xffff  }
0x169: {  	[tilespmem:s19+$0x90] =	vst v23;
	v38 =	vld.idx.msk [tilespmem:v25+s4+$0x0], $0xffff  }
0x16a: {  	v30 =	vor.u32 v6, v17;
	v32 =	vld.idx.msk [tilespmem:v26+s4+$0x0], $0xffff  }
0x16b: {  	v39 =	vmov s0;
	[tilespmem:s17+$0xFFFFFF10] =	vst v35;
	v33 =	vld.idx.msk [tilespmem:v33+s11+$0x0], $0xffff  }
0x16c: {  	v40 =	vor.u32 v12, v18;
	v35 =	vld.idx.msk [tilespmem:v42+s4+$0x0], $0xffff;
	[tilespmem:s20+$0x0] =	vst v34  }
0x16d: {  	v56 =	vor.u32 v15, v16;
	v37 =	vld.idx.msk [tilespmem:v37+s4+$0x0], $0xffff;
	[tilespmem:s19+$0xFFFFFF60] =	vst v28  }
0x16e: {  	v50 =	vor.u32 v11, v19;
	[tilespmem:s17+$0x50] =	vst v36;
	v51 =	vld.idx.msk [tilespmem:v24+s4+$0x0], $0xffff  }
0x16f: {  	v41 =	vor.u32 v3, v22;
	v30 =	vld.idx.msk [tilespmem:v30+s4+$0x0], $0xffff  }
0x170: {  	v52 =	vor.u32 v2, v31;
	v39 =	vld.idx.msk [tilespmem:v39+s11+$0x0], $0xffff;
	[tilespmem:s18+$0xFFFFFFB0] =	vst v38  }
0x171: {  	v53 =	vor.u32 v8, v21;
	[tilespmem:s18+$0xE0] =	vst v29;
	v38 =	vld.idx.msk [tilespmem:v40+s4+$0x0], $0xffff  }
0x172: {  	v43 =	vor.u32 v7, v17;
	[tilespmem:s19+$0xA0] =	vst v32;
	v61 =	vld.idx.msk [tilespmem:v56+s4+$0x0], $0xffff  }
0x173: {  	v58 =	vor.u32 v13, v18;
	v34 =	vld.idx.msk [tilespmem:v50+s4+$0x0], $0xffff;
	[tilespmem:s17+$0xFFFFFF20] =	vst v35  }
0x174: {  	v54 =	vor.u32 v12, v19;
	[tilespmem:s20+$0x10] =	vst v37;
	v55 =	vld.idx.msk [tilespmem:v41+s4+$0x0], $0xffff  }
0x175: {  	v59 =	vor.u32 v4, v22;
	[tilespmem:s19+$0xFFFFFF70] =	vst v51;
	v57 =	vld.idx.msk [tilespmem:v52+s4+$0x0], $0xffff  }
0x176: {  	v44 =	vor.u32 v3, v31;
	[tilespmem:s17+$0x60] =	vst v30;
	v32 =	vld.idx.msk [tilespmem:v53+s4+$0x0], $0xffff  }
0x177: {  	v29 =	vor.u32 v9, v21;
	v30 =	vshll.u32 v33, $0x8;
	v43 =	vld.idx.msk [tilespmem:v43+s4+$0x0], $0xffff;
	[tilespmem:s18+$0xFFFFFFC0] =	vst v38  }
0x178: {  	v62 =	vor.u32 v0, v30;
	[tilespmem:s19+$0xB0] =	vst v34;
	v63 =	vld.idx.msk [tilespmem:v58+s4+$0x0], $0xffff  }
0x179: {  	v60 =	vor.u32 v8, v17;
	v34 =	vld.idx.msk [tilespmem:v54+s4+$0x0], $0xffff;
	[tilespmem:s17+$0xFFFFFF30] =	vst v55  }
0x17a: {  	v52 =	vor.u32 v14, v18;
	[tilespmem:s20+$0x20] =	vst v57;
	v45 =	vld.idx.msk [tilespmem:v59+s4+$0x0], $0xffff  }
0x17b: {  	v46 =	vor.u32 v13, v19;
	v47 =	vld.idx.msk [tilespmem:v44+s4+$0x0], $0xffff;
	[tilespmem:s19+$0xFFFFFF80] =	vst v32  }
0x17c: {  	v53 =	vor.u32 v5, v22;
	[tilespmem:s17+$0x70] =	vst v43;
	v29 =	vld.idx.msk [tilespmem:v29+s4+$0x0], $0xffff  }
0x17d: {  	v54 =	vor.u32 v4, v31;
	v55 =	vld.idx.msk [tilespmem:v62+s4+$0x0], $0xffff;
	[tilespmem:s18+$0xFFFFFFD0] =	vst v63  }
0x17e: {  	v56 =	vor.u32 v10, v21;
	v33 =	vld.idx.msk [tilespmem:v60+s4+$0x0], $0xffff;
	[tilespmem:s19+$0xC0] =	vst v34  }
0x17f: {  	v58 =	vor.u32 v1, v30;
	v32 =	vld.idx.msk [tilespmem:v52+s4+$0x0], $0xffff;
	[tilespmem:s17+$0xFFFFFF40] =	vst v45  }
0x180: {  	v57 =	vor.u32 v9, v17;
	v40 =	vld.idx.msk [tilespmem:v46+s4+$0x0], $0xffff;
	[tilespmem:s20+$0x30] =	vst v47  }
0x181: {  	v48 =	vshll.u32 v39, $0x8;
	v60 =	vld.idx.msk [tilespmem:v53+s4+$0x0], $0xffff;
	[tilespmem:s19+$0xFFFFFF90] =	vst v29;
	v29 =	vor.u32 v15, v18  }
0x182: {  	[tilespmem:s18+$0xF0] =	vst v61;
	v59 =	vor.u32 v0, v48;
	v61 =	vld.idx.msk [tilespmem:v54+s4+$0x0], $0xffff  }
0x183: {  	v62 =	vor.u32 v6, v22;
	[tilespmem:s20+$0xFFFFFF00] =	vst v55;
	v38 =	vld.idx.msk [tilespmem:v56+s4+$0x0], $0xffff  }
0x184: {  	s31 =	simm.s32 $0x88;
	p4 =	por $0x1, $0x1;
	v45 =	vor.u32 v5, v31;
	[tilespmem:s17+$0x80] =	vst v33;
	v35 =	vld.idx.msk [tilespmem:v58+s4+$0x0], $0xffff  }
.Ltmp5:
0x185: {  	v44 =	vor.u32 v14, v19;
	v63 =	vmov s31;
	v39 =	vld.idx.msk [tilespmem:v57+s4+$0x0], $0xffff;
	[tilespmem:s18+$0xFFFFFFE0] =	vst v32;
	(pc) =	sbr.rel @!p4 .LBB2_12-.Ltmp5, $4  }
0x186: {  	v41 =	vor.u32 v10, v17;
	[tilespmem:s19+$0xD0] =	vst v40;
	v46 =	vld.idx.msk [tilespmem:v29+s4+$0x0], $0xffff;
	v29 =	vand.u32 $0xFFFFFFFE, v63  }
0x187: {  	v42 =	vor.u32 v2, v30;
	v34 =	vld.idx.msk [tilespmem:v59+s4+$0x0], $0xffff;
	[tilespmem:s17+$0xFFFFFF50] =	vst v60  }
0x188: {  	s23 =	simm.s32 $0xAC00;
	s0 =	simm.s32 $0x8B;
	v49 =	vor.u32 v7, v30;
	v47 =	vor.u32 v11, v21;
	[tilespmem:s20+$0x40] =	vst v61;
	v43 =	vld.idx.msk [tilespmem:v62+s4+$0x0], $0xffff  }
0x189: {  	p3 =	por $0x1, $0x1;
	s22 =	simm.s32 $0xA400;
	s21 =	simm.s32 $0xA600;
	v37 =	vor.u32 v1, v48;
	v32 =	vmovc v19;
	v33 =	vbroadcast v29, $0x0;
	v36 =	vld.idx.msk [tilespmem:v45+s4+$0x0], $0xffff;
	[tilespmem:s19+$0xFFFFFFA0] =	vst v38;
	v29 =	vmov v21  }
.LBB2_13:
0x18a: {  	s24 =	sadd.s32 $0xFFFFFFFF, s0;
	s25 =	sadd.s32 $0xFFFFFF7F, s0;
	[tilespmem:s17+$0x90] =	vst v39;
	v38 =	vld.idx.msk [tilespmem:v44+s4+$0x0], $0xffff  }
0x18b: {  	v39 =	vmov s24;
	p4 =	slt.u32 s25, $0x7E;
	[tilespmem:s20+$0xFFFFFF10] =	vst v35;
	v35 =	vor.u32 v6, v31;
	v40 =	vld.idx.msk [tilespmem:v41+s4+$0x0], $0xffff  }
0x18c: {  	v39 =	vand.u32 $0xFFFFFFFE, v39;
	[tilespmem:s23+$0x0] =	vst v34;
	v34 =	vld.idx.msk [tilespmem:v42+s4+$0x0], $0xffff  }
0x18d: {  	v41 =	vmov s0;
	v42 =	vor.u32 v11, v17;
	v39 =	vbroadcast v39, $0x0;
	v44 =	vld.idx.msk [tilespmem:v47+s4+$0x0], $0xffff;
	[tilespmem:s22+$0xFFFFFFF0] =	vst v46;
	s22 =	smov.u32 s21;
	s21 =	smov.u32 s17;
	s17 =	smov.u32 s20  }
0x18e: {  	s20 =	smov.u32 s23;
	v37 =	vld.idx.msk [tilespmem:v37+s4+$0x0], $0xffff;
	[tilespmem:s21+$0xFFFFFF60] =	vst v43  }
0x18f: {  	v43 =	vor.u32 v12, v29;
	[tilespmem:s17+$0x50] =	vst v36;
	v36 =	vld.idx.msk [tilespmem:v27+s4+$0x0], $0xffff;
	v27 =	vmov v49  }
0x190: {  	v45 =	vor.u32 v3, v30;
	v35 =	vld.idx.msk [tilespmem:v35+s4+$0x0], $0xffff;
	[tilespmem:s22+$0xE0] =	vst v38  }
0x191: {  	v46 =	vor.u32 v2, v48;
	v38 =	vld.idx.msk [tilespmem:v33+s11+$0x0], $0xffff;
	[tilespmem:s21+$0xA0] =	vst v40;
	v33 =	vmov v39  }
0x192: {  	[tilespmem:s17+$0xFFFFFF20] =	vst v34;
	v34 =	vor.u32 v8, v22;
	v39 =	vld.idx.msk [tilespmem:v42+s4+$0x0], $0xffff  }
0x193: {  	v40 =	vld.idx.msk [tilespmem:v41+s11+$0x0], $0xffff;
	v41 =	vor.u32 v7, v31;
	[tilespmem:s22+$0xFFFFFFB0] =	vst v44  }
0x194: {  	[tilespmem:s23+$0x10] =	vst v37;
	v37 =	vor.u32 v12, v17;
	v42 =	vld.idx.msk [tilespmem:v43+s4+$0x0], $0xffff  }
0x195: {  	v43 =	vld.idx.msk [tilespmem:v45+s4+$0x0], $0xffff;
	[tilespmem:s21+$0xFFFFFF70] =	vst v36;
	v36 =	vor.u32 v15, v32;
	v32 =	vmovc v17;
	v17 =	vmov v31;
	v31 =	vmov v48  }
0x196: {  	v44 =	vld.idx.msk [tilespmem:v46+s4+$0x0], $0xffff;
	[tilespmem:s17+$0x60] =	vst v35;
	v35 =	vor.u32 v13, v29  }
0x197: {  	v45 =	vor.u32 v4, v30;
	v38 =	vshll.u32 v38, $0x8;
	v34 =	vld.idx.msk [tilespmem:v34+s4+$0x0], $0xffff  }
0x198: {  	v46 =	vor.u32 v3, v31;
	v49 =	vor.u32 v7, v38;
	v41 =	vld.idx.msk [tilespmem:v41+s4+$0x0], $0xffff;
	[tilespmem:s21+$0xB0] =	vst v39  }
0x199: {  	v39 =	vor.u32 v9, v22;
	v37 =	vld.idx.msk [tilespmem:v37+s4+$0x0], $0xffff  }
0x19a: {  	v47 =	vor.u32 v8, v17;
	[tilespmem:s22+$0xFFFFFFC0] =	vst v42;
	v36 =	vld.idx.msk [tilespmem:v36+s4+$0x0], $0xffff  }
0x19b: {  	v42 =	vor.u32 v0, v38;
	[tilespmem:s17+$0xFFFFFF30] =	vst v43;
	v35 =	vld.idx.msk [tilespmem:v35+s4+$0x0], $0xffff  }
0x19c: {  	[tilespmem:s23+$0x20] =	vst v44;
	v43 =	vld.idx.msk [tilespmem:v45+s4+$0x0], $0xffff;
	v44 =	vor.u32 v13, v32  }
0x19d: {  	v45 =	vld.idx.msk [tilespmem:v46+s4+$0x0], $0xffff;
	[tilespmem:s21+$0xFFFFFF80] =	vst v34;
	v34 =	vor.u32 v14, v29  }
0x19e: {  	v48 =	vshll.u32 v40, $0x8;
	v40 =	vor.u32 v5, v30;
	[tilespmem:s17+$0x70] =	vst v41;
	v39 =	vld.idx.msk [tilespmem:v39+s4+$0x0], $0xffff  }
0x19f: {  	v41 =	vor.u32 v4, v31;
	v46 =	vld.idx.msk [tilespmem:v47+s4+$0x0], $0xffff;
	[tilespmem:s21+$0xC0] =	vst v37  }
0x1a0: {  	v37 =	vld.idx.msk [tilespmem:v42+s4+$0x0], $0xffff;
	v42 =	vor.u32 v10, v22;
	[tilespmem:s22+$0xF0] =	vst v36  }
0x1a1: {  	v36 =	vor.u32 v9, v17;
	v44 =	vld.idx.msk [tilespmem:v44+s4+$0x0], $0xffff;
	[tilespmem:s22+$0xFFFFFFD0] =	vst v35  }
0x1a2: {  	v47 =	vor.u32 v0, v48;
	v35 =	vor.u32 v1, v38;
	[tilespmem:s17+$0xFFFFFF40] =	vst v43;
	v43 =	vld.idx.msk [tilespmem:v34+s4+$0x0], $0xffff  }
0x1a3: {  	[tilespmem:s23+$0x30] =	vst v45;
	v40 =	vld.idx.msk [tilespmem:v40+s4+$0x0], $0xffff  }
0x1a4: {  	v50 =	vor.u32 v15, v29;
	v29 =	vmovc v22;
	v22 =	vmov v30;
	v30 =	vmov v38;
	s23 =	sadd.s32 $0x200, s23;
	v45 =	vld.idx.msk [tilespmem:v41+s4+$0x0], $0xffff;
	[tilespmem:s21+$0xFFFFFF90] =	vst v39  }
0x1a5: {  	v38 =	vor.u32 v6, v22;
	[tilespmem:s17+$0x80] =	vst v46;
	v51 =	vld.idx.msk [tilespmem:v42+s4+$0x0], $0xffff  }
0x1a6: {  	v52 =	vor.u32 v5, v31;
	[tilespmem:s20+$0xFFFFFF00] =	vst v37;
	v39 =	vld.idx.msk [tilespmem:v36+s4+$0x0], $0xffff  }
.Ltmp6:
0x1a7: {  	v35 =	vld.idx.msk [tilespmem:v35+s4+$0x0], $0xffff;
	[tilespmem:s21+$0xD0] =	vst v44;
	v44 =	vor.u32 v14, v32;
	(pc) =	sbr.rel @p4 .LBB2_13-.Ltmp6, $4  }
0x1a8: {  	v41 =	vor.u32 v10, v17;
	v34 =	vld.idx.msk [tilespmem:v47+s4+$0x0], $0xffff;
	[tilespmem:s22+$0xFFFFFFE0] =	vst v43  }
0x1a9: {  	v42 =	vor.u32 v2, v30;
	v37 =	vor.u32 v1, v48;
	[tilespmem:s17+$0xFFFFFF50] =	vst v40;
	v46 =	vld.idx.msk [tilespmem:v50+s4+$0x0], $0xffff  }
0x1aa: {  	v47 =	vor.u32 v11, v29;
	[tilespmem:s20+$0x40] =	vst v45;
	v43 =	vld.idx.msk [tilespmem:v38+s4+$0x0], $0xffff  }
0x1ab: {  	s0 =	sadd.s32 $0x2, s0;
	v36 =	vld.idx.msk [tilespmem:v52+s4+$0x0], $0xffff;
	[tilespmem:s21+$0xFFFFFFA0] =	vst v51  }
0x1ac: {  	s0 =	smov.u32 s17;
	v40 =	vmovc v17;
	v38 =	vmovc v27;
	v45 =	vmov v31;
	s17 =	smov.u32 s23;
	v27 =	vmov v49;
	v17 =	vmov v48  }
.LBB2_15:
0x1ad: {  	_ =	sdelay $0x3  }
0x1ae: {  	v31 =	vld.idx.msk [tilespmem:v33+s11+$0x0], $0xffff;
	_ =	sdelay $0x4  }
0x1af: {  	v31 =	vshll.u32 v31, $0x8  }
0x1b0: {  	v61 =	vor.u32 v0, v31;
	_ =	sdelay $0x4  }
0x1b1: {  	v33 =	vld.idx.msk [tilespmem:v61+s4+$0x0], $0xffff  }
0x1b2: {  	[tilespmem:s17+$0x0] =	vst v34;
	v48 =	vor.u32 v1, v31  }
0x1b3: {  	v34 =	vld.idx.msk [tilespmem:v37+s4+$0x0], $0xffff  }
0x1b4: {  	v62 =	vor.u32 v2, v17;
	_ =	sdelay $0x1  }
0x1b5: {  	[tilespmem:s17+$0xFFFFFF00] =	vst v33  }
0x1b6: {  	[tilespmem:s20+$0xFFFFFF10] =	vst @p0 v35;
	v63 =	vld.idx.msk [tilespmem:v48+s4+$0x0], $0xffff  }
0x1b7: {  	v42 =	vld.idx.msk @p0 [tilespmem:v42+s4+$0x0], $0xffff;
	v52 =	vor.u32 v2, v31;
	[tilespmem:s17+$0x10] =	vst v34  }
0x1b8: {  	v33 =	vld.idx.msk [tilespmem:v62+s4+$0x0], $0xffff;
	v48 =	vor.u32 @p0 v3, v30  }
0x1b9: {  	v53 =	vor.u32 v3, v17;
	_ =	sdelay $0x1  }
0x1ba: {  	s23 =	smov.u32 @p0 s20;
	[tilespmem:s17+$0xFFFFFF10] =	vst v63  }
0x1bb: {  	[tilespmem:s23+$0xFFFFFF20] =	vst @p0 v42;
	v35 =	vld.idx.msk [tilespmem:v52+s4+$0x0], $0xffff  }
0x1bc: {  	v54 =	vor.u32 v3, v31;
	[tilespmem:s17+$0x20] =	vst v33;
	v42 =	vld.idx.msk @p0 [tilespmem:v48+s4+$0x0], $0xffff  }
0x1bd: {  	v48 =	vor.u32 @p0 v4, v30;
	v33 =	vld.idx.msk [tilespmem:v53+s4+$0x0], $0xffff  }
0x1be: {  	v55 =	vor.u32 v4, v17;
	_ =	sdelay $0x1  }
0x1bf: {  	[tilespmem:s17+$0xFFFFFF20] =	vst v35  }
0x1c0: {  	[tilespmem:s23+$0xFFFFFF30] =	vst @p0 v42;
	v35 =	vld.idx.msk [tilespmem:v54+s4+$0x0], $0xffff  }
0x1c1: {  	v56 =	vor.u32 v4, v31;
	[tilespmem:s17+$0x30] =	vst v33;
	v42 =	vld.idx.msk @p0 [tilespmem:v48+s4+$0x0], $0xffff  }
0x1c2: {  	v48 =	vor.u32 @p0 v5, v30;
	v33 =	vld.idx.msk [tilespmem:v55+s4+$0x0], $0xffff  }
0x1c3: {  	[tilespmem:s0+$0x90] =	vst @p1 v39;
	v57 =	vor.u32 v5, v17  }
0x1c4: {  	v37 =	vld.idx.msk @p2 [tilespmem:v44+s4+$0x0], $0xffff;
	[tilespmem:s22+$0xFFFFFFF0] =	vst @p3 v46  }
0x1c5: {  	v41 =	vld.idx.msk @p1 [tilespmem:v41+s4+$0x0], $0xffff;
	[tilespmem:s17+$0xFFFFFF30] =	vst v35  }
0x1c6: {  	[tilespmem:s23+$0xFFFFFF40] =	vst @p0 v42;
	v42 =	vor.u32 @p0 v6, v45;
	v35 =	vld.idx.msk [tilespmem:v56+s4+$0x0], $0xffff  }
0x1c7: {  	v58 =	vor.u32 v5, v31;
	[tilespmem:s17+$0x40] =	vst v33;
	v44 =	vld.idx.msk @p0 [tilespmem:v48+s4+$0x0], $0xffff  }
0x1c8: {  	[tilespmem:s0+$0xFFFFFF60] =	vst @p1 v43;
	v43 =	vor.u32 @p0 v6, v30;
	v34 =	vld.idx.msk [tilespmem:v57+s4+$0x0], $0xffff  }
0x1c9: {  	v59 =	vor.u32 v6, v17;
	s20 =	smov.u32 @p2 s21;
	v46 =	vld.idx.msk @p2 [tilespmem:v47+s4+$0x0], $0xffff;
	[tilespmem:s23+$0x50] =	vst @p0 v36  }
0x1ca: {  	v38 =	vld.idx.msk @p1 [tilespmem:v38+s4+$0x0], $0xffff;
	[tilespmem:s20+$0xE0] =	vst @p2 v37  }
0x1cb: {  	v33 =	vor.u32 @p1 v11, v40;
	v39 =	vld.idx.msk @p0 [tilespmem:v42+s4+$0x0], $0xffff;
	[tilespmem:s17+$0xFFFFFF40] =	vst v35  }
0x1cc: {  	v37 =	vor.u32 @p0 v7, v45;
	[tilespmem:s23+$0xFFFFFF50] =	vst @p0 v44;
	v60 =	vld.idx.msk [tilespmem:v58+s4+$0x0], $0xffff  }
0x1cd: {  	v61 =	vor.u32 v6, v31;
	[tilespmem:s17+$0x50] =	vst v34;
	v43 =	vld.idx.msk @p0 [tilespmem:v43+s4+$0x0], $0xffff  }
0x1ce: {  	v24 =	vpsel p0, v27, v24;
	v27 =	vor.u32 @p1 v8, v22;
	[tilespmem:s0+$0xA0] =	vst @p1 v41;
	v34 =	vld.idx.msk [tilespmem:v59+s4+$0x0], $0xffff  }
0x1cf: {  	[tilespmem:s20+$0xFFFFFFB0] =	vst @p2 v46;
	v62 =	vor.u32 v7, v17  }
0x1d0: {  	v33 =	vld.idx.msk @p1 [tilespmem:v33+s4+$0x0], $0xffff;
	[tilespmem:s23+$0x60] =	vst @p0 v39  }
0x1d1: {  	v44 =	vor.u32 @p2 v12, v29;
	v39 =	vmov @p0 v45;
	v37 =	vld.idx.msk @p0 [tilespmem:v37+s4+$0x0], $0xffff;
	[tilespmem:s17+$0xFFFFFF50] =	vst v60  }
0x1d2: {  	s19 =	smov.u32 @p0 s23;
	[tilespmem:s0+$0xFFFFFF70] =	vst @p1 v38;
	v28 =	vpsel p0, v43, v28;
	v43 =	vor.u32 @p0 v8, v39;
	v36 =	vld.idx.msk [tilespmem:v61+s4+$0x0], $0xffff  }
0x1d3: {  	s21 =	smov.u32 @p0 s19;
	v27 =	vld.idx.msk @p1 [tilespmem:v27+s4+$0x0], $0xffff;
	v63 =	vor.u32 v7, v31;
	[tilespmem:s17+$0x60] =	vst v34  }
0x1d4: {  	[tilespmem:s21+$0xFFFFFF60] =	vst @p0 v28;
	v28 =	vor.u32 @p1 v12, v40;
	v35 =	vld.idx.msk [tilespmem:v62+s4+$0x0], $0xffff  }
0x1d5: {  	v21 =	vpsel p0, v30, v21;
	v45 =	vor.u32 v8, v17;
	[tilespmem:s0+$0xB0] =	vst @p1 v33;
	v24 =	vld.idx.msk @p0 [tilespmem:v24+s4+$0x0], $0xffff  }
0x1d6: {  	v30 =	vor.u32 @p0 v8, v21;
	v42 =	vld.idx.msk @p2 [tilespmem:v44+s4+$0x0], $0xffff;
	[tilespmem:s23+$0x70] =	vst @p0 v37  }
0x1d7: {  	v34 =	vor.u32 @p1 v9, v22;
	v33 =	vld.idx.msk @p0 [tilespmem:v43+s4+$0x0], $0xffff;
	[tilespmem:s17+$0xFFFFFF60] =	vst v36  }
0x1d8: {  	v41 =	vor.u32 @p0 v9, v39;
	v46 =	vld.idx.msk [tilespmem:v63+s4+$0x0], $0xffff  }
0x1d9: {  	v47 =	vor.u32 v8, v31;
	v28 =	vld.idx.msk @p1 [tilespmem:v28+s4+$0x0], $0xffff;
	[tilespmem:s17+$0x70] =	vst v35  }
0x1da: {  	[tilespmem:s21+$0xFFFFFF70] =	vst @p0 v24;
	v35 =	vld.idx.msk [tilespmem:v45+s4+$0x0], $0xffff  }
0x1db: {  	[tilespmem:s0+$0xFFFFFF80] =	vst @p1 v27;
	v24 =	vor.u32 @p2 v15, v32;
	v27 =	vld.idx.msk @p0 [tilespmem:v30+s4+$0x0], $0xffff  }
0x1dc: {  	v48 =	vor.u32 v9, v17;
	v30 =	vld.idx.msk @p1 [tilespmem:v34+s4+$0x0], $0xffff;
	[tilespmem:s23+$0x80] =	vst @p0 v33  }
0x1dd: {  	v32 =	vor.u32 @p0 v9, v21;
	v37 =	vld.idx.msk @p0 [tilespmem:v41+s4+$0x0], $0xffff;
	[tilespmem:s17+$0xFFFFFF70] =	vst v46  }
0x1de: {  	[tilespmem:s20+$0xFFFFFFC0] =	vst @p2 v42;
	v34 =	vor.u32 @p2 v13, v29;
	v49 =	vld.idx.msk [tilespmem:v47+s4+$0x0], $0xffff  }
0x1df: {  	v50 =	vor.u32 v9, v31;
	[tilespmem:s0+$0xC0] =	vst @p1 v28  }
0x1e0: {  	v42 =	vor.u32 @p0 v10, v39;
	v41 =	vor.u32 @p1 v10, v22;
	v24 =	vld.idx.msk @p2 [tilespmem:v24+s4+$0x0], $0xffff;
	[tilespmem:s17+$0x80] =	vst v35  }
0x1e1: {  	v26 =	vpsel p0, v42, v26;
	[tilespmem:s21+$0xFFFFFF80] =	vst @p0 v27;
	v33 =	vld.idx.msk [tilespmem:v48+s4+$0x0], $0xffff  }
0x1e2: {  	v51 =	vor.u32 v10, v17;
	[tilespmem:s0+$0xFFFFFF90] =	vst @p1 v30;
	v27 =	vld.idx.msk @p0 [tilespmem:v32+s4+$0x0], $0xffff  }
0x1e3: {  	v28 =	vmov @p1 v40;
	v32 =	vld.idx.msk @p2 [tilespmem:v34+s4+$0x0], $0xffff;
	v34 =	vor.u32 @p0 v10, v21;
	v23 =	vpsel p0, v37, v23;
	[tilespmem:s17+$0xFFFFFF80] =	vst v49  }
0x1e4: {  	v35 =	vor.u32 @p1 v13, v28;
	[tilespmem:s19+$0x90] =	vst @p0 v23;
	v36 =	vld.idx.msk [tilespmem:v50+s4+$0x0], $0xffff  }
0x1e5: {  	v38 =	vor.u32 @p1 v11, v22;
	v52 =	vor.u32 v10, v31;
	v37 =	vld.idx.msk @p1 [tilespmem:v41+s4+$0x0], $0xffff;
	[tilespmem:s20+$0xF0] =	vst @p2 v24  }
0x1e6: {  	v25 =	vpsel p1, v38, v25;
	v19 =	vpsel p0, v39, v19;
	v26 =	vld.idx.msk @p0 [tilespmem:v26+s4+$0x0], $0xffff;
	[tilespmem:s17+$0x90] =	vst v33  }
0x1e7: {  	v24 =	vor.u32 @p0 v11, v19;
	[tilespmem:s21+$0xFFFFFF90] =	vst @p0 v27;
	v30 =	vld.idx.msk [tilespmem:v51+s4+$0x0], $0xffff  }
0x1e8: {  	v53 =	vor.u32 v11, v17;
	v27 =	vld.idx.msk @p0 [tilespmem:v34+s4+$0x0], $0xffff;
	v34 =	vor.u32 @p0 v11, v21  }
0x1e9: {  	v35 =	vld.idx.msk @p1 [tilespmem:v35+s4+$0x0], $0xffff;
	v34 =	vpsel p0, v34, v0;
	[tilespmem:s17+$0xFFFFFF90] =	vst v36  }
0x1ea: {  	v33 =	vor.u32 @p2 v14, v29;
	[tilespmem:s0+$0xFFFFFFA0] =	vst @p1 v37;
	v23 =	vld.idx.msk [tilespmem:v52+s4+$0x0], $0xffff  }
0x1eb: {  	v18 =	vpsel p1, v22, v18;
	v54 =	vor.u32 v11, v31;
	v22 =	vld.idx.msk @p1 [tilespmem:v25+s4+$0x0], $0xffff;
	[tilespmem:s21+$0xA0] =	vst @p0 v26  }
0x1ec: {  	v26 =	vor.u32 @p1 v12, v18;
	v24 =	vld.idx.msk @p0 [tilespmem:v24+s4+$0x0], $0xffff;
	[tilespmem:s17+$0xA0] =	vst v30  }
0x1ed: {  	[tilespmem:s21+$0xFFFFFFA0] =	vst @p0 v27;
	v27 =	vor.u32 @p0 v12, v19;
	v30 =	vld.idx.msk [tilespmem:v53+s4+$0x0], $0xffff  }
0x1ee: {  	v55 =	vor.u32 v12, v17;
	[tilespmem:s20+$0xFFFFFFD0] =	vst @p2 v32;
	v21 =	vpsel p0, v21, v0;
	v32 =	vld.idx.msk @p0 [tilespmem:v34+s4+$0x0], $0xffff  }
0x1ef: {  	s18 =	smov.u32 @p1 s0;
	v33 =	vld.idx.msk @p2 [tilespmem:v33+s4+$0x0], $0xffff;
	v34 =	vor.u32 @p0 v12, v21;
	[tilespmem:s17+$0xFFFFFFA0] =	vst v23  }
0x1f0: {  	v29 =	vor.u32 @p2 v15, v29;
	[tilespmem:s18+$0xFFFFFFB0] =	vst @p1 v22;
	v23 =	vld.idx.msk [tilespmem:v54+s4+$0x0], $0xffff  }
0x1f1: {  	v56 =	vor.u32 v12, v31;
	v25 =	vld.idx.msk @p1 [tilespmem:v26+s4+$0x0], $0xffff;
	[tilespmem:s21+$0xB0] =	vst @p0 v24  }
0x1f2: {  	s19 =	smov.u32 @p0 s21;
	v26 =	vor.u32 @p1 v13, v18;
	v27 =	vld.idx.msk @p0 [tilespmem:v27+s4+$0x0], $0xffff;
	[tilespmem:s17+$0xB0] =	vst v30  }
0x1f3: {  	[tilespmem:s19+$0xFFFFFFB0] =	vst @p0 v32;
	v32 =	vor.u32 @p0 v13, v19;
	v22 =	vld.idx.msk [tilespmem:v55+s4+$0x0], $0xffff  }
0x1f4: {  	v57 =	vor.u32 v13, v17;
	[tilespmem:s20+$0xFFFFFFE0] =	vst @p2 v33;
	v33 =	vld.idx.msk @p0 [tilespmem:v34+s4+$0x0], $0xffff  }
0x1f5: {  	v36 =	vor.u32 @p0 v13, v21;
	v29 =	vld.idx.msk @p2 [tilespmem:v29+s4+$0x0], $0xffff;
	v34 =	vor.u32 @p1 v14, v28;
	[tilespmem:s17+$0xFFFFFFB0] =	vst v23  }
0x1f6: {  	v20 =	vpsel p1, v34, v20;
	[tilespmem:s18+$0xFFFFFFC0] =	vst @p1 v25;
	v24 =	vld.idx.msk [tilespmem:v56+s4+$0x0], $0xffff  }
0x1f7: {  	v58 =	vor.u32 v13, v31;
	v25 =	vld.idx.msk @p1 [tilespmem:v26+s4+$0x0], $0xffff;
	[tilespmem:s21+$0xC0] =	vst @p0 v27  }
0x1f8: {  	v27 =	vor.u32 @p1 v14, v18;
	v30 =	vld.idx.msk @p0 [tilespmem:v32+s4+$0x0], $0xffff;
	v32 =	vor.u32 @p0 v14, v19;
	[tilespmem:s17+$0xC0] =	vst v22  }
0x1f9: {  	[tilespmem:s19+$0xFFFFFFC0] =	vst @p0 v33;
	v32 =	vpsel p0, v32, v0;
	v22 =	vld.idx.msk [tilespmem:v57+s4+$0x0], $0xffff  }
0x1fa: {  	v59 =	vor.u32 v14, v17;
	[tilespmem:s0+$0xD0] =	vst @p1 v35;
	v33 =	vld.idx.msk @p0 [tilespmem:v36+s4+$0x0], $0xffff  }
0x1fb: {  	v16 =	vpsel p1, v28, v16;
	v28 =	vor.u32 @p0 v14, v21;
	v20 =	vld.idx.msk @p1 [tilespmem:v20+s4+$0x0], $0xffff;
	[tilespmem:s17+$0xFFFFFFC0] =	vst v24  }
0x1fc: {  	v16 =	vor.u32 @p1 v15, v16;
	[tilespmem:s18+$0xFFFFFFD0] =	vst @p1 v25;
	v24 =	vld.idx.msk [tilespmem:v58+s4+$0x0], $0xffff  }
0x1fd: {  	v60 =	vor.u32 v14, v31;
	v25 =	vld.idx.msk @p1 [tilespmem:v27+s4+$0x0], $0xffff;
	[tilespmem:s21+$0xD0] =	vst @p0 v30  }
0x1fe: {  	v18 =	vor.u32 @p1 v15, v18;
	v19 =	vpsel p0, v19, v0;
	v27 =	vld.idx.msk @p0 [tilespmem:v32+s4+$0x0], $0xffff;
	[tilespmem:s17+$0xD0] =	vst v22  }
0x1ff: {  	v19 =	vor.u32 @p0 v15, v19;
	[tilespmem:s19+$0xFFFFFFD0] =	vst @p0 v33;
	v22 =	vld.idx.msk [tilespmem:v59+s4+$0x0], $0xffff  }
0x200: {  	v17 =	vor.u32 v15, v17;
	[tilespmem:s18+$0xE0] =	vst @p1 v20;
	v20 =	vld.idx.msk @p0 [tilespmem:v28+s4+$0x0], $0xffff  }
0x201: {  	v21 =	vor.u32 @p0 v15, v21;
	v16 =	vld.idx.msk @p1 [tilespmem:v16+s4+$0x0], $0xffff;
	[tilespmem:s17+$0xFFFFFFD0] =	vst v24  }
0x202: {  	[tilespmem:s18+$0xFFFFFFE0] =	vst @p1 v25;
	v61 =	vld.idx.msk [tilespmem:v60+s4+$0x0], $0xffff  }
0x203: {  	v62 =	vor.u32 v15, v31;
	v18 =	vld.idx.msk @p1 [tilespmem:v18+s4+$0x0], $0xffff;
	[tilespmem:s19+$0xE0] =	vst @p0 v27  }
0x204: {  	v19 =	vld.idx.msk @p0 [tilespmem:v19+s4+$0x0], $0xffff;
	[tilespmem:s17+$0xE0] =	vst v22  }
0x205: {  	s0 =	smov.u32 @p2 s20;
	v25 =	vpsel p2, v29, v0;
	[tilespmem:s19+$0xFFFFFFE0] =	vst @p0 v20;
	v17 =	vld.idx.msk [tilespmem:v17+s4+$0x0], $0xffff  }
0x206: {  	[tilespmem:s0+$0xFFFFFFF0] =	vst @p2 v25;
	v20 =	vld.idx.msk @p0 [tilespmem:v21+s4+$0x0], $0xffff  }
0x207: {  	[tilespmem:s17+$0xFFFFFFE0] =	vst v61  }
0x208: {  	s0 =	smov.u32 @p1 s18;
	[tilespmem:s18+$0xF0] =	vst @p1 v16;
	v16 =	vpsel p1, v18, v0;
	v63 =	vld.idx.msk [tilespmem:v62+s4+$0x0], $0xffff  }
0x209: {  	[tilespmem:s0+$0xFFFFFFF0] =	vst @p1 v16  }
0x20a: {  	[tilespmem:s19+$0xF0] =	vst @p0 v19  }
0x20b: {  	s0 =	smov.u32 @p0 s19;
	[tilespmem:s17+$0xF0] =	vst v17;
	v16 =	vpsel p0, v20, v0  }
0x20c: {  	[tilespmem:s0+$0xFFFFFFF0] =	vst @p0 v16  }
0x20d: {  	s18 =	simm.s32 $0x0;
	[tilespmem:s17+$0xFFFFFFF0] =	vst v63;
	s17 =	simm.s32 $0x0  }
0x20e: {  	[hbm4b:s8+s17] =	stream.linear.scatter [tilespmem:s13], [sflag:$0x2], $0x8000, $0x38;
	[tilespmem:$0x12300] =	vst v63  }
.LBB2_16:
0x20f: {  	s0 =	sadd.s32 $0xFFFFFFFE, s17  }
0x210: {  	s19 =	sadd.s32 $0x103, s0  }
0x211: {  	v16 =	vmov s19;
	_ =	sdelay $0x1  }
0x212: {  	_ =	swait.ge [sflag:s14], $0x8000  }
0x213: {  	[sflag:s14] =	ssyncset.done $0x0  }
0x214: {  	[sflag:s14] =	ssyncadd.s32 $0xFFFF8000  }
0x215: {  	s0 =	sadd.s32 $0x102, s0;
	v16 =	vld.idx.msk [tilespmem:v16+s11+$0x0], $0xffff  }
0x216: {  	v17 =	vmov s0  }
0x217: {  	v17 =	vand.u32 $0xFFFFFFFE, v17  }
0x218: {  	v17 =	vbroadcast v17, $0x0;
	_ =	sdelay $0x1  }
0x219: {  	v19 =	vshll.u32 v16, $0x8  }
0x21a: {  	v16 =	vor.u32 v0, v19;
	_ =	sdelay $0x2  }
0x21b: {  	v17 =	vld.idx.msk [tilespmem:v17+s11+$0x0], $0xffff;
	_ =	sdelay $0x1  }
0x21c: {  	v16 =	vld.idx.msk [tilespmem:v16+s4+$0x0], $0xffff  }
0x21d: {  	v20 =	vor.u32 v1, v19  }
0x21e: {  	s25 =	simm.s32 $0x100;
	s26 =	simm.s32 $0x0  }
0x21f: {  	s19 =	sand.u32 $0x4000, s26;
	s0 =	sand.u32 $0x3F00, s25;
	v18 =	vshll.u32 v17, $0x8  }
0x220: {  	s22 =	sor.u32 s0, s19;
	v17 =	vor.u32 v0, v18  }
0x221: {  	[tilespmem:s22+$0x2300] =	vst v16  }
0x222: {  	v16 =	vld.idx.msk [tilespmem:v20+s4+$0x0], $0xffff  }
0x223: {  	s1 =	sadd.s32 $0x0, s17;
	v20 =	vor.u32 v2, v19  }
0x224: {  	s2 =	sadd.s32 $0x103, s1  }
0x225: {  	v21 =	vmov s2;
	v17 =	vld.idx.msk [tilespmem:v17+s4+$0x0], $0xffff  }
0x226: {  	v22 =	vor.u32 v1, v18  }
0x227: {  	[tilespmem:s22+$0x2310] =	vst v16  }
0x228: {  	v16 =	vld.idx.msk [tilespmem:v20+s4+$0x0], $0xffff  }
0x229: {  	s21 =	simm.s32 $0x2380;
	v20 =	vor.u32 v3, v19  }
0x22a: {  	v21 =	vld.idx.msk [tilespmem:v21+s11+$0x0], $0xffff;
	[tilespmem:s21+$0xFFFFFF80] =	vst v17  }
0x22b: {  	v17 =	vld.idx.msk [tilespmem:v22+s4+$0x0], $0xffff  }
0x22c: {  	s0 =	sadd.s32 $0x102, s1;
	v22 =	vor.u32 v2, v18  }
0x22d: {  	v23 =	vmov s0;
	[tilespmem:s22+$0x2320] =	vst v16  }
0x22e: {  	v16 =	vand.u32 $0xFFFFFFFE, v23;
	v20 =	vld.idx.msk [tilespmem:v20+s4+$0x0], $0xffff  }
0x22f: {  	v24 =	vor.u32 v4, v19;
	v23 =	vbroadcast v16, $0x0  }
0x230: {  	[tilespmem:s21+$0xFFFFFF90] =	vst v17;
	v16 =	vshll.u32 v21, $0x8  }
0x231: {  	v21 =	vld.idx.msk [tilespmem:v22+s4+$0x0], $0xffff;
	v17 =	vor.u32 v0, v16  }
0x232: {  	v22 =	vor.u32 v3, v18  }
0x233: {  	[tilespmem:s22+$0x2330] =	vst v20  }
0x234: {  	v20 =	vld.idx.msk [tilespmem:v24+s4+$0x0], $0xffff  }
0x235: {  	v23 =	vld.idx.msk [tilespmem:v23+s11+$0x0], $0xffff;
	v24 =	vor.u32 v5, v19  }
0x236: {  	[tilespmem:s21+$0xFFFFFFA0] =	vst v21;
	v25 =	vld.idx.msk [tilespmem:v17+s4+$0x0], $0xffff  }
0x237: {  	v21 =	vor.u32 v1, v16;
	v22 =	vld.idx.msk [tilespmem:v22+s4+$0x0], $0xffff  }
0x238: {  	s20 =	simm.s32 $0x300;
	s23 =	simm.s32 $0x200;
	v26 =	vor.u32 v4, v18  }
0x239: {  	s19 =	sand.u32 $0x4000, s23;
	s0 =	sand.u32 $0x3F00, s20;
	[tilespmem:s22+$0x2340] =	vst v20  }
0x23a: {  	s20 =	sor.u32 s0, s19;
	v20 =	vld.idx.msk [tilespmem:v24+s4+$0x0], $0xffff  }
0x23b: {  	v17 =	vshll.u32 v23, $0x8;
	[tilespmem:s20+$0x2300] =	vst v25;
	v24 =	vor.u32 v6, v19  }
0x23c: {  	[tilespmem:s21+$0xFFFFFFB0] =	vst v22;
	v23 =	vor.u32 v0, v17;
	v21 =	vld.idx.msk [tilespmem:v21+s4+$0x0], $0xffff  }
0x23d: {  	v22 =	vor.u32 v2, v16;
	v25 =	vld.idx.msk [tilespmem:v26+s4+$0x0], $0xffff  }
0x23e: {  	s24 =	sadd.s32 $0x2, s17;
	v26 =	vor.u32 v5, v18  }
0x23f: {  	s25 =	sadd.s32 $0x103, s24;
	[tilespmem:s22+$0x2350] =	vst v20  }
0x240: {  	v20 =	vmov s25;
	v24 =	vld.idx.msk [tilespmem:v24+s4+$0x0], $0xffff  }
0x241: {  	v23 =	vld.idx.msk [tilespmem:v23+s4+$0x0], $0xffff;
	[tilespmem:s20+$0x2310] =	vst v21;
	v21 =	vor.u32 v7, v19  }
0x242: {  	s0 =	sadd.s32 $0x102, s24;
	v27 =	vor.u32 v1, v17;
	[tilespmem:s21+$0xFFFFFFC0] =	vst v25;
	v22 =	vld.idx.msk [tilespmem:v22+s4+$0x0], $0xffff  }
0x243: {  	v28 =	vor.u32 v3, v16;
	v25 =	vmov s0;
	v26 =	vld.idx.msk [tilespmem:v26+s4+$0x0], $0xffff  }
0x244: {  	v29 =	vor.u32 v6, v18;
	v25 =	vand.u32 $0xFFFFFFFE, v25  }
0x245: {  	s23 =	simm.s32 $0x2580;
	v25 =	vbroadcast v25, $0x0;
	v20 =	vld.idx.msk [tilespmem:v20+s11+$0x0], $0xffff;
	[tilespmem:s22+$0x2360] =	vst v24  }
0x246: {  	[tilespmem:s23+$0xFFFFFF80] =	vst v23;
	v21 =	vld.idx.msk [tilespmem:v21+s4+$0x0], $0xffff  }
0x247: {  	v23 =	vor.u32 v8, v19;
	[tilespmem:s20+$0x2320] =	vst v22;
	v22 =	vld.idx.msk [tilespmem:v27+s4+$0x0], $0xffff  }
0x248: {  	[tilespmem:s21+$0xFFFFFFD0] =	vst v26;
	v26 =	vor.u32 v2, v17;
	v24 =	vld.idx.msk [tilespmem:v28+s4+$0x0], $0xffff  }
0x249: {  	v27 =	vld.idx.msk [tilespmem:v29+s4+$0x0], $0xffff;
	v28 =	vor.u32 v4, v16  }
0x24a: {  	v29 =	vor.u32 v7, v18  }
0x24b: {  	v25 =	vld.idx.msk [tilespmem:v25+s11+$0x0], $0xffff;
	v20 =	vshll.u32 v20, $0x8;
	[tilespmem:s22+$0x2370] =	vst v21  }
0x24c: {  	v30 =	vor.u32 v0, v20;
	[tilespmem:s23+$0xFFFFFF90] =	vst v22;
	v22 =	vld.idx.msk [tilespmem:v23+s4+$0x0], $0xffff  }
0x24d: {  	[tilespmem:s20+$0x2330] =	vst v24;
	v24 =	vor.u32 v9, v19;
	v23 =	vld.idx.msk [tilespmem:v26+s4+$0x0], $0xffff  }
0x24e: {  	[tilespmem:s21+$0xFFFFFFE0] =	vst v27;
	v27 =	vor.u32 v3, v17;
	v26 =	vld.idx.msk [tilespmem:v28+s4+$0x0], $0xffff  }
0x24f: {  	v28 =	vld.idx.msk [tilespmem:v29+s4+$0x0], $0xffff;
	v29 =	vor.u32 v5, v16  }
0x250: {  	v21 =	vshll.u32 v25, $0x8;
	v25 =	vor.u32 v8, v18  }
0x251: {  	v31 =	vor.u32 v0, v21;
	v30 =	vld.idx.msk [tilespmem:v30+s4+$0x0], $0xffff;
	[tilespmem:s22+$0x2380] =	vst v22  }
0x252: {  	[tilespmem:s23+$0xFFFFFFA0] =	vst v23;
	v22 =	vld.idx.msk [tilespmem:v24+s4+$0x0], $0xffff;
	v24 =	vor.u32 v1, v20  }
0x253: {  	s26 =	simm.s32 $0x500;
	s1 =	simm.s32 $0x400;
	[tilespmem:s20+$0x2340] =	vst v26;
	v26 =	vor.u32 v10, v19;
	v23 =	vld.idx.msk [tilespmem:v27+s4+$0x0], $0xffff  }
0x254: {  	s19 =	sand.u32 $0x4000, s1;
	s0 =	sand.u32 $0x3F00, s26;
	[tilespmem:s21+$0xFFFFFFF0] =	vst v28;
	v28 =	vor.u32 v4, v17;
	v27 =	vld.idx.msk [tilespmem:v29+s4+$0x0], $0xffff  }
0x255: {  	s2 =	sadd.s32 $0x4, s17;
	s24 =	sor.u32 s0, s19;
	v29 =	vor.u32 v6, v16;
	v25 =	vld.idx.msk [tilespmem:v25+s4+$0x0], $0xffff  }
0x256: {  	s25 =	sadd.s32 $0x103, s2;
	v31 =	vld.idx.msk [tilespmem:v31+s4+$0x0], $0xffff;
	[tilespmem:s24+$0x2300] =	vst v30;
	v30 =	vor.u32 v9, v18  }
0x257: {  	v24 =	vld.idx.msk [tilespmem:v24+s4+$0x0], $0xffff;
	[tilespmem:s22+$0x2390] =	vst v22;
	v22 =	vmov s25  }
0x258: {  	s0 =	sadd.s32 $0x102, s2;
	v32 =	vor.u32 v2, v20;
	[tilespmem:s23+$0xFFFFFFB0] =	vst v23;
	v26 =	vld.idx.msk [tilespmem:v26+s4+$0x0], $0xffff  }
0x259: {  	v23 =	vmov s0;
	[tilespmem:s20+$0x2350] =	vst v27;
	v27 =	vor.u32 v11, v19;
	v28 =	vld.idx.msk [tilespmem:v28+s4+$0x0], $0xffff  }
0x25a: {  	[tilespmem:s21+$0x0] =	vst v25;
	v25 =	vor.u32 v5, v17;
	v23 =	vand.u32 $0xFFFFFFFE, v23;
	v29 =	vld.idx.msk [tilespmem:v29+s4+$0x0], $0xffff  }
0x25b: {  	v33 =	vor.u32 v7, v16;
	v23 =	vbroadcast v23, $0x0;
	v30 =	vld.idx.msk [tilespmem:v30+s4+$0x0], $0xffff  }
0x25c: {  	v22 =	vld.idx.msk [tilespmem:v22+s11+$0x0], $0xffff;
	[tilespmem:s24+$0x2310] =	vst v24  }
0x25d: {  	v24 =	vld.idx.msk [tilespmem:v32+s4+$0x0], $0xffff;
	[tilespmem:s22+$0x23A0] =	vst v26;
	v26 =	vor.u32 v10, v18  }
0x25e: {  	v58 =	vor.u32 v1, v21;
	[tilespmem:s23+$0xFFFFFFC0] =	vst v28;
	v27 =	vld.idx.msk [tilespmem:v27+s4+$0x0], $0xffff  }
0x25f: {  	[tilespmem:s20+$0x2360] =	vst v29;
	v28 =	vor.u32 v3, v20;
	v25 =	vld.idx.msk [tilespmem:v25+s4+$0x0], $0xffff  }
0x260: {  	v59 =	vor.u32 v6, v17;
	v29 =	vld.idx.msk [tilespmem:v33+s4+$0x0], $0xffff  }
0x261: {  	s25 =	simm.s32 $0x2780;
	[tilespmem:s21+$0x10] =	vst v30;
	v30 =	vor.u32 v12, v19;
	v34 =	vld.idx.msk [tilespmem:v23+s11+$0x0], $0xffff  }
0x262: {  	[tilespmem:s25+$0xFFFFFF80] =	vst v31;
	v31 =	vor.u32 v8, v16;
	v23 =	vshll.u32 v22, $0x8;
	v26 =	vld.idx.msk [tilespmem:v26+s4+$0x0], $0xffff  }
0x263: {  	[tilespmem:s24+$0x2320] =	vst v24;
	v24 =	vld.idx.msk [tilespmem:v58+s4+$0x0], $0xffff;
	v35 =	vor.u32 v0, v23  }
0x264: {  	v60 =	vor.u32 v11, v18;
	v28 =	vld.idx.msk [tilespmem:v28+s4+$0x0], $0xffff;
	[tilespmem:s23+$0xFFFFFFD0] =	vst v25  }
0x265: {  	v25 =	vor.u32 v2, v21;
	[tilespmem:s22+$0x23B0] =	vst v27;
	v27 =	vld.idx.msk [tilespmem:v59+s4+$0x0], $0xffff  }
0x266: {  	[tilespmem:s20+$0x2370] =	vst v29;
	v29 =	vld.idx.msk [tilespmem:v30+s4+$0x0], $0xffff  }
0x267: {  	v61 =	vor.u32 v4, v20;
	v31 =	vld.idx.msk [tilespmem:v31+s4+$0x0], $0xffff  }
0x268: {  	v30 =	vor.u32 v7, v17;
	v22 =	vshll.u32 v34, $0x8;
	[tilespmem:s21+$0x20] =	vst v26;
	v38 =	vld.idx.msk [tilespmem:v35+s4+$0x0], $0xffff  }
0x269: {  	v26 =	vor.u32 v0, v22;
	[tilespmem:s25+$0xFFFFFF90] =	vst v24;
	v24 =	vld.idx.msk [tilespmem:v60+s4+$0x0], $0xffff  }
0x26a: {  	[tilespmem:s24+$0x2330] =	vst v28;
	v62 =	vld.idx.msk [tilespmem:v25+s4+$0x0], $0xffff;
	v25 =	vor.u32 v9, v16  }
0x26b: {  	s30 =	simm.s32 $0x700;
	s26 =	simm.s32 $0x600;
	[tilespmem:s23+$0xFFFFFFE0] =	vst v27;
	v27 =	vor.u32 v12, v18  }
0x26c: {  	s28 =	sand.u32 $0x3F00, s30;
	v63 =	vor.u32 v3, v21;
	s0 =	sand.u32 $0x4000, s26;
	v33 =	vld.idx.msk [tilespmem:v61+s4+$0x0], $0xffff;
	[tilespmem:s22+$0x23C0] =	vst v29  }
0x26d: {  	v39 =	vor.u32 v5, v20;
	s29 =	sor.u32 s28, s0;
	[tilespmem:s20+$0x2380] =	vst v31;
	v36 =	vld.idx.msk [tilespmem:v30+s4+$0x0], $0xffff  }
0x26e: {  	v40 =	vor.u32 v8, v17;
	v26 =	vld.idx.msk [tilespmem:v26+s4+$0x0], $0xffff;
	[tilespmem:s29+$0x2300] =	vst v38  }
0x26f: {  	v32 =	vor.u32 v13, v19;
	v28 =	vld.idx.msk [tilespmem:v25+s4+$0x0], $0xffff;
	[tilespmem:s21+$0x30] =	vst v24  }
0x270: {  	v37 =	vor.u32 v1, v23;
	[tilespmem:s25+$0xFFFFFFA0] =	vst v62;
	v29 =	vld.idx.msk [tilespmem:v27+s4+$0x0], $0xffff  }
0x271: {  	v30 =	vor.u32 v10, v16;
	v35 =	vld.idx.msk [tilespmem:v63+s4+$0x0], $0xffff;
	[tilespmem:s24+$0x2340] =	vst v33  }
0x272: {  	s31 =	simm.s32 $0x2980;
	s19 =	sshll.u32 s18, $0x8;
	v31 =	vor.u32 v13, v18;
	v24 =	vor.u32 v6, v20;
	v33 =	vld.idx.msk [tilespmem:v39+s4+$0x0], $0xffff;
	[tilespmem:s23+$0xFFFFFFF0] =	vst v36  }
0x273: {  	s26 =	sadd.s32 $0x100, s19;
	s0 =	simm.s32 $0x6;
	s28 =	simm.s32 $0x2980;
	v25 =	vor.u32 v6, v23;
	v27 =	vor.u32 v1, v22;
	v36 =	vor.u32 v4, v21;
	v34 =	vld.idx.msk [tilespmem:v40+s4+$0x0], $0xffff  }
.LBB2_17:
0x274: {  	s2 =	sadd.s32 s0, s17;
	s0 =	sadd.s32 $0x2, s0;
	v32 =	vld.idx.msk [tilespmem:v32+s4+$0x0], $0xffff  }
0x275: {  	v38 =	vor.u32 v9, v17;
	s1 =	sadd.s32 $0x102, s2;
	s2 =	sadd.s32 $0x103, s2;
	p0 =	slt.u32 s0, $0x7E;
	v37 =	vld.idx.msk [tilespmem:v37+s4+$0x0], $0xffff;
	[tilespmem:s20+$0x2390] =	vst v28  }
0x276: {  	v28 =	vmov s1;
	v39 =	vmov s2;
	v30 =	vld.idx.msk [tilespmem:v30+s4+$0x0], $0xffff;
	[tilespmem:s21+$0x40] =	vst v29  }
0x277: {  	v29 =	vor.u32 v2, v23;
	v28 =	vand.u32 $0xFFFFFFFE, v28;
	[tilespmem:s25+$0xFFFFFFB0] =	vst v35;
	v31 =	vld.idx.msk [tilespmem:v31+s4+$0x0], $0xffff  }
0x278: {  	v28 =	vbroadcast v28, $0x0;
	v35 =	vld.idx.msk [tilespmem:v36+s4+$0x0], $0xffff;
	[tilespmem:s24+$0x2350] =	vst v33;
	v33 =	vor.u32 v11, v16  }
0x279: {  	v36 =	vld.idx.msk [tilespmem:v24+s4+$0x0], $0xffff;
	[tilespmem:s23+$0x0] =	vst v34;
	v34 =	vor.u32 v14, v18;
	v24 =	vmov v25  }
0x27a: {  	v25 =	vor.u32 v5, v21;
	v38 =	vld.idx.msk [tilespmem:v38+s4+$0x0], $0xffff;
	[tilespmem:s22+$0x23D0] =	vst v32  }
0x27b: {  	v32 =	vld.idx.msk [tilespmem:v39+s11+$0x0], $0xffff;
	[tilespmem:s29+$0x2310] =	vst v37;
	v37 =	vor.u32 v7, v20;
	v39 =	vor.u32 v14, v19  }
0x27c: {  	v29 =	vld.idx.msk [tilespmem:v29+s4+$0x0], $0xffff;
	[tilespmem:s20+$0x23A0] =	vst v30  }
0x27d: {  	v30 =	vld.idx.msk [tilespmem:v33+s4+$0x0], $0xffff;
	[tilespmem:s21+$0x50] =	vst v31  }
0x27e: {  	[tilespmem:s25+$0xFFFFFFC0] =	vst v35;
	v31 =	vld.idx.msk [tilespmem:v34+s4+$0x0], $0xffff  }
0x27f: {  	v33 =	vor.u32 v10, v17;
	v25 =	vld.idx.msk [tilespmem:v25+s4+$0x0], $0xffff;
	[tilespmem:s24+$0x2360] =	vst v36  }
0x280: {  	v34 =	vor.u32 v3, v23;
	v36 =	vor.u32 v15, v19;
	v19 =	vmov v16;
	v35 =	vld.idx.msk [tilespmem:v37+s4+$0x0], $0xffff;
	[tilespmem:s23+$0x10] =	vst v38  }
0x281: {  	v16 =	vmov v20;
	v20 =	vmov v23;
	[tilespmem:s31+$0xFFFFFF80] =	vst v26;
	v26 =	vor.u32 v12, v19;
	v37 =	vld.idx.msk [tilespmem:v39+s4+$0x0], $0xffff  }
0x282: {  	v28 =	vld.idx.msk [tilespmem:v28+s11+$0x0], $0xffff;
	[tilespmem:s29+$0x2320] =	vst v29;
	v29 =	vor.u32 v6, v21  }
0x283: {  	v27 =	vld.idx.msk [tilespmem:v27+s4+$0x0], $0xffff  }
0x284: {  	v33 =	vld.idx.msk [tilespmem:v33+s4+$0x0], $0xffff;
	[tilespmem:s20+$0x23B0] =	vst v30;
	v30 =	vor.u32 v15, v18;
	v18 =	vmovc v17;
	v17 =	vmov v21;
	v21 =	vmov v22  }
0x285: {  	v38 =	vor.u32 v8, v16;
	v34 =	vld.idx.msk [tilespmem:v34+s4+$0x0], $0xffff;
	[tilespmem:s25+$0xFFFFFFD0] =	vst v25  }
0x286: {  	v23 =	vshll.u32 v32, $0x8;
	v32 =	vor.u32 v11, v18;
	[tilespmem:s24+$0x2370] =	vst v35;
	v26 =	vld.idx.msk [tilespmem:v26+s4+$0x0], $0xffff  }
0x287: {  	v39 =	vor.u32 v2, v21;
	v35 =	vor.u32 v0, v23;
	v29 =	vld.idx.msk [tilespmem:v29+s4+$0x0], $0xffff;
	[tilespmem:s22+$0x23E0] =	vst v37  }
0x288: {  	v25 =	vor.u32 v6, v23;
	v22 =	vshll.u32 v28, $0x8;
	v28 =	vor.u32 v4, v20;
	[tilespmem:s21+$0x60] =	vst v31;
	v31 =	vld.idx.msk [tilespmem:v36+s4+$0x0], $0xffff  }
0x289: {  	s30 =	sadd.s32 $0x200, s30;
	v36 =	vor.u32 v0, v22;
	[tilespmem:s31+$0xFFFFFF90] =	vst v27;
	v27 =	vor.u32 v7, v17;
	v30 =	vld.idx.msk [tilespmem:v30+s4+$0x0], $0xffff  }
0x28a: {  	v37 =	vld.idx.msk [tilespmem:v38+s4+$0x0], $0xffff;
	[tilespmem:s23+$0x20] =	vst v33  }
0x28b: {  	[tilespmem:s29+$0x2330] =	vst v34;
	v32 =	vld.idx.msk [tilespmem:v32+s4+$0x0], $0xffff  }
0x28c: {  	v34 =	vor.u32 v9, v16;
	v33 =	vld.idx.msk [tilespmem:v39+s4+$0x0], $0xffff;
	[tilespmem:s20+$0x23C0] =	vst v26  }
0x28d: {  	v38 =	vld.idx.msk [tilespmem:v28+s4+$0x0], $0xffff;
	[tilespmem:s25+$0xFFFFFFE0] =	vst v29;
	v29 =	vor.u32 v12, v18  }
0x28e: {  	v39 =	vor.u32 v3, v21;
	v40 =	vld.idx.msk [tilespmem:v27+s4+$0x0], $0xffff;
	[tilespmem:s22+$0x23F0] =	vst v31;
	s22 =	smov.u32 s20;
	s20 =	smov.u32 s24;
	s24 =	smov.u32 s29  }
0x28f: {  	s31 =	sadd.s32 $0x200, s31;
	v31 =	vor.u32 v5, v20;
	v41 =	vld.idx.msk [tilespmem:v35+s4+$0x0], $0xffff;
	[tilespmem:s21+$0x70] =	vst v30;
	s21 =	smov.u32 s23;
	s23 =	smov.u32 s25  }
0x290: {  	v42 =	vor.u32 v8, v17;
	v27 =	vor.u32 v1, v22;
	s25 =	smov.u32 s28;
	s28 =	smov.u32 s31;
	v26 =	vld.idx.msk [tilespmem:v36+s4+$0x0], $0xffff;
	[tilespmem:s20+$0x2380] =	vst v37  }
.Ltmp7:
0x291: {  	v28 =	vld.idx.msk [tilespmem:v34+s4+$0x0], $0xffff;
	[tilespmem:s21+$0x30] =	vst v32;
	v32 =	vor.u32 v13, v19;
	(pc) =	sbr.rel @p0 .LBB2_17-.Ltmp7, $4  }
0x292: {  	s1 =	sadd.s32 $0xFFFFFF00, s30;
	v37 =	vor.u32 v1, v23;
	[tilespmem:s25+$0xFFFFFFA0] =	vst v33;
	v29 =	vld.idx.msk [tilespmem:v29+s4+$0x0], $0xffff  }
0x293: {  	s2 =	sand.u32 $0x3F00, s30;
	s1 =	sand.u32 $0x4000, s1;
	v30 =	vor.u32 v10, v16;
	v35 =	vld.idx.msk [tilespmem:v39+s4+$0x0], $0xffff;
	[tilespmem:s24+$0x2340] =	vst v38  }
0x294: {  	s29 =	sor.u32 s2, s1;
	v33 =	vld.idx.msk [tilespmem:v31+s4+$0x0], $0xffff;
	[tilespmem:s23+$0xFFFFFFF0] =	vst v40;
	v31 =	vor.u32 v13, v18  }
0x295: {  	v36 =	vor.u32 v4, v21;
	[tilespmem:s29+$0x2300] =	vst v41;
	v34 =	vld.idx.msk [tilespmem:v42+s4+$0x0], $0xffff  }
0x296: {  	_ =	sdelay $0x3  }
0x297: {  	v37 =	vld.idx.msk [tilespmem:v37+s4+$0x0], $0xffff;
	[tilespmem:s31+$0xFFFFFF80] =	vst v26  }
0x298: {  	v26 =	vor.u32 v2, v23;
	v27 =	vld.idx.msk [tilespmem:v27+s4+$0x0], $0xffff  }
0x299: {  	v38 =	vor.u32 v2, v22;
	_ =	sdelay $0x2  }
0x29a: {  	[tilespmem:s29+$0x2310] =	vst v37  }
0x29b: {  	v26 =	vld.idx.msk [tilespmem:v26+s4+$0x0], $0xffff;
	[tilespmem:s31+$0xFFFFFF90] =	vst v27  }
0x29c: {  	v27 =	vor.u32 v3, v23;
	v59 =	vld.idx.msk [tilespmem:v38+s4+$0x0], $0xffff  }
0x29d: {  	v60 =	vor.u32 v3, v22;
	_ =	sdelay $0x2  }
0x29e: {  	[tilespmem:s29+$0x2320] =	vst v26  }
0x29f: {  	v26 =	vld.idx.msk [tilespmem:v27+s4+$0x0], $0xffff;
	[tilespmem:s28+$0xFFFFFFA0] =	vst v59  }
0x2a0: {  	v27 =	vor.u32 v4, v23;
	v37 =	vld.idx.msk [tilespmem:v60+s4+$0x0], $0xffff  }
0x2a1: {  	v61 =	vor.u32 v4, v22;
	_ =	sdelay $0x1  }
0x2a2: {  	[tilespmem:s25+$0xFFFFFFB0] =	vst v35  }
0x2a3: {  	v35 =	vld.idx.msk [tilespmem:v36+s4+$0x0], $0xffff;
	[tilespmem:s29+$0x2330] =	vst v26  }
0x2a4: {  	v26 =	vor.u32 v5, v21;
	v27 =	vld.idx.msk [tilespmem:v27+s4+$0x0], $0xffff;
	[tilespmem:s28+$0xFFFFFFB0] =	vst v37  }
0x2a5: {  	v62 =	vor.u32 v5, v23;
	v37 =	vld.idx.msk [tilespmem:v61+s4+$0x0], $0xffff  }
0x2a6: {  	v63 =	vor.u32 v5, v22;
	_ =	sdelay $0x1  }
0x2a7: {  	[tilespmem:s25+$0xFFFFFFC0] =	vst v35  }
0x2a8: {  	v26 =	vld.idx.msk [tilespmem:v26+s4+$0x0], $0xffff;
	[tilespmem:s29+$0x2340] =	vst v27  }
0x2a9: {  	v27 =	vor.u32 v6, v21;
	v39 =	vld.idx.msk [tilespmem:v62+s4+$0x0], $0xffff;
	[tilespmem:s28+$0xFFFFFFC0] =	vst v37  }
0x2aa: {  	[tilespmem:s20+$0x2390] =	vst v28;
	v28 =	vld.idx.msk [tilespmem:v63+s4+$0x0], $0xffff  }
0x2ab: {  	[tilespmem:s21+$0x40] =	vst v29;
	v29 =	vor.u32 v6, v22  }
0x2ac: {  	v32 =	vld.idx.msk [tilespmem:v32+s4+$0x0], $0xffff;
	[tilespmem:s24+$0x2350] =	vst v33  }
0x2ad: {  	v24 =	vld.idx.msk [tilespmem:v24+s4+$0x0], $0xffff;
	[tilespmem:s25+$0xFFFFFFD0] =	vst v26  }
0x2ae: {  	v26 =	vor.u32 v7, v20;
	v27 =	vld.idx.msk [tilespmem:v27+s4+$0x0], $0xffff;
	[tilespmem:s29+$0x2350] =	vst v39  }
0x2af: {  	v40 =	vor.u32 v7, v21;
	v25 =	vld.idx.msk [tilespmem:v25+s4+$0x0], $0xffff;
	[tilespmem:s28+$0xFFFFFFD0] =	vst v28  }
0x2b0: {  	[tilespmem:s23+$0x0] =	vst v34;
	v28 =	vor.u32 v7, v23;
	v29 =	vld.idx.msk [tilespmem:v29+s4+$0x0], $0xffff  }
0x2b1: {  	v41 =	vor.u32 v7, v22;
	v30 =	vld.idx.msk [tilespmem:v30+s4+$0x0], $0xffff;
	[tilespmem:s22+$0x23D0] =	vst v32  }
0x2b2: {  	v42 =	vor.u32 v9, v17;
	v31 =	vld.idx.msk [tilespmem:v31+s4+$0x0], $0xffff;
	[tilespmem:s24+$0x2360] =	vst v24  }
0x2b3: {  	v24 =	vor.u32 v11, v16;
	v26 =	vld.idx.msk [tilespmem:v26+s4+$0x0], $0xffff;
	[tilespmem:s25+$0xFFFFFFE0] =	vst v27  }
0x2b4: {  	v27 =	vor.u32 v8, v20;
	v33 =	vld.idx.msk [tilespmem:v40+s4+$0x0], $0xffff;
	[tilespmem:s29+$0x2360] =	vst v25  }
0x2b5: {  	v25 =	vor.u32 v8, v21;
	v28 =	vld.idx.msk [tilespmem:v28+s4+$0x0], $0xffff;
	[tilespmem:s28+$0xFFFFFFE0] =	vst v29  }
0x2b6: {  	[tilespmem:s20+$0x23A0] =	vst v30;
	v29 =	vor.u32 v8, v23;
	v30 =	vld.idx.msk [tilespmem:v41+s4+$0x0], $0xffff  }
0x2b7: {  	v43 =	vld.idx.msk [tilespmem:v42+s4+$0x0], $0xffff;
	[tilespmem:s21+$0x50] =	vst v31;
	v31 =	vor.u32 v8, v22  }
0x2b8: {  	v44 =	vor.u32 v14, v19;
	v24 =	vld.idx.msk [tilespmem:v24+s4+$0x0], $0xffff;
	[tilespmem:s24+$0x2370] =	vst v26  }
0x2b9: {  	v26 =	vor.u32 v14, v18;
	v27 =	vld.idx.msk [tilespmem:v27+s4+$0x0], $0xffff;
	[tilespmem:s25+$0xFFFFFFF0] =	vst v33  }
0x2ba: {  	v45 =	vor.u32 v9, v20;
	v25 =	vld.idx.msk [tilespmem:v25+s4+$0x0], $0xffff;
	[tilespmem:s29+$0x2370] =	vst v28  }
0x2bb: {  	v28 =	vor.u32 v9, v21;
	v29 =	vld.idx.msk [tilespmem:v29+s4+$0x0], $0xffff;
	[tilespmem:s28+$0xFFFFFFF0] =	vst v30  }
0x2bc: {  	[tilespmem:s23+$0x10] =	vst v43;
	v30 =	vor.u32 v9, v23;
	v31 =	vld.idx.msk [tilespmem:v31+s4+$0x0], $0xffff  }
0x2bd: {  	v46 =	vld.idx.msk [tilespmem:v44+s4+$0x0], $0xffff;
	[tilespmem:s20+$0x23B0] =	vst v24;
	v24 =	vor.u32 v9, v22  }
0x2be: {  	v47 =	vor.u32 v10, v17;
	v26 =	vld.idx.msk [tilespmem:v26+s4+$0x0], $0xffff;
	[tilespmem:s24+$0x2380] =	vst v27  }
0x2bf: {  	v27 =	vor.u32 v12, v16;
	v33 =	vld.idx.msk [tilespmem:v45+s4+$0x0], $0xffff;
	[tilespmem:s25+$0x0] =	vst v25  }
0x2c0: {  	v25 =	vor.u32 v10, v20;
	v28 =	vld.idx.msk [tilespmem:v28+s4+$0x0], $0xffff;
	[tilespmem:s29+$0x2380] =	vst v29  }
0x2c1: {  	v29 =	vor.u32 v10, v21;
	v30 =	vld.idx.msk [tilespmem:v30+s4+$0x0], $0xffff;
	[tilespmem:s28+$0x0] =	vst v31  }
0x2c2: {  	[tilespmem:s22+$0x23E0] =	vst v46;
	v31 =	vor.u32 v10, v23;
	v24 =	vld.idx.msk [tilespmem:v24+s4+$0x0], $0xffff  }
0x2c3: {  	v48 =	vld.idx.msk [tilespmem:v47+s4+$0x0], $0xffff;
	[tilespmem:s21+$0x60] =	vst v26;
	v26 =	vor.u32 v10, v22  }
0x2c4: {  	v19 =	vor.u32 v15, v19;
	v27 =	vld.idx.msk [tilespmem:v27+s4+$0x0], $0xffff;
	[tilespmem:s24+$0x2390] =	vst v33  }
0x2c5: {  	v49 =	vor.u32 v11, v17;
	v25 =	vld.idx.msk [tilespmem:v25+s4+$0x0], $0xffff;
	[tilespmem:s25+$0x10] =	vst v28  }
0x2c6: {  	v28 =	vor.u32 v11, v20;
	v29 =	vld.idx.msk [tilespmem:v29+s4+$0x0], $0xffff;
	[tilespmem:s29+$0x2390] =	vst v30  }
0x2c7: {  	v30 =	vor.u32 v11, v21;
	v31 =	vld.idx.msk [tilespmem:v31+s4+$0x0], $0xffff;
	[tilespmem:s28+$0x10] =	vst v24  }
0x2c8: {  	[tilespmem:s23+$0x20] =	vst v48;
	v24 =	vor.u32 v11, v23;
	v26 =	vld.idx.msk [tilespmem:v26+s4+$0x0], $0xffff  }
0x2c9: {  	v19 =	vld.idx.msk [tilespmem:v19+s4+$0x0], $0xffff;
	[tilespmem:s20+$0x23C0] =	vst v27;
	v27 =	vor.u32 v11, v22  }
0x2ca: {  	v32 =	vld.idx.msk [tilespmem:v49+s4+$0x0], $0xffff;
	v18 =	vor.u32 v15, v18;
	[tilespmem:s24+$0x23A0] =	vst v25  }
0x2cb: {  	v25 =	vor.u32 v12, v17;
	v28 =	vld.idx.msk [tilespmem:v28+s4+$0x0], $0xffff;
	[tilespmem:s25+$0x20] =	vst v29  }
0x2cc: {  	v29 =	vor.u32 v12, v20;
	v30 =	vld.idx.msk [tilespmem:v30+s4+$0x0], $0xffff;
	[tilespmem:s29+$0x23A0] =	vst v31  }
0x2cd: {  	v31 =	vor.u32 v12, v21;
	v24 =	vld.idx.msk [tilespmem:v24+s4+$0x0], $0xffff;
	[tilespmem:s28+$0x20] =	vst v26  }
0x2ce: {  	[tilespmem:s22+$0x23F0] =	vst v19;
	v19 =	vor.u32 v12, v23;
	v26 =	vld.idx.msk [tilespmem:v27+s4+$0x0], $0xffff  }
0x2cf: {  	[tilespmem:s23+$0x30] =	vst v32;
	v18 =	vld.idx.msk [tilespmem:v18+s4+$0x0], $0xffff;
	v27 =	vor.u32 v12, v22  }
0x2d0: {  	v50 =	vor.u32 v13, v16;
	v25 =	vld.idx.msk [tilespmem:v25+s4+$0x0], $0xffff;
	[tilespmem:s24+$0x23B0] =	vst v28  }
0x2d1: {  	v28 =	vor.u32 v13, v17;
	v29 =	vld.idx.msk [tilespmem:v29+s4+$0x0], $0xffff;
	[tilespmem:s25+$0x30] =	vst v30  }
0x2d2: {  	v30 =	vor.u32 v13, v20;
	v31 =	vld.idx.msk [tilespmem:v31+s4+$0x0], $0xffff;
	[tilespmem:s29+$0x23B0] =	vst v24  }
0x2d3: {  	v24 =	vor.u32 v13, v21;
	v19 =	vld.idx.msk [tilespmem:v19+s4+$0x0], $0xffff;
	[tilespmem:s28+$0x30] =	vst v26  }
0x2d4: {  	[tilespmem:s21+$0x70] =	vst v18;
	v18 =	vor.u32 v13, v23;
	v26 =	vld.idx.msk [tilespmem:v27+s4+$0x0], $0xffff  }
0x2d5: {  	[tilespmem:s23+$0x40] =	vst v25;
	v25 =	vor.u32 v13, v22;
	v27 =	vld.idx.msk [tilespmem:v50+s4+$0x0], $0xffff  }
0x2d6: {  	v51 =	vor.u32 v14, v16;
	v28 =	vld.idx.msk [tilespmem:v28+s4+$0x0], $0xffff;
	[tilespmem:s24+$0x23C0] =	vst v29  }
0x2d7: {  	v29 =	vor.u32 v14, v17;
	v30 =	vld.idx.msk [tilespmem:v30+s4+$0x0], $0xffff;
	[tilespmem:s25+$0x40] =	vst v31  }
0x2d8: {  	v31 =	vor.u32 v14, v20;
	v24 =	vld.idx.msk [tilespmem:v24+s4+$0x0], $0xffff;
	[tilespmem:s29+$0x23C0] =	vst v19  }
0x2d9: {  	v19 =	vor.u32 v14, v21;
	v18 =	vld.idx.msk [tilespmem:v18+s4+$0x0], $0xffff;
	[tilespmem:s28+$0x40] =	vst v26  }
0x2da: {  	[tilespmem:s20+$0x23D0] =	vst v27;
	v26 =	vor.u32 v14, v23;
	v25 =	vld.idx.msk [tilespmem:v25+s4+$0x0], $0xffff  }
0x2db: {  	[tilespmem:s23+$0x50] =	vst v28;
	v28 =	vor.u32 v14, v22;
	v27 =	vld.idx.msk [tilespmem:v51+s4+$0x0], $0xffff  }
0x2dc: {  	v16 =	vor.u32 v15, v16;
	v29 =	vld.idx.msk [tilespmem:v29+s4+$0x0], $0xffff;
	[tilespmem:s24+$0x23D0] =	vst v30  }
0x2dd: {  	v17 =	vor.u32 v15, v17;
	[tilespmem:s25+$0x50] =	vst v24;
	v24 =	vld.idx.msk [tilespmem:v31+s4+$0x0], $0xffff  }
0x2de: {  	v20 =	vor.u32 v15, v20;
	v19 =	vld.idx.msk [tilespmem:v19+s4+$0x0], $0xffff;
	[tilespmem:s29+$0x23D0] =	vst v18  }
0x2df: {  	v18 =	vor.u32 v15, v21;
	[tilespmem:s28+$0x50] =	vst v25;
	v21 =	vld.idx.msk [tilespmem:v26+s4+$0x0], $0xffff  }
0x2e0: {  	v23 =	vor.u32 v15, v23;
	[tilespmem:s20+$0x23E0] =	vst v27;
	v25 =	vld.idx.msk [tilespmem:v28+s4+$0x0], $0xffff  }
0x2e1: {  	v22 =	vor.u32 v15, v22;
	[tilespmem:s23+$0x60] =	vst v29;
	v16 =	vld.idx.msk [tilespmem:v16+s4+$0x0], $0xffff  }
0x2e2: {  	v17 =	vld.idx.msk [tilespmem:v17+s4+$0x0], $0xffff;
	[tilespmem:s24+$0x23E0] =	vst v24  }
0x2e3: {  	[tilespmem:s25+$0x60] =	vst v19;
	v19 =	vld.idx.msk [tilespmem:v20+s4+$0x0], $0xffff  }
0x2e4: {  	v18 =	vld.idx.msk [tilespmem:v18+s4+$0x0], $0xffff;
	[tilespmem:s29+$0x23E0] =	vst v21  }
0x2e5: {  	[tilespmem:s28+$0x60] =	vst v25;
	v20 =	vld.idx.msk [tilespmem:v23+s4+$0x0], $0xffff  }
0x2e6: {  	[tilespmem:s20+$0x23F0] =	vst v16;
	v16 =	vld.idx.msk [tilespmem:v22+s4+$0x0], $0xffff  }
0x2e7: {  	[tilespmem:s23+$0x70] =	vst v17  }
0x2e8: {  	[tilespmem:s24+$0x23F0] =	vst v19  }
0x2e9: {  	s0 =	sadd.s32 s5, s26;
	s1 =	sadd.s32 $0xFFFFFFFE, s17;
	[tilespmem:s25+$0x70] =	vst v18  }
0x2ea: {  	s0 =	sshll.u32 s0, $0x5;
	s2 =	sadd.s32 $0x183, s1;
	[tilespmem:s29+$0x23F0] =	vst v20  }
0x2eb: {  	s0 =	sadd.s32 s3, s0;
	[tilespmem:s28+$0x70] =	vst v16;
	v16 =	vmov s2  }
0x2ec: {  	[hbm4b:s0+s4] =	stream.linear.scatter [tilespmem:s12], [sflag:$0x1], $0x8000, $0x38;
	[tilespmem:$0x12300] =	vst v63  }
0x2ed: {  	_ =	swait.ge [sflag:s15], $0x8000  }
0x2ee: {  	[sflag:s15] =	ssyncset.done $0x0  }
0x2ef: {  	[sflag:s15] =	ssyncadd.s32 $0xFFFF8000  }
0x2f0: {  	s24 =	sadd.s32 $0x182, s1;
	v16 =	vld.idx.msk [tilespmem:v16+s11+$0x0], $0xffff  }
0x2f1: {  	v17 =	vmov s24  }
0x2f2: {  	v17 =	vand.u32 $0xFFFFFFFE, v17  }
0x2f3: {  	v17 =	vbroadcast v17, $0x0;
	_ =	sdelay $0x1  }
0x2f4: {  	v19 =	vshll.u32 v16, $0x8  }
0x2f5: {  	v16 =	vor.u32 v0, v19;
	_ =	sdelay $0x2  }
0x2f6: {  	v17 =	vld.idx.msk [tilespmem:v17+s11+$0x0], $0xffff;
	_ =	sdelay $0x1  }
0x2f7: {  	v16 =	vld.idx.msk [tilespmem:v16+s4+$0x0], $0xffff  }
0x2f8: {  	v20 =	vor.u32 v1, v19  }
0x2f9: {  	s26 =	simm.s32 $0x0;
	s25 =	simm.s32 $0x100  }
0x2fa: {  	s1 =	sand.u32 $0x4000, s26;
	s0 =	sand.u32 $0x3F00, s25;
	v18 =	vshll.u32 v17, $0x8  }
0x2fb: {  	s22 =	sor.u32 s0, s1;
	v17 =	vor.u32 v0, v18  }
0x2fc: {  	[tilespmem:s22+$0xA300] =	vst v16  }
0x2fd: {  	v16 =	vld.idx.msk [tilespmem:v20+s4+$0x0], $0xffff  }
0x2fe: {  	s31 =	sadd.s32 $0x0, s17;
	v20 =	vor.u32 v2, v19  }
0x2ff: {  	s2 =	sadd.s32 $0x183, s31  }
0x300: {  	v21 =	vmov s2;
	v17 =	vld.idx.msk [tilespmem:v17+s4+$0x0], $0xffff  }
0x301: {  	v22 =	vor.u32 v1, v18  }
0x302: {  	[tilespmem:s22+$0xA310] =	vst v16  }
0x303: {  	v16 =	vld.idx.msk [tilespmem:v20+s4+$0x0], $0xffff  }
0x304: {  	s21 =	simm.s32 $0xA380;
	v20 =	vor.u32 v3, v19  }
0x305: {  	v21 =	vld.idx.msk [tilespmem:v21+s11+$0x0], $0xffff;
	[tilespmem:s21+$0xFFFFFF80] =	vst v17  }
0x306: {  	v17 =	vld.idx.msk [tilespmem:v22+s4+$0x0], $0xffff  }
0x307: {  	s0 =	sadd.s32 $0x182, s31;
	v22 =	vor.u32 v2, v18  }
0x308: {  	v23 =	vmov s0;
	[tilespmem:s22+$0xA320] =	vst v16  }
0x309: {  	v16 =	vand.u32 $0xFFFFFFFE, v23;
	v20 =	vld.idx.msk [tilespmem:v20+s4+$0x0], $0xffff  }
0x30a: {  	v24 =	vor.u32 v4, v19;
	v23 =	vbroadcast v16, $0x0  }
0x30b: {  	[tilespmem:s21+$0xFFFFFF90] =	vst v17;
	v16 =	vshll.u32 v21, $0x8  }
0x30c: {  	v21 =	vld.idx.msk [tilespmem:v22+s4+$0x0], $0xffff;
	v17 =	vor.u32 v0, v16  }
0x30d: {  	v22 =	vor.u32 v3, v18  }
0x30e: {  	[tilespmem:s22+$0xA330] =	vst v20  }
0x30f: {  	v20 =	vld.idx.msk [tilespmem:v24+s4+$0x0], $0xffff  }
0x310: {  	v23 =	vld.idx.msk [tilespmem:v23+s11+$0x0], $0xffff;
	v24 =	vor.u32 v5, v19  }
0x311: {  	[tilespmem:s21+$0xFFFFFFA0] =	vst v21;
	v25 =	vld.idx.msk [tilespmem:v17+s4+$0x0], $0xffff  }
0x312: {  	v21 =	vor.u32 v1, v16;
	v22 =	vld.idx.msk [tilespmem:v22+s4+$0x0], $0xffff  }
0x313: {  	s23 =	simm.s32 $0x200;
	s20 =	simm.s32 $0x300;
	v26 =	vor.u32 v4, v18  }
0x314: {  	s1 =	sand.u32 $0x4000, s23;
	s0 =	sand.u32 $0x3F00, s20;
	[tilespmem:s22+$0xA340] =	vst v20  }
0x315: {  	s20 =	sor.u32 s0, s1;
	v20 =	vld.idx.msk [tilespmem:v24+s4+$0x0], $0xffff  }
0x316: {  	v17 =	vshll.u32 v23, $0x8;
	[tilespmem:s20+$0xA300] =	vst v25;
	v24 =	vor.u32 v6, v19  }
0x317: {  	[tilespmem:s21+$0xFFFFFFB0] =	vst v22;
	v23 =	vor.u32 v0, v17;
	v21 =	vld.idx.msk [tilespmem:v21+s4+$0x0], $0xffff  }
0x318: {  	v22 =	vor.u32 v2, v16;
	v25 =	vld.idx.msk [tilespmem:v26+s4+$0x0], $0xffff  }
0x319: {  	s24 =	sadd.s32 $0x2, s17;
	v26 =	vor.u32 v5, v18  }
0x31a: {  	s25 =	sadd.s32 $0x183, s24;
	[tilespmem:s22+$0xA350] =	vst v20  }
0x31b: {  	v20 =	vmov s25;
	v24 =	vld.idx.msk [tilespmem:v24+s4+$0x0], $0xffff  }
0x31c: {  	v23 =	vld.idx.msk [tilespmem:v23+s4+$0x0], $0xffff;
	[tilespmem:s20+$0xA310] =	vst v21;
	v21 =	vor.u32 v7, v19  }
0x31d: {  	s0 =	sadd.s32 $0x182, s24;
	v27 =	vor.u32 v1, v17;
	[tilespmem:s21+$0xFFFFFFC0] =	vst v25;
	v22 =	vld.idx.msk [tilespmem:v22+s4+$0x0], $0xffff  }
0x31e: {  	v28 =	vor.u32 v3, v16;
	v25 =	vmov s0;
	v26 =	vld.idx.msk [tilespmem:v26+s4+$0x0], $0xffff  }
0x31f: {  	v29 =	vor.u32 v6, v18;
	v25 =	vand.u32 $0xFFFFFFFE, v25  }
0x320: {  	s23 =	simm.s32 $0xA580;
	v25 =	vbroadcast v25, $0x0;
	v20 =	vld.idx.msk [tilespmem:v20+s11+$0x0], $0xffff;
	[tilespmem:s22+$0xA360] =	vst v24  }
0x321: {  	[tilespmem:s23+$0xFFFFFF80] =	vst v23;
	v21 =	vld.idx.msk [tilespmem:v21+s4+$0x0], $0xffff  }
0x322: {  	v23 =	vor.u32 v8, v19;
	[tilespmem:s20+$0xA320] =	vst v22;
	v22 =	vld.idx.msk [tilespmem:v27+s4+$0x0], $0xffff  }
0x323: {  	[tilespmem:s21+$0xFFFFFFD0] =	vst v26;
	v26 =	vor.u32 v2, v17;
	v24 =	vld.idx.msk [tilespmem:v28+s4+$0x0], $0xffff  }
0x324: {  	v27 =	vld.idx.msk [tilespmem:v29+s4+$0x0], $0xffff;
	v28 =	vor.u32 v4, v16  }
0x325: {  	v29 =	vor.u32 v7, v18  }
0x326: {  	v25 =	vld.idx.msk [tilespmem:v25+s11+$0x0], $0xffff;
	v20 =	vshll.u32 v20, $0x8;
	[tilespmem:s22+$0xA370] =	vst v21  }
0x327: {  	v30 =	vor.u32 v0, v20;
	[tilespmem:s23+$0xFFFFFF90] =	vst v22;
	v22 =	vld.idx.msk [tilespmem:v23+s4+$0x0], $0xffff  }
0x328: {  	[tilespmem:s20+$0xA330] =	vst v24;
	v24 =	vor.u32 v9, v19;
	v23 =	vld.idx.msk [tilespmem:v26+s4+$0x0], $0xffff  }
0x329: {  	[tilespmem:s21+$0xFFFFFFE0] =	vst v27;
	v27 =	vor.u32 v3, v17;
	v26 =	vld.idx.msk [tilespmem:v28+s4+$0x0], $0xffff  }
0x32a: {  	v28 =	vld.idx.msk [tilespmem:v29+s4+$0x0], $0xffff;
	v29 =	vor.u32 v5, v16  }
0x32b: {  	v21 =	vshll.u32 v25, $0x8;
	v25 =	vor.u32 v8, v18  }
0x32c: {  	v31 =	vor.u32 v0, v21;
	v30 =	vld.idx.msk [tilespmem:v30+s4+$0x0], $0xffff;
	[tilespmem:s22+$0xA380] =	vst v22  }
0x32d: {  	[tilespmem:s23+$0xFFFFFFA0] =	vst v23;
	v22 =	vld.idx.msk [tilespmem:v24+s4+$0x0], $0xffff;
	v24 =	vor.u32 v1, v20  }
0x32e: {  	s26 =	simm.s32 $0x500;
	s31 =	simm.s32 $0x400;
	[tilespmem:s20+$0xA340] =	vst v26;
	v26 =	vor.u32 v10, v19;
	v23 =	vld.idx.msk [tilespmem:v27+s4+$0x0], $0xffff  }
0x32f: {  	s1 =	sand.u32 $0x4000, s31;
	s0 =	sand.u32 $0x3F00, s26;
	[tilespmem:s21+$0xFFFFFFF0] =	vst v28;
	v28 =	vor.u32 v4, v17;
	v27 =	vld.idx.msk [tilespmem:v29+s4+$0x0], $0xffff  }
0x330: {  	s2 =	sadd.s32 $0x4, s17;
	s24 =	sor.u32 s0, s1;
	v29 =	vor.u32 v6, v16;
	v25 =	vld.idx.msk [tilespmem:v25+s4+$0x0], $0xffff  }
0x331: {  	s25 =	sadd.s32 $0x183, s2;
	v31 =	vld.idx.msk [tilespmem:v31+s4+$0x0], $0xffff;
	[tilespmem:s24+$0xA300] =	vst v30;
	v30 =	vor.u32 v9, v18  }
0x332: {  	v24 =	vld.idx.msk [tilespmem:v24+s4+$0x0], $0xffff;
	[tilespmem:s22+$0xA390] =	vst v22;
	v22 =	vmov s25  }
0x333: {  	s0 =	sadd.s32 $0x182, s2;
	v52 =	vor.u32 v2, v20;
	[tilespmem:s23+$0xFFFFFFB0] =	vst v23;
	v26 =	vld.idx.msk [tilespmem:v26+s4+$0x0], $0xffff  }
0x334: {  	v23 =	vmov s0;
	[tilespmem:s20+$0xA350] =	vst v27;
	v27 =	vor.u32 v11, v19;
	v28 =	vld.idx.msk [tilespmem:v28+s4+$0x0], $0xffff  }
0x335: {  	[tilespmem:s21+$0x0] =	vst v25;
	v25 =	vor.u32 v5, v17;
	v23 =	vand.u32 $0xFFFFFFFE, v23;
	v29 =	vld.idx.msk [tilespmem:v29+s4+$0x0], $0xffff  }
0x336: {  	v53 =	vor.u32 v7, v16;
	v23 =	vbroadcast v23, $0x0;
	v30 =	vld.idx.msk [tilespmem:v30+s4+$0x0], $0xffff  }
0x337: {  	v22 =	vld.idx.msk [tilespmem:v22+s11+$0x0], $0xffff;
	[tilespmem:s24+$0xA310] =	vst v24  }
0x338: {  	v24 =	vld.idx.msk [tilespmem:v52+s4+$0x0], $0xffff;
	[tilespmem:s22+$0xA3A0] =	vst v26;
	v26 =	vor.u32 v10, v18  }
0x339: {  	v54 =	vor.u32 v1, v21;
	[tilespmem:s23+$0xFFFFFFC0] =	vst v28;
	v27 =	vld.idx.msk [tilespmem:v27+s4+$0x0], $0xffff  }
0x33a: {  	[tilespmem:s20+$0xA360] =	vst v29;
	v28 =	vor.u32 v3, v20;
	v25 =	vld.idx.msk [tilespmem:v25+s4+$0x0], $0xffff  }
0x33b: {  	v55 =	vor.u32 v6, v17;
	v29 =	vld.idx.msk [tilespmem:v53+s4+$0x0], $0xffff  }
0x33c: {  	s25 =	simm.s32 $0xA780;
	[tilespmem:s21+$0x10] =	vst v30;
	v30 =	vor.u32 v12, v19;
	v56 =	vld.idx.msk [tilespmem:v23+s11+$0x0], $0xffff  }
0x33d: {  	[tilespmem:s25+$0xFFFFFF80] =	vst v31;
	v31 =	vor.u32 v8, v16;
	v23 =	vshll.u32 v22, $0x8;
	v26 =	vld.idx.msk [tilespmem:v26+s4+$0x0], $0xffff  }
0x33e: {  	[tilespmem:s24+$0xA320] =	vst v24;
	v24 =	vld.idx.msk [tilespmem:v54+s4+$0x0], $0xffff;
	v59 =	vor.u32 v0, v23  }
0x33f: {  	v57 =	vor.u32 v11, v18;
	v28 =	vld.idx.msk [tilespmem:v28+s4+$0x0], $0xffff;
	[tilespmem:s23+$0xFFFFFFD0] =	vst v25  }
0x340: {  	v25 =	vor.u32 v2, v21;
	[tilespmem:s22+$0xA3B0] =	vst v27;
	v27 =	vld.idx.msk [tilespmem:v55+s4+$0x0], $0xffff  }
0x341: {  	[tilespmem:s20+$0xA370] =	vst v29;
	v29 =	vld.idx.msk [tilespmem:v30+s4+$0x0], $0xffff  }
0x342: {  	v58 =	vor.u32 v4, v20;
	v31 =	vld.idx.msk [tilespmem:v31+s4+$0x0], $0xffff  }
0x343: {  	v30 =	vor.u32 v7, v17;
	v22 =	vshll.u32 v56, $0x8;
	[tilespmem:s21+$0x20] =	vst v26;
	v63 =	vld.idx.msk [tilespmem:v59+s4+$0x0], $0xffff  }
0x344: {  	v26 =	vor.u32 v0, v22;
	[tilespmem:s25+$0xFFFFFF90] =	vst v24;
	v24 =	vld.idx.msk [tilespmem:v57+s4+$0x0], $0xffff  }
0x345: {  	[tilespmem:s24+$0xA330] =	vst v28;
	v60 =	vld.idx.msk [tilespmem:v25+s4+$0x0], $0xffff;
	v25 =	vor.u32 v9, v16  }
0x346: {  	s29 =	simm.s32 $0x700;
	s26 =	simm.s32 $0x600;
	[tilespmem:s23+$0xFFFFFFE0] =	vst v27;
	v27 =	vor.u32 v12, v18  }
0x347: {  	s31 =	sand.u32 $0x3F00, s29;
	v61 =	vor.u32 v3, v21;
	s0 =	sand.u32 $0x4000, s26;
	v33 =	vld.idx.msk [tilespmem:v58+s4+$0x0], $0xffff;
	[tilespmem:s22+$0xA3C0] =	vst v29  }
0x348: {  	v39 =	vor.u32 v5, v20;
	s28 =	sor.u32 s31, s0;
	[tilespmem:s20+$0xA380] =	vst v31;
	v62 =	vld.idx.msk [tilespmem:v30+s4+$0x0], $0xffff  }
0x349: {  	v40 =	vor.u32 v8, v17;
	v26 =	vld.idx.msk [tilespmem:v26+s4+$0x0], $0xffff;
	[tilespmem:s28+$0xA300] =	vst v63  }
0x34a: {  	v32 =	vor.u32 v13, v19;
	v28 =	vld.idx.msk [tilespmem:v25+s4+$0x0], $0xffff;
	[tilespmem:s21+$0x30] =	vst v24  }
0x34b: {  	v37 =	vor.u32 v1, v23;
	[tilespmem:s25+$0xFFFFFFA0] =	vst v60;
	v29 =	vld.idx.msk [tilespmem:v27+s4+$0x0], $0xffff  }
0x34c: {  	v30 =	vor.u32 v10, v16;
	v35 =	vld.idx.msk [tilespmem:v61+s4+$0x0], $0xffff;
	[tilespmem:s24+$0xA340] =	vst v33  }
0x34d: {  	s19 =	sadd.s32 $0x180, s19;
	v36 =	vor.u32 v4, v21;
	v31 =	vor.u32 v13, v18;
	v33 =	vld.idx.msk [tilespmem:v39+s4+$0x0], $0xffff;
	[tilespmem:s23+$0xFFFFFFF0] =	vst v62  }
0x34e: {  	s30 =	simm.s32 $0xA980;
	s26 =	simm.s32 $0xA980;
	s0 =	simm.s32 $0x6;
	v24 =	vor.u32 v6, v20;
	v25 =	vor.u32 v6, v23;
	v27 =	vor.u32 v1, v22;
	v34 =	vld.idx.msk [tilespmem:v40+s4+$0x0], $0xffff  }
.LBB2_19:
0x34f: {  	s1 =	sadd.s32 s0, s17;
	s0 =	sadd.s32 $0x2, s0;
	v32 =	vld.idx.msk [tilespmem:v32+s4+$0x0], $0xffff  }
0x350: {  	v38 =	vor.u32 v9, v17;
	s2 =	sadd.s32 $0x182, s1;
	s1 =	sadd.s32 $0x183, s1;
	p0 =	slt.u32 s0, $0x7E;
	v37 =	vld.idx.msk [tilespmem:v37+s4+$0x0], $0xffff;
	[tilespmem:s20+$0xA390] =	vst v28  }
0x351: {  	v28 =	vmov s2;
	v39 =	vmov s1;
	v30 =	vld.idx.msk [tilespmem:v30+s4+$0x0], $0xffff;
	[tilespmem:s21+$0x40] =	vst v29  }
0x352: {  	v29 =	vor.u32 v2, v23;
	v28 =	vand.u32 $0xFFFFFFFE, v28;
	[tilespmem:s25+$0xFFFFFFB0] =	vst v35;
	v31 =	vld.idx.msk [tilespmem:v31+s4+$0x0], $0xffff  }
0x353: {  	v28 =	vbroadcast v28, $0x0;
	v35 =	vld.idx.msk [tilespmem:v36+s4+$0x0], $0xffff;
	[tilespmem:s24+$0xA350] =	vst v33;
	v33 =	vor.u32 v11, v16  }
0x354: {  	v36 =	vld.idx.msk [tilespmem:v24+s4+$0x0], $0xffff;
	[tilespmem:s23+$0x0] =	vst v34;
	v34 =	vor.u32 v14, v18;
	v24 =	vmov v25  }
0x355: {  	v25 =	vor.u32 v5, v21;
	v38 =	vld.idx.msk [tilespmem:v38+s4+$0x0], $0xffff;
	[tilespmem:s22+$0xA3D0] =	vst v32  }
0x356: {  	v32 =	vld.idx.msk [tilespmem:v39+s11+$0x0], $0xffff;
	[tilespmem:s28+$0xA310] =	vst v37;
	v37 =	vor.u32 v7, v20;
	v39 =	vor.u32 v14, v19  }
0x357: {  	v29 =	vld.idx.msk [tilespmem:v29+s4+$0x0], $0xffff;
	[tilespmem:s20+$0xA3A0] =	vst v30  }
0x358: {  	v30 =	vld.idx.msk [tilespmem:v33+s4+$0x0], $0xffff;
	[tilespmem:s21+$0x50] =	vst v31  }
0x359: {  	[tilespmem:s25+$0xFFFFFFC0] =	vst v35;
	v31 =	vld.idx.msk [tilespmem:v34+s4+$0x0], $0xffff  }
0x35a: {  	v33 =	vor.u32 v10, v17;
	v25 =	vld.idx.msk [tilespmem:v25+s4+$0x0], $0xffff;
	[tilespmem:s24+$0xA360] =	vst v36  }
0x35b: {  	v34 =	vor.u32 v3, v23;
	v36 =	vor.u32 v15, v19;
	v19 =	vmov v16;
	v35 =	vld.idx.msk [tilespmem:v37+s4+$0x0], $0xffff;
	[tilespmem:s23+$0x10] =	vst v38  }
0x35c: {  	v16 =	vmov v20;
	v20 =	vmov v23;
	[tilespmem:s30+$0xFFFFFF80] =	vst v26;
	v26 =	vor.u32 v12, v19;
	v37 =	vld.idx.msk [tilespmem:v39+s4+$0x0], $0xffff  }
0x35d: {  	v28 =	vld.idx.msk [tilespmem:v28+s11+$0x0], $0xffff;
	[tilespmem:s28+$0xA320] =	vst v29;
	v29 =	vor.u32 v6, v21  }
0x35e: {  	v27 =	vld.idx.msk [tilespmem:v27+s4+$0x0], $0xffff  }
0x35f: {  	v33 =	vld.idx.msk [tilespmem:v33+s4+$0x0], $0xffff;
	[tilespmem:s20+$0xA3B0] =	vst v30;
	v30 =	vor.u32 v15, v18;
	v18 =	vmovc v17;
	v17 =	vmov v21;
	v21 =	vmov v22  }
0x360: {  	v38 =	vor.u32 v8, v16;
	v34 =	vld.idx.msk [tilespmem:v34+s4+$0x0], $0xffff;
	[tilespmem:s25+$0xFFFFFFD0] =	vst v25  }
0x361: {  	v23 =	vshll.u32 v32, $0x8;
	v32 =	vor.u32 v11, v18;
	[tilespmem:s24+$0xA370] =	vst v35;
	v26 =	vld.idx.msk [tilespmem:v26+s4+$0x0], $0xffff  }
0x362: {  	v39 =	vor.u32 v2, v21;
	v35 =	vor.u32 v0, v23;
	v29 =	vld.idx.msk [tilespmem:v29+s4+$0x0], $0xffff;
	[tilespmem:s22+$0xA3E0] =	vst v37  }
0x363: {  	v25 =	vor.u32 v6, v23;
	v22 =	vshll.u32 v28, $0x8;
	v28 =	vor.u32 v4, v20;
	[tilespmem:s21+$0x60] =	vst v31;
	v31 =	vld.idx.msk [tilespmem:v36+s4+$0x0], $0xffff  }
0x364: {  	s29 =	sadd.s32 $0x200, s29;
	v36 =	vor.u32 v0, v22;
	[tilespmem:s30+$0xFFFFFF90] =	vst v27;
	v27 =	vor.u32 v7, v17;
	v30 =	vld.idx.msk [tilespmem:v30+s4+$0x0], $0xffff  }
0x365: {  	v37 =	vld.idx.msk [tilespmem:v38+s4+$0x0], $0xffff;
	[tilespmem:s23+$0x20] =	vst v33  }
0x366: {  	[tilespmem:s28+$0xA330] =	vst v34;
	v32 =	vld.idx.msk [tilespmem:v32+s4+$0x0], $0xffff  }
0x367: {  	v34 =	vor.u32 v9, v16;
	v33 =	vld.idx.msk [tilespmem:v39+s4+$0x0], $0xffff;
	[tilespmem:s20+$0xA3C0] =	vst v26  }
0x368: {  	v38 =	vld.idx.msk [tilespmem:v28+s4+$0x0], $0xffff;
	[tilespmem:s25+$0xFFFFFFE0] =	vst v29;
	v29 =	vor.u32 v12, v18  }
0x369: {  	v39 =	vor.u32 v3, v21;
	v40 =	vld.idx.msk [tilespmem:v27+s4+$0x0], $0xffff;
	[tilespmem:s22+$0xA3F0] =	vst v31;
	s22 =	smov.u32 s20;
	s20 =	smov.u32 s24;
	s24 =	smov.u32 s28  }
0x36a: {  	s30 =	sadd.s32 $0x200, s30;
	v31 =	vor.u32 v5, v20;
	v41 =	vld.idx.msk [tilespmem:v35+s4+$0x0], $0xffff;
	[tilespmem:s21+$0x70] =	vst v30;
	s21 =	smov.u32 s23;
	s23 =	smov.u32 s25  }
0x36b: {  	v42 =	vor.u32 v8, v17;
	v27 =	vor.u32 v1, v22;
	s25 =	smov.u32 s26;
	s26 =	smov.u32 s30;
	v26 =	vld.idx.msk [tilespmem:v36+s4+$0x0], $0xffff;
	[tilespmem:s20+$0xA380] =	vst v37  }
.Ltmp8:
0x36c: {  	v28 =	vld.idx.msk [tilespmem:v34+s4+$0x0], $0xffff;
	[tilespmem:s21+$0x30] =	vst v32;
	v32 =	vor.u32 v13, v19;
	(pc) =	sbr.rel @p0 .LBB2_19-.Ltmp8, $4  }
0x36d: {  	s1 =	sadd.s32 $0xFFFFFF00, s29;
	v37 =	vor.u32 v1, v23;
	[tilespmem:s25+$0xFFFFFFA0] =	vst v33;
	v29 =	vld.idx.msk [tilespmem:v29+s4+$0x0], $0xffff  }
0x36e: {  	s2 =	sand.u32 $0x3F00, s29;
	s1 =	sand.u32 $0x4000, s1;
	v30 =	vor.u32 v10, v16;
	v35 =	vld.idx.msk [tilespmem:v39+s4+$0x0], $0xffff;
	[tilespmem:s24+$0xA340] =	vst v38  }
0x36f: {  	s28 =	sor.u32 s2, s1;
	v33 =	vld.idx.msk [tilespmem:v31+s4+$0x0], $0xffff;
	[tilespmem:s23+$0xFFFFFFF0] =	vst v40;
	v31 =	vor.u32 v13, v18  }
0x370: {  	v36 =	vor.u32 v4, v21;
	[tilespmem:s28+$0xA300] =	vst v41;
	v34 =	vld.idx.msk [tilespmem:v42+s4+$0x0], $0xffff  }
0x371: {  	_ =	sdelay $0x3  }
0x372: {  	v37 =	vld.idx.msk [tilespmem:v37+s4+$0x0], $0xffff;
	[tilespmem:s30+$0xFFFFFF80] =	vst v26  }
0x373: {  	v48 =	vor.u32 v2, v23;
	v27 =	vld.idx.msk [tilespmem:v27+s4+$0x0], $0xffff  }
0x374: {  	v38 =	vor.u32 v2, v22;
	_ =	sdelay $0x2  }
0x375: {  	[tilespmem:s28+$0xA310] =	vst v37  }
0x376: {  	v26 =	vld.idx.msk [tilespmem:v48+s4+$0x0], $0xffff;
	[tilespmem:s30+$0xFFFFFF90] =	vst v27  }
0x377: {  	v49 =	vor.u32 v3, v23;
	v50 =	vld.idx.msk [tilespmem:v38+s4+$0x0], $0xffff  }
0x378: {  	v51 =	vor.u32 v3, v22;
	_ =	sdelay $0x2  }
0x379: {  	[tilespmem:s28+$0xA320] =	vst v26  }
0x37a: {  	v26 =	vld.idx.msk [tilespmem:v49+s4+$0x0], $0xffff;
	[tilespmem:s26+$0xFFFFFFA0] =	vst v50  }
0x37b: {  	v52 =	vor.u32 v4, v23;
	v37 =	vld.idx.msk [tilespmem:v51+s4+$0x0], $0xffff  }
0x37c: {  	v53 =	vor.u32 v4, v22;
	_ =	sdelay $0x1  }
0x37d: {  	[tilespmem:s25+$0xFFFFFFB0] =	vst v35  }
0x37e: {  	v35 =	vld.idx.msk [tilespmem:v36+s4+$0x0], $0xffff;
	[tilespmem:s28+$0xA330] =	vst v26  }
0x37f: {  	v54 =	vor.u32 v5, v21;
	v27 =	vld.idx.msk [tilespmem:v52+s4+$0x0], $0xffff;
	[tilespmem:s26+$0xFFFFFFB0] =	vst v37  }
0x380: {  	v55 =	vor.u32 v5, v23;
	v37 =	vld.idx.msk [tilespmem:v53+s4+$0x0], $0xffff  }
0x381: {  	v56 =	vor.u32 v5, v22;
	_ =	sdelay $0x1  }
0x382: {  	[tilespmem:s25+$0xFFFFFFC0] =	vst v35  }
0x383: {  	v26 =	vld.idx.msk [tilespmem:v54+s4+$0x0], $0xffff;
	[tilespmem:s28+$0xA340] =	vst v27  }
0x384: {  	v57 =	vor.u32 v6, v21;
	v58 =	vld.idx.msk [tilespmem:v55+s4+$0x0], $0xffff;
	[tilespmem:s26+$0xFFFFFFC0] =	vst v37  }
0x385: {  	[tilespmem:s20+$0xA390] =	vst v28;
	v59 =	vld.idx.msk [tilespmem:v56+s4+$0x0], $0xffff  }
0x386: {  	v60 =	vor.u32 v6, v22;
	[tilespmem:s21+$0x40] =	vst v29  }
0x387: {  	v32 =	vld.idx.msk [tilespmem:v32+s4+$0x0], $0xffff;
	[tilespmem:s24+$0xA350] =	vst v33  }
0x388: {  	v24 =	vld.idx.msk [tilespmem:v24+s4+$0x0], $0xffff;
	[tilespmem:s25+$0xFFFFFFD0] =	vst v26  }
0x389: {  	v61 =	vor.u32 v7, v20;
	v27 =	vld.idx.msk [tilespmem:v57+s4+$0x0], $0xffff;
	[tilespmem:s28+$0xA350] =	vst v58  }
0x38a: {  	v62 =	vor.u32 v7, v21;
	v25 =	vld.idx.msk [tilespmem:v25+s4+$0x0], $0xffff;
	[tilespmem:s26+$0xFFFFFFD0] =	vst v59  }
0x38b: {  	v63 =	vor.u32 v7, v23;
	[tilespmem:s23+$0x0] =	vst v34;
	v29 =	vld.idx.msk [tilespmem:v60+s4+$0x0], $0xffff  }
0x38c: {  	v30 =	vld.idx.msk [tilespmem:v30+s4+$0x0], $0xffff;
	v36 =	vor.u32 v7, v22;
	[tilespmem:s22+$0xA3D0] =	vst v32  }
0x38d: {  	v31 =	vld.idx.msk [tilespmem:v31+s4+$0x0], $0xffff;
	v38 =	vor.u32 v11, v16;
	[tilespmem:s24+$0xA360] =	vst v24  }
0x38e: {  	v45 =	vor.u32 v14, v19;
	v26 =	vld.idx.msk [tilespmem:v61+s4+$0x0], $0xffff;
	[tilespmem:s25+$0xFFFFFFE0] =	vst v27  }
0x38f: {  	v39 =	vor.u32 v8, v20;
	v33 =	vld.idx.msk [tilespmem:v62+s4+$0x0], $0xffff;
	[tilespmem:s28+$0xA360] =	vst v25  }
0x390: {  	v40 =	vor.u32 v8, v21;
	v28 =	vld.idx.msk [tilespmem:v63+s4+$0x0], $0xffff;
	[tilespmem:s26+$0xFFFFFFE0] =	vst v29  }
0x391: {  	v41 =	vor.u32 v8, v23;
	[tilespmem:s20+$0xA3A0] =	vst v30;
	v42 =	vld.idx.msk [tilespmem:v36+s4+$0x0], $0xffff  }
0x392: {  	v44 =	vor.u32 v8, v22;
	[tilespmem:s21+$0x50] =	vst v31;
	v24 =	vld.idx.msk [tilespmem:v38+s4+$0x0], $0xffff  }
0x393: {  	v46 =	vor.u32 v14, v18;
	v50 =	vld.idx.msk [tilespmem:v45+s4+$0x0], $0xffff;
	[tilespmem:s24+$0xA370] =	vst v26  }
0x394: {  	v37 =	vor.u32 v9, v17;
	v27 =	vld.idx.msk [tilespmem:v39+s4+$0x0], $0xffff;
	[tilespmem:s25+$0xFFFFFFF0] =	vst v33  }
0x395: {  	v47 =	vor.u32 v9, v20;
	v25 =	vld.idx.msk [tilespmem:v40+s4+$0x0], $0xffff;
	[tilespmem:s28+$0xA370] =	vst v28  }
0x396: {  	v48 =	vor.u32 v9, v21;
	v29 =	vld.idx.msk [tilespmem:v41+s4+$0x0], $0xffff;
	[tilespmem:s26+$0xFFFFFFF0] =	vst v42  }
0x397: {  	v49 =	vor.u32 v9, v23;
	[tilespmem:s20+$0xA3B0] =	vst v24;
	v31 =	vld.idx.msk [tilespmem:v44+s4+$0x0], $0xffff  }
0x398: {  	v51 =	vor.u32 v9, v22;
	[tilespmem:s22+$0xA3E0] =	vst v50;
	v26 =	vld.idx.msk [tilespmem:v46+s4+$0x0], $0xffff  }
0x399: {  	v53 =	vor.u32 v12, v16;
	v43 =	vld.idx.msk [tilespmem:v37+s4+$0x0], $0xffff;
	[tilespmem:s24+$0xA380] =	vst v27  }
0x39a: {  	v52 =	vor.u32 v10, v17;
	v33 =	vld.idx.msk [tilespmem:v47+s4+$0x0], $0xffff;
	[tilespmem:s25+$0x0] =	vst v25  }
0x39b: {  	v54 =	vor.u32 v10, v20;
	v28 =	vld.idx.msk [tilespmem:v48+s4+$0x0], $0xffff;
	[tilespmem:s28+$0xA380] =	vst v29  }
0x39c: {  	v55 =	vor.u32 v10, v21;
	v30 =	vld.idx.msk [tilespmem:v49+s4+$0x0], $0xffff;
	[tilespmem:s26+$0x0] =	vst v31  }
0x39d: {  	v56 =	vor.u32 v10, v23;
	[tilespmem:s21+$0x60] =	vst v26;
	v24 =	vld.idx.msk [tilespmem:v51+s4+$0x0], $0xffff  }
0x39e: {  	v58 =	vor.u32 v10, v22;
	v27 =	vld.idx.msk [tilespmem:v53+s4+$0x0], $0xffff;
	[tilespmem:s23+$0x10] =	vst v43  }
0x39f: {  	v59 =	vor.u32 v15, v19;
	v57 =	vld.idx.msk [tilespmem:v52+s4+$0x0], $0xffff;
	[tilespmem:s24+$0xA390] =	vst v33  }
0x3a0: {  	v60 =	vor.u32 v11, v17;
	v25 =	vld.idx.msk [tilespmem:v54+s4+$0x0], $0xffff;
	[tilespmem:s25+$0x10] =	vst v28  }
0x3a1: {  	v61 =	vor.u32 v11, v20;
	v29 =	vld.idx.msk [tilespmem:v55+s4+$0x0], $0xffff;
	[tilespmem:s28+$0xA390] =	vst v30  }
0x3a2: {  	v62 =	vor.u32 v11, v21;
	v31 =	vld.idx.msk [tilespmem:v56+s4+$0x0], $0xffff;
	[tilespmem:s26+$0x10] =	vst v24  }
0x3a3: {  	v63 =	vor.u32 v11, v23;
	[tilespmem:s20+$0xA3C0] =	vst v27;
	v26 =	vld.idx.msk [tilespmem:v58+s4+$0x0], $0xffff  }
0x3a4: {  	v19 =	vld.idx.msk [tilespmem:v59+s4+$0x0], $0xffff;
	v36 =	vor.u32 v11, v22;
	[tilespmem:s23+$0x20] =	vst v57  }
0x3a5: {  	v37 =	vor.u32 v15, v18;
	v32 =	vld.idx.msk [tilespmem:v60+s4+$0x0], $0xffff;
	[tilespmem:s24+$0xA3A0] =	vst v25  }
0x3a6: {  	v38 =	vor.u32 v12, v17;
	v28 =	vld.idx.msk [tilespmem:v61+s4+$0x0], $0xffff;
	[tilespmem:s25+$0x20] =	vst v29  }
0x3a7: {  	v39 =	vor.u32 v12, v20;
	v30 =	vld.idx.msk [tilespmem:v62+s4+$0x0], $0xffff;
	[tilespmem:s28+$0xA3A0] =	vst v31  }
0x3a8: {  	v40 =	vor.u32 v12, v21;
	v24 =	vld.idx.msk [tilespmem:v63+s4+$0x0], $0xffff;
	[tilespmem:s26+$0x20] =	vst v26  }
0x3a9: {  	[tilespmem:s22+$0xA3F0] =	vst v19;
	v41 =	vor.u32 v12, v23;
	v26 =	vld.idx.msk [tilespmem:v36+s4+$0x0], $0xffff  }
0x3aa: {  	v18 =	vld.idx.msk [tilespmem:v37+s4+$0x0], $0xffff;
	v42 =	vor.u32 v12, v22;
	[tilespmem:s23+$0x30] =	vst v32  }
0x3ab: {  	v43 =	vor.u32 v13, v16;
	v25 =	vld.idx.msk [tilespmem:v38+s4+$0x0], $0xffff;
	[tilespmem:s24+$0xA3B0] =	vst v28  }
0x3ac: {  	v44 =	vor.u32 v13, v17;
	v29 =	vld.idx.msk [tilespmem:v39+s4+$0x0], $0xffff;
	[tilespmem:s25+$0x30] =	vst v30  }
0x3ad: {  	v45 =	vor.u32 v13, v20;
	v31 =	vld.idx.msk [tilespmem:v40+s4+$0x0], $0xffff;
	[tilespmem:s28+$0xA3B0] =	vst v24  }
0x3ae: {  	v46 =	vor.u32 v13, v21;
	v19 =	vld.idx.msk [tilespmem:v41+s4+$0x0], $0xffff;
	[tilespmem:s26+$0x30] =	vst v26  }
0x3af: {  	v47 =	vor.u32 v13, v23;
	[tilespmem:s21+$0x70] =	vst v18;
	v26 =	vld.idx.msk [tilespmem:v42+s4+$0x0], $0xffff  }
0x3b0: {  	v48 =	vld.idx.msk [tilespmem:v43+s4+$0x0], $0xffff;
	v49 =	vor.u32 v13, v22;
	[tilespmem:s23+$0x40] =	vst v25  }
0x3b1: {  	v50 =	vor.u32 v14, v16;
	v28 =	vld.idx.msk [tilespmem:v44+s4+$0x0], $0xffff;
	[tilespmem:s24+$0xA3C0] =	vst v29  }
0x3b2: {  	v51 =	vor.u32 v14, v17;
	v30 =	vld.idx.msk [tilespmem:v45+s4+$0x0], $0xffff;
	[tilespmem:s25+$0x40] =	vst v31  }
0x3b3: {  	v52 =	vor.u32 v14, v20;
	v24 =	vld.idx.msk [tilespmem:v46+s4+$0x0], $0xffff;
	[tilespmem:s28+$0xA3C0] =	vst v19  }
0x3b4: {  	v53 =	vor.u32 v14, v21;
	v18 =	vld.idx.msk [tilespmem:v47+s4+$0x0], $0xffff;
	[tilespmem:s26+$0x40] =	vst v26  }
0x3b5: {  	v54 =	vor.u32 v14, v23;
	[tilespmem:s20+$0xA3D0] =	vst v48;
	v25 =	vld.idx.msk [tilespmem:v49+s4+$0x0], $0xffff  }
0x3b6: {  	v27 =	vld.idx.msk [tilespmem:v50+s4+$0x0], $0xffff;
	v55 =	vor.u32 v14, v22;
	[tilespmem:s23+$0x50] =	vst v28  }
0x3b7: {  	v16 =	vor.u32 v15, v16;
	v29 =	vld.idx.msk [tilespmem:v51+s4+$0x0], $0xffff;
	[tilespmem:s24+$0xA3D0] =	vst v30  }
0x3b8: {  	v17 =	vor.u32 v15, v17;
	v56 =	vld.idx.msk [tilespmem:v52+s4+$0x0], $0xffff;
	[tilespmem:s25+$0x50] =	vst v24  }
0x3b9: {  	v57 =	vor.u32 v15, v20;
	v19 =	vld.idx.msk [tilespmem:v53+s4+$0x0], $0xffff;
	[tilespmem:s28+$0xA3D0] =	vst v18  }
0x3ba: {  	v58 =	vor.u32 v15, v21;
	[tilespmem:s26+$0x50] =	vst v25;
	v59 =	vld.idx.msk [tilespmem:v54+s4+$0x0], $0xffff  }
0x3bb: {  	v60 =	vor.u32 v15, v23;
	[tilespmem:s20+$0xA3E0] =	vst v27;
	v25 =	vld.idx.msk [tilespmem:v55+s4+$0x0], $0xffff  }
0x3bc: {  	v61 =	vor.u32 v15, v22;
	v16 =	vld.idx.msk [tilespmem:v16+s4+$0x0], $0xffff;
	[tilespmem:s23+$0x60] =	vst v29  }
0x3bd: {  	v17 =	vld.idx.msk [tilespmem:v17+s4+$0x0], $0xffff;
	[tilespmem:s24+$0xA3E0] =	vst v56  }
0x3be: {  	v62 =	vld.idx.msk [tilespmem:v57+s4+$0x0], $0xffff;
	[tilespmem:s25+$0x60] =	vst v19  }
0x3bf: {  	v18 =	vld.idx.msk [tilespmem:v58+s4+$0x0], $0xffff;
	[tilespmem:s28+$0xA3E0] =	vst v59  }
0x3c0: {  	[tilespmem:s26+$0x60] =	vst v25;
	v63 =	vld.idx.msk [tilespmem:v60+s4+$0x0], $0xffff  }
0x3c1: {  	s18 =	sadd.s32 $0x1, s18;
	[tilespmem:s20+$0xA3F0] =	vst v16;
	v16 =	vld.idx.msk [tilespmem:v61+s4+$0x0], $0xffff  }
0x3c2: {  	p0 =	sne.s32 s18, $0x1F;
	[tilespmem:s23+$0x70] =	vst v17  }
.Ltmp9:
0x3c3: {  	[tilespmem:s24+$0xA3F0] =	vst v62;
	(pc) =	sbr.rel @p0 .LBB2_16-.Ltmp9, $4  }
0x3c4: {  	s0 =	sadd.s32 s5, s19;
	[tilespmem:s25+$0x70] =	vst v18  }
0x3c5: {  	s0 =	sshll.u32 s0, $0x5;
	[tilespmem:s28+$0xA3F0] =	vst v63  }
0x3c6: {  	s17 =	sadd.s32 $0x100, s17;
	s0 =	sadd.s32 s3, s0;
	[tilespmem:s26+$0x70] =	vst v16  }
0x3c7: {  	[hbm4b:s0+s4] =	stream.linear.scatter [tilespmem:s13], [sflag:$0x2], $0x8000, $0x38;
	[tilespmem:$0x12300] =	vst v63  }
0x3c8: {  	s16 =	sadd.s32 $0x1, s16  }
0x3c9: {  	_ =	swait.ge [sflag:s14], $0x8000;
	p0 =	sne.s32 s16, s9  }
.Ltmp10:
0x3ca: {  	[sflag:s14] =	ssyncset.done $0x0;
	(pc) =	sbr.rel @p0 .LBB2_1-.Ltmp10, $4  }
.Ltmp11:
0x3cb: {  	[sflag:s14] =	ssyncadd.s32 $0xFFFF8000;
	(pc) =	sbr.rel @!p0 .LBB2_22-.Ltmp11, $4  }
0x3cc: {  	_ =	swait.ge [sflag:s15], $0x8000  }
0x3cd: {  	[sflag:s15] =	ssyncset.done $0x0  }
0x3ce: {  	[sflag:s15] =	ssyncadd.s32 $0xFFFF8000  }
0x3cf: {  	_ = 	snop  }
.LBB2_4:
.Ltmp12:
0x3d0: {  	(pc) =	sbr.rel .LBB2_15-.Ltmp12, $2  }
0x3d1: {  	_ =	sdelay $0x2  }
0x3d2: {  	v17 =	vmov v16;
	s17 =	simm.s32 $0xA400  }
.LBB2_6:
.Ltmp13:
0x3d3: {  	(pc) =	sbr.rel .LBB2_15-.Ltmp13, $2  }
0x3d4: {  	_ =	sdelay $0x2  }
0x3d5: {  	v45 =	vmovc v16;
	v30 =	vmov v18;
	v17 =	vmov v19;
	s20 =	simm.s32 $0xA400;
	s17 =	simm.s32 $0xA600;
	v27 =	vmov v38  }
.LBB2_8:
.Ltmp14:
0x3d6: {  	(pc) =	sbr.rel .LBB2_15-.Ltmp14, $2  }
0x3d7: {  	_ =	sdelay $0x2  }
0x3d8: {  	v45 =	vmovc v19;
	v40 =	vmovc v16;
	v27 =	vmov v24;
	v30 =	vmov v21;
	v22 =	vmov v18;
	s0 =	simm.s32 $0xA400;
	s20 =	simm.s32 $0xA600  }
.LBB2_10:
.Ltmp15:
0x3d9: {  	(pc) =	sbr.rel .LBB2_15-.Ltmp15, $4  }
0x3da: {  	_ = 	snop  }
0x3db: {  	v45 =	vmov v17;
	v30 =	vmov v22;
	v39 =	vmov v23  }
0x3dc: {  	s0 =	simm.s32 $0xA600;
	v44 =	vmovc v20;
	v41 =	vmovc v26;
	v40 =	vmov v19;
	v47 =	vmov v25;
	v38 =	vmov v24  }
0x3dd: {  	s20 =	simm.s32 $0xA800;
	s17 =	simm.s32 $0xAA00;
	s21 =	simm.s32 $0xA400;
	v29 =	vmovc v18;
	v17 =	vmovc v31;
	v22 =	vmov v21;
	v32 =	vmov v16;
	v43 =	vmov v28  }
.LBB2_12:
.Ltmp16:
0x3de: {  	(pc) =	sbr.rel .LBB2_15-.Ltmp16, $3  }
0x3df: {  	_ =	sdelay $0x1  }
0x3e0: {  	s0 =	simm.s32 $0xA800;
	v40 =	vmov v17;
	v38 =	vmov v27  }
0x3e1: {  	v45 =	vmovc v31;
	s17 =	simm.s32 $0xAC00;
	s22 =	simm.s32 $0xA400;
	s21 =	simm.s32 $0xA600;
	v29 =	vmovc v21;
	v27 =	vmov v49;
	v17 =	vmov v48;
	v32 =	vmov v19  }
.LBB2_22:
0x3e2: {  	_ =	sfence.sel $0x180000  }
0x3e3: {  	[bflag:$0x0] =	sbarrier.arrive $0xFFFF  }
0x3e4: {  	_ =	strace $0x90000047  }
0x3e5: {  	s0 =	stileid.u32;
	[bflag:$0x2] =	sbarrier.arrive $0xFFFF  }
0x3e6: {  	p0 =	sne.s32 s0, $0x0;
	s0 =	rddreg [dreg:$0x3]  }
0x3e7: {  	s0 =	sadd.s32 @!p0 $0x100000, s0  }
0x3e8: {  	[sflag:s0] =	ssyncadd.tile.s32 @!p0 $0x1;
	_ =	shalt  }
.Lfunc_end2:
_tile_overlayer_lowered:
.L_overlay_start_2:
0x3e9: {  	(tag) =	ssettag $0x2  }
0x3ea: {  	s0 =	rddreg [dreg:$0x0];
	s2 =	stileid.u32  }
0x3eb: {  	s1 =	rddreg [dreg:$0x1];
	p0 =	sne.s32 s2, $0x0  }
0x3ec: {  	s3 =	rddreg [dreg:$0x2];
	[bflag:$0x3] =	sbarrier.arrive $0xFFFF;
	s2 =	simm.s32 @!p0 $0x1C03  }
0x3ed: {  	[timem:s3], [sflag:s2] =	dma.local @!p0 [hbm:s0], s1  }
0x3ee: {  	s0 =	simm.s32 @!p0 $0x3  }
0x3ef: {  	_ =	swait.ge @!p0 [sflag:s0], s1  }
0x3f0: {  	s1 =	ssub.s32 @!p0 $0x0, s1;
	[sflag:s0] =	ssyncset.done @!p0 $0x0  }
0x3f1: {  	[sflag:s0] =	ssyncadd.s32 @!p0 s1  }
0x3f2: {  	[bflag:$0x3] =	sbarrier.arrive $0xFFFF  }
0x3f3: {  	_ =	shalt  }

</sc_bundles>
